<compile_context>
chip_gen: v7x
topology: tpu7x:2x2x1
jax: 0.10.2.dev20260603
libtpu: 0.0.44.dev20260713+nightly
codegen_flags: <defaults>
</compile_context>

<pallas_src>
import jax
import jax.numpy as jnp
from jax import lax
from jax.experimental import pallas as pl
from jax.experimental.pallas import tpu as pltpu
from jax.experimental.pallas import tpu_sc as plsc

_N = 10000
_E = 320000
_D = 128
_H = 128
_G = 64

_NC = 2
_NS = 16
_NW = _NC * _NS
_CH = 80
_EPW = _E // _NW
_NCHUNK = _EPW // _CH
_NP = 10240
_RPT = _NP // _NS
_ZB = 128

_mesh = plsc.VectorSubcoreMesh(
    core_axis_name="c", subcore_axis_name="s", num_cores=_NC, num_subcores=_NS
)



def _sc_deg_body(dstr_hbm, out_hbm, didx_all, ones_v, zbuf, deg_sh):
    c = lax.axis_index("c")
    s = lax.axis_index("s")
    w = c * _NS + s

    pltpu.sync_copy(dstr_hbm.at[w], didx_all)

    def _fill_ones(i, carry):
        ones_v[i, :] = jnp.ones((16,), jnp.float32)
        return carry

    lax.fori_loop(0, _CH, _fill_ones, 0)

    def _fill_zero(i, carry):
        zbuf[i, :] = jnp.zeros((16,), jnp.float32)
        return carry

    lax.fori_loop(0, _ZB, _fill_zero, 0)

    def _zero_copy(k, carry):
        pltpu.sync_copy(zbuf, deg_sh.at[pl.ds(s * _RPT + k * _ZB, _ZB)])
        return carry

    lax.fori_loop(0, _RPT // _ZB, _zero_copy, 0)
    plsc.subcore_barrier()

    def _chunk(i, carry):
        pltpu.sync_copy(ones_v, deg_sh.at[didx_all.at[i]], add=True)
        return carry

    lax.fori_loop(0, _NCHUNK, _chunk, 0)
    plsc.subcore_barrier()
    pltpu.sync_copy(deg_sh.at[pl.ds(s * _RPT, _RPT)],
                    out_hbm.at[c, pl.ds(s * _RPT, _RPT)])


_sc_deg = pl.kernel(
    _sc_deg_body,
    out_type=jax.ShapeDtypeStruct((_NC, _NP, 16), jnp.float32),
    mesh=_mesh,
    scratch_types=[
        pltpu.VMEM((_NCHUNK, _CH), jnp.int32),
        pltpu.VMEM((_CH, 16), jnp.float32),
        pltpu.VMEM((_ZB, 16), jnp.float32),
        pltpu.VMEM_SHARED((_NP, 16), jnp.float32),
    ],
)


def _sc_agg_body(g_hbm, src_hbm, dst_hbm, out_hbm,
                 sidx_all, didx, rows, agg_sh, gsem, dsem, ssem):
    c = lax.axis_index("c")
    s = lax.axis_index("s")
    w = c * _NS + s
    _last = _NCHUNK - 1

    pltpu.sync_copy(src_hbm.at[pl.ds(w * _EPW, _EPW)], sidx_all)

    def _fill_zero(i, carry):
        for j in range(_H // 16):
            rows[0, i, pl.ds(j * 16, 16)] = jnp.zeros((16,), jnp.float32)
        return carry

    lax.fori_loop(0, _CH, _fill_zero, 0)

    def _zero_copy(k, carry):
        pltpu.sync_copy(rows.at[0], agg_sh.at[pl.ds(s * _RPT + k * _CH, _CH)])
        return carry

    lax.fori_loop(0, _RPT // _CH, _zero_copy, 0)
    plsc.subcore_barrier()

    def _gather(i, b):
        pltpu.async_copy(g_hbm.at[sidx_all.at[pl.ds(i * _CH, _CH)]],
                         rows.at[b], gsem.at[b])

    def _gwait(i, b):
        pltpu.make_async_copy(g_hbm.at[sidx_all.at[pl.ds(i * _CH, _CH)]],
                              rows.at[b], gsem.at[b]).wait()

    def _dstage(i, b):
        pltpu.async_copy(dst_hbm.at[pl.ds(w * _EPW + i * _CH, _CH)],
                         didx.at[b], dsem.at[b])

    def _dwait(i, b):
        pltpu.make_async_copy(dst_hbm.at[pl.ds(w * _EPW + i * _CH, _CH)],
                              didx.at[b], dsem.at[b]).wait()

    def _sstart(b):
        pltpu.async_copy(rows.at[b], agg_sh.at[didx.at[b]], ssem.at[b],
                         add=True)

    def _swait(b):
        pltpu.make_async_copy(rows.at[b], agg_sh.at[didx.at[b]],
                              ssem.at[b]).wait()

    _dstage(0, 0)
    _dstage(1, 1)
    _gather(0, 0)
    _gather(1, 1)
    _gwait(0, 0)
    _dwait(0, 0)
    _sstart(0)
    _dstage(2, 2)
    _gather(2, 2)

    def _step(j, b, bp):
        jn = jnp.minimum(j + 2, _last)
        _gwait(j, b)
        _dwait(j, b)
        _swait(bp)
        _sstart(b)
        _dstage(jn, bp)
        _gather(jn, bp)

    def _iter(m, carry):
        j = 3 * m + 1
        _step(j, 1, 0)
        _step(j + 1, 2, 1)
        _step(j + 2, 0, 2)
        return carry

    lax.fori_loop(0, (_NCHUNK - 2) // 3, _iter, 0)
    _gwait(_last, 1)
    _dwait(_last, 1)
    _swait(0)
    _sstart(1)
    _gwait(_last, 2)
    _dwait(_last, 2)
    _swait(1)

    plsc.subcore_barrier()
    pltpu.sync_copy(agg_sh.at[pl.ds(s * _RPT, _RPT)],
                    out_hbm.at[c, pl.ds(s * _RPT, _RPT)])


_sc_agg = pl.kernel(
    _sc_agg_body,
    out_type=jax.ShapeDtypeStruct((_NC, _NP, _H), jnp.float32),
    mesh=_mesh,
    scratch_types=[
        pltpu.VMEM((_EPW,), jnp.int32),
        pltpu.VMEM((3, _CH), jnp.int32),
        pltpu.VMEM((3, _CH, _H), jnp.float32),
        pltpu.VMEM_SHARED((_NP, _H), jnp.float32),
        pltpu.SemaphoreType.DMA((3,)),
        pltpu.SemaphoreType.DMA((3,)),
        pltpu.SemaphoreType.DMA((3,)),
    ],
)



_BM = 2000


def _tc1_body(x_ref, w_ref, deg_ref, dinv_ref, g_ref):
    d = deg_ref[0, :, :8] + deg_ref[1, :, :8] + 1.0
    dinv8 = lax.rsqrt(d)
    dinv_ref[...] = dinv8
    h = jnp.dot(x_ref[...], w_ref[...], preferred_element_type=jnp.float32)
    g_ref[...] = dinv8[:, :1] * h


def _tc1(x, W1, deg):
    return pl.pallas_call(
        _tc1_body,
        grid=(_N // _BM,),
        in_specs=[
            pl.BlockSpec((_BM, _D), lambda i: (i, 0)),
            pl.BlockSpec((_D, _H), lambda i: (0, 0)),
            pl.BlockSpec((_NC, _BM, 16), lambda i: (0, i, 0)),
        ],
        out_specs=[
            pl.BlockSpec((_BM, 8), lambda i: (i, 0)),
            pl.BlockSpec((_BM, _H), lambda i: (i, 0)),
        ],
        out_shape=[
            jax.ShapeDtypeStruct((_N, 8), jnp.float32),
            jax.ShapeDtypeStruct((_N, _H), jnp.float32),
        ],
    )(x, W1, deg)


def _tc_mid_body(s_ref, g_ref, dinv_ref, b_ref, w_ref, gn_ref):
    dv = dinv_ref[:, :1]
    h = dv * (s_ref[0] + s_ref[1] + g_ref[...]) + b_ref[...]
    h = jnp.maximum(h, 0.0)
    gn_ref[...] = dv * jnp.dot(h, w_ref[...], preferred_element_type=jnp.float32)


def _tc_mid(s, g, dinv, b, Wn):
    return pl.pallas_call(
        _tc_mid_body,
        grid=(_N // _BM,),
        in_specs=[
            pl.BlockSpec((_NC, _BM, _H), lambda i: (0, i, 0)),
            pl.BlockSpec((_BM, _H), lambda i: (i, 0)),
            pl.BlockSpec((_BM, 8), lambda i: (i, 0)),
            pl.BlockSpec((1, _H), lambda i: (0, 0)),
            pl.BlockSpec((_H, _H), lambda i: (0, 0)),
        ],
        out_specs=pl.BlockSpec((_BM, _H), lambda i: (i, 0)),
        out_shape=jax.ShapeDtypeStruct((_N, _H), jnp.float32),
    )(s, g, dinv, b, Wn)


def _tc_final_body(s_ref, g_ref, dinv_ref, b_ref, batch_ref, out_ref,
                   pooled_acc, cnt_acc):
    i = pl.program_id(0)

    @pl.when(i == 0)
    def _():
        pooled_acc[...] = jnp.zeros_like(pooled_acc)
        cnt_acc[...] = jnp.zeros_like(cnt_acc)

    dv = dinv_ref[:, :1]
    h = dv * (s_ref[0] + s_ref[1] + g_ref[...]) + b_ref[...]
    bt = batch_ref[0]
    gid = lax.broadcasted_iota(jnp.int32, (_G, _BM), 0)
    oh = (bt == gid).astype(jnp.float32)
    pooled_acc[...] += jnp.dot(oh, h, preferred_element_type=jnp.float32)
    cnt_acc[...] += jnp.sum(oh, axis=1, keepdims=True)

    @pl.when(i == pl.num_programs(0) - 1)
    def _():
        out_ref[...] = pooled_acc[...] / jnp.maximum(cnt_acc[...], 1.0)


def _tc_final(s, g, dinv, b, batch3):
    return pl.pallas_call(
        _tc_final_body,
        grid=(_N // _BM,),
        in_specs=[
            pl.BlockSpec((_NC, _BM, _H), lambda i: (0, i, 0)),
            pl.BlockSpec((_BM, _H), lambda i: (i, 0)),
            pl.BlockSpec((_BM, 8), lambda i: (i, 0)),
            pl.BlockSpec((1, _H), lambda i: (0, 0)),
            pl.BlockSpec((1, 1, _BM), lambda i: (i, 0, 0)),
        ],
        out_specs=pl.BlockSpec((_G, _H), lambda i: (0, 0)),
        out_shape=jax.ShapeDtypeStruct((_G, _H), jnp.float32),
        scratch_shapes=[
            pltpu.VMEM((_G, _H), jnp.float32),
            pltpu.VMEM((_G, _H), jnp.float32),
        ],
        compiler_params=pltpu.CompilerParams(
            dimension_semantics=("arbitrary",)),
    )(s, g, dinv, b, batch3)



def kernel(x, edge_index, batch, W1, b1, W2, b2, W3, b3):
    src = edge_index[0]
    dst = edge_index[1]
    dstr = dst.reshape(_NW, _NCHUNK, _CH)
    batch3 = batch.reshape(_N // _BM, 1, _BM)
    b1r = b1.reshape(1, _H)
    b2r = b2.reshape(1, _H)
    b3r = b3.reshape(1, _H)

    deg = _sc_deg(dstr)
    dinv, g1 = _tc1(x, W1, deg)
    s1 = _sc_agg(g1, src, dst)
    g2 = _tc_mid(s1, g1, dinv, b1r, W2)
    s2 = _sc_agg(g2, src, dst)
    g3 = _tc_mid(s2, g2, dinv, b2r, W3)
    s3 = _sc_agg(g3, src, dst)
    return _tc_final(s3, g3, dinv, b3r, batch3)

# --- scband reference (transcript-rebuilt; emitter-appended) ---
"""Pipeline reference for scband-ligand-gnn-69630009802865 (READ-ONLY COPY).

The authoritative reference and input builder live on the scoring server;
editing this copy changes nothing except your own understanding.
"""

import jax, jax.numpy as jnp
import numpy as np

N = 10000
E = 320000
D = 128
H = 128
G = 64


def setup_inputs(seed: int = 0) -> dict:
    key = jax.random.key(seed)
    ks = jax.random.split(key, 10)
    x = jax.random.normal(ks[0], (N, D), dtype=jnp.float32)
    edge_index = jax.random.randint(ks[1], (2, E), 0, N, dtype=jnp.int32)
    batch = jnp.sort(jax.random.randint(ks[2], (N,), 0, G, dtype=jnp.int32))
    s1 = 1.0 / np.sqrt(D)
    s2 = 1.0 / np.sqrt(H)
    W1 = jax.random.uniform(ks[3], (D, H), jnp.float32, -s1, s1)
    b1 = jax.random.uniform(ks[4], (H,), jnp.float32, -s1, s1)
    W2 = jax.random.uniform(ks[5], (H, H), jnp.float32, -s2, s2)
    b2 = jax.random.uniform(ks[6], (H,), jnp.float32, -s2, s2)
    W3 = jax.random.uniform(ks[7], (H, H), jnp.float32, -s2, s2)
    b3 = jax.random.uniform(ks[8], (H,), jnp.float32, -s2, s2)
    return {"x": x, "edge_index": edge_index, "batch": batch,
            "W1": W1, "b1": b1, "W2": W2, "b2": b2, "W3": W3, "b3": b3}


def _gcn_conv(x, W, b, src, dst):
    # GCNConv: add self-loops, symmetric normalization D^-1/2 A D^-1/2, then linear
    h = x @ W
    loop = jnp.arange(N, dtype=src.dtype)
    si = jnp.concatenate([src, loop])
    di = jnp.concatenate([dst, loop])
    deg = jax.ops.segment_sum(jnp.ones_like(di, jnp.float32), di, num_segments=N)
    dinv = jnp.where(deg > 0, jax.lax.rsqrt(deg), 0.0)
    norm = dinv[si] * dinv[di]
    msg = h[si] * norm[:, None]
    out = jax.ops.segment_sum(msg, di, num_segments=N)
    return out + b


def reference(x, edge_index, batch, W1, b1, W2, b2, W3, b3):
    src = edge_index[0]
    dst = edge_index[1]
    h = jax.nn.relu(_gcn_conv(x, W1, b1, src, dst))
    # dropout p=0.0 (eval) -> identity
    h = jax.nn.relu(_gcn_conv(h, W2, b2, src, dst))
    h = _gcn_conv(h, W3, b3, src, dst)
    # global_mean_pool over batch ids
    s = jax.ops.segment_sum(h, batch, num_segments=G)
    cnt = jax.ops.segment_sum(jnp.ones((N,), jnp.float32), batch, num_segments=G)
    return s / jnp.maximum(cnt, 1.0)[:, None]

if __name__ == "__main__":
    import jax
    _d = setup_inputs()
    print(jax.jit(kernel)(*tuple(_d.values())))

</pallas_src>

<mosaic_0001>
#map = affine_map<(d0, d1) -> (0, 0)>
#map1 = affine_map<(d0, d1) -> (0)>
#map2 = affine_map<(d0, d1) -> (0, 0, 0)>
module attributes {stable_mosaic.version = 14 : i64} {
  func.func @_sc_agg_body(%arg0: i32, %arg1: i32, %arg2: memref<10000x128xf32, #tpu.memory_space<hbm>>, %arg3: memref<320000xi32, #tpu.memory_space<hbm>>, %arg4: memref<320000xi32, #tpu.memory_space<hbm>>, %arg5: memref<2x10240x128xf32, #tpu.memory_space<hbm>>, %arg6: memref<10000xi32, #tpu.memory_space<vmem>>, %arg7: memref<3x80xi32, #tpu.memory_space<vmem>>, %arg8: memref<3x80x128xf32, #tpu.memory_space<vmem>>, %arg9: memref<10240x128xf32, #tpu.memory_space<vmem_shared>>, %arg10: memref<3x!tpu.dma_semaphore, #tpu.memory_space<semaphore_mem>>, %arg11: memref<3x!tpu.dma_semaphore, #tpu.memory_space<semaphore_mem>>, %arg12: memref<3x!tpu.dma_semaphore, #tpu.memory_space<semaphore_mem>>) attributes {dimension_semantics = [#tpu.dimension_semantics<core_parallel>, #tpu.dimension_semantics<subcore_parallel>], iteration_bounds = array<i64: 2, 16>, scalar_prefetch = 0 : i64, scratch_operands = 7 : i64, tpu.core_type = #tpu.core_type<sc_vector_subcore>, window_params = [{transform_indices = #map}, {transform_indices = #map1}, {transform_indices = #map1}, {transform_indices = #map2}]} {
    %mul3A = arith.constant 16 : i32
    %mul3A_0 = arith.muli %arg0, %mul3A : i32
    %add3A = arith.addi %mul3A_0, %arg1 : i32
    %mul3A_1 = arith.constant 10000 : i32
    %mul3A_2 = arith.muli %add3A, %mul3A_1 : i32
    "tpu.region"() ({
      %run_scoped3A = tpu.sem_alloc : memref<!tpu.dma_semaphore, #tpu.memory_space<semaphore_mem>>
      %dma_start3A_257 = tpu.memref_slice %arg3[%mul3A_2] : memref<320000xi32, #tpu.memory_space<hbm>> -> memref<10000xi32, #tpu.memory_space<hbm>>
      %dma_start3A_258 = tpu.memref_slice %arg3[%mul3A_2] : memref<320000xi32, #tpu.memory_space<hbm>> -> memref<10000xi32, #tpu.memory_space<hbm>>
      tpu.enqueue_dma source(%dma_start3A_258 : memref<10000xi32, #tpu.memory_space<hbm>>) target(%arg6 : memref<10000xi32, #tpu.memory_space<vmem>>) target_semaphore(%run_scoped3A : memref<!tpu.dma_semaphore, #tpu.memory_space<semaphore_mem>>)
      %dma_wait3A_259 = tpu.memref_slice %arg3[%mul3A_2] : memref<320000xi32, #tpu.memory_space<hbm>> -> memref<10000xi32, #tpu.memory_space<hbm>>
      %dma_wait3A_260 = tpu.memref_slice %arg3[%mul3A_2] : memref<320000xi32, #tpu.memory_space<hbm>> -> memref<10000xi32, #tpu.memory_space<hbm>>
      tpu.wait_dma2 semaphore(%run_scoped3A : memref<!tpu.dma_semaphore, #tpu.memory_space<semaphore_mem>>) src(%dma_wait3A_260 : memref<10000xi32, #tpu.memory_space<hbm>>) dst(%arg6 : memref<10000xi32, #tpu.memory_space<vmem>>)
      tpu.yield
    }) : () -> ()
    %scan3A = arith.constant 0 : i32
    %scan3A_3 = arith.constant 0 : i32
    %scan3A_4 = arith.constant 80 : i32
    %scan3A_5 = arith.addi %scan3A_3, %scan3A_4 : i32
    %scan3A_6 = arith.constant 1 : i32
    scf.for %scan3A_257 = %scan3A_3 to %scan3A_5 step %scan3A_6  : i32 {
      %broadcast_in_dim3A = arith.constant 0.000000e+00 : f32
      %broadcast_in_dim3A_258 = vector.broadcast %broadcast_in_dim3A : f32 to vector<16xf32>
      %swap3A = arith.constant 0 : i32
      %swap3A_259 = arith.index_cast %swap3A : i32 to index
      %swap3A_260 = arith.index_cast %scan3A_257 : i32 to index
      %swap3A_261 = arith.constant 0 : index
      %swap3A_262 = tpu.vector_load %arg8[%swap3A_259, %swap3A_260, %swap3A_261] {strides = array<i32>} : memref<3x80x128xf32, #tpu.memory_space<vmem>>, vector<1x1x16xf32>,
      %swap3A_263 = vector.shape_cast %swap3A_262 : vector<1x1x16xf32> to vector<16xf32>
      %swap3A_264 = vector.shape_cast %broadcast_in_dim3A_258 : vector<16xf32> to vector<1x1x16xf32>
      tpu.vector_store %arg8[%swap3A_259, %swap3A_260, %swap3A_261], %swap3A_264 {strides = array<i32>} : memref<3x80x128xf32, #tpu.memory_space<vmem>>, vector<1x1x16xf32>,
      %broadcast_in_dim3A_265 = arith.constant 0.000000e+00 : f32
      %broadcast_in_dim3A_266 = vector.broadcast %broadcast_in_dim3A_265 : f32 to vector<16xf32>
      %swap3A_267 = arith.constant 0 : i32
      %swap3A_268 = arith.index_cast %swap3A_267 : i32 to index
      %swap3A_269 = arith.index_cast %scan3A_257 : i32 to index
      %swap3A_270 = arith.constant 16 : index
      %swap3A_271 = tpu.vector_load %arg8[%swap3A_268, %swap3A_269, %swap3A_270] {strides = array<i32>} : memref<3x80x128xf32, #tpu.memory_space<vmem>>, vector<1x1x16xf32>,
      %swap3A_272 = vector.shape_cast %swap3A_271 : vector<1x1x16xf32> to vector<16xf32>
      %swap3A_273 = vector.shape_cast %broadcast_in_dim3A_266 : vector<16xf32> to vector<1x1x16xf32>
      tpu.vector_store %arg8[%swap3A_268, %swap3A_269, %swap3A_270], %swap3A_273 {strides = array<i32>} : memref<3x80x128xf32, #tpu.memory_space<vmem>>, vector<1x1x16xf32>,
      %broadcast_in_dim3A_274 = arith.constant 0.000000e+00 : f32
      %broadcast_in_dim3A_275 = vector.broadcast %broadcast_in_dim3A_274 : f32 to vector<16xf32>
      %swap3A_276 = arith.constant 0 : i32
      %swap3A_277 = arith.index_cast %swap3A_276 : i32 to index
      %swap3A_278 = arith.index_cast %scan3A_257 : i32 to index
      %swap3A_279 = arith.constant 32 : index
      %swap3A_280 = tpu.vector_load %arg8[%swap3A_277, %swap3A_278, %swap3A_279] {strides = array<i32>} : memref<3x80x128xf32, #tpu.memory_space<vmem>>, vector<1x1x16xf32>,
      %swap3A_281 = vector.shape_cast %swap3A_280 : vector<1x1x16xf32> to vector<16xf32>
      %swap3A_282 = vector.shape_cast %broadcast_in_dim3A_275 : vector<16xf32> to vector<1x1x16xf32>
      tpu.vector_store %arg8[%swap3A_277, %swap3A_278, %swap3A_279], %swap3A_282 {strides = array<i32>} : memref<3x80x128xf32, #tpu.memory_space<vmem>>, vector<1x1x16xf32>,
      %broadcast_in_dim3A_283 = arith.constant 0.000000e+00 : f32
      %broadcast_in_dim3A_284 = vector.broadcast %broadcast_in_dim3A_283 : f32 to vector<16xf32>
      %swap3A_285 = arith.constant 0 : i32
      %swap3A_286 = arith.index_cast %swap3A_285 : i32 to index
      %swap3A_287 = arith.index_cast %scan3A_257 : i32 to index
      %swap3A_288 = arith.constant 48 : index
      %swap3A_289 = tpu.vector_load %arg8[%swap3A_286, %swap3A_287, %swap3A_288] {strides = array<i32>} : memref<3x80x128xf32, #tpu.memory_space<vmem>>, vector<1x1x16xf32>,
      %swap3A_290 = vector.shape_cast %swap3A_289 : vector<1x1x16xf32> to vector<16xf32>
      %swap3A_291 = vector.shape_cast %broadcast_in_dim3A_284 : vector<16xf32> to vector<1x1x16xf32>
      tpu.vector_store %arg8[%swap3A_286, %swap3A_287, %swap3A_288], %swap3A_291 {strides = array<i32>} : memref<3x80x128xf32, #tpu.memory_space<vmem>>, vector<1x1x16xf32>,
      %broadcast_in_dim3A_292 = arith.constant 0.000000e+00 : f32
      %broadcast_in_dim3A_293 = vector.broadcast %broadcast_in_dim3A_292 : f32 to vector<16xf32>
      %swap3A_294 = arith.constant 0 : i32
      %swap3A_295 = arith.index_cast %swap3A_294 : i32 to index
      %swap3A_296 = arith.index_cast %scan3A_257 : i32 to index
      %swap3A_297 = arith.constant 64 : index
      %swap3A_298 = tpu.vector_load %arg8[%swap3A_295, %swap3A_296, %swap3A_297] {strides = array<i32>} : memref<3x80x128xf32, #tpu.memory_space<vmem>>, vector<1x1x16xf32>,
      %swap3A_299 = vector.shape_cast %swap3A_298 : vector<1x1x16xf32> to vector<16xf32>
      %swap3A_300 = vector.shape_cast %broadcast_in_dim3A_293 : vector<16xf32> to vector<1x1x16xf32>
      tpu.vector_store %arg8[%swap3A_295, %swap3A_296, %swap3A_297], %swap3A_300 {strides = array<i32>} : memref<3x80x128xf32, #tpu.memory_space<vmem>>, vector<1x1x16xf32>,
      %broadcast_in_dim3A_301 = arith.constant 0.000000e+00 : f32
      %broadcast_in_dim3A_302 = vector.broadcast %broadcast_in_dim3A_301 : f32 to vector<16xf32>
      %swap3A_303 = arith.constant 0 : i32
      %swap3A_304 = arith.index_cast %swap3A_303 : i32 to index
      %swap3A_305 = arith.index_cast %scan3A_257 : i32 to index
      %swap3A_306 = arith.constant 80 : index
      %swap3A_307 = tpu.vector_load %arg8[%swap3A_304, %swap3A_305, %swap3A_306] {strides = array<i32>} : memref<3x80x128xf32, #tpu.memory_space<vmem>>, vector<1x1x16xf32>,
      %swap3A_308 = vector.shape_cast %swap3A_307 : vector<1x1x16xf32> to vector<16xf32>
      %swap3A_309 = vector.shape_cast %broadcast_in_dim3A_302 : vector<16xf32> to vector<1x1x16xf32>
      tpu.vector_store %arg8[%swap3A_304, %swap3A_305, %swap3A_306], %swap3A_309 {strides = array<i32>} : memref<3x80x128xf32, #tpu.memory_space<vmem>>, vector<1x1x16xf32>,
      %broadcast_in_dim3A_310 = arith.constant 0.000000e+00 : f32
      %broadcast_in_dim3A_311 = vector.broadcast %broadcast_in_dim3A_310 : f32 to vector<16xf32>
      %swap3A_312 = arith.constant 0 : i32
      %swap3A_313 = arith.index_cast %swap3A_312 : i32 to index
      %swap3A_314 = arith.index_cast %scan3A_257 : i32 to index
      %swap3A_315 = arith.constant 96 : index
      %swap3A_316 = tpu.vector_load %arg8[%swap3A_313, %swap3A_314, %swap3A_315] {strides = array<i32>} : memref<3x80x128xf32, #tpu.memory_space<vmem>>, vector<1x1x16xf32>,
      %swap3A_317 = vector.shape_cast %swap3A_316 : vector<1x1x16xf32> to vector<16xf32>
      %swap3A_318 = vector.shape_cast %broadcast_in_dim3A_311 : vector<16xf32> to vector<1x1x16xf32>
      tpu.vector_store %arg8[%swap3A_313, %swap3A_314, %swap3A_315], %swap3A_318 {strides = array<i32>} : memref<3x80x128xf32, #tpu.memory_space<vmem>>, vector<1x1x16xf32>,
      %broadcast_in_dim3A_319 = arith.constant 0.000000e+00 : f32
      %broadcast_in_dim3A_320 = vector.broadcast %broadcast_in_dim3A_319 : f32 to vector<16xf32>
      %swap3A_321 = arith.constant 0 : i32
      %swap3A_322 = arith.index_cast %swap3A_321 : i32 to index
      %swap3A_323 = arith.index_cast %scan3A_257 : i32 to index
      %swap3A_324 = arith.constant 112 : index
      %swap3A_325 = tpu.vector_load %arg8[%swap3A_322, %swap3A_323, %swap3A_324] {strides = array<i32>} : memref<3x80x128xf32, #tpu.memory_space<vmem>>, vector<1x1x16xf32>,
      %swap3A_326 = vector.shape_cast %swap3A_325 : vector<1x1x16xf32> to vector<16xf32>
      %swap3A_327 = vector.shape_cast %broadcast_in_dim3A_320 : vector<16xf32> to vector<1x1x16xf32>
      tpu.vector_store %arg8[%swap3A_322, %swap3A_323, %swap3A_324], %swap3A_327 {strides = array<i32>} : memref<3x80x128xf32, #tpu.memory_space<vmem>>, vector<1x1x16xf32>,
    }
    %scan3A_7 = arith.constant 80 : i32
    %scan3A_8 = arith.constant 0 : i32
    %scan3A_9 = arith.constant 0 : i32
    %scan3A_10 = arith.constant 8 : i32
    %scan3A_11 = arith.addi %scan3A_9, %scan3A_10 : i32
    %scan3A_12 = arith.constant 1 : i32
    scf.for %scan3A_257 = %scan3A_9 to %scan3A_11 step %scan3A_12  : i32 {
      %mul3A_258 = arith.constant 640 : i32
      %mul3A_259 = arith.muli %arg1, %mul3A_258 : i32
      %mul3A_260 = arith.constant 80 : i32
      %mul3A_261 = arith.muli %scan3A_257, %mul3A_260 : i32
      %add3A_262 = arith.addi %mul3A_259, %mul3A_261 : i32
      %run_scoped3A = arith.constant 0 : i32
      "tpu.region"() ({
        %run_scoped3A_263 = tpu.sem_alloc : memref<!tpu.dma_semaphore, #tpu.memory_space<semaphore_mem>>
        %dma_start3A_264 = arith.constant 0 : i32
        %dma_start3A_265 = arith.constant 0 : i32
        %dma_start3A_266 = tpu.memref_slice %arg8[%run_scoped3A, %dma_start3A_264, %dma_start3A_265] : memref<3x80x128xf32, #tpu.memory_space<vmem>> -> memref<1x80x128xf32, #tpu.memory_space<vmem>>
        %dma_start3A_267 = tpu.memref_squeeze %dma_start3A_266 : memref<1x80x128xf32, #tpu.memory_space<vmem>> -> memref<80x128xf32, #tpu.memory_space<vmem>>
        %dma_start3A_268 = arith.constant 0 : i32
        %dma_start3A_269 = tpu.memref_slice %arg9[%add3A_262, %dma_start3A_268] : memref<10240x128xf32, #tpu.memory_space<vmem_shared>> -> memref<80x128xf32, #tpu.memory_space<vmem_shared>>
        %dma_start3A_270 = arith.constant 0 : i32
        %dma_start3A_271 = tpu.memref_slice %arg9[%add3A_262, %dma_start3A_270] : memref<10240x128xf32, #tpu.memory_space<vmem_shared>> -> memref<80x128xf32, #tpu.memory_space<vmem_shared>>
        %dma_start3A_272 = arith.constant 0 : i32
        %dma_start3A_273 = arith.constant 0 : i32
        %dma_start3A_274 = tpu.memref_slice %arg8[%run_scoped3A, %dma_start3A_272, %dma_start3A_273] : memref<3x80x128xf32, #tpu.memory_space<vmem>> -> memref<1x80x128xf32, #tpu.memory_space<vmem>>
        %dma_start3A_275 = tpu.memref_squeeze %dma_start3A_274 : memref<1x80x128xf32, #tpu.memory_space<vmem>> -> memref<80x128xf32, #tpu.memory_space<vmem>>
        tpu.enqueue_dma source(%dma_start3A_275 : memref<80x128xf32, #tpu.memory_space<vmem>>) target(%dma_start3A_271 : memref<80x128xf32, #tpu.memory_space<vmem_shared>>) target_semaphore(%run_scoped3A_263 : memref<!tpu.dma_semaphore, #tpu.memory_space<semaphore_mem>>)
        %dma_wait3A_276 = arith.constant 0 : i32
        %dma_wait3A_277 = arith.constant 0 : i32
        %dma_wait3A_278 = tpu.memref_slice %arg8[%run_scoped3A, %dma_wait3A_276, %dma_wait3A_277] : memref<3x80x128xf32, #tpu.memory_space<vmem>> -> memref<1x80x128xf32, #tpu.memory_space<vmem>>
        %dma_wait3A_279 = tpu.memref_squeeze %dma_wait3A_278 : memref<1x80x128xf32, #tpu.memory_space<vmem>> -> memref<80x128xf32, #tpu.memory_space<vmem>>
        %dma_wait3A_280 = arith.constant 0 : i32
        %dma_wait3A_281 = tpu.memref_slice %arg9[%add3A_262, %dma_wait3A_280] : memref<10240x128xf32, #tpu.memory_space<vmem_shared>> -> memref<80x128xf32, #tpu.memory_space<vmem_shared>>
        %dma_wait3A_282 = arith.constant 0 : i32
        %dma_wait3A_283 = tpu.memref_slice %arg9[%add3A_262, %dma_wait3A_282] : memref<10240x128xf32, #tpu.memory_space<vmem_shared>> -> memref<80x128xf32, #tpu.memory_space<vmem_shared>>
        %dma_wait3A_284 = arith.constant 0 : i32
        %dma_wait3A_285 = arith.constant 0 : i32
        %dma_wait3A_286 = tpu.memref_slice %arg8[%run_scoped3A, %dma_wait3A_284, %dma_wait3A_285] : memref<3x80x128xf32, #tpu.memory_space<vmem>> -> memref<1x80x128xf32, #tpu.memory_space<vmem>>
        %dma_wait3A_287 = tpu.memref_squeeze %dma_wait3A_286 : memref<1x80x128xf32, #tpu.memory_space<vmem>> -> memref<80x128xf32, #tpu.memory_space<vmem>>
        tpu.wait_dma2 semaphore(%run_scoped3A_263 : memref<!tpu.dma_semaphore, #tpu.memory_space<semaphore_mem>>) src(%dma_wait3A_287 : memref<80x128xf32, #tpu.memory_space<vmem>>) dst(%dma_wait3A_283 : memref<80x128xf32, #tpu.memory_space<vmem_shared>>)
        tpu.yield
      }) : () -> ()
    }
    %scan3A_13 = arith.constant 8 : i32
    %barrier3A = arith.constant 0 : index
    tpu.barrier barrier_id(%barrier3A)
    %mul3A_14 = arith.constant 10000 : i32
    %mul3A_15 = arith.muli %add3A, %mul3A_14 : i32
    %add3A_16 = arith.constant 0 : i32
    %add3A_17 = arith.addi %mul3A_15, %add3A_16 : i32
    %dma_start3A = arith.constant 0 : i32
    %dma_start3A_18 = arith.constant 0 : i32
    %dma_start3A_19 = arith.constant 0 : i32
    %dma_start3A_20 = tpu.memref_slice %arg7[%dma_start3A, %dma_start3A_19] : memref<3x80xi32, #tpu.memory_space<vmem>> -> memref<1x80xi32, #tpu.memory_space<vmem>>
    %dma_start3A_21 = tpu.memref_squeeze %dma_start3A_20 : memref<1x80xi32, #tpu.memory_space<vmem>> -> memref<80xi32, #tpu.memory_space<vmem>>
    %dma_start3A_22 = tpu.memref_slice %arg4[%add3A_17] : memref<320000xi32, #tpu.memory_space<hbm>> -> memref<80xi32, #tpu.memory_space<hbm>>
    %dma_start3A_23 = tpu.memref_slice %arg11[%dma_start3A_18] : memref<3x!tpu.dma_semaphore, #tpu.memory_space<semaphore_mem>> -> memref<1x!tpu.dma_semaphore, #tpu.memory_space<semaphore_mem>>
    %dma_start3A_24 = tpu.memref_squeeze %dma_start3A_23 : memref<1x!tpu.dma_semaphore, #tpu.memory_space<semaphore_mem>> -> memref<!tpu.dma_semaphore, #tpu.memory_space<semaphore_mem>>
    %dma_start3A_25 = arith.constant 0 : i32
    %dma_start3A_26 = tpu.memref_slice %arg7[%dma_start3A, %dma_start3A_25] : memref<3x80xi32, #tpu.memory_space<vmem>> -> memref<1x80xi32, #tpu.memory_space<vmem>>
    %dma_start3A_27 = tpu.memref_squeeze %dma_start3A_26 : memref<1x80xi32, #tpu.memory_space<vmem>> -> memref<80xi32, #tpu.memory_space<vmem>>
    %dma_start3A_28 = tpu.memref_slice %arg4[%add3A_17] : memref<320000xi32, #tpu.memory_space<hbm>> -> memref<80xi32, #tpu.memory_space<hbm>>
    tpu.enqueue_dma source(%dma_start3A_28 : memref<80xi32, #tpu.memory_space<hbm>>) target(%dma_start3A_27 : memref<80xi32, #tpu.memory_space<vmem>>) target_semaphore(%dma_start3A_24 : memref<!tpu.dma_semaphore, #tpu.memory_space<semaphore_mem>>)
    %mul3A_29 = arith.constant 10000 : i32
    %mul3A_30 = arith.muli %add3A, %mul3A_29 : i32
    %add3A_31 = arith.constant 80 : i32
    %add3A_32 = arith.addi %mul3A_30, %add3A_31 : i32
    %dma_start3A_33 = arith.constant 1 : i32
    %dma_start3A_34 = arith.constant 1 : i32
    %dma_start3A_35 = arith.constant 0 : i32
    %dma_start3A_36 = tpu.memref_slice %arg7[%dma_start3A_33, %dma_start3A_35] : memref<3x80xi32, #tpu.memory_space<vmem>> -> memref<1x80xi32, #tpu.memory_space<vmem>>
    %dma_start3A_37 = tpu.memref_squeeze %dma_start3A_36 : memref<1x80xi32, #tpu.memory_space<vmem>> -> memref<80xi32, #tpu.memory_space<vmem>>
    %dma_start3A_38 = tpu.memref_slice %arg4[%add3A_32] : memref<320000xi32, #tpu.memory_space<hbm>> -> memref<80xi32, #tpu.memory_space<hbm>>
    %dma_start3A_39 = tpu.memref_slice %arg11[%dma_start3A_34] : memref<3x!tpu.dma_semaphore, #tpu.memory_space<semaphore_mem>> -> memref<1x!tpu.dma_semaphore, #tpu.memory_space<semaphore_mem>>
    %dma_start3A_40 = tpu.memref_squeeze %dma_start3A_39 : memref<1x!tpu.dma_semaphore, #tpu.memory_space<semaphore_mem>> -> memref<!tpu.dma_semaphore, #tpu.memory_space<semaphore_mem>>
    %dma_start3A_41 = arith.constant 0 : i32
    %dma_start3A_42 = tpu.memref_slice %arg7[%dma_start3A_33, %dma_start3A_41] : memref<3x80xi32, #tpu.memory_space<vmem>> -> memref<1x80xi32, #tpu.memory_space<vmem>>
    %dma_start3A_43 = tpu.memref_squeeze %dma_start3A_42 : memref<1x80xi32, #tpu.memory_space<vmem>> -> memref<80xi32, #tpu.memory_space<vmem>>
    %dma_start3A_44 = tpu.memref_slice %arg4[%add3A_32] : memref<320000xi32, #tpu.memory_space<hbm>> -> memref<80xi32, #tpu.memory_space<hbm>>
    tpu.enqueue_dma source(%dma_start3A_44 : memref<80xi32, #tpu.memory_space<hbm>>) target(%dma_start3A_43 : memref<80xi32, #tpu.memory_space<vmem>>) target_semaphore(%dma_start3A_40 : memref<!tpu.dma_semaphore, #tpu.memory_space<semaphore_mem>>)
    %dma_start3A_45 = arith.constant 0 : i32
    %dma_start3A_46 = arith.constant 0 : i32
    %dma_start3A_47 = arith.constant 0 : i32
    %dma_start3A_48 = arith.constant 0 : i32
    %dma_start3A_49 = tpu.memref_slice %arg8[%dma_start3A_45, %dma_start3A_47, %dma_start3A_48] : memref<3x80x128xf32, #tpu.memory_space<vmem>> -> memref<1x80x128xf32, #tpu.memory_space<vmem>>
    %dma_start3A_50 = tpu.memref_squeeze %dma_start3A_49 : memref<1x80x128xf32, #tpu.memory_space<vmem>> -> memref<80x128xf32, #tpu.memory_space<vmem>>
    %dma_start3A_51 = arith.constant 0 : i32
    %dma_start3A_52 = tpu.memref_slice %arg6[%dma_start3A_51] : memref<10000xi32, #tpu.memory_space<vmem>> -> memref<80xi32, #tpu.memory_space<vmem>>
    %dma_start3A_53 = arith.constant 0 : i32
    %dma_start3A_54 = arith.constant 0 : i32
    %dma_start3A_55 = tpu.memref_slice %arg2[%dma_start3A_53, %dma_start3A_54] : memref<10000x128xf32, #tpu.memory_space<hbm>> -> memref<10000x128xf32, #tpu.memory_space<hbm>>
    %dma_start3A_56 = tpu.memref_slice %arg10[%dma_start3A_46] : memref<3x!tpu.dma_semaphore, #tpu.memory_space<semaphore_mem>> -> memref<1x!tpu.dma_semaphore, #tpu.memory_space<semaphore_mem>>
    %dma_start3A_57 = tpu.memref_squeeze %dma_start3A_56 : memref<1x!tpu.dma_semaphore, #tpu.memory_space<semaphore_mem>> -> memref<!tpu.dma_semaphore, #tpu.memory_space<semaphore_mem>>
    tpu.enqueue_indirect_dma source(%dma_start3A_55 : memref<10000x128xf32, #tpu.memory_space<hbm>>) target(%dma_start3A_50 : memref<80x128xf32, #tpu.memory_space<vmem>>) offsets(%dma_start3A_52 : memref<80xi32, #tpu.memory_space<vmem>>) semaphore(%dma_start3A_57 : memref<!tpu.dma_semaphore, #tpu.memory_space<semaphore_mem>>)
    %dma_start3A_58 = arith.constant 1 : i32
    %dma_start3A_59 = arith.constant 1 : i32
    %dma_start3A_60 = arith.constant 0 : i32
    %dma_start3A_61 = arith.constant 0 : i32
    %dma_start3A_62 = tpu.memref_slice %arg8[%dma_start3A_58, %dma_start3A_60, %dma_start3A_61] : memref<3x80x128xf32, #tpu.memory_space<vmem>> -> memref<1x80x128xf32, #tpu.memory_space<vmem>>
    %dma_start3A_63 = tpu.memref_squeeze %dma_start3A_62 : memref<1x80x128xf32, #tpu.memory_space<vmem>> -> memref<80x128xf32, #tpu.memory_space<vmem>>
    %dma_start3A_64 = arith.constant 80 : i32
    %dma_start3A_65 = tpu.memref_slice %arg6[%dma_start3A_64] : memref<10000xi32, #tpu.memory_space<vmem>> -> memref<80xi32, #tpu.memory_space<vmem>>
    %dma_start3A_66 = arith.constant 0 : i32
    %dma_start3A_67 = arith.constant 0 : i32
    %dma_start3A_68 = tpu.memref_slice %arg2[%dma_start3A_66, %dma_start3A_67] : memref<10000x128xf32, #tpu.memory_space<hbm>> -> memref<10000x128xf32, #tpu.memory_space<hbm>>
    %dma_start3A_69 = tpu.memref_slice %arg10[%dma_start3A_59] : memref<3x!tpu.dma_semaphore, #tpu.memory_space<semaphore_mem>> -> memref<1x!tpu.dma_semaphore, #tpu.memory_space<semaphore_mem>>
    %dma_start3A_70 = tpu.memref_squeeze %dma_start3A_69 : memref<1x!tpu.dma_semaphore, #tpu.memory_space<semaphore_mem>> -> memref<!tpu.dma_semaphore, #tpu.memory_space<semaphore_mem>>
    tpu.enqueue_indirect_dma source(%dma_start3A_68 : memref<10000x128xf32, #tpu.memory_space<hbm>>) target(%dma_start3A_63 : memref<80x128xf32, #tpu.memory_space<vmem>>) offsets(%dma_start3A_65 : memref<80xi32, #tpu.memory_space<vmem>>) semaphore(%dma_start3A_70 : memref<!tpu.dma_semaphore, #tpu.memory_space<semaphore_mem>>)
    %dma_wait3A = arith.constant 0 : i32
    %dma_wait3A_71 = arith.constant 0 : i32
    %dma_wait3A_72 = arith.constant 0 : i32
    %dma_wait3A_73 = arith.constant 0 : i32
    %dma_wait3A_74 = tpu.memref_slice %arg8[%dma_wait3A, %dma_wait3A_72, %dma_wait3A_73] : memref<3x80x128xf32, #tpu.memory_space<vmem>> -> memref<1x80x128xf32, #tpu.memory_space<vmem>>
    %dma_wait3A_75 = tpu.memref_squeeze %dma_wait3A_74 : memref<1x80x128xf32, #tpu.memory_space<vmem>> -> memref<80x128xf32, #tpu.memory_space<vmem>>
    %dma_wait3A_76 = arith.constant 0 : i32
    %dma_wait3A_77 = tpu.memref_slice %arg6[%dma_wait3A_76] : memref<10000xi32, #tpu.memory_space<vmem>> -> memref<80xi32, #tpu.memory_space<vmem>>
    %dma_wait3A_78 = arith.constant 0 : i32
    %dma_wait3A_79 = arith.constant 0 : i32
    %dma_wait3A_80 = tpu.memref_slice %arg2[%dma_wait3A_78, %dma_wait3A_79] : memref<10000x128xf32, #tpu.memory_space<hbm>> -> memref<10000x128xf32, #tpu.memory_space<hbm>>
    %dma_wait3A_81 = tpu.memref_slice %arg10[%dma_wait3A_71] : memref<3x!tpu.dma_semaphore, #tpu.memory_space<semaphore_mem>> -> memref<1x!tpu.dma_semaphore, #tpu.memory_space<semaphore_mem>>
    %dma_wait3A_82 = tpu.memref_squeeze %dma_wait3A_81 : memref<1x!tpu.dma_semaphore, #tpu.memory_space<semaphore_mem>> -> memref<!tpu.dma_semaphore, #tpu.memory_space<semaphore_mem>>
    tpu.wait_indirect_dma semaphore(%dma_wait3A_82 : memref<!tpu.dma_semaphore, #tpu.memory_space<semaphore_mem>>) src(%dma_wait3A_80 : memref<10000x128xf32, #tpu.memory_space<hbm>>) dst(%dma_wait3A_75 : memref<80x128xf32, #tpu.memory_space<vmem>>)
    %mul3A_83 = arith.constant 10000 : i32
    %mul3A_84 = arith.muli %add3A, %mul3A_83 : i32
    %add3A_85 = arith.constant 0 : i32
    %add3A_86 = arith.addi %mul3A_84, %add3A_85 : i32
    %dma_wait3A_87 = arith.constant 0 : i32
    %dma_wait3A_88 = arith.constant 0 : i32
    %dma_wait3A_89 = arith.constant 0 : i32
    %dma_wait3A_90 = tpu.memref_slice %arg7[%dma_wait3A_87, %dma_wait3A_89] : memref<3x80xi32, #tpu.memory_space<vmem>> -> memref<1x80xi32, #tpu.memory_space<vmem>>
    %dma_wait3A_91 = tpu.memref_squeeze %dma_wait3A_90 : memref<1x80xi32, #tpu.memory_space<vmem>> -> memref<80xi32, #tpu.memory_space<vmem>>
    %dma_wait3A_92 = tpu.memref_slice %arg4[%add3A_86] : memref<320000xi32, #tpu.memory_space<hbm>> -> memref<80xi32, #tpu.memory_space<hbm>>
    %dma_wait3A_93 = tpu.memref_slice %arg11[%dma_wait3A_88] : memref<3x!tpu.dma_semaphore, #tpu.memory_space<semaphore_mem>> -> memref<1x!tpu.dma_semaphore, #tpu.memory_space<semaphore_mem>>
    %dma_wait3A_94 = tpu.memref_squeeze %dma_wait3A_93 : memref<1x!tpu.dma_semaphore, #tpu.memory_space<semaphore_mem>> -> memref<!tpu.dma_semaphore, #tpu.memory_space<semaphore_mem>>
    %dma_wait3A_95 = arith.constant 0 : i32
    %dma_wait3A_96 = tpu.memref_slice %arg7[%dma_wait3A_87, %dma_wait3A_95] : memref<3x80xi32, #tpu.memory_space<vmem>> -> memref<1x80xi32, #tpu.memory_space<vmem>>
    %dma_wait3A_97 = tpu.memref_squeeze %dma_wait3A_96 : memref<1x80xi32, #tpu.memory_space<vmem>> -> memref<80xi32, #tpu.memory_space<vmem>>
    %dma_wait3A_98 = tpu.memref_slice %arg4[%add3A_86] : memref<320000xi32, #tpu.memory_space<hbm>> -> memref<80xi32, #tpu.memory_space<hbm>>
    tpu.wait_dma2 semaphore(%dma_wait3A_94 : memref<!tpu.dma_semaphore, #tpu.memory_space<semaphore_mem>>) src(%dma_wait3A_98 : memref<80xi32, #tpu.memory_space<hbm>>) dst(%dma_wait3A_97 : memref<80xi32, #tpu.memory_space<vmem>>)
    %dma_start3A_99 = arith.constant 0 : i32
    %dma_start3A_100 = arith.constant 0 : i32
    %dma_start3A_101 = arith.constant 0 : i32
    %dma_start3A_102 = arith.constant 0 : i32
    %dma_start3A_103 = arith.constant 0 : i32
    %dma_start3A_104 = tpu.memref_slice %arg8[%dma_start3A_99, %dma_start3A_102, %dma_start3A_103] : memref<3x80x128xf32, #tpu.memory_space<vmem>> -> memref<1x80x128xf32, #tpu.memory_space<vmem>>
    %dma_start3A_105 = tpu.memref_squeeze %dma_start3A_104 : memref<1x80x128xf32, #tpu.memory_space<vmem>> -> memref<80x128xf32, #tpu.memory_space<vmem>>
    %dma_start3A_106 = arith.constant 0 : i32
    %dma_start3A_107 = tpu.memref_slice %arg7[%dma_start3A_100, %dma_start3A_106] : memref<3x80xi32, #tpu.memory_space<vmem>> -> memref<1x80xi32, #tpu.memory_space<vmem>>
    %dma_start3A_108 = tpu.memref_squeeze %dma_start3A_107 : memref<1x80xi32, #tpu.memory_space<vmem>> -> memref<80xi32, #tpu.memory_space<vmem>>
    %dma_start3A_109 = arith.constant 0 : i32
    %dma_start3A_110 = arith.constant 0 : i32
    %dma_start3A_111 = tpu.memref_slice %arg9[%dma_start3A_109, %dma_start3A_110] : memref<10240x128xf32, #tpu.memory_space<vmem_shared>> -> memref<10240x128xf32, #tpu.memory_space<vmem_shared>>
    %dma_start3A_112 = tpu.memref_slice %arg12[%dma_start3A_101] : memref<3x!tpu.dma_semaphore, #tpu.memory_space<semaphore_mem>> -> memref<1x!tpu.dma_semaphore, #tpu.memory_space<semaphore_mem>>
    %dma_start3A_113 = tpu.memref_squeeze %dma_start3A_112 : memref<1x!tpu.dma_semaphore, #tpu.memory_space<semaphore_mem>> -> memref<!tpu.dma_semaphore, #tpu.memory_space<semaphore_mem>>
    tpu.enqueue_indirect_dma source(%dma_start3A_105 : memref<80x128xf32, #tpu.memory_space<vmem>>) target(%dma_start3A_111 : memref<10240x128xf32, #tpu.memory_space<vmem_shared>>) offsets(%dma_start3A_108 : memref<80xi32, #tpu.memory_space<vmem>>) semaphore(%dma_start3A_113 : memref<!tpu.dma_semaphore, #tpu.memory_space<semaphore_mem>>) {add = true}
    %mul3A_114 = arith.constant 10000 : i32
    %mul3A_115 = arith.muli %add3A, %mul3A_114 : i32
    %add3A_116 = arith.constant 160 : i32
    %add3A_117 = arith.addi %mul3A_115, %add3A_116 : i32
    %dma_start3A_118 = arith.constant 2 : i32
    %dma_start3A_119 = arith.constant 2 : i32
    %dma_start3A_120 = arith.constant 0 : i32
    %dma_start3A_121 = tpu.memref_slice %arg7[%dma_start3A_118, %dma_start3A_120] : memref<3x80xi32, #tpu.memory_space<vmem>> -> memref<1x80xi32, #tpu.memory_space<vmem>>
    %dma_start3A_122 = tpu.memref_squeeze %dma_start3A_121 : memref<1x80xi32, #tpu.memory_space<vmem>> -> memref<80xi32, #tpu.memory_space<vmem>>
    %dma_start3A_123 = tpu.memref_slice %arg4[%add3A_117] : memref<320000xi32, #tpu.memory_space<hbm>> -> memref<80xi32, #tpu.memory_space<hbm>>
    %dma_start3A_124 = tpu.memref_slice %arg11[%dma_start3A_119] : memref<3x!tpu.dma_semaphore, #tpu.memory_space<semaphore_mem>> -> memref<1x!tpu.dma_semaphore, #tpu.memory_space<semaphore_mem>>
    %dma_start3A_125 = tpu.memref_squeeze %dma_start3A_124 : memref<1x!tpu.dma_semaphore, #tpu.memory_space<semaphore_mem>> -> memref<!tpu.dma_semaphore, #tpu.memory_space<semaphore_mem>>
    %dma_start3A_126 = arith.constant 0 : i32
    %dma_start3A_127 = tpu.memref_slice %arg7[%dma_start3A_118, %dma_start3A_126] : memref<3x80xi32, #tpu.memory_space<vmem>> -> memref<1x80xi32, #tpu.memory_space<vmem>>
    %dma_start3A_128 = tpu.memref_squeeze %dma_start3A_127 : memref<1x80xi32, #tpu.memory_space<vmem>> -> memref<80xi32, #tpu.memory_space<vmem>>
    %dma_start3A_129 = tpu.memref_slice %arg4[%add3A_117] : memref<320000xi32, #tpu.memory_space<hbm>> -> memref<80xi32, #tpu.memory_space<hbm>>
    tpu.enqueue_dma source(%dma_start3A_129 : memref<80xi32, #tpu.memory_space<hbm>>) target(%dma_start3A_128 : memref<80xi32, #tpu.memory_space<vmem>>) target_semaphore(%dma_start3A_125 : memref<!tpu.dma_semaphore, #tpu.memory_space<semaphore_mem>>)
    %dma_start3A_130 = arith.constant 2 : i32
    %dma_start3A_131 = arith.constant 2 : i32
    %dma_start3A_132 = arith.constant 0 : i32
    %dma_start3A_133 = arith.constant 0 : i32
    %dma_start3A_134 = tpu.memref_slice %arg8[%dma_start3A_130, %dma_start3A_132, %dma_start3A_133] : memref<3x80x128xf32, #tpu.memory_space<vmem>> -> memref<1x80x128xf32, #tpu.memory_space<vmem>>
    %dma_start3A_135 = tpu.memref_squeeze %dma_start3A_134 : memref<1x80x128xf32, #tpu.memory_space<vmem>> -> memref<80x128xf32, #tpu.memory_space<vmem>>
    %dma_start3A_136 = arith.constant 160 : i32
    %dma_start3A_137 = tpu.memref_slice %arg6[%dma_start3A_136] : memref<10000xi32, #tpu.memory_space<vmem>> -> memref<80xi32, #tpu.memory_space<vmem>>
    %dma_start3A_138 = arith.constant 0 : i32
    %dma_start3A_139 = arith.constant 0 : i32
    %dma_start3A_140 = tpu.memref_slice %arg2[%dma_start3A_138, %dma_start3A_139] : memref<10000x128xf32, #tpu.memory_space<hbm>> -> memref<10000x128xf32, #tpu.memory_space<hbm>>
    %dma_start3A_141 = tpu.memref_slice %arg10[%dma_start3A_131] : memref<3x!tpu.dma_semaphore, #tpu.memory_space<semaphore_mem>> -> memref<1x!tpu.dma_semaphore, #tpu.memory_space<semaphore_mem>>
    %dma_start3A_142 = tpu.memref_squeeze %dma_start3A_141 : memref<1x!tpu.dma_semaphore, #tpu.memory_space<semaphore_mem>> -> memref<!tpu.dma_semaphore, #tpu.memory_space<semaphore_mem>>
    tpu.enqueue_indirect_dma source(%dma_start3A_140 : memref<10000x128xf32, #tpu.memory_space<hbm>>) target(%dma_start3A_135 : memref<80x128xf32, #tpu.memory_space<vmem>>) offsets(%dma_start3A_137 : memref<80xi32, #tpu.memory_space<vmem>>) semaphore(%dma_start3A_142 : memref<!tpu.dma_semaphore, #tpu.memory_space<semaphore_mem>>)
    %scan3A_143 = arith.constant 0 : i32
    %scan3A_144 = arith.constant 0 : i32
    %scan3A_145 = arith.constant 41 : i32
    %scan3A_146 = arith.addi %scan3A_144, %scan3A_145 : i32
    %scan3A_147 = arith.constant 1 : i32
    scf.for %scan3A_257 = %scan3A_144 to %scan3A_146 step %scan3A_147  : i32 {
      %mul3A_258 = arith.constant 3 : i32
      %mul3A_259 = arith.muli %mul3A_258, %scan3A_257 : i32
      %add3A_260 = arith.constant 1 : i32
      %add3A_261 = arith.addi %mul3A_259, %add3A_260 : i32
      %add3A_262 = arith.constant 2 : i32
      %add3A_263 = arith.addi %add3A_261, %add3A_262 : i32
      %min3A = arith.constant 124 : i32
      %min3A_264 = arith.minsi %add3A_263, %min3A : i32
      %mul3A_265 = arith.constant 80 : i32
      %mul3A_266 = arith.muli %add3A_261, %mul3A_265 : i32
      %dma_wait3A_267 = arith.constant 1 : i32
      %dma_wait3A_268 = arith.constant 1 : i32
      %dma_wait3A_269 = arith.constant 0 : i32
      %dma_wait3A_270 = arith.constant 0 : i32
      %dma_wait3A_271 = tpu.memref_slice %arg8[%dma_wait3A_267, %dma_wait3A_269, %dma_wait3A_270] : memref<3x80x128xf32, #tpu.memory_space<vmem>> -> memref<1x80x128xf32, #tpu.memory_space<vmem>>
      %dma_wait3A_272 = tpu.memref_squeeze %dma_wait3A_271 : memref<1x80x128xf32, #tpu.memory_space<vmem>> -> memref<80x128xf32, #tpu.memory_space<vmem>>
      %dma_wait3A_273 = tpu.memref_slice %arg6[%mul3A_266] : memref<10000xi32, #tpu.memory_space<vmem>> -> memref<80xi32, #tpu.memory_space<vmem>>
      %dma_wait3A_274 = arith.constant 0 : i32
      %dma_wait3A_275 = arith.constant 0 : i32
      %dma_wait3A_276 = tpu.memref_slice %arg2[%dma_wait3A_274, %dma_wait3A_275] : memref<10000x128xf32, #tpu.memory_space<hbm>> -> memref<10000x128xf32, #tpu.memory_space<hbm>>
      %dma_wait3A_277 = tpu.memref_slice %arg10[%dma_wait3A_268] : memref<3x!tpu.dma_semaphore, #tpu.memory_space<semaphore_mem>> -> memref<1x!tpu.dma_semaphore, #tpu.memory_space<semaphore_mem>>
      %dma_wait3A_278 = tpu.memref_squeeze %dma_wait3A_277 : memref<1x!tpu.dma_semaphore, #tpu.memory_space<semaphore_mem>> -> memref<!tpu.dma_semaphore, #tpu.memory_space<semaphore_mem>>
      tpu.wait_indirect_dma semaphore(%dma_wait3A_278 : memref<!tpu.dma_semaphore, #tpu.memory_space<semaphore_mem>>) src(%dma_wait3A_276 : memref<10000x128xf32, #tpu.memory_space<hbm>>) dst(%dma_wait3A_272 : memref<80x128xf32, #tpu.memory_space<vmem>>)
      %mul3A_279 = arith.constant 10000 : i32
      %mul3A_280 = arith.muli %add3A, %mul3A_279 : i32
      %mul3A_281 = arith.constant 80 : i32
      %mul3A_282 = arith.muli %add3A_261, %mul3A_281 : i32
      %add3A_283 = arith.addi %mul3A_280, %mul3A_282 : i32
      %dma_wait3A_284 = arith.constant 1 : i32
      %dma_wait3A_285 = arith.constant 1 : i32
      %dma_wait3A_286 = arith.constant 0 : i32
      %dma_wait3A_287 = tpu.memref_slice %arg7[%dma_wait3A_284, %dma_wait3A_286] : memref<3x80xi32, #tpu.memory_space<vmem>> -> memref<1x80xi32, #tpu.memory_space<vmem>>
      %dma_wait3A_288 = tpu.memref_squeeze %dma_wait3A_287 : memref<1x80xi32, #tpu.memory_space<vmem>> -> memref<80xi32, #tpu.memory_space<vmem>>
      %dma_wait3A_289 = tpu.memref_slice %arg4[%add3A_283] : memref<320000xi32, #tpu.memory_space<hbm>> -> memref<80xi32, #tpu.memory_space<hbm>>
      %dma_wait3A_290 = tpu.memref_slice %arg11[%dma_wait3A_285] : memref<3x!tpu.dma_semaphore, #tpu.memory_space<semaphore_mem>> -> memref<1x!tpu.dma_semaphore, #tpu.memory_space<semaphore_mem>>
      %dma_wait3A_291 = tpu.memref_squeeze %dma_wait3A_290 : memref<1x!tpu.dma_semaphore, #tpu.memory_space<semaphore_mem>> -> memref<!tpu.dma_semaphore, #tpu.memory_space<semaphore_mem>>
      %dma_wait3A_292 = arith.constant 0 : i32
      %dma_wait3A_293 = tpu.memref_slice %arg7[%dma_wait3A_284, %dma_wait3A_292] : memref<3x80xi32, #tpu.memory_space<vmem>> -> memref<1x80xi32, #tpu.memory_space<vmem>>
      %dma_wait3A_294 = tpu.memref_squeeze %dma_wait3A_293 : memref<1x80xi32, #tpu.memory_space<vmem>> -> memref<80xi32, #tpu.memory_space<vmem>>
      %dma_wait3A_295 = tpu.memref_slice %arg4[%add3A_283] : memref<320000xi32, #tpu.memory_space<hbm>> -> memref<80xi32, #tpu.memory_space<hbm>>
      tpu.wait_dma2 semaphore(%dma_wait3A_291 : memref<!tpu.dma_semaphore, #tpu.memory_space<semaphore_mem>>) src(%dma_wait3A_295 : memref<80xi32, #tpu.memory_space<hbm>>) dst(%dma_wait3A_294 : memref<80xi32, #tpu.memory_space<vmem>>)
      %dma_wait3A_296 = arith.constant 0 : i32
      %dma_wait3A_297 = arith.constant 0 : i32
      %dma_wait3A_298 = arith.constant 0 : i32
      %dma_wait3A_299 = arith.constant 0 : i32
      %dma_wait3A_300 = arith.constant 0 : i32
      %dma_wait3A_301 = tpu.memref_slice %arg8[%dma_wait3A_296, %dma_wait3A_299, %dma_wait3A_300] : memref<3x80x128xf32, #tpu.memory_space<vmem>> -> memref<1x80x128xf32, #tpu.memory_space<vmem>>
      %dma_wait3A_302 = tpu.memref_squeeze %dma_wait3A_301 : memref<1x80x128xf32, #tpu.memory_space<vmem>> -> memref<80x128xf32, #tpu.memory_space<vmem>>
      %dma_wait3A_303 = arith.constant 0 : i32
      %dma_wait3A_304 = tpu.memref_slice %arg7[%dma_wait3A_297, %dma_wait3A_303] : memref<3x80xi32, #tpu.memory_space<vmem>> -> memref<1x80xi32, #tpu.memory_space<vmem>>
      %dma_wait3A_305 = tpu.memref_squeeze %dma_wait3A_304 : memref<1x80xi32, #tpu.memory_space<vmem>> -> memref<80xi32, #tpu.memory_space<vmem>>
      %dma_wait3A_306 = arith.constant 0 : i32
      %dma_wait3A_307 = arith.constant 0 : i32
      %dma_wait3A_308 = tpu.memref_slice %arg9[%dma_wait3A_306, %dma_wait3A_307] : memref<10240x128xf32, #tpu.memory_space<vmem_shared>> -> memref<10240x128xf32, #tpu.memory_space<vmem_shared>>
      %dma_wait3A_309 = tpu.memref_slice %arg12[%dma_wait3A_298] : memref<3x!tpu.dma_semaphore, #tpu.memory_space<semaphore_mem>> -> memref<1x!tpu.dma_semaphore, #tpu.memory_space<semaphore_mem>>
      %dma_wait3A_310 = tpu.memref_squeeze %dma_wait3A_309 : memref<1x!tpu.dma_semaphore, #tpu.memory_space<semaphore_mem>> -> memref<!tpu.dma_semaphore, #tpu.memory_space<semaphore_mem>>
      tpu.wait_indirect_dma semaphore(%dma_wait3A_310 : memref<!tpu.dma_semaphore, #tpu.memory_space<semaphore_mem>>) src(%dma_wait3A_302 : memref<80x128xf32, #tpu.memory_space<vmem>>) dst(%dma_wait3A_308 : memref<10240x128xf32, #tpu.memory_space<vmem_shared>>)
      %dma_start3A_311 = arith.constant 1 : i32
      %dma_start3A_312 = arith.constant 1 : i32
      %dma_start3A_313 = arith.constant 1 : i32
      %dma_start3A_314 = arith.constant 0 : i32
      %dma_start3A_315 = arith.constant 0 : i32
      %dma_start3A_316 = tpu.memref_slice %arg8[%dma_start3A_311, %dma_start3A_314, %dma_start3A_315] : memref<3x80x128xf32, #tpu.memory_space<vmem>> -> memref<1x80x128xf32, #tpu.memory_space<vmem>>
      %dma_start3A_317 = tpu.memref_squeeze %dma_start3A_316 : memref<1x80x128xf32, #tpu.memory_space<vmem>> -> memref<80x128xf32, #tpu.memory_space<vmem>>
      %dma_start3A_318 = arith.constant 0 : i32
      %dma_start3A_319 = tpu.memref_slice %arg7[%dma_start3A_312, %dma_start3A_318] : memref<3x80xi32, #tpu.memory_space<vmem>> -> memref<1x80xi32, #tpu.memory_space<vmem>>
      %dma_start3A_320 = tpu.memref_squeeze %dma_start3A_319 : memref<1x80xi32, #tpu.memory_space<vmem>> -> memref<80xi32, #tpu.memory_space<vmem>>
      %dma_start3A_321 = arith.constant 0 : i32
      %dma_start3A_322 = arith.constant 0 : i32
      %dma_start3A_323 = tpu.memref_slice %arg9[%dma_start3A_321, %dma_start3A_322] : memref<10240x128xf32, #tpu.memory_space<vmem_shared>> -> memref<10240x128xf32, #tpu.memory_space<vmem_shared>>
      %dma_start3A_324 = tpu.memref_slice %arg12[%dma_start3A_313] : memref<3x!tpu.dma_semaphore, #tpu.memory_space<semaphore_mem>> -> memref<1x!tpu.dma_semaphore, #tpu.memory_space<semaphore_mem>>
      %dma_start3A_325 = tpu.memref_squeeze %dma_start3A_324 : memref<1x!tpu.dma_semaphore, #tpu.memory_space<semaphore_mem>> -> memref<!tpu.dma_semaphore, #tpu.memory_space<semaphore_mem>>
      tpu.enqueue_indirect_dma source(%dma_start3A_317 : memref<80x128xf32, #tpu.memory_space<vmem>>) target(%dma_start3A_323 : memref<10240x128xf32, #tpu.memory_space<vmem_shared>>) offsets(%dma_start3A_320 : memref<80xi32, #tpu.memory_space<vmem>>) semaphore(%dma_start3A_325 : memref<!tpu.dma_semaphore, #tpu.memory_space<semaphore_mem>>) {add = true}
      %mul3A_326 = arith.constant 10000 : i32
      %mul3A_327 = arith.muli %add3A, %mul3A_326 : i32
      %mul3A_328 = arith.constant 80 : i32
      %mul3A_329 = arith.muli %min3A_264, %mul3A_328 : i32
      %add3A_330 = arith.addi %mul3A_327, %mul3A_329 : i32
      %dma_start3A_331 = arith.constant 0 : i32
      %dma_start3A_332 = arith.constant 0 : i32
      %dma_start3A_333 = arith.constant 0 : i32
      %dma_start3A_334 = tpu.memref_slice %arg7[%dma_start3A_331, %dma_start3A_333] : memref<3x80xi32, #tpu.memory_space<vmem>> -> memref<1x80xi32, #tpu.memory_space<vmem>>
      %dma_start3A_335 = tpu.memref_squeeze %dma_start3A_334 : memref<1x80xi32, #tpu.memory_space<vmem>> -> memref<80xi32, #tpu.memory_space<vmem>>
      %dma_start3A_336 = tpu.memref_slice %arg4[%add3A_330] : memref<320000xi32, #tpu.memory_space<hbm>> -> memref<80xi32, #tpu.memory_space<hbm>>
      %dma_start3A_337 = tpu.memref_slice %arg11[%dma_start3A_332] : memref<3x!tpu.dma_semaphore, #tpu.memory_space<semaphore_mem>> -> memref<1x!tpu.dma_semaphore, #tpu.memory_space<semaphore_mem>>
      %dma_start3A_338 = tpu.memref_squeeze %dma_start3A_337 : memref<1x!tpu.dma_semaphore, #tpu.memory_space<semaphore_mem>> -> memref<!tpu.dma_semaphore, #tpu.memory_space<semaphore_mem>>
      %dma_start3A_339 = arith.constant 0 : i32
      %dma_start3A_340 = tpu.memref_slice %arg7[%dma_start3A_331, %dma_start3A_339] : memref<3x80xi32, #tpu.memory_space<vmem>> -> memref<1x80xi32, #tpu.memory_space<vmem>>
      %dma_start3A_341 = tpu.memref_squeeze %dma_start3A_340 : memref<1x80xi32, #tpu.memory_space<vmem>> -> memref<80xi32, #tpu.memory_space<vmem>>
      %dma_start3A_342 = tpu.memref_slice %arg4[%add3A_330] : memref<320000xi32, #tpu.memory_space<hbm>> -> memref<80xi32, #tpu.memory_space<hbm>>
      tpu.enqueue_dma source(%dma_start3A_342 : memref<80xi32, #tpu.memory_space<hbm>>) target(%dma_start3A_341 : memref<80xi32, #tpu.memory_space<vmem>>) target_semaphore(%dma_start3A_338 : memref<!tpu.dma_semaphore, #tpu.memory_space<semaphore_mem>>)
      %mul3A_343 = arith.constant 80 : i32
      %mul3A_344 = arith.muli %min3A_264, %mul3A_343 : i32
      %dma_start3A_345 = arith.constant 0 : i32
      %dma_start3A_346 = arith.constant 0 : i32
      %dma_start3A_347 = arith.constant 0 : i32
      %dma_start3A_348 = arith.constant 0 : i32
      %dma_start3A_349 = tpu.memref_slice %arg8[%dma_start3A_345, %dma_start3A_347, %dma_start3A_348] : memref<3x80x128xf32, #tpu.memory_space<vmem>> -> memref<1x80x128xf32, #tpu.memory_space<vmem>>
      %dma_start3A_350 = tpu.memref_squeeze %dma_start3A_349 : memref<1x80x128xf32, #tpu.memory_space<vmem>> -> memref<80x128xf32, #tpu.memory_space<vmem>>
      %dma_start3A_351 = tpu.memref_slice %arg6[%mul3A_344] : memref<10000xi32, #tpu.memory_space<vmem>> -> memref<80xi32, #tpu.memory_space<vmem>>
      %dma_start3A_352 = arith.constant 0 : i32
      %dma_start3A_353 = arith.constant 0 : i32
      %dma_start3A_354 = tpu.memref_slice %arg2[%dma_start3A_352, %dma_start3A_353] : memref<10000x128xf32, #tpu.memory_space<hbm>> -> memref<10000x128xf32, #tpu.memory_space<hbm>>
      %dma_start3A_355 = tpu.memref_slice %arg10[%dma_start3A_346] : memref<3x!tpu.dma_semaphore, #tpu.memory_space<semaphore_mem>> -> memref<1x!tpu.dma_semaphore, #tpu.memory_space<semaphore_mem>>
      %dma_start3A_356 = tpu.memref_squeeze %dma_start3A_355 : memref<1x!tpu.dma_semaphore, #tpu.memory_space<semaphore_mem>> -> memref<!tpu.dma_semaphore, #tpu.memory_space<semaphore_mem>>
      tpu.enqueue_indirect_dma source(%dma_start3A_354 : memref<10000x128xf32, #tpu.memory_space<hbm>>) target(%dma_start3A_350 : memref<80x128xf32, #tpu.memory_space<vmem>>) offsets(%dma_start3A_351 : memref<80xi32, #tpu.memory_space<vmem>>) semaphore(%dma_start3A_356 : memref<!tpu.dma_semaphore, #tpu.memory_space<semaphore_mem>>)
      %add3A_357 = arith.constant 1 : i32
      %add3A_358 = arith.addi %add3A_261, %add3A_357 : i32
      %add3A_359 = arith.constant 2 : i32
      %add3A_360 = arith.addi %add3A_358, %add3A_359 : i32
      %min3A_361 = arith.constant 124 : i32
      %min3A_362 = arith.minsi %add3A_360, %min3A_361 : i32
      %mul3A_363 = arith.constant 80 : i32
      %mul3A_364 = arith.muli %add3A_358, %mul3A_363 : i32
      %dma_wait3A_365 = arith.constant 2 : i32
      %dma_wait3A_366 = arith.constant 2 : i32
      %dma_wait3A_367 = arith.constant 0 : i32
      %dma_wait3A_368 = arith.constant 0 : i32
      %dma_wait3A_369 = tpu.memref_slice %arg8[%dma_wait3A_365, %dma_wait3A_367, %dma_wait3A_368] : memref<3x80x128xf32, #tpu.memory_space<vmem>> -> memref<1x80x128xf32, #tpu.memory_space<vmem>>
      %dma_wait3A_370 = tpu.memref_squeeze %dma_wait3A_369 : memref<1x80x128xf32, #tpu.memory_space<vmem>> -> memref<80x128xf32, #tpu.memory_space<vmem>>
      %dma_wait3A_371 = tpu.memref_slice %arg6[%mul3A_364] : memref<10000xi32, #tpu.memory_space<vmem>> -> memref<80xi32, #tpu.memory_space<vmem>>
      %dma_wait3A_372 = arith.constant 0 : i32
      %dma_wait3A_373 = arith.constant 0 : i32
      %dma_wait3A_374 = tpu.memref_slice %arg2[%dma_wait3A_372, %dma_wait3A_373] : memref<10000x128xf32, #tpu.memory_space<hbm>> -> memref<10000x128xf32, #tpu.memory_space<hbm>>
      %dma_wait3A_375 = tpu.memref_slice %arg10[%dma_wait3A_366] : memref<3x!tpu.dma_semaphore, #tpu.memory_space<semaphore_mem>> -> memref<1x!tpu.dma_semaphore, #tpu.memory_space<semaphore_mem>>
      %dma_wait3A_376 = tpu.memref_squeeze %dma_wait3A_375 : memref<1x!tpu.dma_semaphore, #tpu.memory_space<semaphore_mem>> -> memref<!tpu.dma_semaphore, #tpu.memory_space<semaphore_mem>>
      tpu.wait_indirect_dma semaphore(%dma_wait3A_376 : memref<!tpu.dma_semaphore, #tpu.memory_space<semaphore_mem>>) src(%dma_wait3A_374 : memref<10000x128xf32, #tpu.memory_space<hbm>>) dst(%dma_wait3A_370 : memref<80x128xf32, #tpu.memory_space<vmem>>)
      %mul3A_377 = arith.constant 10000 : i32
      %mul3A_378 = arith.muli %add3A, %mul3A_377 : i32
      %mul3A_379 = arith.constant 80 : i32
      %mul3A_380 = arith.muli %add3A_358, %mul3A_379 : i32
      %add3A_381 = arith.addi %mul3A_378, %mul3A_380 : i32
      %dma_wait3A_382 = arith.constant 2 : i32
      %dma_wait3A_383 = arith.constant 2 : i32
      %dma_wait3A_384 = arith.constant 0 : i32
      %dma_wait3A_385 = tpu.memref_slice %arg7[%dma_wait3A_382, %dma_wait3A_384] : memref<3x80xi32, #tpu.memory_space<vmem>> -> memref<1x80xi32, #tpu.memory_space<vmem>>
      %dma_wait3A_386 = tpu.memref_squeeze %dma_wait3A_385 : memref<1x80xi32, #tpu.memory_space<vmem>> -> memref<80xi32, #tpu.memory_space<vmem>>
      %dma_wait3A_387 = tpu.memref_slice %arg4[%add3A_381] : memref<320000xi32, #tpu.memory_space<hbm>> -> memref<80xi32, #tpu.memory_space<hbm>>
      %dma_wait3A_388 = tpu.memref_slice %arg11[%dma_wait3A_383] : memref<3x!tpu.dma_semaphore, #tpu.memory_space<semaphore_mem>> -> memref<1x!tpu.dma_semaphore, #tpu.memory_space<semaphore_mem>>
      %dma_wait3A_389 = tpu.memref_squeeze %dma_wait3A_388 : memref<1x!tpu.dma_semaphore, #tpu.memory_space<semaphore_mem>> -> memref<!tpu.dma_semaphore, #tpu.memory_space<semaphore_mem>>
      %dma_wait3A_390 = arith.constant 0 : i32
      %dma_wait3A_391 = tpu.memref_slice %arg7[%dma_wait3A_382, %dma_wait3A_390] : memref<3x80xi32, #tpu.memory_space<vmem>> -> memref<1x80xi32, #tpu.memory_space<vmem>>
      %dma_wait3A_392 = tpu.memref_squeeze %dma_wait3A_391 : memref<1x80xi32, #tpu.memory_space<vmem>> -> memref<80xi32, #tpu.memory_space<vmem>>
      %dma_wait3A_393 = tpu.memref_slice %arg4[%add3A_381] : memref<320000xi32, #tpu.memory_space<hbm>> -> memref<80xi32, #tpu.memory_space<hbm>>
      tpu.wait_dma2 semaphore(%dma_wait3A_389 : memref<!tpu.dma_semaphore, #tpu.memory_space<semaphore_mem>>) src(%dma_wait3A_393 : memref<80xi32, #tpu.memory_space<hbm>>) dst(%dma_wait3A_392 : memref<80xi32, #tpu.memory_space<vmem>>)
      %dma_wait3A_394 = arith.constant 1 : i32
      %dma_wait3A_395 = arith.constant 1 : i32
      %dma_wait3A_396 = arith.constant 1 : i32
      %dma_wait3A_397 = arith.constant 0 : i32
      %dma_wait3A_398 = arith.constant 0 : i32
      %dma_wait3A_399 = tpu.memref_slice %arg8[%dma_wait3A_394, %dma_wait3A_397, %dma_wait3A_398] : memref<3x80x128xf32, #tpu.memory_space<vmem>> -> memref<1x80x128xf32, #tpu.memory_space<vmem>>
      %dma_wait3A_400 = tpu.memref_squeeze %dma_wait3A_399 : memref<1x80x128xf32, #tpu.memory_space<vmem>> -> memref<80x128xf32, #tpu.memory_space<vmem>>
      %dma_wait3A_401 = arith.constant 0 : i32
      %dma_wait3A_402 = tpu.memref_slice %arg7[%dma_wait3A_395, %dma_wait3A_401] : memref<3x80xi32, #tpu.memory_space<vmem>> -> memref<1x80xi32, #tpu.memory_space<vmem>>
      %dma_wait3A_403 = tpu.memref_squeeze %dma_wait3A_402 : memref<1x80xi32, #tpu.memory_space<vmem>> -> memref<80xi32, #tpu.memory_space<vmem>>
      %dma_wait3A_404 = arith.constant 0 : i32
      %dma_wait3A_405 = arith.constant 0 : i32
      %dma_wait3A_406 = tpu.memref_slice %arg9[%dma_wait3A_404, %dma_wait3A_405] : memref<10240x128xf32, #tpu.memory_space<vmem_shared>> -> memref<10240x128xf32, #tpu.memory_space<vmem_shared>>
      %dma_wait3A_407 = tpu.memref_slice %arg12[%dma_wait3A_396] : memref<3x!tpu.dma_semaphore, #tpu.memory_space<semaphore_mem>> -> memref<1x!tpu.dma_semaphore, #tpu.memory_space<semaphore_mem>>
      %dma_wait3A_408 = tpu.memref_squeeze %dma_wait3A_407 : memref<1x!tpu.dma_semaphore, #tpu.memory_space<semaphore_mem>> -> memref<!tpu.dma_semaphore, #tpu.memory_space<semaphore_mem>>
      tpu.wait_indirect_dma semaphore(%dma_wait3A_408 : memref<!tpu.dma_semaphore, #tpu.memory_space<semaphore_mem>>) src(%dma_wait3A_400 : memref<80x128xf32, #tpu.memory_space<vmem>>) dst(%dma_wait3A_406 : memref<10240x128xf32, #tpu.memory_space<vmem_shared>>)
      %dma_start3A_409 = arith.constant 2 : i32
      %dma_start3A_410 = arith.constant 2 : i32
      %dma_start3A_411 = arith.constant 2 : i32
      %dma_start3A_412 = arith.constant 0 : i32
      %dma_start3A_413 = arith.constant 0 : i32
      %dma_start3A_414 = tpu.memref_slice %arg8[%dma_start3A_409, %dma_start3A_412, %dma_start3A_413] : memref<3x80x128xf32, #tpu.memory_space<vmem>> -> memref<1x80x128xf32, #tpu.memory_space<vmem>>
      %dma_start3A_415 = tpu.memref_squeeze %dma_start3A_414 : memref<1x80x128xf32, #tpu.memory_space<vmem>> -> memref<80x128xf32, #tpu.memory_space<vmem>>
      %dma_start3A_416 = arith.constant 0 : i32
      %dma_start3A_417 = tpu.memref_slice %arg7[%dma_start3A_410, %dma_start3A_416] : memref<3x80xi32, #tpu.memory_space<vmem>> -> memref<1x80xi32, #tpu.memory_space<vmem>>
      %dma_start3A_418 = tpu.memref_squeeze %dma_start3A_417 : memref<1x80xi32, #tpu.memory_space<vmem>> -> memref<80xi32, #tpu.memory_space<vmem>>
      %dma_start3A_419 = arith.constant 0 : i32
      %dma_start3A_420 = arith.constant 0 : i32
      %dma_start3A_421 = tpu.memref_slice %arg9[%dma_start3A_419, %dma_start3A_420] : memref<10240x128xf32, #tpu.memory_space<vmem_shared>> -> memref<10240x128xf32, #tpu.memory_space<vmem_shared>>
      %dma_start3A_422 = tpu.memref_slice %arg12[%dma_start3A_411] : memref<3x!tpu.dma_semaphore, #tpu.memory_space<semaphore_mem>> -> memref<1x!tpu.dma_semaphore, #tpu.memory_space<semaphore_mem>>
      %dma_start3A_423 = tpu.memref_squeeze %dma_start3A_422 : memref<1x!tpu.dma_semaphore, #tpu.memory_space<semaphore_mem>> -> memref<!tpu.dma_semaphore, #tpu.memory_space<semaphore_mem>>
      tpu.enqueue_indirect_dma source(%dma_start3A_415 : memref<80x128xf32, #tpu.memory_space<vmem>>) target(%dma_start3A_421 : memref<10240x128xf32, #tpu.memory_space<vmem_shared>>) offsets(%dma_start3A_418 : memref<80xi32, #tpu.memory_space<vmem>>) semaphore(%dma_start3A_423 : memref<!tpu.dma_semaphore, #tpu.memory_space<semaphore_mem>>) {add = true}
      %mul3A_424 = arith.constant 10000 : i32
      %mul3A_425 = arith.muli %add3A, %mul3A_424 : i32
      %mul3A_426 = arith.constant 80 : i32
      %mul3A_427 = arith.muli %min3A_362, %mul3A_426 : i32
      %add3A_428 = arith.addi %mul3A_425, %mul3A_427 : i32
      %dma_start3A_429 = arith.constant 1 : i32
      %dma_start3A_430 = arith.constant 1 : i32
      %dma_start3A_431 = arith.constant 0 : i32
      %dma_start3A_432 = tpu.memref_slice %arg7[%dma_start3A_429, %dma_start3A_431] : memref<3x80xi32, #tpu.memory_space<vmem>> -> memref<1x80xi32, #tpu.memory_space<vmem>>
      %dma_start3A_433 = tpu.memref_squeeze %dma_start3A_432 : memref<1x80xi32, #tpu.memory_space<vmem>> -> memref<80xi32, #tpu.memory_space<vmem>>
      %dma_start3A_434 = tpu.memref_slice %arg4[%add3A_428] : memref<320000xi32, #tpu.memory_space<hbm>> -> memref<80xi32, #tpu.memory_space<hbm>>
      %dma_start3A_435 = tpu.memref_slice %arg11[%dma_start3A_430] : memref<3x!tpu.dma_semaphore, #tpu.memory_space<semaphore_mem>> -> memref<1x!tpu.dma_semaphore, #tpu.memory_space<semaphore_mem>>
      %dma_start3A_436 = tpu.memref_squeeze %dma_start3A_435 : memref<1x!tpu.dma_semaphore, #tpu.memory_space<semaphore_mem>> -> memref<!tpu.dma_semaphore, #tpu.memory_space<semaphore_mem>>
      %dma_start3A_437 = arith.constant 0 : i32
      %dma_start3A_438 = tpu.memref_slice %arg7[%dma_start3A_429, %dma_start3A_437] : memref<3x80xi32, #tpu.memory_space<vmem>> -> memref<1x80xi32, #tpu.memory_space<vmem>>
      %dma_start3A_439 = tpu.memref_squeeze %dma_start3A_438 : memref<1x80xi32, #tpu.memory_space<vmem>> -> memref<80xi32, #tpu.memory_space<vmem>>
      %dma_start3A_440 = tpu.memref_slice %arg4[%add3A_428] : memref<320000xi32, #tpu.memory_space<hbm>> -> memref<80xi32, #tpu.memory_space<hbm>>
      tpu.enqueue_dma source(%dma_start3A_440 : memref<80xi32, #tpu.memory_space<hbm>>) target(%dma_start3A_439 : memref<80xi32, #tpu.memory_space<vmem>>) target_semaphore(%dma_start3A_436 : memref<!tpu.dma_semaphore, #tpu.memory_space<semaphore_mem>>)
      %mul3A_441 = arith.constant 80 : i32
      %mul3A_442 = arith.muli %min3A_362, %mul3A_441 : i32
      %dma_start3A_443 = arith.constant 1 : i32
      %dma_start3A_444 = arith.constant 1 : i32
      %dma_start3A_445 = arith.constant 0 : i32
      %dma_start3A_446 = arith.constant 0 : i32
      %dma_start3A_447 = tpu.memref_slice %arg8[%dma_start3A_443, %dma_start3A_445, %dma_start3A_446] : memref<3x80x128xf32, #tpu.memory_space<vmem>> -> memref<1x80x128xf32, #tpu.memory_space<vmem>>
      %dma_start3A_448 = tpu.memref_squeeze %dma_start3A_447 : memref<1x80x128xf32, #tpu.memory_space<vmem>> -> memref<80x128xf32, #tpu.memory_space<vmem>>
      %dma_start3A_449 = tpu.memref_slice %arg6[%mul3A_442] : memref<10000xi32, #tpu.memory_space<vmem>> -> memref<80xi32, #tpu.memory_space<vmem>>
      %dma_start3A_450 = arith.constant 0 : i32
      %dma_start3A_451 = arith.constant 0 : i32
      %dma_start3A_452 = tpu.memref_slice %arg2[%dma_start3A_450, %dma_start3A_451] : memref<10000x128xf32, #tpu.memory_space<hbm>> -> memref<10000x128xf32, #tpu.memory_space<hbm>>
      %dma_start3A_453 = tpu.memref_slice %arg10[%dma_start3A_444] : memref<3x!tpu.dma_semaphore, #tpu.memory_space<semaphore_mem>> -> memref<1x!tpu.dma_semaphore, #tpu.memory_space<semaphore_mem>>
      %dma_start3A_454 = tpu.memref_squeeze %dma_start3A_453 : memref<1x!tpu.dma_semaphore, #tpu.memory_space<semaphore_mem>> -> memref<!tpu.dma_semaphore, #tpu.memory_space<semaphore_mem>>
      tpu.enqueue_indirect_dma source(%dma_start3A_452 : memref<10000x128xf32, #tpu.memory_space<hbm>>) target(%dma_start3A_448 : memref<80x128xf32, #tpu.memory_space<vmem>>) offsets(%dma_start3A_449 : memref<80xi32, #tpu.memory_space<vmem>>) semaphore(%dma_start3A_454 : memref<!tpu.dma_semaphore, #tpu.memory_space<semaphore_mem>>)
      %add3A_455 = arith.constant 2 : i32
      %add3A_456 = arith.addi %add3A_261, %add3A_455 : i32
      %add3A_457 = arith.constant 2 : i32
      %add3A_458 = arith.addi %add3A_456, %add3A_457 : i32
      %min3A_459 = arith.constant 124 : i32
      %min3A_460 = arith.minsi %add3A_458, %min3A_459 : i32
      %mul3A_461 = arith.constant 80 : i32
      %mul3A_462 = arith.muli %add3A_456, %mul3A_461 : i32
      %dma_wait3A_463 = arith.constant 0 : i32
      %dma_wait3A_464 = arith.constant 0 : i32
      %dma_wait3A_465 = arith.constant 0 : i32
      %dma_wait3A_466 = arith.constant 0 : i32
      %dma_wait3A_467 = tpu.memref_slice %arg8[%dma_wait3A_463, %dma_wait3A_465, %dma_wait3A_466] : memref<3x80x128xf32, #tpu.memory_space<vmem>> -> memref<1x80x128xf32, #tpu.memory_space<vmem>>
      %dma_wait3A_468 = tpu.memref_squeeze %dma_wait3A_467 : memref<1x80x128xf32, #tpu.memory_space<vmem>> -> memref<80x128xf32, #tpu.memory_space<vmem>>
      %dma_wait3A_469 = tpu.memref_slice %arg6[%mul3A_462] : memref<10000xi32, #tpu.memory_space<vmem>> -> memref<80xi32, #tpu.memory_space<vmem>>
      %dma_wait3A_470 = arith.constant 0 : i32
      %dma_wait3A_471 = arith.constant 0 : i32
      %dma_wait3A_472 = tpu.memref_slice %arg2[%dma_wait3A_470, %dma_wait3A_471] : memref<10000x128xf32, #tpu.memory_space<hbm>> -> memref<10000x128xf32, #tpu.memory_space<hbm>>
      %dma_wait3A_473 = tpu.memref_slice %arg10[%dma_wait3A_464] : memref<3x!tpu.dma_semaphore, #tpu.memory_space<semaphore_mem>> -> memref<1x!tpu.dma_semaphore, #tpu.memory_space<semaphore_mem>>
      %dma_wait3A_474 = tpu.memref_squeeze %dma_wait3A_473 : memref<1x!tpu.dma_semaphore, #tpu.memory_space<semaphore_mem>> -> memref<!tpu.dma_semaphore, #tpu.memory_space<semaphore_mem>>
      tpu.wait_indirect_dma semaphore(%dma_wait3A_474 : memref<!tpu.dma_semaphore, #tpu.memory_space<semaphore_mem>>) src(%dma_wait3A_472 : memref<10000x128xf32, #tpu.memory_space<hbm>>) dst(%dma_wait3A_468 : memref<80x128xf32, #tpu.memory_space<vmem>>)
      %mul3A_475 = arith.constant 10000 : i32
      %mul3A_476 = arith.muli %add3A, %mul3A_475 : i32
      %mul3A_477 = arith.constant 80 : i32
      %mul3A_478 = arith.muli %add3A_456, %mul3A_477 : i32
      %add3A_479 = arith.addi %mul3A_476, %mul3A_478 : i32
      %dma_wait3A_480 = arith.constant 0 : i32
      %dma_wait3A_481 = arith.constant 0 : i32
      %dma_wait3A_482 = arith.constant 0 : i32
      %dma_wait3A_483 = tpu.memref_slice %arg7[%dma_wait3A_480, %dma_wait3A_482] : memref<3x80xi32, #tpu.memory_space<vmem>> -> memref<1x80xi32, #tpu.memory_space<vmem>>
      %dma_wait3A_484 = tpu.memref_squeeze %dma_wait3A_483 : memref<1x80xi32, #tpu.memory_space<vmem>> -> memref<80xi32, #tpu.memory_space<vmem>>
      %dma_wait3A_485 = tpu.memref_slice %arg4[%add3A_479] : memref<320000xi32, #tpu.memory_space<hbm>> -> memref<80xi32, #tpu.memory_space<hbm>>
      %dma_wait3A_486 = tpu.memref_slice %arg11[%dma_wait3A_481] : memref<3x!tpu.dma_semaphore, #tpu.memory_space<semaphore_mem>> -> memref<1x!tpu.dma_semaphore, #tpu.memory_space<semaphore_mem>>
      %dma_wait3A_487 = tpu.memref_squeeze %dma_wait3A_486 : memref<1x!tpu.dma_semaphore, #tpu.memory_space<semaphore_mem>> -> memref<!tpu.dma_semaphore, #tpu.memory_space<semaphore_mem>>
      %dma_wait3A_488 = arith.constant 0 : i32
      %dma_wait3A_489 = tpu.memref_slice %arg7[%dma_wait3A_480, %dma_wait3A_488] : memref<3x80xi32, #tpu.memory_space<vmem>> -> memref<1x80xi32, #tpu.memory_space<vmem>>
      %dma_wait3A_490 = tpu.memref_squeeze %dma_wait3A_489 : memref<1x80xi32, #tpu.memory_space<vmem>> -> memref<80xi32, #tpu.memory_space<vmem>>
      %dma_wait3A_491 = tpu.memref_slice %arg4[%add3A_479] : memref<320000xi32, #tpu.memory_space<hbm>> -> memref<80xi32, #tpu.memory_space<hbm>>
      tpu.wait_dma2 semaphore(%dma_wait3A_487 : memref<!tpu.dma_semaphore, #tpu.memory_space<semaphore_mem>>) src(%dma_wait3A_491 : memref<80xi32, #tpu.memory_space<hbm>>) dst(%dma_wait3A_490 : memref<80xi32, #tpu.memory_space<vmem>>)
      %dma_wait3A_492 = arith.constant 2 : i32
      %dma_wait3A_493 = arith.constant 2 : i32
      %dma_wait3A_494 = arith.constant 2 : i32
      %dma_wait3A_495 = arith.constant 0 : i32
      %dma_wait3A_496 = arith.constant 0 : i32
      %dma_wait3A_497 = tpu.memref_slice %arg8[%dma_wait3A_492, %dma_wait3A_495, %dma_wait3A_496] : memref<3x80x128xf32, #tpu.memory_space<vmem>> -> memref<1x80x128xf32, #tpu.memory_space<vmem>>
      %dma_wait3A_498 = tpu.memref_squeeze %dma_wait3A_497 : memref<1x80x128xf32, #tpu.memory_space<vmem>> -> memref<80x128xf32, #tpu.memory_space<vmem>>
      %dma_wait3A_499 = arith.constant 0 : i32
      %dma_wait3A_500 = tpu.memref_slice %arg7[%dma_wait3A_493, %dma_wait3A_499] : memref<3x80xi32, #tpu.memory_space<vmem>> -> memref<1x80xi32, #tpu.memory_space<vmem>>
      %dma_wait3A_501 = tpu.memref_squeeze %dma_wait3A_500 : memref<1x80xi32, #tpu.memory_space<vmem>> -> memref<80xi32, #tpu.memory_space<vmem>>
      %dma_wait3A_502 = arith.constant 0 : i32
      %dma_wait3A_503 = arith.constant 0 : i32
      %dma_wait3A_504 = tpu.memref_slice %arg9[%dma_wait3A_502, %dma_wait3A_503] : memref<10240x128xf32, #tpu.memory_space<vmem_shared>> -> memref<10240x128xf32, #tpu.memory_space<vmem_shared>>
      %dma_wait3A_505 = tpu.memref_slice %arg12[%dma_wait3A_494] : memref<3x!tpu.dma_semaphore, #tpu.memory_space<semaphore_mem>> -> memref<1x!tpu.dma_semaphore, #tpu.memory_space<semaphore_mem>>
      %dma_wait3A_506 = tpu.memref_squeeze %dma_wait3A_505 : memref<1x!tpu.dma_semaphore, #tpu.memory_space<semaphore_mem>> -> memref<!tpu.dma_semaphore, #tpu.memory_space<semaphore_mem>>
      tpu.wait_indirect_dma semaphore(%dma_wait3A_506 : memref<!tpu.dma_semaphore, #tpu.memory_space<semaphore_mem>>) src(%dma_wait3A_498 : memref<80x128xf32, #tpu.memory_space<vmem>>) dst(%dma_wait3A_504 : memref<10240x128xf32, #tpu.memory_space<vmem_shared>>)
      %dma_start3A_507 = arith.constant 0 : i32
      %dma_start3A_508 = arith.constant 0 : i32
      %dma_start3A_509 = arith.constant 0 : i32
      %dma_start3A_510 = arith.constant 0 : i32
      %dma_start3A_511 = arith.constant 0 : i32
      %dma_start3A_512 = tpu.memref_slice %arg8[%dma_start3A_507, %dma_start3A_510, %dma_start3A_511] : memref<3x80x128xf32, #tpu.memory_space<vmem>> -> memref<1x80x128xf32, #tpu.memory_space<vmem>>
      %dma_start3A_513 = tpu.memref_squeeze %dma_start3A_512 : memref<1x80x128xf32, #tpu.memory_space<vmem>> -> memref<80x128xf32, #tpu.memory_space<vmem>>
      %dma_start3A_514 = arith.constant 0 : i32
      %dma_start3A_515 = tpu.memref_slice %arg7[%dma_start3A_508, %dma_start3A_514] : memref<3x80xi32, #tpu.memory_space<vmem>> -> memref<1x80xi32, #tpu.memory_space<vmem>>
      %dma_start3A_516 = tpu.memref_squeeze %dma_start3A_515 : memref<1x80xi32, #tpu.memory_space<vmem>> -> memref<80xi32, #tpu.memory_space<vmem>>
      %dma_start3A_517 = arith.constant 0 : i32
      %dma_start3A_518 = arith.constant 0 : i32
      %dma_start3A_519 = tpu.memref_slice %arg9[%dma_start3A_517, %dma_start3A_518] : memref<10240x128xf32, #tpu.memory_space<vmem_shared>> -> memref<10240x128xf32, #tpu.memory_space<vmem_shared>>
      %dma_start3A_520 = tpu.memref_slice %arg12[%dma_start3A_509] : memref<3x!tpu.dma_semaphore, #tpu.memory_space<semaphore_mem>> -> memref<1x!tpu.dma_semaphore, #tpu.memory_space<semaphore_mem>>
      %dma_start3A_521 = tpu.memref_squeeze %dma_start3A_520 : memref<1x!tpu.dma_semaphore, #tpu.memory_space<semaphore_mem>> -> memref<!tpu.dma_semaphore, #tpu.memory_space<semaphore_mem>>
      tpu.enqueue_indirect_dma source(%dma_start3A_513 : memref<80x128xf32, #tpu.memory_space<vmem>>) target(%dma_start3A_519 : memref<10240x128xf32, #tpu.memory_space<vmem_shared>>) offsets(%dma_start3A_516 : memref<80xi32, #tpu.memory_space<vmem>>) semaphore(%dma_start3A_521 : memref<!tpu.dma_semaphore, #tpu.memory_space<semaphore_mem>>) {add = true}
      %mul3A_522 = arith.constant 10000 : i32
      %mul3A_523 = arith.muli %add3A, %mul3A_522 : i32
      %mul3A_524 = arith.constant 80 : i32
      %mul3A_525 = arith.muli %min3A_460, %mul3A_524 : i32
      %add3A_526 = arith.addi %mul3A_523, %mul3A_525 : i32
      %dma_start3A_527 = arith.constant 2 : i32
      %dma_start3A_528 = arith.constant 2 : i32
      %dma_start3A_529 = arith.constant 0 : i32
      %dma_start3A_530 = tpu.memref_slice %arg7[%dma_start3A_527, %dma_start3A_529] : memref<3x80xi32, #tpu.memory_space<vmem>> -> memref<1x80xi32, #tpu.memory_space<vmem>>
      %dma_start3A_531 = tpu.memref_squeeze %dma_start3A_530 : memref<1x80xi32, #tpu.memory_space<vmem>> -> memref<80xi32, #tpu.memory_space<vmem>>
      %dma_start3A_532 = tpu.memref_slice %arg4[%add3A_526] : memref<320000xi32, #tpu.memory_space<hbm>> -> memref<80xi32, #tpu.memory_space<hbm>>
      %dma_start3A_533 = tpu.memref_slice %arg11[%dma_start3A_528] : memref<3x!tpu.dma_semaphore, #tpu.memory_space<semaphore_mem>> -> memref<1x!tpu.dma_semaphore, #tpu.memory_space<semaphore_mem>>
      %dma_start3A_534 = tpu.memref_squeeze %dma_start3A_533 : memref<1x!tpu.dma_semaphore, #tpu.memory_space<semaphore_mem>> -> memref<!tpu.dma_semaphore, #tpu.memory_space<semaphore_mem>>
      %dma_start3A_535 = arith.constant 0 : i32
      %dma_start3A_536 = tpu.memref_slice %arg7[%dma_start3A_527, %dma_start3A_535] : memref<3x80xi32, #tpu.memory_space<vmem>> -> memref<1x80xi32, #tpu.memory_space<vmem>>
      %dma_start3A_537 = tpu.memref_squeeze %dma_start3A_536 : memref<1x80xi32, #tpu.memory_space<vmem>> -> memref<80xi32, #tpu.memory_space<vmem>>
      %dma_start3A_538 = tpu.memref_slice %arg4[%add3A_526] : memref<320000xi32, #tpu.memory_space<hbm>> -> memref<80xi32, #tpu.memory_space<hbm>>
      tpu.enqueue_dma source(%dma_start3A_538 : memref<80xi32, #tpu.memory_space<hbm>>) target(%dma_start3A_537 : memref<80xi32, #tpu.memory_space<vmem>>) target_semaphore(%dma_start3A_534 : memref<!tpu.dma_semaphore, #tpu.memory_space<semaphore_mem>>)
      %mul3A_539 = arith.constant 80 : i32
      %mul3A_540 = arith.muli %min3A_460, %mul3A_539 : i32
      %dma_start3A_541 = arith.constant 2 : i32
      %dma_start3A_542 = arith.constant 2 : i32
      %dma_start3A_543 = arith.constant 0 : i32
      %dma_start3A_544 = arith.constant 0 : i32
      %dma_start3A_545 = tpu.memref_slice %arg8[%dma_start3A_541, %dma_start3A_543, %dma_start3A_544] : memref<3x80x128xf32, #tpu.memory_space<vmem>> -> memref<1x80x128xf32, #tpu.memory_space<vmem>>
      %dma_start3A_546 = tpu.memref_squeeze %dma_start3A_545 : memref<1x80x128xf32, #tpu.memory_space<vmem>> -> memref<80x128xf32, #tpu.memory_space<vmem>>
      %dma_start3A_547 = tpu.memref_slice %arg6[%mul3A_540] : memref<10000xi32, #tpu.memory_space<vmem>> -> memref<80xi32, #tpu.memory_space<vmem>>
      %dma_start3A_548 = arith.constant 0 : i32
      %dma_start3A_549 = arith.constant 0 : i32
      %dma_start3A_550 = tpu.memref_slice %arg2[%dma_start3A_548, %dma_start3A_549] : memref<10000x128xf32, #tpu.memory_space<hbm>> -> memref<10000x128xf32, #tpu.memory_space<hbm>>
      %dma_start3A_551 = tpu.memref_slice %arg10[%dma_start3A_542] : memref<3x!tpu.dma_semaphore, #tpu.memory_space<semaphore_mem>> -> memref<1x!tpu.dma_semaphore, #tpu.memory_space<semaphore_mem>>
      %dma_start3A_552 = tpu.memref_squeeze %dma_start3A_551 : memref<1x!tpu.dma_semaphore, #tpu.memory_space<semaphore_mem>> -> memref<!tpu.dma_semaphore, #tpu.memory_space<semaphore_mem>>
      tpu.enqueue_indirect_dma source(%dma_start3A_550 : memref<10000x128xf32, #tpu.memory_space<hbm>>) target(%dma_start3A_546 : memref<80x128xf32, #tpu.memory_space<vmem>>) offsets(%dma_start3A_547 : memref<80xi32, #tpu.memory_space<vmem>>) semaphore(%dma_start3A_552 : memref<!tpu.dma_semaphore, #tpu.memory_space<semaphore_mem>>)
    }
    %scan3A_148 = arith.constant 41 : i32
    %dma_wait3A_149 = arith.constant 1 : i32
    %dma_wait3A_150 = arith.constant 1 : i32
    %dma_wait3A_151 = arith.constant 0 : i32
    %dma_wait3A_152 = arith.constant 0 : i32
    %dma_wait3A_153 = tpu.memref_slice %arg8[%dma_wait3A_149, %dma_wait3A_151, %dma_wait3A_152] : memref<3x80x128xf32, #tpu.memory_space<vmem>> -> memref<1x80x128xf32, #tpu.memory_space<vmem>>
    %dma_wait3A_154 = tpu.memref_squeeze %dma_wait3A_153 : memref<1x80x128xf32, #tpu.memory_space<vmem>> -> memref<80x128xf32, #tpu.memory_space<vmem>>
    %dma_wait3A_155 = arith.constant 9920 : i32
    %dma_wait3A_156 = tpu.memref_slice %arg6[%dma_wait3A_155] : memref<10000xi32, #tpu.memory_space<vmem>> -> memref<80xi32, #tpu.memory_space<vmem>>
    %dma_wait3A_157 = arith.constant 0 : i32
    %dma_wait3A_158 = arith.constant 0 : i32
    %dma_wait3A_159 = tpu.memref_slice %arg2[%dma_wait3A_157, %dma_wait3A_158] : memref<10000x128xf32, #tpu.memory_space<hbm>> -> memref<10000x128xf32, #tpu.memory_space<hbm>>
    %dma_wait3A_160 = tpu.memref_slice %arg10[%dma_wait3A_150] : memref<3x!tpu.dma_semaphore, #tpu.memory_space<semaphore_mem>> -> memref<1x!tpu.dma_semaphore, #tpu.memory_space<semaphore_mem>>
    %dma_wait3A_161 = tpu.memref_squeeze %dma_wait3A_160 : memref<1x!tpu.dma_semaphore, #tpu.memory_space<semaphore_mem>> -> memref<!tpu.dma_semaphore, #tpu.memory_space<semaphore_mem>>
    tpu.wait_indirect_dma semaphore(%dma_wait3A_161 : memref<!tpu.dma_semaphore, #tpu.memory_space<semaphore_mem>>) src(%dma_wait3A_159 : memref<10000x128xf32, #tpu.memory_space<hbm>>) dst(%dma_wait3A_154 : memref<80x128xf32, #tpu.memory_space<vmem>>)
    %mul3A_162 = arith.constant 10000 : i32
    %mul3A_163 = arith.muli %add3A, %mul3A_162 : i32
    %add3A_164 = arith.constant 9920 : i32
    %add3A_165 = arith.addi %mul3A_163, %add3A_164 : i32
    %dma_wait3A_166 = arith.constant 1 : i32
    %dma_wait3A_167 = arith.constant 1 : i32
    %dma_wait3A_168 = arith.constant 0 : i32
    %dma_wait3A_169 = tpu.memref_slice %arg7[%dma_wait3A_166, %dma_wait3A_168] : memref<3x80xi32, #tpu.memory_space<vmem>> -> memref<1x80xi32, #tpu.memory_space<vmem>>
    %dma_wait3A_170 = tpu.memref_squeeze %dma_wait3A_169 : memref<1x80xi32, #tpu.memory_space<vmem>> -> memref<80xi32, #tpu.memory_space<vmem>>
    %dma_wait3A_171 = tpu.memref_slice %arg4[%add3A_165] : memref<320000xi32, #tpu.memory_space<hbm>> -> memref<80xi32, #tpu.memory_space<hbm>>
    %dma_wait3A_172 = tpu.memref_slice %arg11[%dma_wait3A_167] : memref<3x!tpu.dma_semaphore, #tpu.memory_space<semaphore_mem>> -> memref<1x!tpu.dma_semaphore, #tpu.memory_space<semaphore_mem>>
    %dma_wait3A_173 = tpu.memref_squeeze %dma_wait3A_172 : memref<1x!tpu.dma_semaphore, #tpu.memory_space<semaphore_mem>> -> memref<!tpu.dma_semaphore, #tpu.memory_space<semaphore_mem>>
    %dma_wait3A_174 = arith.constant 0 : i32
    %dma_wait3A_175 = tpu.memref_slice %arg7[%dma_wait3A_166, %dma_wait3A_174] : memref<3x80xi32, #tpu.memory_space<vmem>> -> memref<1x80xi32, #tpu.memory_space<vmem>>
    %dma_wait3A_176 = tpu.memref_squeeze %dma_wait3A_175 : memref<1x80xi32, #tpu.memory_space<vmem>> -> memref<80xi32, #tpu.memory_space<vmem>>
    %dma_wait3A_177 = tpu.memref_slice %arg4[%add3A_165] : memref<320000xi32, #tpu.memory_space<hbm>> -> memref<80xi32, #tpu.memory_space<hbm>>
    tpu.wait_dma2 semaphore(%dma_wait3A_173 : memref<!tpu.dma_semaphore, #tpu.memory_space<semaphore_mem>>) src(%dma_wait3A_177 : memref<80xi32, #tpu.memory_space<hbm>>) dst(%dma_wait3A_176 : memref<80xi32, #tpu.memory_space<vmem>>)
    %dma_wait3A_178 = arith.constant 0 : i32
    %dma_wait3A_179 = arith.constant 0 : i32
    %dma_wait3A_180 = arith.constant 0 : i32
    %dma_wait3A_181 = arith.constant 0 : i32
    %dma_wait3A_182 = arith.constant 0 : i32
    %dma_wait3A_183 = tpu.memref_slice %arg8[%dma_wait3A_178, %dma_wait3A_181, %dma_wait3A_182] : memref<3x80x128xf32, #tpu.memory_space<vmem>> -> memref<1x80x128xf32, #tpu.memory_space<vmem>>
    %dma_wait3A_184 = tpu.memref_squeeze %dma_wait3A_183 : memref<1x80x128xf32, #tpu.memory_space<vmem>> -> memref<80x128xf32, #tpu.memory_space<vmem>>
    %dma_wait3A_185 = arith.constant 0 : i32
    %dma_wait3A_186 = tpu.memref_slice %arg7[%dma_wait3A_179, %dma_wait3A_185] : memref<3x80xi32, #tpu.memory_space<vmem>> -> memref<1x80xi32, #tpu.memory_space<vmem>>
    %dma_wait3A_187 = tpu.memref_squeeze %dma_wait3A_186 : memref<1x80xi32, #tpu.memory_space<vmem>> -> memref<80xi32, #tpu.memory_space<vmem>>
    %dma_wait3A_188 = arith.constant 0 : i32
    %dma_wait3A_189 = arith.constant 0 : i32
    %dma_wait3A_190 = tpu.memref_slice %arg9[%dma_wait3A_188, %dma_wait3A_189] : memref<10240x128xf32, #tpu.memory_space<vmem_shared>> -> memref<10240x128xf32, #tpu.memory_space<vmem_shared>>
    %dma_wait3A_191 = tpu.memref_slice %arg12[%dma_wait3A_180] : memref<3x!tpu.dma_semaphore, #tpu.memory_space<semaphore_mem>> -> memref<1x!tpu.dma_semaphore, #tpu.memory_space<semaphore_mem>>
    %dma_wait3A_192 = tpu.memref_squeeze %dma_wait3A_191 : memref<1x!tpu.dma_semaphore, #tpu.memory_space<semaphore_mem>> -> memref<!tpu.dma_semaphore, #tpu.memory_space<semaphore_mem>>
    tpu.wait_indirect_dma semaphore(%dma_wait3A_192 : memref<!tpu.dma_semaphore, #tpu.memory_space<semaphore_mem>>) src(%dma_wait3A_184 : memref<80x128xf32, #tpu.memory_space<vmem>>) dst(%dma_wait3A_190 : memref<10240x128xf32, #tpu.memory_space<vmem_shared>>)
    %dma_start3A_193 = arith.constant 1 : i32
    %dma_start3A_194 = arith.constant 1 : i32
    %dma_start3A_195 = arith.constant 1 : i32
    %dma_start3A_196 = arith.constant 0 : i32
    %dma_start3A_197 = arith.constant 0 : i32
    %dma_start3A_198 = tpu.memref_slice %arg8[%dma_start3A_193, %dma_start3A_196, %dma_start3A_197] : memref<3x80x128xf32, #tpu.memory_space<vmem>> -> memref<1x80x128xf32, #tpu.memory_space<vmem>>
    %dma_start3A_199 = tpu.memref_squeeze %dma_start3A_198 : memref<1x80x128xf32, #tpu.memory_space<vmem>> -> memref<80x128xf32, #tpu.memory_space<vmem>>
    %dma_start3A_200 = arith.constant 0 : i32
    %dma_start3A_201 = tpu.memref_slice %arg7[%dma_start3A_194, %dma_start3A_200] : memref<3x80xi32, #tpu.memory_space<vmem>> -> memref<1x80xi32, #tpu.memory_space<vmem>>
    %dma_start3A_202 = tpu.memref_squeeze %dma_start3A_201 : memref<1x80xi32, #tpu.memory_space<vmem>> -> memref<80xi32, #tpu.memory_space<vmem>>
    %dma_start3A_203 = arith.constant 0 : i32
    %dma_start3A_204 = arith.constant 0 : i32
    %dma_start3A_205 = tpu.memref_slice %arg9[%dma_start3A_203, %dma_start3A_204] : memref<10240x128xf32, #tpu.memory_space<vmem_shared>> -> memref<10240x128xf32, #tpu.memory_space<vmem_shared>>
    %dma_start3A_206 = tpu.memref_slice %arg12[%dma_start3A_195] : memref<3x!tpu.dma_semaphore, #tpu.memory_space<semaphore_mem>> -> memref<1x!tpu.dma_semaphore, #tpu.memory_space<semaphore_mem>>
    %dma_start3A_207 = tpu.memref_squeeze %dma_start3A_206 : memref<1x!tpu.dma_semaphore, #tpu.memory_space<semaphore_mem>> -> memref<!tpu.dma_semaphore, #tpu.memory_space<semaphore_mem>>
    tpu.enqueue_indirect_dma source(%dma_start3A_199 : memref<80x128xf32, #tpu.memory_space<vmem>>) target(%dma_start3A_205 : memref<10240x128xf32, #tpu.memory_space<vmem_shared>>) offsets(%dma_start3A_202 : memref<80xi32, #tpu.memory_space<vmem>>) semaphore(%dma_start3A_207 : memref<!tpu.dma_semaphore, #tpu.memory_space<semaphore_mem>>) {add = true}
    %dma_wait3A_208 = arith.constant 2 : i32
    %dma_wait3A_209 = arith.constant 2 : i32
    %dma_wait3A_210 = arith.constant 0 : i32
    %dma_wait3A_211 = arith.constant 0 : i32
    %dma_wait3A_212 = tpu.memref_slice %arg8[%dma_wait3A_208, %dma_wait3A_210, %dma_wait3A_211] : memref<3x80x128xf32, #tpu.memory_space<vmem>> -> memref<1x80x128xf32, #tpu.memory_space<vmem>>
    %dma_wait3A_213 = tpu.memref_squeeze %dma_wait3A_212 : memref<1x80x128xf32, #tpu.memory_space<vmem>> -> memref<80x128xf32, #tpu.memory_space<vmem>>
    %dma_wait3A_214 = arith.constant 9920 : i32
    %dma_wait3A_215 = tpu.memref_slice %arg6[%dma_wait3A_214] : memref<10000xi32, #tpu.memory_space<vmem>> -> memref<80xi32, #tpu.memory_space<vmem>>
    %dma_wait3A_216 = arith.constant 0 : i32
    %dma_wait3A_217 = arith.constant 0 : i32
    %dma_wait3A_218 = tpu.memref_slice %arg2[%dma_wait3A_216, %dma_wait3A_217] : memref<10000x128xf32, #tpu.memory_space<hbm>> -> memref<10000x128xf32, #tpu.memory_space<hbm>>
    %dma_wait3A_219 = tpu.memref_slice %arg10[%dma_wait3A_209] : memref<3x!tpu.dma_semaphore, #tpu.memory_space<semaphore_mem>> -> memref<1x!tpu.dma_semaphore, #tpu.memory_space<semaphore_mem>>
    %dma_wait3A_220 = tpu.memref_squeeze %dma_wait3A_219 : memref<1x!tpu.dma_semaphore, #tpu.memory_space<semaphore_mem>> -> memref<!tpu.dma_semaphore, #tpu.memory_space<semaphore_mem>>
    tpu.wait_indirect_dma semaphore(%dma_wait3A_220 : memref<!tpu.dma_semaphore, #tpu.memory_space<semaphore_mem>>) src(%dma_wait3A_218 : memref<10000x128xf32, #tpu.memory_space<hbm>>) dst(%dma_wait3A_213 : memref<80x128xf32, #tpu.memory_space<vmem>>)
    %mul3A_221 = arith.constant 10000 : i32
    %mul3A_222 = arith.muli %add3A, %mul3A_221 : i32
    %add3A_223 = arith.constant 9920 : i32
    %add3A_224 = arith.addi %mul3A_222, %add3A_223 : i32
    %dma_wait3A_225 = arith.constant 2 : i32
    %dma_wait3A_226 = arith.constant 2 : i32
    %dma_wait3A_227 = arith.constant 0 : i32
    %dma_wait3A_228 = tpu.memref_slice %arg7[%dma_wait3A_225, %dma_wait3A_227] : memref<3x80xi32, #tpu.memory_space<vmem>> -> memref<1x80xi32, #tpu.memory_space<vmem>>
    %dma_wait3A_229 = tpu.memref_squeeze %dma_wait3A_228 : memref<1x80xi32, #tpu.memory_space<vmem>> -> memref<80xi32, #tpu.memory_space<vmem>>
    %dma_wait3A_230 = tpu.memref_slice %arg4[%add3A_224] : memref<320000xi32, #tpu.memory_space<hbm>> -> memref<80xi32, #tpu.memory_space<hbm>>
    %dma_wait3A_231 = tpu.memref_slice %arg11[%dma_wait3A_226] : memref<3x!tpu.dma_semaphore, #tpu.memory_space<semaphore_mem>> -> memref<1x!tpu.dma_semaphore, #tpu.memory_space<semaphore_mem>>
    %dma_wait3A_232 = tpu.memref_squeeze %dma_wait3A_231 : memref<1x!tpu.dma_semaphore, #tpu.memory_space<semaphore_mem>> -> memref<!tpu.dma_semaphore, #tpu.memory_space<semaphore_mem>>
    %dma_wait3A_233 = arith.constant 0 : i32
    %dma_wait3A_234 = tpu.memref_slice %arg7[%dma_wait3A_225, %dma_wait3A_233] : memref<3x80xi32, #tpu.memory_space<vmem>> -> memref<1x80xi32, #tpu.memory_space<vmem>>
    %dma_wait3A_235 = tpu.memref_squeeze %dma_wait3A_234 : memref<1x80xi32, #tpu.memory_space<vmem>> -> memref<80xi32, #tpu.memory_space<vmem>>
    %dma_wait3A_236 = tpu.memref_slice %arg4[%add3A_224] : memref<320000xi32, #tpu.memory_space<hbm>> -> memref<80xi32, #tpu.memory_space<hbm>>
    tpu.wait_dma2 semaphore(%dma_wait3A_232 : memref<!tpu.dma_semaphore, #tpu.memory_space<semaphore_mem>>) src(%dma_wait3A_236 : memref<80xi32, #tpu.memory_space<hbm>>) dst(%dma_wait3A_235 : memref<80xi32, #tpu.memory_space<vmem>>)
    %dma_wait3A_237 = arith.constant 1 : i32
    %dma_wait3A_238 = arith.constant 1 : i32
    %dma_wait3A_239 = arith.constant 1 : i32
    %dma_wait3A_240 = arith.constant 0 : i32
    %dma_wait3A_241 = arith.constant 0 : i32
    %dma_wait3A_242 = tpu.memref_slice %arg8[%dma_wait3A_237, %dma_wait3A_240, %dma_wait3A_241] : memref<3x80x128xf32, #tpu.memory_space<vmem>> -> memref<1x80x128xf32, #tpu.memory_space<vmem>>
    %dma_wait3A_243 = tpu.memref_squeeze %dma_wait3A_242 : memref<1x80x128xf32, #tpu.memory_space<vmem>> -> memref<80x128xf32, #tpu.memory_space<vmem>>
    %dma_wait3A_244 = arith.constant 0 : i32
    %dma_wait3A_245 = tpu.memref_slice %arg7[%dma_wait3A_238, %dma_wait3A_244] : memref<3x80xi32, #tpu.memory_space<vmem>> -> memref<1x80xi32, #tpu.memory_space<vmem>>
    %dma_wait3A_246 = tpu.memref_squeeze %dma_wait3A_245 : memref<1x80xi32, #tpu.memory_space<vmem>> -> memref<80xi32, #tpu.memory_space<vmem>>
    %dma_wait3A_247 = arith.constant 0 : i32
    %dma_wait3A_248 = arith.constant 0 : i32
    %dma_wait3A_249 = tpu.memref_slice %arg9[%dma_wait3A_247, %dma_wait3A_248] : memref<10240x128xf32, #tpu.memory_space<vmem_shared>> -> memref<10240x128xf32, #tpu.memory_space<vmem_shared>>
    %dma_wait3A_250 = tpu.memref_slice %arg12[%dma_wait3A_239] : memref<3x!tpu.dma_semaphore, #tpu.memory_space<semaphore_mem>> -> memref<1x!tpu.dma_semaphore, #tpu.memory_space<semaphore_mem>>
    %dma_wait3A_251 = tpu.memref_squeeze %dma_wait3A_250 : memref<1x!tpu.dma_semaphore, #tpu.memory_space<semaphore_mem>> -> memref<!tpu.dma_semaphore, #tpu.memory_space<semaphore_mem>>
    tpu.wait_indirect_dma semaphore(%dma_wait3A_251 : memref<!tpu.dma_semaphore, #tpu.memory_space<semaphore_mem>>) src(%dma_wait3A_243 : memref<80x128xf32, #tpu.memory_space<vmem>>) dst(%dma_wait3A_249 : memref<10240x128xf32, #tpu.memory_space<vmem_shared>>)
    %barrier3A_252 = arith.constant 0 : index
    tpu.barrier barrier_id(%barrier3A_252)
    %mul3A_253 = arith.constant 640 : i32
    %mul3A_254 = arith.muli %arg1, %mul3A_253 : i32
    %mul3A_255 = arith.constant 640 : i32
    %mul3A_256 = arith.muli %arg1, %mul3A_255 : i32
    "tpu.region"() ({
      %run_scoped3A = tpu.sem_alloc : memref<!tpu.dma_semaphore, #tpu.memory_space<semaphore_mem>>
      %dma_start3A_257 = arith.constant 0 : i32
      %dma_start3A_258 = tpu.memref_slice %arg5[%arg0, %mul3A_256, %dma_start3A_257] : memref<2x10240x128xf32, #tpu.memory_space<hbm>> -> memref<1x640x128xf32, #tpu.memory_space<hbm>>
      %dma_start3A_259 = tpu.memref_squeeze %dma_start3A_258 : memref<1x640x128xf32, #tpu.memory_space<hbm>> -> memref<640x128xf32, #tpu.memory_space<hbm>>
      %dma_start3A_260 = arith.constant 0 : i32
      %dma_start3A_261 = tpu.memref_slice %arg9[%mul3A_254, %dma_start3A_260] : memref<10240x128xf32, #tpu.memory_space<vmem_shared>> -> memref<640x128xf32, #tpu.memory_space<vmem_shared>>
      tpu.enqueue_dma source(%dma_start3A_261 : memref<640x128xf32, #tpu.memory_space<vmem_shared>>) target(%dma_start3A_259 : memref<640x128xf32, #tpu.memory_space<hbm>>) target_semaphore(%run_scoped3A : memref<!tpu.dma_semaphore, #tpu.memory_space<semaphore_mem>>)
      %dma_wait3A_262 = arith.constant 0 : i32
      %dma_wait3A_263 = tpu.memref_slice %arg5[%arg0, %mul3A_256, %dma_wait3A_262] : memref<2x10240x128xf32, #tpu.memory_space<hbm>> -> memref<1x640x128xf32, #tpu.memory_space<hbm>>
      %dma_wait3A_264 = tpu.memref_squeeze %dma_wait3A_263 : memref<1x640x128xf32, #tpu.memory_space<hbm>> -> memref<640x128xf32, #tpu.memory_space<hbm>>
      %dma_wait3A_265 = arith.constant 0 : i32
      %dma_wait3A_266 = tpu.memref_slice %arg9[%mul3A_254, %dma_wait3A_265] : memref<10240x128xf32, #tpu.memory_space<vmem_shared>> -> memref<640x128xf32, #tpu.memory_space<vmem_shared>>
      tpu.wait_dma2 semaphore(%run_scoped3A : memref<!tpu.dma_semaphore, #tpu.memory_space<semaphore_mem>>) src(%dma_wait3A_266 : memref<640x128xf32, #tpu.memory_space<vmem_shared>>) dst(%dma_wait3A_264 : memref<640x128xf32, #tpu.memory_space<hbm>>)
      tpu.yield
    }) : () -> ()
    return
  }
}

#map = affine_map<(d0, d1) -> (0, 0, 0)>
module attributes {stable_mosaic.version = 14 : i64} {
  func.func @_sc_deg_body(%arg0: i32, %arg1: i32, %arg2: memref<32x125x80xi32, #tpu.memory_space<hbm>>, %arg3: memref<2x10240x16xf32, #tpu.memory_space<hbm>>, %arg4: memref<125x80xi32, #tpu.memory_space<vmem>>, %arg5: memref<80x16xf32, #tpu.memory_space<vmem>>, %arg6: memref<128x16xf32, #tpu.memory_space<vmem>>, %arg7: memref<10240x16xf32, #tpu.memory_space<vmem_shared>>) attributes {dimension_semantics = [#tpu.dimension_semantics<core_parallel>, #tpu.dimension_semantics<subcore_parallel>], iteration_bounds = array<i64: 2, 16>, scalar_prefetch = 0 : i64, scratch_operands = 4 : i64, tpu.core_type = #tpu.core_type<sc_vector_subcore>, window_params = [{transform_indices = #map}, {transform_indices = #map}]} {
    %mul3A = arith.constant 16 : i32
    %mul3A_0 = arith.muli %arg0, %mul3A : i32
    %add3A = arith.addi %mul3A_0, %arg1 : i32
    "tpu.region"() ({
      %run_scoped3A = tpu.sem_alloc : memref<!tpu.dma_semaphore, #tpu.memory_space<semaphore_mem>>
      %dma_start3A = arith.constant 0 : i32
      %dma_start3A_29 = arith.constant 0 : i32
      %dma_start3A_30 = tpu.memref_slice %arg2[%add3A, %dma_start3A, %dma_start3A_29] : memref<32x125x80xi32, #tpu.memory_space<hbm>> -> memref<1x125x80xi32, #tpu.memory_space<hbm>>
      %dma_start3A_31 = tpu.memref_squeeze %dma_start3A_30 : memref<1x125x80xi32, #tpu.memory_space<hbm>> -> memref<125x80xi32, #tpu.memory_space<hbm>>
      %dma_start3A_32 = arith.constant 0 : i32
      %dma_start3A_33 = arith.constant 0 : i32
      %dma_start3A_34 = tpu.memref_slice %arg2[%add3A, %dma_start3A_32, %dma_start3A_33] : memref<32x125x80xi32, #tpu.memory_space<hbm>> -> memref<1x125x80xi32, #tpu.memory_space<hbm>>
      %dma_start3A_35 = tpu.memref_squeeze %dma_start3A_34 : memref<1x125x80xi32, #tpu.memory_space<hbm>> -> memref<125x80xi32, #tpu.memory_space<hbm>>
      tpu.enqueue_dma source(%dma_start3A_35 : memref<125x80xi32, #tpu.memory_space<hbm>>) target(%arg4 : memref<125x80xi32, #tpu.memory_space<vmem>>) target_semaphore(%run_scoped3A : memref<!tpu.dma_semaphore, #tpu.memory_space<semaphore_mem>>)
      %dma_wait3A = arith.constant 0 : i32
      %dma_wait3A_36 = arith.constant 0 : i32
      %dma_wait3A_37 = tpu.memref_slice %arg2[%add3A, %dma_wait3A, %dma_wait3A_36] : memref<32x125x80xi32, #tpu.memory_space<hbm>> -> memref<1x125x80xi32, #tpu.memory_space<hbm>>
      %dma_wait3A_38 = tpu.memref_squeeze %dma_wait3A_37 : memref<1x125x80xi32, #tpu.memory_space<hbm>> -> memref<125x80xi32, #tpu.memory_space<hbm>>
      %dma_wait3A_39 = arith.constant 0 : i32
      %dma_wait3A_40 = arith.constant 0 : i32
      %dma_wait3A_41 = tpu.memref_slice %arg2[%add3A, %dma_wait3A_39, %dma_wait3A_40] : memref<32x125x80xi32, #tpu.memory_space<hbm>> -> memref<1x125x80xi32, #tpu.memory_space<hbm>>
      %dma_wait3A_42 = tpu.memref_squeeze %dma_wait3A_41 : memref<1x125x80xi32, #tpu.memory_space<hbm>> -> memref<125x80xi32, #tpu.memory_space<hbm>>
      tpu.wait_dma2 semaphore(%run_scoped3A : memref<!tpu.dma_semaphore, #tpu.memory_space<semaphore_mem>>) src(%dma_wait3A_42 : memref<125x80xi32, #tpu.memory_space<hbm>>) dst(%arg4 : memref<125x80xi32, #tpu.memory_space<vmem>>)
      tpu.yield
    }) : () -> ()
    %scan3A = arith.constant 0 : i32
    %scan3A_1 = arith.constant 0 : i32
    %scan3A_2 = arith.constant 80 : i32
    %scan3A_3 = arith.addi %scan3A_1, %scan3A_2 : i32
    %scan3A_4 = arith.constant 1 : i32
    scf.for %scan3A_29 = %scan3A_1 to %scan3A_3 step %scan3A_4  : i32 {
      %broadcast_in_dim3A = arith.constant 1.000000e+00 : f32
      %broadcast_in_dim3A_30 = vector.broadcast %broadcast_in_dim3A : f32 to vector<16xf32>
      %swap3A = arith.index_cast %scan3A_29 : i32 to index
      %swap3A_31 = arith.constant 0 : index
      %swap3A_32 = tpu.vector_load %arg5[%swap3A, %swap3A_31] {strides = array<i32>} : memref<80x16xf32, #tpu.memory_space<vmem>>, vector<1x16xf32>,
      %swap3A_33 = vector.shape_cast %swap3A_32 : vector<1x16xf32> to vector<16xf32>
      %swap3A_34 = vector.shape_cast %broadcast_in_dim3A_30 : vector<16xf32> to vector<1x16xf32>
      tpu.vector_store %arg5[%swap3A, %swap3A_31], %swap3A_34 {strides = array<i32>} : memref<80x16xf32, #tpu.memory_space<vmem>>, vector<1x16xf32>,
    }
    %scan3A_5 = arith.constant 80 : i32
    %scan3A_6 = arith.constant 0 : i32
    %scan3A_7 = arith.constant 0 : i32
    %scan3A_8 = arith.constant 128 : i32
    %scan3A_9 = arith.addi %scan3A_7, %scan3A_8 : i32
    %scan3A_10 = arith.constant 1 : i32
    scf.for %scan3A_29 = %scan3A_7 to %scan3A_9 step %scan3A_10  : i32 {
      %broadcast_in_dim3A = arith.constant 0.000000e+00 : f32
      %broadcast_in_dim3A_30 = vector.broadcast %broadcast_in_dim3A : f32 to vector<16xf32>
      %swap3A = arith.index_cast %scan3A_29 : i32 to index
      %swap3A_31 = arith.constant 0 : index
      %swap3A_32 = tpu.vector_load %arg6[%swap3A, %swap3A_31] {strides = array<i32>} : memref<128x16xf32, #tpu.memory_space<vmem>>, vector<1x16xf32>,
      %swap3A_33 = vector.shape_cast %swap3A_32 : vector<1x16xf32> to vector<16xf32>
      %swap3A_34 = vector.shape_cast %broadcast_in_dim3A_30 : vector<16xf32> to vector<1x16xf32>
      tpu.vector_store %arg6[%swap3A, %swap3A_31], %swap3A_34 {strides = array<i32>} : memref<128x16xf32, #tpu.memory_space<vmem>>, vector<1x16xf32>,
    }
    %scan3A_11 = arith.constant 128 : i32
    %scan3A_12 = arith.constant 0 : i32
    %scan3A_13 = arith.constant 0 : i32
    %scan3A_14 = arith.constant 5 : i32
    %scan3A_15 = arith.addi %scan3A_13, %scan3A_14 : i32
    %scan3A_16 = arith.constant 1 : i32
    scf.for %scan3A_29 = %scan3A_13 to %scan3A_15 step %scan3A_16  : i32 {
      %mul3A_30 = arith.constant 640 : i32
      %mul3A_31 = arith.muli %arg1, %mul3A_30 : i32
      %mul3A_32 = arith.constant 128 : i32
      %mul3A_33 = arith.muli %scan3A_29, %mul3A_32 : i32
      %add3A_34 = arith.addi %mul3A_31, %mul3A_33 : i32
      "tpu.region"() ({
        %run_scoped3A = tpu.sem_alloc : memref<!tpu.dma_semaphore, #tpu.memory_space<semaphore_mem>>
        %dma_start3A = arith.constant 0 : i32
        %dma_start3A_35 = tpu.memref_slice %arg7[%add3A_34, %dma_start3A] : memref<10240x16xf32, #tpu.memory_space<vmem_shared>> -> memref<128x16xf32, #tpu.memory_space<vmem_shared>>
        %dma_start3A_36 = arith.constant 0 : i32
        %dma_start3A_37 = tpu.memref_slice %arg7[%add3A_34, %dma_start3A_36] : memref<10240x16xf32, #tpu.memory_space<vmem_shared>> -> memref<128x16xf32, #tpu.memory_space<vmem_shared>>
        tpu.enqueue_dma source(%arg6 : memref<128x16xf32, #tpu.memory_space<vmem>>) target(%dma_start3A_37 : memref<128x16xf32, #tpu.memory_space<vmem_shared>>) target_semaphore(%run_scoped3A : memref<!tpu.dma_semaphore, #tpu.memory_space<semaphore_mem>>)
        %dma_wait3A = arith.constant 0 : i32
        %dma_wait3A_38 = tpu.memref_slice %arg7[%add3A_34, %dma_wait3A] : memref<10240x16xf32, #tpu.memory_space<vmem_shared>> -> memref<128x16xf32, #tpu.memory_space<vmem_shared>>
        %dma_wait3A_39 = arith.constant 0 : i32
        %dma_wait3A_40 = tpu.memref_slice %arg7[%add3A_34, %dma_wait3A_39] : memref<10240x16xf32, #tpu.memory_space<vmem_shared>> -> memref<128x16xf32, #tpu.memory_space<vmem_shared>>
        tpu.wait_dma2 semaphore(%run_scoped3A : memref<!tpu.dma_semaphore, #tpu.memory_space<semaphore_mem>>) src(%arg6 : memref<128x16xf32, #tpu.memory_space<vmem>>) dst(%dma_wait3A_40 : memref<128x16xf32, #tpu.memory_space<vmem_shared>>)
        tpu.yield
      }) : () -> ()
    }
    %scan3A_17 = arith.constant 5 : i32
    %barrier3A = arith.constant 0 : index
    tpu.barrier barrier_id(%barrier3A)
    %scan3A_18 = arith.constant 0 : i32
    %scan3A_19 = arith.constant 0 : i32
    %scan3A_20 = arith.constant 125 : i32
    %scan3A_21 = arith.addi %scan3A_19, %scan3A_20 : i32
    %scan3A_22 = arith.constant 1 : i32
    scf.for %scan3A_29 = %scan3A_19 to %scan3A_21 step %scan3A_22  : i32 {
      "tpu.region"() ({
        %run_scoped3A = tpu.sem_alloc : memref<!tpu.dma_semaphore, #tpu.memory_space<semaphore_mem>>
        %dma_start3A = arith.constant 0 : i32
        %dma_start3A_30 = tpu.memref_slice %arg4[%scan3A_29, %dma_start3A] : memref<125x80xi32, #tpu.memory_space<vmem>> -> memref<1x80xi32, #tpu.memory_space<vmem>>
        %dma_start3A_31 = tpu.memref_squeeze %dma_start3A_30 : memref<1x80xi32, #tpu.memory_space<vmem>> -> memref<80xi32, #tpu.memory_space<vmem>>
        %dma_start3A_32 = arith.constant 0 : i32
        %dma_start3A_33 = arith.constant 0 : i32
        %dma_start3A_34 = tpu.memref_slice %arg7[%dma_start3A_32, %dma_start3A_33] : memref<10240x16xf32, #tpu.memory_space<vmem_shared>> -> memref<10240x16xf32, #tpu.memory_space<vmem_shared>>
        tpu.enqueue_indirect_dma source(%arg5 : memref<80x16xf32, #tpu.memory_space<vmem>>) target(%dma_start3A_34 : memref<10240x16xf32, #tpu.memory_space<vmem_shared>>) offsets(%dma_start3A_31 : memref<80xi32, #tpu.memory_space<vmem>>) semaphore(%run_scoped3A : memref<!tpu.dma_semaphore, #tpu.memory_space<semaphore_mem>>) {add = true}
        %dma_wait3A = arith.constant 0 : i32
        %dma_wait3A_35 = tpu.memref_slice %arg4[%scan3A_29, %dma_wait3A] : memref<125x80xi32, #tpu.memory_space<vmem>> -> memref<1x80xi32, #tpu.memory_space<vmem>>
        %dma_wait3A_36 = tpu.memref_squeeze %dma_wait3A_35 : memref<1x80xi32, #tpu.memory_space<vmem>> -> memref<80xi32, #tpu.memory_space<vmem>>
        %dma_wait3A_37 = arith.constant 0 : i32
        %dma_wait3A_38 = arith.constant 0 : i32
        %dma_wait3A_39 = tpu.memref_slice %arg7[%dma_wait3A_37, %dma_wait3A_38] : memref<10240x16xf32, #tpu.memory_space<vmem_shared>> -> memref<10240x16xf32, #tpu.memory_space<vmem_shared>>
        tpu.wait_indirect_dma semaphore(%run_scoped3A : memref<!tpu.dma_semaphore, #tpu.memory_space<semaphore_mem>>) src(%arg5 : memref<80x16xf32, #tpu.memory_space<vmem>>) dst(%dma_wait3A_39 : memref<10240x16xf32, #tpu.memory_space<vmem_shared>>)
        tpu.yield
      }) : () -> ()
    }
    %scan3A_23 = arith.constant 125 : i32
    %barrier3A_24 = arith.constant 0 : index
    tpu.barrier barrier_id(%barrier3A_24)
    %mul3A_25 = arith.constant 640 : i32
    %mul3A_26 = arith.muli %arg1, %mul3A_25 : i32
    %mul3A_27 = arith.constant 640 : i32
    %mul3A_28 = arith.muli %arg1, %mul3A_27 : i32
    "tpu.region"() ({
      %run_scoped3A = tpu.sem_alloc : memref<!tpu.dma_semaphore, #tpu.memory_space<semaphore_mem>>
      %dma_start3A = arith.constant 0 : i32
      %dma_start3A_29 = tpu.memref_slice %arg3[%arg0, %mul3A_28, %dma_start3A] : memref<2x10240x16xf32, #tpu.memory_space<hbm>> -> memref<1x640x16xf32, #tpu.memory_space<hbm>>
      %dma_start3A_30 = tpu.memref_squeeze %dma_start3A_29 : memref<1x640x16xf32, #tpu.memory_space<hbm>> -> memref<640x16xf32, #tpu.memory_space<hbm>>
      %dma_start3A_31 = arith.constant 0 : i32
      %dma_start3A_32 = tpu.memref_slice %arg7[%mul3A_26, %dma_start3A_31] : memref<10240x16xf32, #tpu.memory_space<vmem_shared>> -> memref<640x16xf32, #tpu.memory_space<vmem_shared>>
      tpu.enqueue_dma source(%dma_start3A_32 : memref<640x16xf32, #tpu.memory_space<vmem_shared>>) target(%dma_start3A_30 : memref<640x16xf32, #tpu.memory_space<hbm>>) target_semaphore(%run_scoped3A : memref<!tpu.dma_semaphore, #tpu.memory_space<semaphore_mem>>)
      %dma_wait3A = arith.constant 0 : i32
      %dma_wait3A_33 = tpu.memref_slice %arg3[%arg0, %mul3A_28, %dma_wait3A] : memref<2x10240x16xf32, #tpu.memory_space<hbm>> -> memref<1x640x16xf32, #tpu.memory_space<hbm>>
      %dma_wait3A_34 = tpu.memref_squeeze %dma_wait3A_33 : memref<1x640x16xf32, #tpu.memory_space<hbm>> -> memref<640x16xf32, #tpu.memory_space<hbm>>
      %dma_wait3A_35 = arith.constant 0 : i32
      %dma_wait3A_36 = tpu.memref_slice %arg7[%mul3A_26, %dma_wait3A_35] : memref<10240x16xf32, #tpu.memory_space<vmem_shared>> -> memref<640x16xf32, #tpu.memory_space<vmem_shared>>
      tpu.wait_dma2 semaphore(%run_scoped3A : memref<!tpu.dma_semaphore, #tpu.memory_space<semaphore_mem>>) src(%dma_wait3A_36 : memref<640x16xf32, #tpu.memory_space<vmem_shared>>) dst(%dma_wait3A_34 : memref<640x16xf32, #tpu.memory_space<hbm>>)
      tpu.yield
    }) : () -> ()
    return
  }
}

#map = affine_map<(d0, d1) -> (0, 0)>
#map1 = affine_map<(d0, d1) -> (0)>
#map2 = affine_map<(d0, d1) -> (0, 0, 0)>
module attributes {stable_mosaic.version = 14 : i64} {
  func.func @_sc_agg_body(%arg0: i32, %arg1: i32, %arg2: memref<10000x128xf32, #tpu.memory_space<hbm>>, %arg3: memref<320000xi32, #tpu.memory_space<hbm>>, %arg4: memref<320000xi32, #tpu.memory_space<hbm>>, %arg5: memref<2x10240x128xf32, #tpu.memory_space<hbm>>, %arg6: memref<10000xi32, #tpu.memory_space<vmem>>, %arg7: memref<3x80xi32, #tpu.memory_space<vmem>>, %arg8: memref<3x80x128xf32, #tpu.memory_space<vmem>>, %arg9: memref<10240x128xf32, #tpu.memory_space<vmem_shared>>, %arg10: memref<3x!tpu.dma_semaphore, #tpu.memory_space<semaphore_mem>>, %arg11: memref<3x!tpu.dma_semaphore, #tpu.memory_space<semaphore_mem>>, %arg12: memref<3x!tpu.dma_semaphore, #tpu.memory_space<semaphore_mem>>) attributes {dimension_semantics = [#tpu.dimension_semantics<core_parallel>, #tpu.dimension_semantics<subcore_parallel>], iteration_bounds = array<i64: 2, 16>, scalar_prefetch = 0 : i64, scratch_operands = 7 : i64, tpu.core_type = #tpu.core_type<sc_vector_subcore>, window_params = [{transform_indices = #map}, {transform_indices = #map1}, {transform_indices = #map1}, {transform_indices = #map2}]} {
    %mul3A = arith.constant 16 : i32
    %mul3A_0 = arith.muli %arg0, %mul3A : i32
    %add3A = arith.addi %mul3A_0, %arg1 : i32
    %mul3A_1 = arith.constant 10000 : i32
    %mul3A_2 = arith.muli %add3A, %mul3A_1 : i32
    "tpu.region"() ({
      %run_scoped3A = tpu.sem_alloc : memref<!tpu.dma_semaphore, #tpu.memory_space<semaphore_mem>>
      %dma_start3A_257 = tpu.memref_slice %arg3[%mul3A_2] : memref<320000xi32, #tpu.memory_space<hbm>> -> memref<10000xi32, #tpu.memory_space<hbm>>
      %dma_start3A_258 = tpu.memref_slice %arg3[%mul3A_2] : memref<320000xi32, #tpu.memory_space<hbm>> -> memref<10000xi32, #tpu.memory_space<hbm>>
      tpu.enqueue_dma source(%dma_start3A_258 : memref<10000xi32, #tpu.memory_space<hbm>>) target(%arg6 : memref<10000xi32, #tpu.memory_space<vmem>>) target_semaphore(%run_scoped3A : memref<!tpu.dma_semaphore, #tpu.memory_space<semaphore_mem>>)
      %dma_wait3A_259 = tpu.memref_slice %arg3[%mul3A_2] : memref<320000xi32, #tpu.memory_space<hbm>> -> memref<10000xi32, #tpu.memory_space<hbm>>
      %dma_wait3A_260 = tpu.memref_slice %arg3[%mul3A_2] : memref<320000xi32, #tpu.memory_space<hbm>> -> memref<10000xi32, #tpu.memory_space<hbm>>
      tpu.wait_dma2 semaphore(%run_scoped3A : memref<!tpu.dma_semaphore, #tpu.memory_space<semaphore_mem>>) src(%dma_wait3A_260 : memref<10000xi32, #tpu.memory_space<hbm>>) dst(%arg6 : memref<10000xi32, #tpu.memory_space<vmem>>)
      tpu.yield
    }) : () -> ()
    %scan3A = arith.constant 0 : i32
    %scan3A_3 = arith.constant 0 : i32
    %scan3A_4 = arith.constant 80 : i32
    %scan3A_5 = arith.addi %scan3A_3, %scan3A_4 : i32
    %scan3A_6 = arith.constant 1 : i32
    scf.for %scan3A_257 = %scan3A_3 to %scan3A_5 step %scan3A_6  : i32 {
      %broadcast_in_dim3A = arith.constant 0.000000e+00 : f32
      %broadcast_in_dim3A_258 = vector.broadcast %broadcast_in_dim3A : f32 to vector<16xf32>
      %swap3A = arith.constant 0 : i32
      %swap3A_259 = arith.index_cast %swap3A : i32 to index
      %swap3A_260 = arith.index_cast %scan3A_257 : i32 to index
      %swap3A_261 = arith.constant 0 : index
      %swap3A_262 = tpu.vector_load %arg8[%swap3A_259, %swap3A_260, %swap3A_261] {strides = array<i32>} : memref<3x80x128xf32, #tpu.memory_space<vmem>>, vector<1x1x16xf32>,
      %swap3A_263 = vector.shape_cast %swap3A_262 : vector<1x1x16xf32> to vector<16xf32>
      %swap3A_264 = vector.shape_cast %broadcast_in_dim3A_258 : vector<16xf32> to vector<1x1x16xf32>
      tpu.vector_store %arg8[%swap3A_259, %swap3A_260, %swap3A_261], %swap3A_264 {strides = array<i32>} : memref<3x80x128xf32, #tpu.memory_space<vmem>>, vector<1x1x16xf32>,
      %broadcast_in_dim3A_265 = arith.constant 0.000000e+00 : f32
      %broadcast_in_dim3A_266 = vector.broadcast %broadcast_in_dim3A_265 : f32 to vector<16xf32>
      %swap3A_267 = arith.constant 0 : i32
      %swap3A_268 = arith.index_cast %swap3A_267 : i32 to index
      %swap3A_269 = arith.index_cast %scan3A_257 : i32 to index
      %swap3A_270 = arith.constant 16 : index
      %swap3A_271 = tpu.vector_load %arg8[%swap3A_268, %swap3A_269, %swap3A_270] {strides = array<i32>} : memref<3x80x128xf32, #tpu.memory_space<vmem>>, vector<1x1x16xf32>,
      %swap3A_272 = vector.shape_cast %swap3A_271 : vector<1x1x16xf32> to vector<16xf32>
      %swap3A_273 = vector.shape_cast %broadcast_in_dim3A_266 : vector<16xf32> to vector<1x1x16xf32>
      tpu.vector_store %arg8[%swap3A_268, %swap3A_269, %swap3A_270], %swap3A_273 {strides = array<i32>} : memref<3x80x128xf32, #tpu.memory_space<vmem>>, vector<1x1x16xf32>,
      %broadcast_in_dim3A_274 = arith.constant 0.000000e+00 : f32
      %broadcast_in_dim3A_275 = vector.broadcast %broadcast_in_dim3A_274 : f32 to vector<16xf32>
      %swap3A_276 = arith.constant 0 : i32
      %swap3A_277 = arith.index_cast %swap3A_276 : i32 to index
      %swap3A_278 = arith.index_cast %scan3A_257 : i32 to index
      %swap3A_279 = arith.constant 32 : index
      %swap3A_280 = tpu.vector_load %arg8[%swap3A_277, %swap3A_278, %swap3A_279] {strides = array<i32>} : memref<3x80x128xf32, #tpu.memory_space<vmem>>, vector<1x1x16xf32>,
      %swap3A_281 = vector.shape_cast %swap3A_280 : vector<1x1x16xf32> to vector<16xf32>
      %swap3A_282 = vector.shape_cast %broadcast_in_dim3A_275 : vector<16xf32> to vector<1x1x16xf32>
      tpu.vector_store %arg8[%swap3A_277, %swap3A_278, %swap3A_279], %swap3A_282 {strides = array<i32>} : memref<3x80x128xf32, #tpu.memory_space<vmem>>, vector<1x1x16xf32>,
      %broadcast_in_dim3A_283 = arith.constant 0.000000e+00 : f32
      %broadcast_in_dim3A_284 = vector.broadcast %broadcast_in_dim3A_283 : f32 to vector<16xf32>
      %swap3A_285 = arith.constant 0 : i32
      %swap3A_286 = arith.index_cast %swap3A_285 : i32 to index
      %swap3A_287 = arith.index_cast %scan3A_257 : i32 to index
      %swap3A_288 = arith.constant 48 : index
      %swap3A_289 = tpu.vector_load %arg8[%swap3A_286, %swap3A_287, %swap3A_288] {strides = array<i32>} : memref<3x80x128xf32, #tpu.memory_space<vmem>>, vector<1x1x16xf32>,
      %swap3A_290 = vector.shape_cast %swap3A_289 : vector<1x1x16xf32> to vector<16xf32>
      %swap3A_291 = vector.shape_cast %broadcast_in_dim3A_284 : vector<16xf32> to vector<1x1x16xf32>
      tpu.vector_store %arg8[%swap3A_286, %swap3A_287, %swap3A_288], %swap3A_291 {strides = array<i32>} : memref<3x80x128xf32, #tpu.memory_space<vmem>>, vector<1x1x16xf32>,
      %broadcast_in_dim3A_292 = arith.constant 0.000000e+00 : f32
      %broadcast_in_dim3A_293 = vector.broadcast %broadcast_in_dim3A_292 : f32 to vector<16xf32>
      %swap3A_294 = arith.constant 0 : i32
      %swap3A_295 = arith.index_cast %swap3A_294 : i32 to index
      %swap3A_296 = arith.index_cast %scan3A_257 : i32 to index
      %swap3A_297 = arith.constant 64 : index
      %swap3A_298 = tpu.vector_load %arg8[%swap3A_295, %swap3A_296, %swap3A_297] {strides = array<i32>} : memref<3x80x128xf32, #tpu.memory_space<vmem>>, vector<1x1x16xf32>,
      %swap3A_299 = vector.shape_cast %swap3A_298 : vector<1x1x16xf32> to vector<16xf32>
      %swap3A_300 = vector.shape_cast %broadcast_in_dim3A_293 : vector<16xf32> to vector<1x1x16xf32>
      tpu.vector_store %arg8[%swap3A_295, %swap3A_296, %swap3A_297], %swap3A_300 {strides = array<i32>} : memref<3x80x128xf32, #tpu.memory_space<vmem>>, vector<1x1x16xf32>,
      %broadcast_in_dim3A_301 = arith.constant 0.000000e+00 : f32
      %broadcast_in_dim3A_302 = vector.broadcast %broadcast_in_dim3A_301 : f32 to vector<16xf32>
      %swap3A_303 = arith.constant 0 : i32
      %swap3A_304 = arith.index_cast %swap3A_303 : i32 to index
      %swap3A_305 = arith.index_cast %scan3A_257 : i32 to index
      %swap3A_306 = arith.constant 80 : index
      %swap3A_307 = tpu.vector_load %arg8[%swap3A_304, %swap3A_305, %swap3A_306] {strides = array<i32>} : memref<3x80x128xf32, #tpu.memory_space<vmem>>, vector<1x1x16xf32>,
      %swap3A_308 = vector.shape_cast %swap3A_307 : vector<1x1x16xf32> to vector<16xf32>
      %swap3A_309 = vector.shape_cast %broadcast_in_dim3A_302 : vector<16xf32> to vector<1x1x16xf32>
      tpu.vector_store %arg8[%swap3A_304, %swap3A_305, %swap3A_306], %swap3A_309 {strides = array<i32>} : memref<3x80x128xf32, #tpu.memory_space<vmem>>, vector<1x1x16xf32>,
      %broadcast_in_dim3A_310 = arith.constant 0.000000e+00 : f32
      %broadcast_in_dim3A_311 = vector.broadcast %broadcast_in_dim3A_310 : f32 to vector<16xf32>
      %swap3A_312 = arith.constant 0 : i32
      %swap3A_313 = arith.index_cast %swap3A_312 : i32 to index
      %swap3A_314 = arith.index_cast %scan3A_257 : i32 to index
      %swap3A_315 = arith.constant 96 : index
      %swap3A_316 = tpu.vector_load %arg8[%swap3A_313, %swap3A_314, %swap3A_315] {strides = array<i32>} : memref<3x80x128xf32, #tpu.memory_space<vmem>>, vector<1x1x16xf32>,
      %swap3A_317 = vector.shape_cast %swap3A_316 : vector<1x1x16xf32> to vector<16xf32>
      %swap3A_318 = vector.shape_cast %broadcast_in_dim3A_311 : vector<16xf32> to vector<1x1x16xf32>
      tpu.vector_store %arg8[%swap3A_313, %swap3A_314, %swap3A_315], %swap3A_318 {strides = array<i32>} : memref<3x80x128xf32, #tpu.memory_space<vmem>>, vector<1x1x16xf32>,
      %broadcast_in_dim3A_319 = arith.constant 0.000000e+00 : f32
      %broadcast_in_dim3A_320 = vector.broadcast %broadcast_in_dim3A_319 : f32 to vector<16xf32>
      %swap3A_321 = arith.constant 0 : i32
      %swap3A_322 = arith.index_cast %swap3A_321 : i32 to index
      %swap3A_323 = arith.index_cast %scan3A_257 : i32 to index
      %swap3A_324 = arith.constant 112 : index
      %swap3A_325 = tpu.vector_load %arg8[%swap3A_322, %swap3A_323, %swap3A_324] {strides = array<i32>} : memref<3x80x128xf32, #tpu.memory_space<vmem>>, vector<1x1x16xf32>,
      %swap3A_326 = vector.shape_cast %swap3A_325 : vector<1x1x16xf32> to vector<16xf32>
      %swap3A_327 = vector.shape_cast %broadcast_in_dim3A_320 : vector<16xf32> to vector<1x1x16xf32>
      tpu.vector_store %arg8[%swap3A_322, %swap3A_323, %swap3A_324], %swap3A_327 {strides = array<i32>} : memref<3x80x128xf32, #tpu.memory_space<vmem>>, vector<1x1x16xf32>,
    }
    %scan3A_7 = arith.constant 80 : i32
    %scan3A_8 = arith.constant 0 : i32
    %scan3A_9 = arith.constant 0 : i32
    %scan3A_10 = arith.constant 8 : i32
    %scan3A_11 = arith.addi %scan3A_9, %scan3A_10 : i32
    %scan3A_12 = arith.constant 1 : i32
    scf.for %scan3A_257 = %scan3A_9 to %scan3A_11 step %scan3A_12  : i32 {
      %mul3A_258 = arith.constant 640 : i32
      %mul3A_259 = arith.muli %arg1, %mul3A_258 : i32
      %mul3A_260 = arith.constant 80 : i32
      %mul3A_261 = arith.muli %scan3A_257, %mul3A_260 : i32
      %add3A_262 = arith.addi %mul3A_259, %mul3A_261 : i32
      %run_scoped3A = arith.constant 0 : i32
      "tpu.region"() ({
        %run_scoped3A_263 = tpu.sem_alloc : memref<!tpu.dma_semaphore, #tpu.memory_space<semaphore_mem>>
        %dma_start3A_264 = arith.constant 0 : i32
        %dma_start3A_265 = arith.constant 0 : i32
        %dma_start3A_266 = tpu.memref_slice %arg8[%run_scoped3A, %dma_start3A_264, %dma_start3A_265] : memref<3x80x128xf32, #tpu.memory_space<vmem>> -> memref<1x80x128xf32, #tpu.memory_space<vmem>>
        %dma_start3A_267 = tpu.memref_squeeze %dma_start3A_266 : memref<1x80x128xf32, #tpu.memory_space<vmem>> -> memref<80x128xf32, #tpu.memory_space<vmem>>
        %dma_start3A_268 = arith.constant 0 : i32
        %dma_start3A_269 = tpu.memref_slice %arg9[%add3A_262, %dma_start3A_268] : memref<10240x128xf32, #tpu.memory_space<vmem_shared>> -> memref<80x128xf32, #tpu.memory_space<vmem_shared>>
        %dma_start3A_270 = arith.constant 0 : i32
        %dma_start3A_271 = tpu.memref_slice %arg9[%add3A_262, %dma_start3A_270] : memref<10240x128xf32, #tpu.memory_space<vmem_shared>> -> memref<80x128xf32, #tpu.memory_space<vmem_shared>>
        %dma_start3A_272 = arith.constant 0 : i32
        %dma_start3A_273 = arith.constant 0 : i32
        %dma_start3A_274 = tpu.memref_slice %arg8[%run_scoped3A, %dma_start3A_272, %dma_start3A_273] : memref<3x80x128xf32, #tpu.memory_space<vmem>> -> memref<1x80x128xf32, #tpu.memory_space<vmem>>
        %dma_start3A_275 = tpu.memref_squeeze %dma_start3A_274 : memref<1x80x128xf32, #tpu.memory_space<vmem>> -> memref<80x128xf32, #tpu.memory_space<vmem>>
        tpu.enqueue_dma source(%dma_start3A_275 : memref<80x128xf32, #tpu.memory_space<vmem>>) target(%dma_start3A_271 : memref<80x128xf32, #tpu.memory_space<vmem_shared>>) target_semaphore(%run_scoped3A_263 : memref<!tpu.dma_semaphore, #tpu.memory_space<semaphore_mem>>)
        %dma_wait3A_276 = arith.constant 0 : i32
        %dma_wait3A_277 = arith.constant 0 : i32
        %dma_wait3A_278 = tpu.memref_slice %arg8[%run_scoped3A, %dma_wait3A_276, %dma_wait3A_277] : memref<3x80x128xf32, #tpu.memory_space<vmem>> -> memref<1x80x128xf32, #tpu.memory_space<vmem>>
        %dma_wait3A_279 = tpu.memref_squeeze %dma_wait3A_278 : memref<1x80x128xf32, #tpu.memory_space<vmem>> -> memref<80x128xf32, #tpu.memory_space<vmem>>
        %dma_wait3A_280 = arith.constant 0 : i32
        %dma_wait3A_281 = tpu.memref_slice %arg9[%add3A_262, %dma_wait3A_280] : memref<10240x128xf32, #tpu.memory_space<vmem_shared>> -> memref<80x128xf32, #tpu.memory_space<vmem_shared>>
        %dma_wait3A_282 = arith.constant 0 : i32
        %dma_wait3A_283 = tpu.memref_slice %arg9[%add3A_262, %dma_wait3A_282] : memref<10240x128xf32, #tpu.memory_space<vmem_shared>> -> memref<80x128xf32, #tpu.memory_space<vmem_shared>>
        %dma_wait3A_284 = arith.constant 0 : i32
        %dma_wait3A_285 = arith.constant 0 : i32
        %dma_wait3A_286 = tpu.memref_slice %arg8[%run_scoped3A, %dma_wait3A_284, %dma_wait3A_285] : memref<3x80x128xf32, #tpu.memory_space<vmem>> -> memref<1x80x128xf32, #tpu.memory_space<vmem>>
        %dma_wait3A_287 = tpu.memref_squeeze %dma_wait3A_286 : memref<1x80x128xf32, #tpu.memory_space<vmem>> -> memref<80x128xf32, #tpu.memory_space<vmem>>
        tpu.wait_dma2 semaphore(%run_scoped3A_263 : memref<!tpu.dma_semaphore, #tpu.memory_space<semaphore_mem>>) src(%dma_wait3A_287 : memref<80x128xf32, #tpu.memory_space<vmem>>) dst(%dma_wait3A_283 : memref<80x128xf32, #tpu.memory_space<vmem_shared>>)
        tpu.yield
      }) : () -> ()
    }
    %scan3A_13 = arith.constant 8 : i32
    %barrier3A = arith.constant 0 : index
    tpu.barrier barrier_id(%barrier3A)
    %mul3A_14 = arith.constant 10000 : i32
    %mul3A_15 = arith.muli %add3A, %mul3A_14 : i32
    %add3A_16 = arith.constant 0 : i32
    %add3A_17 = arith.addi %mul3A_15, %add3A_16 : i32
    %dma_start3A = arith.constant 0 : i32
    %dma_start3A_18 = arith.constant 0 : i32
    %dma_start3A_19 = arith.constant 0 : i32
    %dma_start3A_20 = tpu.memref_slice %arg7[%dma_start3A, %dma_start3A_19] : memref<3x80xi32, #tpu.memory_space<vmem>> -> memref<1x80xi32, #tpu.memory_space<vmem>>
    %dma_start3A_21 = tpu.memref_squeeze %dma_start3A_20 : memref<1x80xi32, #tpu.memory_space<vmem>> -> memref<80xi32, #tpu.memory_space<vmem>>
    %dma_start3A_22 = tpu.memref_slice %arg4[%add3A_17] : memref<320000xi32, #tpu.memory_space<hbm>> -> memref<80xi32, #tpu.memory_space<hbm>>
    %dma_start3A_23 = tpu.memref_slice %arg11[%dma_start3A_18] : memref<3x!tpu.dma_semaphore, #tpu.memory_space<semaphore_mem>> -> memref<1x!tpu.dma_semaphore, #tpu.memory_space<semaphore_mem>>
    %dma_start3A_24 = tpu.memref_squeeze %dma_start3A_23 : memref<1x!tpu.dma_semaphore, #tpu.memory_space<semaphore_mem>> -> memref<!tpu.dma_semaphore, #tpu.memory_space<semaphore_mem>>
    %dma_start3A_25 = arith.constant 0 : i32
    %dma_start3A_26 = tpu.memref_slice %arg7[%dma_start3A, %dma_start3A_25] : memref<3x80xi32, #tpu.memory_space<vmem>> -> memref<1x80xi32, #tpu.memory_space<vmem>>
    %dma_start3A_27 = tpu.memref_squeeze %dma_start3A_26 : memref<1x80xi32, #tpu.memory_space<vmem>> -> memref<80xi32, #tpu.memory_space<vmem>>
    %dma_start3A_28 = tpu.memref_slice %arg4[%add3A_17] : memref<320000xi32, #tpu.memory_space<hbm>> -> memref<80xi32, #tpu.memory_space<hbm>>
    tpu.enqueue_dma source(%dma_start3A_28 : memref<80xi32, #tpu.memory_space<hbm>>) target(%dma_start3A_27 : memref<80xi32, #tpu.memory_space<vmem>>) target_semaphore(%dma_start3A_24 : memref<!tpu.dma_semaphore, #tpu.memory_space<semaphore_mem>>)
    %mul3A_29 = arith.constant 10000 : i32
    %mul3A_30 = arith.muli %add3A, %mul3A_29 : i32
    %add3A_31 = arith.constant 80 : i32
    %add3A_32 = arith.addi %mul3A_30, %add3A_31 : i32
    %dma_start3A_33 = arith.constant 1 : i32
    %dma_start3A_34 = arith.constant 1 : i32
    %dma_start3A_35 = arith.constant 0 : i32
    %dma_start3A_36 = tpu.memref_slice %arg7[%dma_start3A_33, %dma_start3A_35] : memref<3x80xi32, #tpu.memory_space<vmem>> -> memref<1x80xi32, #tpu.memory_space<vmem>>
    %dma_start3A_37 = tpu.memref_squeeze %dma_start3A_36 : memref<1x80xi32, #tpu.memory_space<vmem>> -> memref<80xi32, #tpu.memory_space<vmem>>
    %dma_start3A_38 = tpu.memref_slice %arg4[%add3A_32] : memref<320000xi32, #tpu.memory_space<hbm>> -> memref<80xi32, #tpu.memory_space<hbm>>
    %dma_start3A_39 = tpu.memref_slice %arg11[%dma_start3A_34] : memref<3x!tpu.dma_semaphore, #tpu.memory_space<semaphore_mem>> -> memref<1x!tpu.dma_semaphore, #tpu.memory_space<semaphore_mem>>
    %dma_start3A_40 = tpu.memref_squeeze %dma_start3A_39 : memref<1x!tpu.dma_semaphore, #tpu.memory_space<semaphore_mem>> -> memref<!tpu.dma_semaphore, #tpu.memory_space<semaphore_mem>>
    %dma_start3A_41 = arith.constant 0 : i32
    %dma_start3A_42 = tpu.memref_slice %arg7[%dma_start3A_33, %dma_start3A_41] : memref<3x80xi32, #tpu.memory_space<vmem>> -> memref<1x80xi32, #tpu.memory_space<vmem>>
    %dma_start3A_43 = tpu.memref_squeeze %dma_start3A_42 : memref<1x80xi32, #tpu.memory_space<vmem>> -> memref<80xi32, #tpu.memory_space<vmem>>
    %dma_start3A_44 = tpu.memref_slice %arg4[%add3A_32] : memref<320000xi32, #tpu.memory_space<hbm>> -> memref<80xi32, #tpu.memory_space<hbm>>
    tpu.enqueue_dma source(%dma_start3A_44 : memref<80xi32, #tpu.memory_space<hbm>>) target(%dma_start3A_43 : memref<80xi32, #tpu.memory_space<vmem>>) target_semaphore(%dma_start3A_40 : memref<!tpu.dma_semaphore, #tpu.memory_space<semaphore_mem>>)
    %dma_start3A_45 = arith.constant 0 : i32
    %dma_start3A_46 = arith.constant 0 : i32
    %dma_start3A_47 = arith.constant 0 : i32
    %dma_start3A_48 = arith.constant 0 : i32
    %dma_start3A_49 = tpu.memref_slice %arg8[%dma_start3A_45, %dma_start3A_47, %dma_start3A_48] : memref<3x80x128xf32, #tpu.memory_space<vmem>> -> memref<1x80x128xf32, #tpu.memory_space<vmem>>
    %dma_start3A_50 = tpu.memref_squeeze %dma_start3A_49 : memref<1x80x128xf32, #tpu.memory_space<vmem>> -> memref<80x128xf32, #tpu.memory_space<vmem>>
    %dma_start3A_51 = arith.constant 0 : i32
    %dma_start3A_52 = tpu.memref_slice %arg6[%dma_start3A_51] : memref<10000xi32, #tpu.memory_space<vmem>> -> memref<80xi32, #tpu.memory_space<vmem>>
    %dma_start3A_53 = arith.constant 0 : i32
    %dma_start3A_54 = arith.constant 0 : i32
    %dma_start3A_55 = tpu.memref_slice %arg2[%dma_start3A_53, %dma_start3A_54] : memref<10000x128xf32, #tpu.memory_space<hbm>> -> memref<10000x128xf32, #tpu.memory_space<hbm>>
    %dma_start3A_56 = tpu.memref_slice %arg10[%dma_start3A_46] : memref<3x!tpu.dma_semaphore, #tpu.memory_space<semaphore_mem>> -> memref<1x!tpu.dma_semaphore, #tpu.memory_space<semaphore_mem>>
    %dma_start3A_57 = tpu.memref_squeeze %dma_start3A_56 : memref<1x!tpu.dma_semaphore, #tpu.memory_space<semaphore_mem>> -> memref<!tpu.dma_semaphore, #tpu.memory_space<semaphore_mem>>
    tpu.enqueue_indirect_dma source(%dma_start3A_55 : memref<10000x128xf32, #tpu.memory_space<hbm>>) target(%dma_start3A_50 : memref<80x128xf32, #tpu.memory_space<vmem>>) offsets(%dma_start3A_52 : memref<80xi32, #tpu.memory_space<vmem>>) semaphore(%dma_start3A_57 : memref<!tpu.dma_semaphore, #tpu.memory_space<semaphore_mem>>)
    %dma_start3A_58 = arith.constant 1 : i32
    %dma_start3A_59 = arith.constant 1 : i32
    %dma_start3A_60 = arith.constant 0 : i32
    %dma_start3A_61 = arith.constant 0 : i32
    %dma_start3A_62 = tpu.memref_slice %arg8[%dma_start3A_58, %dma_start3A_60, %dma_start3A_61] : memref<3x80x128xf32, #tpu.memory_space<vmem>> -> memref<1x80x128xf32, #tpu.memory_space<vmem>>
    %dma_start3A_63 = tpu.memref_squeeze %dma_start3A_62 : memref<1x80x128xf32, #tpu.memory_space<vmem>> -> memref<80x128xf32, #tpu.memory_space<vmem>>
    %dma_start3A_64 = arith.constant 80 : i32
    %dma_start3A_65 = tpu.memref_slice %arg6[%dma_start3A_64] : memref<10000xi32, #tpu.memory_space<vmem>> -> memref<80xi32, #tpu.memory_space<vmem>>
    %dma_start3A_66 = arith.constant 0 : i32
    %dma_start3A_67 = arith.constant 0 : i32
    %dma_start3A_68 = tpu.memref_slice %arg2[%dma_start3A_66, %dma_start3A_67] : memref<10000x128xf32, #tpu.memory_space<hbm>> -> memref<10000x128xf32, #tpu.memory_space<hbm>>
    %dma_start3A_69 = tpu.memref_slice %arg10[%dma_start3A_59] : memref<3x!tpu.dma_semaphore, #tpu.memory_space<semaphore_mem>> -> memref<1x!tpu.dma_semaphore, #tpu.memory_space<semaphore_mem>>
    %dma_start3A_70 = tpu.memref_squeeze %dma_start3A_69 : memref<1x!tpu.dma_semaphore, #tpu.memory_space<semaphore_mem>> -> memref<!tpu.dma_semaphore, #tpu.memory_space<semaphore_mem>>
    tpu.enqueue_indirect_dma source(%dma_start3A_68 : memref<10000x128xf32, #tpu.memory_space<hbm>>) target(%dma_start3A_63 : memref<80x128xf32, #tpu.memory_space<vmem>>) offsets(%dma_start3A_65 : memref<80xi32, #tpu.memory_space<vmem>>) semaphore(%dma_start3A_70 : memref<!tpu.dma_semaphore, #tpu.memory_space<semaphore_mem>>)
    %dma_wait3A = arith.constant 0 : i32
    %dma_wait3A_71 = arith.constant 0 : i32
    %dma_wait3A_72 = arith.constant 0 : i32
    %dma_wait3A_73 = arith.constant 0 : i32
    %dma_wait3A_74 = tpu.memref_slice %arg8[%dma_wait3A, %dma_wait3A_72, %dma_wait3A_73] : memref<3x80x128xf32, #tpu.memory_space<vmem>> -> memref<1x80x128xf32, #tpu.memory_space<vmem>>
    %dma_wait3A_75 = tpu.memref_squeeze %dma_wait3A_74 : memref<1x80x128xf32, #tpu.memory_space<vmem>> -> memref<80x128xf32, #tpu.memory_space<vmem>>
    %dma_wait3A_76 = arith.constant 0 : i32
    %dma_wait3A_77 = tpu.memref_slice %arg6[%dma_wait3A_76] : memref<10000xi32, #tpu.memory_space<vmem>> -> memref<80xi32, #tpu.memory_space<vmem>>
    %dma_wait3A_78 = arith.constant 0 : i32
    %dma_wait3A_79 = arith.constant 0 : i32
    %dma_wait3A_80 = tpu.memref_slice %arg2[%dma_wait3A_78, %dma_wait3A_79] : memref<10000x128xf32, #tpu.memory_space<hbm>> -> memref<10000x128xf32, #tpu.memory_space<hbm>>
    %dma_wait3A_81 = tpu.memref_slice %arg10[%dma_wait3A_71] : memref<3x!tpu.dma_semaphore, #tpu.memory_space<semaphore_mem>> -> memref<1x!tpu.dma_semaphore, #tpu.memory_space<semaphore_mem>>
    %dma_wait3A_82 = tpu.memref_squeeze %dma_wait3A_81 : memref<1x!tpu.dma_semaphore, #tpu.memory_space<semaphore_mem>> -> memref<!tpu.dma_semaphore, #tpu.memory_space<semaphore_mem>>
    tpu.wait_indirect_dma semaphore(%dma_wait3A_82 : memref<!tpu.dma_semaphore, #tpu.memory_space<semaphore_mem>>) src(%dma_wait3A_80 : memref<10000x128xf32, #tpu.memory_space<hbm>>) dst(%dma_wait3A_75 : memref<80x128xf32, #tpu.memory_space<vmem>>)
    %mul3A_83 = arith.constant 10000 : i32
    %mul3A_84 = arith.muli %add3A, %mul3A_83 : i32
    %add3A_85 = arith.constant 0 : i32
    %add3A_86 = arith.addi %mul3A_84, %add3A_85 : i32
    %dma_wait3A_87 = arith.constant 0 : i32
    %dma_wait3A_88 = arith.constant 0 : i32
    %dma_wait3A_89 = arith.constant 0 : i32
    %dma_wait3A_90 = tpu.memref_slice %arg7[%dma_wait3A_87, %dma_wait3A_89] : memref<3x80xi32, #tpu.memory_space<vmem>> -> memref<1x80xi32, #tpu.memory_space<vmem>>
    %dma_wait3A_91 = tpu.memref_squeeze %dma_wait3A_90 : memref<1x80xi32, #tpu.memory_space<vmem>> -> memref<80xi32, #tpu.memory_space<vmem>>
    %dma_wait3A_92 = tpu.memref_slice %arg4[%add3A_86] : memref<320000xi32, #tpu.memory_space<hbm>> -> memref<80xi32, #tpu.memory_space<hbm>>
    %dma_wait3A_93 = tpu.memref_slice %arg11[%dma_wait3A_88] : memref<3x!tpu.dma_semaphore, #tpu.memory_space<semaphore_mem>> -> memref<1x!tpu.dma_semaphore, #tpu.memory_space<semaphore_mem>>
    %dma_wait3A_94 = tpu.memref_squeeze %dma_wait3A_93 : memref<1x!tpu.dma_semaphore, #tpu.memory_space<semaphore_mem>> -> memref<!tpu.dma_semaphore, #tpu.memory_space<semaphore_mem>>
    %dma_wait3A_95 = arith.constant 0 : i32
    %dma_wait3A_96 = tpu.memref_slice %arg7[%dma_wait3A_87, %dma_wait3A_95] : memref<3x80xi32, #tpu.memory_space<vmem>> -> memref<1x80xi32, #tpu.memory_space<vmem>>
    %dma_wait3A_97 = tpu.memref_squeeze %dma_wait3A_96 : memref<1x80xi32, #tpu.memory_space<vmem>> -> memref<80xi32, #tpu.memory_space<vmem>>
    %dma_wait3A_98 = tpu.memref_slice %arg4[%add3A_86] : memref<320000xi32, #tpu.memory_space<hbm>> -> memref<80xi32, #tpu.memory_space<hbm>>
    tpu.wait_dma2 semaphore(%dma_wait3A_94 : memref<!tpu.dma_semaphore, #tpu.memory_space<semaphore_mem>>) src(%dma_wait3A_98 : memref<80xi32, #tpu.memory_space<hbm>>) dst(%dma_wait3A_97 : memref<80xi32, #tpu.memory_space<vmem>>)
    %dma_start3A_99 = arith.constant 0 : i32
    %dma_start3A_100 = arith.constant 0 : i32
    %dma_start3A_101 = arith.constant 0 : i32
    %dma_start3A_102 = arith.constant 0 : i32
    %dma_start3A_103 = arith.constant 0 : i32
    %dma_start3A_104 = tpu.memref_slice %arg8[%dma_start3A_99, %dma_start3A_102, %dma_start3A_103] : memref<3x80x128xf32, #tpu.memory_space<vmem>> -> memref<1x80x128xf32, #tpu.memory_space<vmem>>
    %dma_start3A_105 = tpu.memref_squeeze %dma_start3A_104 : memref<1x80x128xf32, #tpu.memory_space<vmem>> -> memref<80x128xf32, #tpu.memory_space<vmem>>
    %dma_start3A_106 = arith.constant 0 : i32
    %dma_start3A_107 = tpu.memref_slice %arg7[%dma_start3A_100, %dma_start3A_106] : memref<3x80xi32, #tpu.memory_space<vmem>> -> memref<1x80xi32, #tpu.memory_space<vmem>>
    %dma_start3A_108 = tpu.memref_squeeze %dma_start3A_107 : memref<1x80xi32, #tpu.memory_space<vmem>> -> memref<80xi32, #tpu.memory_space<vmem>>
    %dma_start3A_109 = arith.constant 0 : i32
    %dma_start3A_110 = arith.constant 0 : i32
    %dma_start3A_111 = tpu.memref_slice %arg9[%dma_start3A_109, %dma_start3A_110] : memref<10240x128xf32, #tpu.memory_space<vmem_shared>> -> memref<10240x128xf32, #tpu.memory_space<vmem_shared>>
    %dma_start3A_112 = tpu.memref_slice %arg12[%dma_start3A_101] : memref<3x!tpu.dma_semaphore, #tpu.memory_space<semaphore_mem>> -> memref<1x!tpu.dma_semaphore, #tpu.memory_space<semaphore_mem>>
    %dma_start3A_113 = tpu.memref_squeeze %dma_start3A_112 : memref<1x!tpu.dma_semaphore, #tpu.memory_space<semaphore_mem>> -> memref<!tpu.dma_semaphore, #tpu.memory_space<semaphore_mem>>
    tpu.enqueue_indirect_dma source(%dma_start3A_105 : memref<80x128xf32, #tpu.memory_space<vmem>>) target(%dma_start3A_111 : memref<10240x128xf32, #tpu.memory_space<vmem_shared>>) offsets(%dma_start3A_108 : memref<80xi32, #tpu.memory_space<vmem>>) semaphore(%dma_start3A_113 : memref<!tpu.dma_semaphore, #tpu.memory_space<semaphore_mem>>) {add = true}
    %mul3A_114 = arith.constant 10000 : i32
    %mul3A_115 = arith.muli %add3A, %mul3A_114 : i32
    %add3A_116 = arith.constant 160 : i32
    %add3A_117 = arith.addi %mul3A_115, %add3A_116 : i32
    %dma_start3A_118 = arith.constant 2 : i32
    %dma_start3A_119 = arith.constant 2 : i32
    %dma_start3A_120 = arith.constant 0 : i32
    %dma_start3A_121 = tpu.memref_slice %arg7[%dma_start3A_118, %dma_start3A_120] : memref<3x80xi32, #tpu.memory_space<vmem>> -> memref<1x80xi32, #tpu.memory_space<vmem>>
    %dma_start3A_122 = tpu.memref_squeeze %dma_start3A_121 : memref<1x80xi32, #tpu.memory_space<vmem>> -> memref<80xi32, #tpu.memory_space<vmem>>
    %dma_start3A_123 = tpu.memref_slice %arg4[%add3A_117] : memref<320000xi32, #tpu.memory_space<hbm>> -> memref<80xi32, #tpu.memory_space<hbm>>
    %dma_start3A_124 = tpu.memref_slice %arg11[%dma_start3A_119] : memref<3x!tpu.dma_semaphore, #tpu.memory_space<semaphore_mem>> -> memref<1x!tpu.dma_semaphore, #tpu.memory_space<semaphore_mem>>
    %dma_start3A_125 = tpu.memref_squeeze %dma_start3A_124 : memref<1x!tpu.dma_semaphore, #tpu.memory_space<semaphore_mem>> -> memref<!tpu.dma_semaphore, #tpu.memory_space<semaphore_mem>>
    %dma_start3A_126 = arith.constant 0 : i32
    %dma_start3A_127 = tpu.memref_slice %arg7[%dma_start3A_118, %dma_start3A_126] : memref<3x80xi32, #tpu.memory_space<vmem>> -> memref<1x80xi32, #tpu.memory_space<vmem>>
    %dma_start3A_128 = tpu.memref_squeeze %dma_start3A_127 : memref<1x80xi32, #tpu.memory_space<vmem>> -> memref<80xi32, #tpu.memory_space<vmem>>
    %dma_start3A_129 = tpu.memref_slice %arg4[%add3A_117] : memref<320000xi32, #tpu.memory_space<hbm>> -> memref<80xi32, #tpu.memory_space<hbm>>
    tpu.enqueue_dma source(%dma_start3A_129 : memref<80xi32, #tpu.memory_space<hbm>>) target(%dma_start3A_128 : memref<80xi32, #tpu.memory_space<vmem>>) target_semaphore(%dma_start3A_125 : memref<!tpu.dma_semaphore, #tpu.memory_space<semaphore_mem>>)
    %dma_start3A_130 = arith.constant 2 : i32
    %dma_start3A_131 = arith.constant 2 : i32
    %dma_start3A_132 = arith.constant 0 : i32
    %dma_start3A_133 = arith.constant 0 : i32
    %dma_start3A_134 = tpu.memref_slice %arg8[%dma_start3A_130, %dma_start3A_132, %dma_start3A_133] : memref<3x80x128xf32, #tpu.memory_space<vmem>> -> memref<1x80x128xf32, #tpu.memory_space<vmem>>
    %dma_start3A_135 = tpu.memref_squeeze %dma_start3A_134 : memref<1x80x128xf32, #tpu.memory_space<vmem>> -> memref<80x128xf32, #tpu.memory_space<vmem>>
    %dma_start3A_136 = arith.constant 160 : i32
    %dma_start3A_137 = tpu.memref_slice %arg6[%dma_start3A_136] : memref<10000xi32, #tpu.memory_space<vmem>> -> memref<80xi32, #tpu.memory_space<vmem>>
    %dma_start3A_138 = arith.constant 0 : i32
    %dma_start3A_139 = arith.constant 0 : i32
    %dma_start3A_140 = tpu.memref_slice %arg2[%dma_start3A_138, %dma_start3A_139] : memref<10000x128xf32, #tpu.memory_space<hbm>> -> memref<10000x128xf32, #tpu.memory_space<hbm>>
    %dma_start3A_141 = tpu.memref_slice %arg10[%dma_start3A_131] : memref<3x!tpu.dma_semaphore, #tpu.memory_space<semaphore_mem>> -> memref<1x!tpu.dma_semaphore, #tpu.memory_space<semaphore_mem>>
    %dma_start3A_142 = tpu.memref_squeeze %dma_start3A_141 : memref<1x!tpu.dma_semaphore, #tpu.memory_space<semaphore_mem>> -> memref<!tpu.dma_semaphore, #tpu.memory_space<semaphore_mem>>
    tpu.enqueue_indirect_dma source(%dma_start3A_140 : memref<10000x128xf32, #tpu.memory_space<hbm>>) target(%dma_start3A_135 : memref<80x128xf32, #tpu.memory_space<vmem>>) offsets(%dma_start3A_137 : memref<80xi32, #tpu.memory_space<vmem>>) semaphore(%dma_start3A_142 : memref<!tpu.dma_semaphore, #tpu.memory_space<semaphore_mem>>)
    %scan3A_143 = arith.constant 0 : i32
    %scan3A_144 = arith.constant 0 : i32
    %scan3A_145 = arith.constant 41 : i32
    %scan3A_146 = arith.addi %scan3A_144, %scan3A_145 : i32
    %scan3A_147 = arith.constant 1 : i32
    scf.for %scan3A_257 = %scan3A_144 to %scan3A_146 step %scan3A_147  : i32 {
      %mul3A_258 = arith.constant 3 : i32
      %mul3A_259 = arith.muli %mul3A_258, %scan3A_257 : i32
      %add3A_260 = arith.constant 1 : i32
      %add3A_261 = arith.addi %mul3A_259, %add3A_260 : i32
      %add3A_262 = arith.constant 2 : i32
      %add3A_263 = arith.addi %add3A_261, %add3A_262 : i32
      %min3A = arith.constant 124 : i32
      %min3A_264 = arith.minsi %add3A_263, %min3A : i32
      %mul3A_265 = arith.constant 80 : i32
      %mul3A_266 = arith.muli %add3A_261, %mul3A_265 : i32
      %dma_wait3A_267 = arith.constant 1 : i32
      %dma_wait3A_268 = arith.constant 1 : i32
      %dma_wait3A_269 = arith.constant 0 : i32
      %dma_wait3A_270 = arith.constant 0 : i32
      %dma_wait3A_271 = tpu.memref_slice %arg8[%dma_wait3A_267, %dma_wait3A_269, %dma_wait3A_270] : memref<3x80x128xf32, #tpu.memory_space<vmem>> -> memref<1x80x128xf32, #tpu.memory_space<vmem>>
      %dma_wait3A_272 = tpu.memref_squeeze %dma_wait3A_271 : memref<1x80x128xf32, #tpu.memory_space<vmem>> -> memref<80x128xf32, #tpu.memory_space<vmem>>
      %dma_wait3A_273 = tpu.memref_slice %arg6[%mul3A_266] : memref<10000xi32, #tpu.memory_space<vmem>> -> memref<80xi32, #tpu.memory_space<vmem>>
      %dma_wait3A_274 = arith.constant 0 : i32
      %dma_wait3A_275 = arith.constant 0 : i32
      %dma_wait3A_276 = tpu.memref_slice %arg2[%dma_wait3A_274, %dma_wait3A_275] : memref<10000x128xf32, #tpu.memory_space<hbm>> -> memref<10000x128xf32, #tpu.memory_space<hbm>>
      %dma_wait3A_277 = tpu.memref_slice %arg10[%dma_wait3A_268] : memref<3x!tpu.dma_semaphore, #tpu.memory_space<semaphore_mem>> -> memref<1x!tpu.dma_semaphore, #tpu.memory_space<semaphore_mem>>
      %dma_wait3A_278 = tpu.memref_squeeze %dma_wait3A_277 : memref<1x!tpu.dma_semaphore, #tpu.memory_space<semaphore_mem>> -> memref<!tpu.dma_semaphore, #tpu.memory_space<semaphore_mem>>
      tpu.wait_indirect_dma semaphore(%dma_wait3A_278 : memref<!tpu.dma_semaphore, #tpu.memory_space<semaphore_mem>>) src(%dma_wait3A_276 : memref<10000x128xf32, #tpu.memory_space<hbm>>) dst(%dma_wait3A_272 : memref<80x128xf32, #tpu.memory_space<vmem>>)
      %mul3A_279 = arith.constant 10000 : i32
      %mul3A_280 = arith.muli %add3A, %mul3A_279 : i32
      %mul3A_281 = arith.constant 80 : i32
      %mul3A_282 = arith.muli %add3A_261, %mul3A_281 : i32
      %add3A_283 = arith.addi %mul3A_280, %mul3A_282 : i32
      %dma_wait3A_284 = arith.constant 1 : i32
      %dma_wait3A_285 = arith.constant 1 : i32
      %dma_wait3A_286 = arith.constant 0 : i32
      %dma_wait3A_287 = tpu.memref_slice %arg7[%dma_wait3A_284, %dma_wait3A_286] : memref<3x80xi32, #tpu.memory_space<vmem>> -> memref<1x80xi32, #tpu.memory_space<vmem>>
      %dma_wait3A_288 = tpu.memref_squeeze %dma_wait3A_287 : memref<1x80xi32, #tpu.memory_space<vmem>> -> memref<80xi32, #tpu.memory_space<vmem>>
      %dma_wait3A_289 = tpu.memref_slice %arg4[%add3A_283] : memref<320000xi32, #tpu.memory_space<hbm>> -> memref<80xi32, #tpu.memory_space<hbm>>
      %dma_wait3A_290 = tpu.memref_slice %arg11[%dma_wait3A_285] : memref<3x!tpu.dma_semaphore, #tpu.memory_space<semaphore_mem>> -> memref<1x!tpu.dma_semaphore, #tpu.memory_space<semaphore_mem>>
      %dma_wait3A_291 = tpu.memref_squeeze %dma_wait3A_290 : memref<1x!tpu.dma_semaphore, #tpu.memory_space<semaphore_mem>> -> memref<!tpu.dma_semaphore, #tpu.memory_space<semaphore_mem>>
      %dma_wait3A_292 = arith.constant 0 : i32
      %dma_wait3A_293 = tpu.memref_slice %arg7[%dma_wait3A_284, %dma_wait3A_292] : memref<3x80xi32, #tpu.memory_space<vmem>> -> memref<1x80xi32, #tpu.memory_space<vmem>>
      %dma_wait3A_294 = tpu.memref_squeeze %dma_wait3A_293 : memref<1x80xi32, #tpu.memory_space<vmem>> -> memref<80xi32, #tpu.memory_space<vmem>>
      %dma_wait3A_295 = tpu.memref_slice %arg4[%add3A_283] : memref<320000xi32, #tpu.memory_space<hbm>> -> memref<80xi32, #tpu.memory_space<hbm>>
      tpu.wait_dma2 semaphore(%dma_wait3A_291 : memref<!tpu.dma_semaphore, #tpu.memory_space<semaphore_mem>>) src(%dma_wait3A_295 : memref<80xi32, #tpu.memory_space<hbm>>) dst(%dma_wait3A_294 : memref<80xi32, #tpu.memory_space<vmem>>)
      %dma_wait3A_296 = arith.constant 0 : i32
      %dma_wait3A_297 = arith.constant 0 : i32
      %dma_wait3A_298 = arith.constant 0 : i32
      %dma_wait3A_299 = arith.constant 0 : i32
      %dma_wait3A_300 = arith.constant 0 : i32
      %dma_wait3A_301 = tpu.memref_slice %arg8[%dma_wait3A_296, %dma_wait3A_299, %dma_wait3A_300] : memref<3x80x128xf32, #tpu.memory_space<vmem>> -> memref<1x80x128xf32, #tpu.memory_space<vmem>>
      %dma_wait3A_302 = tpu.memref_squeeze %dma_wait3A_301 : memref<1x80x128xf32, #tpu.memory_space<vmem>> -> memref<80x128xf32, #tpu.memory_space<vmem>>
      %dma_wait3A_303 = arith.constant 0 : i32
      %dma_wait3A_304 = tpu.memref_slice %arg7[%dma_wait3A_297, %dma_wait3A_303] : memref<3x80xi32, #tpu.memory_space<vmem>> -> memref<1x80xi32, #tpu.memory_space<vmem>>
      %dma_wait3A_305 = tpu.memref_squeeze %dma_wait3A_304 : memref<1x80xi32, #tpu.memory_space<vmem>> -> memref<80xi32, #tpu.memory_space<vmem>>
      %dma_wait3A_306 = arith.constant 0 : i32
      %dma_wait3A_307 = arith.constant 0 : i32
      %dma_wait3A_308 = tpu.memref_slice %arg9[%dma_wait3A_306, %dma_wait3A_307] : memref<10240x128xf32, #tpu.memory_space<vmem_shared>> -> memref<10240x128xf32, #tpu.memory_space<vmem_shared>>
      %dma_wait3A_309 = tpu.memref_slice %arg12[%dma_wait3A_298] : memref<3x!tpu.dma_semaphore, #tpu.memory_space<semaphore_mem>> -> memref<1x!tpu.dma_semaphore, #tpu.memory_space<semaphore_mem>>
      %dma_wait3A_310 = tpu.memref_squeeze %dma_wait3A_309 : memref<1x!tpu.dma_semaphore, #tpu.memory_space<semaphore_mem>> -> memref<!tpu.dma_semaphore, #tpu.memory_space<semaphore_mem>>
      tpu.wait_indirect_dma semaphore(%dma_wait3A_310 : memref<!tpu.dma_semaphore, #tpu.memory_space<semaphore_mem>>) src(%dma_wait3A_302 : memref<80x128xf32, #tpu.memory_space<vmem>>) dst(%dma_wait3A_308 : memref<10240x128xf32, #tpu.memory_space<vmem_shared>>)
      %dma_start3A_311 = arith.constant 1 : i32
      %dma_start3A_312 = arith.constant 1 : i32
      %dma_start3A_313 = arith.constant 1 : i32
      %dma_start3A_314 = arith.constant 0 : i32
      %dma_start3A_315 = arith.constant 0 : i32
      %dma_start3A_316 = tpu.memref_slice %arg8[%dma_start3A_311, %dma_start3A_314, %dma_start3A_315] : memref<3x80x128xf32, #tpu.memory_space<vmem>> -> memref<1x80x128xf32, #tpu.memory_space<vmem>>
      %dma_start3A_317 = tpu.memref_squeeze %dma_start3A_316 : memref<1x80x128xf32, #tpu.memory_space<vmem>> -> memref<80x128xf32, #tpu.memory_space<vmem>>
      %dma_start3A_318 = arith.constant 0 : i32
      %dma_start3A_319 = tpu.memref_slice %arg7[%dma_start3A_312, %dma_start3A_318] : memref<3x80xi32, #tpu.memory_space<vmem>> -> memref<1x80xi32, #tpu.memory_space<vmem>>
      %dma_start3A_320 = tpu.memref_squeeze %dma_start3A_319 : memref<1x80xi32, #tpu.memory_space<vmem>> -> memref<80xi32, #tpu.memory_space<vmem>>
      %dma_start3A_321 = arith.constant 0 : i32
      %dma_start3A_322 = arith.constant 0 : i32
      %dma_start3A_323 = tpu.memref_slice %arg9[%dma_start3A_321, %dma_start3A_322] : memref<10240x128xf32, #tpu.memory_space<vmem_shared>> -> memref<10240x128xf32, #tpu.memory_space<vmem_shared>>
      %dma_start3A_324 = tpu.memref_slice %arg12[%dma_start3A_313] : memref<3x!tpu.dma_semaphore, #tpu.memory_space<semaphore_mem>> -> memref<1x!tpu.dma_semaphore, #tpu.memory_space<semaphore_mem>>
      %dma_start3A_325 = tpu.memref_squeeze %dma_start3A_324 : memref<1x!tpu.dma_semaphore, #tpu.memory_space<semaphore_mem>> -> memref<!tpu.dma_semaphore, #tpu.memory_space<semaphore_mem>>
      tpu.enqueue_indirect_dma source(%dma_start3A_317 : memref<80x128xf32, #tpu.memory_space<vmem>>) target(%dma_start3A_323 : memref<10240x128xf32, #tpu.memory_space<vmem_shared>>) offsets(%dma_start3A_320 : memref<80xi32, #tpu.memory_space<vmem>>) semaphore(%dma_start3A_325 : memref<!tpu.dma_semaphore, #tpu.memory_space<semaphore_mem>>) {add = true}
      %mul3A_326 = arith.constant 10000 : i32
      %mul3A_327 = arith.muli %add3A, %mul3A_326 : i32
      %mul3A_328 = arith.constant 80 : i32
      %mul3A_329 = arith.muli %min3A_264, %mul3A_328 : i32
      %add3A_330 = arith.addi %mul3A_327, %mul3A_329 : i32
      %dma_start3A_331 = arith.constant 0 : i32
      %dma_start3A_332 = arith.constant 0 : i32
      %dma_start3A_333 = arith.constant 0 : i32
      %dma_start3A_334 = tpu.memref_slice %arg7[%dma_start3A_331, %dma_start3A_333] : memref<3x80xi32, #tpu.memory_space<vmem>> -> memref<1x80xi32, #tpu.memory_space<vmem>>
      %dma_start3A_335 = tpu.memref_squeeze %dma_start3A_334 : memref<1x80xi32, #tpu.memory_space<vmem>> -> memref<80xi32, #tpu.memory_space<vmem>>
      %dma_start3A_336 = tpu.memref_slice %arg4[%add3A_330] : memref<320000xi32, #tpu.memory_space<hbm>> -> memref<80xi32, #tpu.memory_space<hbm>>
      %dma_start3A_337 = tpu.memref_slice %arg11[%dma_start3A_332] : memref<3x!tpu.dma_semaphore, #tpu.memory_space<semaphore_mem>> -> memref<1x!tpu.dma_semaphore, #tpu.memory_space<semaphore_mem>>
      %dma_start3A_338 = tpu.memref_squeeze %dma_start3A_337 : memref<1x!tpu.dma_semaphore, #tpu.memory_space<semaphore_mem>> -> memref<!tpu.dma_semaphore, #tpu.memory_space<semaphore_mem>>
      %dma_start3A_339 = arith.constant 0 : i32
      %dma_start3A_340 = tpu.memref_slice %arg7[%dma_start3A_331, %dma_start3A_339] : memref<3x80xi32, #tpu.memory_space<vmem>> -> memref<1x80xi32, #tpu.memory_space<vmem>>
      %dma_start3A_341 = tpu.memref_squeeze %dma_start3A_340 : memref<1x80xi32, #tpu.memory_space<vmem>> -> memref<80xi32, #tpu.memory_space<vmem>>
      %dma_start3A_342 = tpu.memref_slice %arg4[%add3A_330] : memref<320000xi32, #tpu.memory_space<hbm>> -> memref<80xi32, #tpu.memory_space<hbm>>
      tpu.enqueue_dma source(%dma_start3A_342 : memref<80xi32, #tpu.memory_space<hbm>>) target(%dma_start3A_341 : memref<80xi32, #tpu.memory_space<vmem>>) target_semaphore(%dma_start3A_338 : memref<!tpu.dma_semaphore, #tpu.memory_space<semaphore_mem>>)
      %mul3A_343 = arith.constant 80 : i32
      %mul3A_344 = arith.muli %min3A_264, %mul3A_343 : i32
      %dma_start3A_345 = arith.constant 0 : i32
      %dma_start3A_346 = arith.constant 0 : i32
      %dma_start3A_347 = arith.constant 0 : i32
      %dma_start3A_348 = arith.constant 0 : i32
      %dma_start3A_349 = tpu.memref_slice %arg8[%dma_start3A_345, %dma_start3A_347, %dma_start3A_348] : memref<3x80x128xf32, #tpu.memory_space<vmem>> -> memref<1x80x128xf32, #tpu.memory_space<vmem>>
      %dma_start3A_350 = tpu.memref_squeeze %dma_start3A_349 : memref<1x80x128xf32, #tpu.memory_space<vmem>> -> memref<80x128xf32, #tpu.memory_space<vmem>>
      %dma_start3A_351 = tpu.memref_slice %arg6[%mul3A_344] : memref<10000xi32, #tpu.memory_space<vmem>> -> memref<80xi32, #tpu.memory_space<vmem>>
      %dma_start3A_352 = arith.constant 0 : i32
      %dma_start3A_353 = arith.constant 0 : i32
      %dma_start3A_354 = tpu.memref_slice %arg2[%dma_start3A_352, %dma_start3A_353] : memref<10000x128xf32, #tpu.memory_space<hbm>> -> memref<10000x128xf32, #tpu.memory_space<hbm>>
      %dma_start3A_355 = tpu.memref_slice %arg10[%dma_start3A_346] : memref<3x!tpu.dma_semaphore, #tpu.memory_space<semaphore_mem>> -> memref<1x!tpu.dma_semaphore, #tpu.memory_space<semaphore_mem>>
      %dma_start3A_356 = tpu.memref_squeeze %dma_start3A_355 : memref<1x!tpu.dma_semaphore, #tpu.memory_space<semaphore_mem>> -> memref<!tpu.dma_semaphore, #tpu.memory_space<semaphore_mem>>
      tpu.enqueue_indirect_dma source(%dma_start3A_354 : memref<10000x128xf32, #tpu.memory_space<hbm>>) target(%dma_start3A_350 : memref<80x128xf32, #tpu.memory_space<vmem>>) offsets(%dma_start3A_351 : memref<80xi32, #tpu.memory_space<vmem>>) semaphore(%dma_start3A_356 : memref<!tpu.dma_semaphore, #tpu.memory_space<semaphore_mem>>)
      %add3A_357 = arith.constant 1 : i32
      %add3A_358 = arith.addi %add3A_261, %add3A_357 : i32
      %add3A_359 = arith.constant 2 : i32
      %add3A_360 = arith.addi %add3A_358, %add3A_359 : i32
      %min3A_361 = arith.constant 124 : i32
      %min3A_362 = arith.minsi %add3A_360, %min3A_361 : i32
      %mul3A_363 = arith.constant 80 : i32
      %mul3A_364 = arith.muli %add3A_358, %mul3A_363 : i32
      %dma_wait3A_365 = arith.constant 2 : i32
      %dma_wait3A_366 = arith.constant 2 : i32
      %dma_wait3A_367 = arith.constant 0 : i32
      %dma_wait3A_368 = arith.constant 0 : i32
      %dma_wait3A_369 = tpu.memref_slice %arg8[%dma_wait3A_365, %dma_wait3A_367, %dma_wait3A_368] : memref<3x80x128xf32, #tpu.memory_space<vmem>> -> memref<1x80x128xf32, #tpu.memory_space<vmem>>
      %dma_wait3A_370 = tpu.memref_squeeze %dma_wait3A_369 : memref<1x80x128xf32, #tpu.memory_space<vmem>> -> memref<80x128xf32, #tpu.memory_space<vmem>>
      %dma_wait3A_371 = tpu.memref_slice %arg6[%mul3A_364] : memref<10000xi32, #tpu.memory_space<vmem>> -> memref<80xi32, #tpu.memory_space<vmem>>
      %dma_wait3A_372 = arith.constant 0 : i32
      %dma_wait3A_373 = arith.constant 0 : i32
      %dma_wait3A_374 = tpu.memref_slice %arg2[%dma_wait3A_372, %dma_wait3A_373] : memref<10000x128xf32, #tpu.memory_space<hbm>> -> memref<10000x128xf32, #tpu.memory_space<hbm>>
      %dma_wait3A_375 = tpu.memref_slice %arg10[%dma_wait3A_366] : memref<3x!tpu.dma_semaphore, #tpu.memory_space<semaphore_mem>> -> memref<1x!tpu.dma_semaphore, #tpu.memory_space<semaphore_mem>>
      %dma_wait3A_376 = tpu.memref_squeeze %dma_wait3A_375 : memref<1x!tpu.dma_semaphore, #tpu.memory_space<semaphore_mem>> -> memref<!tpu.dma_semaphore, #tpu.memory_space<semaphore_mem>>
      tpu.wait_indirect_dma semaphore(%dma_wait3A_376 : memref<!tpu.dma_semaphore, #tpu.memory_space<semaphore_mem>>) src(%dma_wait3A_374 : memref<10000x128xf32, #tpu.memory_space<hbm>>) dst(%dma_wait3A_370 : memref<80x128xf32, #tpu.memory_space<vmem>>)
      %mul3A_377 = arith.constant 10000 : i32
      %mul3A_378 = arith.muli %add3A, %mul3A_377 : i32
      %mul3A_379 = arith.constant 80 : i32
      %mul3A_380 = arith.muli %add3A_358, %mul3A_379 : i32
      %add3A_381 = arith.addi %mul3A_378, %mul3A_380 : i32
      %dma_wait3A_382 = arith.constant 2 : i32
      %dma_wait3A_383 = arith.constant 2 : i32
      %dma_wait3A_384 = arith.constant 0 : i32
      %dma_wait3A_385 = tpu.memref_slice %arg7[%dma_wait3A_382, %dma_wait3A_384] : memref<3x80xi32, #tpu.memory_space<vmem>> -> memref<1x80xi32, #tpu.memory_space<vmem>>
      %dma_wait3A_386 = tpu.memref_squeeze %dma_wait3A_385 : memref<1x80xi32, #tpu.memory_space<vmem>> -> memref<80xi32, #tpu.memory_space<vmem>>
      %dma_wait3A_387 = tpu.memref_slice %arg4[%add3A_381] : memref<320000xi32, #tpu.memory_space<hbm>> -> memref<80xi32, #tpu.memory_space<hbm>>
      %dma_wait3A_388 = tpu.memref_slice %arg11[%dma_wait3A_383] : memref<3x!tpu.dma_semaphore, #tpu.memory_space<semaphore_mem>> -> memref<1x!tpu.dma_semaphore, #tpu.memory_space<semaphore_mem>>
      %dma_wait3A_389 = tpu.memref_squeeze %dma_wait3A_388 : memref<1x!tpu.dma_semaphore, #tpu.memory_space<semaphore_mem>> -> memref<!tpu.dma_semaphore, #tpu.memory_space<semaphore_mem>>
      %dma_wait3A_390 = arith.constant 0 : i32
      %dma_wait3A_391 = tpu.memref_slice %arg7[%dma_wait3A_382, %dma_wait3A_390] : memref<3x80xi32, #tpu.memory_space<vmem>> -> memref<1x80xi32, #tpu.memory_space<vmem>>
      %dma_wait3A_392 = tpu.memref_squeeze %dma_wait3A_391 : memref<1x80xi32, #tpu.memory_space<vmem>> -> memref<80xi32, #tpu.memory_space<vmem>>
      %dma_wait3A_393 = tpu.memref_slice %arg4[%add3A_381] : memref<320000xi32, #tpu.memory_space<hbm>> -> memref<80xi32, #tpu.memory_space<hbm>>
      tpu.wait_dma2 semaphore(%dma_wait3A_389 : memref<!tpu.dma_semaphore, #tpu.memory_space<semaphore_mem>>) src(%dma_wait3A_393 : memref<80xi32, #tpu.memory_space<hbm>>) dst(%dma_wait3A_392 : memref<80xi32, #tpu.memory_space<vmem>>)
      %dma_wait3A_394 = arith.constant 1 : i32
      %dma_wait3A_395 = arith.constant 1 : i32
      %dma_wait3A_396 = arith.constant 1 : i32
      %dma_wait3A_397 = arith.constant 0 : i32
      %dma_wait3A_398 = arith.constant 0 : i32
      %dma_wait3A_399 = tpu.memref_slice %arg8[%dma_wait3A_394, %dma_wait3A_397, %dma_wait3A_398] : memref<3x80x128xf32, #tpu.memory_space<vmem>> -> memref<1x80x128xf32, #tpu.memory_space<vmem>>
      %dma_wait3A_400 = tpu.memref_squeeze %dma_wait3A_399 : memref<1x80x128xf32, #tpu.memory_space<vmem>> -> memref<80x128xf32, #tpu.memory_space<vmem>>
      %dma_wait3A_401 = arith.constant 0 : i32
      %dma_wait3A_402 = tpu.memref_slice %arg7[%dma_wait3A_395, %dma_wait3A_401] : memref<3x80xi32, #tpu.memory_space<vmem>> -> memref<1x80xi32, #tpu.memory_space<vmem>>
      %dma_wait3A_403 = tpu.memref_squeeze %dma_wait3A_402 : memref<1x80xi32, #tpu.memory_space<vmem>> -> memref<80xi32, #tpu.memory_space<vmem>>
      %dma_wait3A_404 = arith.constant 0 : i32
      %dma_wait3A_405 = arith.constant 0 : i32
      %dma_wait3A_406 = tpu.memref_slice %arg9[%dma_wait3A_404, %dma_wait3A_405] : memref<10240x128xf32, #tpu.memory_space<vmem_shared>> -> memref<10240x128xf32, #tpu.memory_space<vmem_shared>>
      %dma_wait3A_407 = tpu.memref_slice %arg12[%dma_wait3A_396] : memref<3x!tpu.dma_semaphore, #tpu.memory_space<semaphore_mem>> -> memref<1x!tpu.dma_semaphore, #tpu.memory_space<semaphore_mem>>
      %dma_wait3A_408 = tpu.memref_squeeze %dma_wait3A_407 : memref<1x!tpu.dma_semaphore, #tpu.memory_space<semaphore_mem>> -> memref<!tpu.dma_semaphore, #tpu.memory_space<semaphore_mem>>
      tpu.wait_indirect_dma semaphore(%dma_wait3A_408 : memref<!tpu.dma_semaphore, #tpu.memory_space<semaphore_mem>>) src(%dma_wait3A_400 : memref<80x128xf32, #tpu.memory_space<vmem>>) dst(%dma_wait3A_406 : memref<10240x128xf32, #tpu.memory_space<vmem_shared>>)
      %dma_start3A_409 = arith.constant 2 : i32
      %dma_start3A_410 = arith.constant 2 : i32
      %dma_start3A_411 = arith.constant 2 : i32
      %dma_start3A_412 = arith.constant 0 : i32
      %dma_start3A_413 = arith.constant 0 : i32
      %dma_start3A_414 = tpu.memref_slice %arg8[%dma_start3A_409, %dma_start3A_412, %dma_start3A_413] : memref<3x80x128xf32, #tpu.memory_space<vmem>> -> memref<1x80x128xf32, #tpu.memory_space<vmem>>
      %dma_start3A_415 = tpu.memref_squeeze %dma_start3A_414 : memref<1x80x128xf32, #tpu.memory_space<vmem>> -> memref<80x128xf32, #tpu.memory_space<vmem>>
      %dma_start3A_416 = arith.constant 0 : i32
      %dma_start3A_417 = tpu.memref_slice %arg7[%dma_start3A_410, %dma_start3A_416] : memref<3x80xi32, #tpu.memory_space<vmem>> -> memref<1x80xi32, #tpu.memory_space<vmem>>
      %dma_start3A_418 = tpu.memref_squeeze %dma_start3A_417 : memref<1x80xi32, #tpu.memory_space<vmem>> -> memref<80xi32, #tpu.memory_space<vmem>>
      %dma_start3A_419 = arith.constant 0 : i32
      %dma_start3A_420 = arith.constant 0 : i32
      %dma_start3A_421 = tpu.memref_slice %arg9[%dma_start3A_419, %dma_start3A_420] : memref<10240x128xf32, #tpu.memory_space<vmem_shared>> -> memref<10240x128xf32, #tpu.memory_space<vmem_shared>>
      %dma_start3A_422 = tpu.memref_slice %arg12[%dma_start3A_411] : memref<3x!tpu.dma_semaphore, #tpu.memory_space<semaphore_mem>> -> memref<1x!tpu.dma_semaphore, #tpu.memory_space<semaphore_mem>>
      %dma_start3A_423 = tpu.memref_squeeze %dma_start3A_422 : memref<1x!tpu.dma_semaphore, #tpu.memory_space<semaphore_mem>> -> memref<!tpu.dma_semaphore, #tpu.memory_space<semaphore_mem>>
      tpu.enqueue_indirect_dma source(%dma_start3A_415 : memref<80x128xf32, #tpu.memory_space<vmem>>) target(%dma_start3A_421 : memref<10240x128xf32, #tpu.memory_space<vmem_shared>>) offsets(%dma_start3A_418 : memref<80xi32, #tpu.memory_space<vmem>>) semaphore(%dma_start3A_423 : memref<!tpu.dma_semaphore, #tpu.memory_space<semaphore_mem>>) {add = true}
      %mul3A_424 = arith.constant 10000 : i32
      %mul3A_425 = arith.muli %add3A, %mul3A_424 : i32
      %mul3A_426 = arith.constant 80 : i32
      %mul3A_427 = arith.muli %min3A_362, %mul3A_426 : i32
      %add3A_428 = arith.addi %mul3A_425, %mul3A_427 : i32
      %dma_start3A_429 = arith.constant 1 : i32
      %dma_start3A_430 = arith.constant 1 : i32
      %dma_start3A_431 = arith.constant 0 : i32
      %dma_start3A_432 = tpu.memref_slice %arg7[%dma_start3A_429, %dma_start3A_431] : memref<3x80xi32, #tpu.memory_space<vmem>> -> memref<1x80xi32, #tpu.memory_space<vmem>>
      %dma_start3A_433 = tpu.memref_squeeze %dma_start3A_432 : memref<1x80xi32, #tpu.memory_space<vmem>> -> memref<80xi32, #tpu.memory_space<vmem>>
      %dma_start3A_434 = tpu.memref_slice %arg4[%add3A_428] : memref<320000xi32, #tpu.memory_space<hbm>> -> memref<80xi32, #tpu.memory_space<hbm>>
      %dma_start3A_435 = tpu.memref_slice %arg11[%dma_start3A_430] : memref<3x!tpu.dma_semaphore, #tpu.memory_space<semaphore_mem>> -> memref<1x!tpu.dma_semaphore, #tpu.memory_space<semaphore_mem>>
      %dma_start3A_436 = tpu.memref_squeeze %dma_start3A_435 : memref<1x!tpu.dma_semaphore, #tpu.memory_space<semaphore_mem>> -> memref<!tpu.dma_semaphore, #tpu.memory_space<semaphore_mem>>
      %dma_start3A_437 = arith.constant 0 : i32
      %dma_start3A_438 = tpu.memref_slice %arg7[%dma_start3A_429, %dma_start3A_437] : memref<3x80xi32, #tpu.memory_space<vmem>> -> memref<1x80xi32, #tpu.memory_space<vmem>>
      %dma_start3A_439 = tpu.memref_squeeze %dma_start3A_438 : memref<1x80xi32, #tpu.memory_space<vmem>> -> memref<80xi32, #tpu.memory_space<vmem>>
      %dma_start3A_440 = tpu.memref_slice %arg4[%add3A_428] : memref<320000xi32, #tpu.memory_space<hbm>> -> memref<80xi32, #tpu.memory_space<hbm>>
      tpu.enqueue_dma source(%dma_start3A_440 : memref<80xi32, #tpu.memory_space<hbm>>) target(%dma_start3A_439 : memref<80xi32, #tpu.memory_space<vmem>>) target_semaphore(%dma_start3A_436 : memref<!tpu.dma_semaphore, #tpu.memory_space<semaphore_mem>>)
      %mul3A_441 = arith.constant 80 : i32
      %mul3A_442 = arith.muli %min3A_362, %mul3A_441 : i32
      %dma_start3A_443 = arith.constant 1 : i32
      %dma_start3A_444 = arith.constant 1 : i32
      %dma_start3A_445 = arith.constant 0 : i32
      %dma_start3A_446 = arith.constant 0 : i32
      %dma_start3A_447 = tpu.memref_slice %arg8[%dma_start3A_443, %dma_start3A_445, %dma_start3A_446] : memref<3x80x128xf32, #tpu.memory_space<vmem>> -> memref<1x80x128xf32, #tpu.memory_space<vmem>>
      %dma_start3A_448 = tpu.memref_squeeze %dma_start3A_447 : memref<1x80x128xf32, #tpu.memory_space<vmem>> -> memref<80x128xf32, #tpu.memory_space<vmem>>
      %dma_start3A_449 = tpu.memref_slice %arg6[%mul3A_442] : memref<10000xi32, #tpu.memory_space<vmem>> -> memref<80xi32, #tpu.memory_space<vmem>>
      %dma_start3A_450 = arith.constant 0 : i32
      %dma_start3A_451 = arith.constant 0 : i32
      %dma_start3A_452 = tpu.memref_slice %arg2[%dma_start3A_450, %dma_start3A_451] : memref<10000x128xf32, #tpu.memory_space<hbm>> -> memref<10000x128xf32, #tpu.memory_space<hbm>>
      %dma_start3A_453 = tpu.memref_slice %arg10[%dma_start3A_444] : memref<3x!tpu.dma_semaphore, #tpu.memory_space<semaphore_mem>> -> memref<1x!tpu.dma_semaphore, #tpu.memory_space<semaphore_mem>>
      %dma_start3A_454 = tpu.memref_squeeze %dma_start3A_453 : memref<1x!tpu.dma_semaphore, #tpu.memory_space<semaphore_mem>> -> memref<!tpu.dma_semaphore, #tpu.memory_space<semaphore_mem>>
      tpu.enqueue_indirect_dma source(%dma_start3A_452 : memref<10000x128xf32, #tpu.memory_space<hbm>>) target(%dma_start3A_448 : memref<80x128xf32, #tpu.memory_space<vmem>>) offsets(%dma_start3A_449 : memref<80xi32, #tpu.memory_space<vmem>>) semaphore(%dma_start3A_454 : memref<!tpu.dma_semaphore, #tpu.memory_space<semaphore_mem>>)
      %add3A_455 = arith.constant 2 : i32
      %add3A_456 = arith.addi %add3A_261, %add3A_455 : i32
      %add3A_457 = arith.constant 2 : i32
      %add3A_458 = arith.addi %add3A_456, %add3A_457 : i32
      %min3A_459 = arith.constant 124 : i32
      %min3A_460 = arith.minsi %add3A_458, %min3A_459 : i32
      %mul3A_461 = arith.constant 80 : i32
      %mul3A_462 = arith.muli %add3A_456, %mul3A_461 : i32
      %dma_wait3A_463 = arith.constant 0 : i32
      %dma_wait3A_464 = arith.constant 0 : i32
      %dma_wait3A_465 = arith.constant 0 : i32
      %dma_wait3A_466 = arith.constant 0 : i32
      %dma_wait3A_467 = tpu.memref_slice %arg8[%dma_wait3A_463, %dma_wait3A_465, %dma_wait3A_466] : memref<3x80x128xf32, #tpu.memory_space<vmem>> -> memref<1x80x128xf32, #tpu.memory_space<vmem>>
      %dma_wait3A_468 = tpu.memref_squeeze %dma_wait3A_467 : memref<1x80x128xf32, #tpu.memory_space<vmem>> -> memref<80x128xf32, #tpu.memory_space<vmem>>
      %dma_wait3A_469 = tpu.memref_slice %arg6[%mul3A_462] : memref<10000xi32, #tpu.memory_space<vmem>> -> memref<80xi32, #tpu.memory_space<vmem>>
      %dma_wait3A_470 = arith.constant 0 : i32
      %dma_wait3A_471 = arith.constant 0 : i32
      %dma_wait3A_472 = tpu.memref_slice %arg2[%dma_wait3A_470, %dma_wait3A_471] : memref<10000x128xf32, #tpu.memory_space<hbm>> -> memref<10000x128xf32, #tpu.memory_space<hbm>>
      %dma_wait3A_473 = tpu.memref_slice %arg10[%dma_wait3A_464] : memref<3x!tpu.dma_semaphore, #tpu.memory_space<semaphore_mem>> -> memref<1x!tpu.dma_semaphore, #tpu.memory_space<semaphore_mem>>
      %dma_wait3A_474 = tpu.memref_squeeze %dma_wait3A_473 : memref<1x!tpu.dma_semaphore, #tpu.memory_space<semaphore_mem>> -> memref<!tpu.dma_semaphore, #tpu.memory_space<semaphore_mem>>
      tpu.wait_indirect_dma semaphore(%dma_wait3A_474 : memref<!tpu.dma_semaphore, #tpu.memory_space<semaphore_mem>>) src(%dma_wait3A_472 : memref<10000x128xf32, #tpu.memory_space<hbm>>) dst(%dma_wait3A_468 : memref<80x128xf32, #tpu.memory_space<vmem>>)
      %mul3A_475 = arith.constant 10000 : i32
      %mul3A_476 = arith.muli %add3A, %mul3A_475 : i32
      %mul3A_477 = arith.constant 80 : i32
      %mul3A_478 = arith.muli %add3A_456, %mul3A_477 : i32
      %add3A_479 = arith.addi %mul3A_476, %mul3A_478 : i32
      %dma_wait3A_480 = arith.constant 0 : i32
      %dma_wait3A_481 = arith.constant 0 : i32
      %dma_wait3A_482 = arith.constant 0 : i32
      %dma_wait3A_483 = tpu.memref_slice %arg7[%dma_wait3A_480, %dma_wait3A_482] : memref<3x80xi32, #tpu.memory_space<vmem>> -> memref<1x80xi32, #tpu.memory_space<vmem>>
      %dma_wait3A_484 = tpu.memref_squeeze %dma_wait3A_483 : memref<1x80xi32, #tpu.memory_space<vmem>> -> memref<80xi32, #tpu.memory_space<vmem>>
      %dma_wait3A_485 = tpu.memref_slice %arg4[%add3A_479] : memref<320000xi32, #tpu.memory_space<hbm>> -> memref<80xi32, #tpu.memory_space<hbm>>
      %dma_wait3A_486 = tpu.memref_slice %arg11[%dma_wait3A_481] : memref<3x!tpu.dma_semaphore, #tpu.memory_space<semaphore_mem>> -> memref<1x!tpu.dma_semaphore, #tpu.memory_space<semaphore_mem>>
      %dma_wait3A_487 = tpu.memref_squeeze %dma_wait3A_486 : memref<1x!tpu.dma_semaphore, #tpu.memory_space<semaphore_mem>> -> memref<!tpu.dma_semaphore, #tpu.memory_space<semaphore_mem>>
      %dma_wait3A_488 = arith.constant 0 : i32
      %dma_wait3A_489 = tpu.memref_slice %arg7[%dma_wait3A_480, %dma_wait3A_488] : memref<3x80xi32, #tpu.memory_space<vmem>> -> memref<1x80xi32, #tpu.memory_space<vmem>>
      %dma_wait3A_490 = tpu.memref_squeeze %dma_wait3A_489 : memref<1x80xi32, #tpu.memory_space<vmem>> -> memref<80xi32, #tpu.memory_space<vmem>>
      %dma_wait3A_491 = tpu.memref_slice %arg4[%add3A_479] : memref<320000xi32, #tpu.memory_space<hbm>> -> memref<80xi32, #tpu.memory_space<hbm>>
      tpu.wait_dma2 semaphore(%dma_wait3A_487 : memref<!tpu.dma_semaphore, #tpu.memory_space<semaphore_mem>>) src(%dma_wait3A_491 : memref<80xi32, #tpu.memory_space<hbm>>) dst(%dma_wait3A_490 : memref<80xi32, #tpu.memory_space<vmem>>)
      %dma_wait3A_492 = arith.constant 2 : i32
      %dma_wait3A_493 = arith.constant 2 : i32
      %dma_wait3A_494 = arith.constant 2 : i32
      %dma_wait3A_495 = arith.constant 0 : i32
      %dma_wait3A_496 = arith.constant 0 : i32
      %dma_wait3A_497 = tpu.memref_slice %arg8[%dma_wait3A_492, %dma_wait3A_495, %dma_wait3A_496] : memref<3x80x128xf32, #tpu.memory_space<vmem>> -> memref<1x80x128xf32, #tpu.memory_space<vmem>>
      %dma_wait3A_498 = tpu.memref_squeeze %dma_wait3A_497 : memref<1x80x128xf32, #tpu.memory_space<vmem>> -> memref<80x128xf32, #tpu.memory_space<vmem>>
      %dma_wait3A_499 = arith.constant 0 : i32
      %dma_wait3A_500 = tpu.memref_slice %arg7[%dma_wait3A_493, %dma_wait3A_499] : memref<3x80xi32, #tpu.memory_space<vmem>> -> memref<1x80xi32, #tpu.memory_space<vmem>>
      %dma_wait3A_501 = tpu.memref_squeeze %dma_wait3A_500 : memref<1x80xi32, #tpu.memory_space<vmem>> -> memref<80xi32, #tpu.memory_space<vmem>>
      %dma_wait3A_502 = arith.constant 0 : i32
      %dma_wait3A_503 = arith.constant 0 : i32
      %dma_wait3A_504 = tpu.memref_slice %arg9[%dma_wait3A_502, %dma_wait3A_503] : memref<10240x128xf32, #tpu.memory_space<vmem_shared>> -> memref<10240x128xf32, #tpu.memory_space<vmem_shared>>
      %dma_wait3A_505 = tpu.memref_slice %arg12[%dma_wait3A_494] : memref<3x!tpu.dma_semaphore, #tpu.memory_space<semaphore_mem>> -> memref<1x!tpu.dma_semaphore, #tpu.memory_space<semaphore_mem>>
      %dma_wait3A_506 = tpu.memref_squeeze %dma_wait3A_505 : memref<1x!tpu.dma_semaphore, #tpu.memory_space<semaphore_mem>> -> memref<!tpu.dma_semaphore, #tpu.memory_space<semaphore_mem>>
      tpu.wait_indirect_dma semaphore(%dma_wait3A_506 : memref<!tpu.dma_semaphore, #tpu.memory_space<semaphore_mem>>) src(%dma_wait3A_498 : memref<80x128xf32, #tpu.memory_space<vmem>>) dst(%dma_wait3A_504 : memref<10240x128xf32, #tpu.memory_space<vmem_shared>>)
      %dma_start3A_507 = arith.constant 0 : i32
      %dma_start3A_508 = arith.constant 0 : i32
      %dma_start3A_509 = arith.constant 0 : i32
      %dma_start3A_510 = arith.constant 0 : i32
      %dma_start3A_511 = arith.constant 0 : i32
      %dma_start3A_512 = tpu.memref_slice %arg8[%dma_start3A_507, %dma_start3A_510, %dma_start3A_511] : memref<3x80x128xf32, #tpu.memory_space<vmem>> -> memref<1x80x128xf32, #tpu.memory_space<vmem>>
      %dma_start3A_513 = tpu.memref_squeeze %dma_start3A_512 : memref<1x80x128xf32, #tpu.memory_space<vmem>> -> memref<80x128xf32, #tpu.memory_space<vmem>>
      %dma_start3A_514 = arith.constant 0 : i32
      %dma_start3A_515 = tpu.memref_slice %arg7[%dma_start3A_508, %dma_start3A_514] : memref<3x80xi32, #tpu.memory_space<vmem>> -> memref<1x80xi32, #tpu.memory_space<vmem>>
      %dma_start3A_516 = tpu.memref_squeeze %dma_start3A_515 : memref<1x80xi32, #tpu.memory_space<vmem>> -> memref<80xi32, #tpu.memory_space<vmem>>
      %dma_start3A_517 = arith.constant 0 : i32
      %dma_start3A_518 = arith.constant 0 : i32
      %dma_start3A_519 = tpu.memref_slice %arg9[%dma_start3A_517, %dma_start3A_518] : memref<10240x128xf32, #tpu.memory_space<vmem_shared>> -> memref<10240x128xf32, #tpu.memory_space<vmem_shared>>
      %dma_start3A_520 = tpu.memref_slice %arg12[%dma_start3A_509] : memref<3x!tpu.dma_semaphore, #tpu.memory_space<semaphore_mem>> -> memref<1x!tpu.dma_semaphore, #tpu.memory_space<semaphore_mem>>
      %dma_start3A_521 = tpu.memref_squeeze %dma_start3A_520 : memref<1x!tpu.dma_semaphore, #tpu.memory_space<semaphore_mem>> -> memref<!tpu.dma_semaphore, #tpu.memory_space<semaphore_mem>>
      tpu.enqueue_indirect_dma source(%dma_start3A_513 : memref<80x128xf32, #tpu.memory_space<vmem>>) target(%dma_start3A_519 : memref<10240x128xf32, #tpu.memory_space<vmem_shared>>) offsets(%dma_start3A_516 : memref<80xi32, #tpu.memory_space<vmem>>) semaphore(%dma_start3A_521 : memref<!tpu.dma_semaphore, #tpu.memory_space<semaphore_mem>>) {add = true}
      %mul3A_522 = arith.constant 10000 : i32
      %mul3A_523 = arith.muli %add3A, %mul3A_522 : i32
      %mul3A_524 = arith.constant 80 : i32
      %mul3A_525 = arith.muli %min3A_460, %mul3A_524 : i32
      %add3A_526 = arith.addi %mul3A_523, %mul3A_525 : i32
      %dma_start3A_527 = arith.constant 2 : i32
      %dma_start3A_528 = arith.constant 2 : i32
      %dma_start3A_529 = arith.constant 0 : i32
      %dma_start3A_530 = tpu.memref_slice %arg7[%dma_start3A_527, %dma_start3A_529] : memref<3x80xi32, #tpu.memory_space<vmem>> -> memref<1x80xi32, #tpu.memory_space<vmem>>
      %dma_start3A_531 = tpu.memref_squeeze %dma_start3A_530 : memref<1x80xi32, #tpu.memory_space<vmem>> -> memref<80xi32, #tpu.memory_space<vmem>>
      %dma_start3A_532 = tpu.memref_slice %arg4[%add3A_526] : memref<320000xi32, #tpu.memory_space<hbm>> -> memref<80xi32, #tpu.memory_space<hbm>>
      %dma_start3A_533 = tpu.memref_slice %arg11[%dma_start3A_528] : memref<3x!tpu.dma_semaphore, #tpu.memory_space<semaphore_mem>> -> memref<1x!tpu.dma_semaphore, #tpu.memory_space<semaphore_mem>>
      %dma_start3A_534 = tpu.memref_squeeze %dma_start3A_533 : memref<1x!tpu.dma_semaphore, #tpu.memory_space<semaphore_mem>> -> memref<!tpu.dma_semaphore, #tpu.memory_space<semaphore_mem>>
      %dma_start3A_535 = arith.constant 0 : i32
      %dma_start3A_536 = tpu.memref_slice %arg7[%dma_start3A_527, %dma_start3A_535] : memref<3x80xi32, #tpu.memory_space<vmem>> -> memref<1x80xi32, #tpu.memory_space<vmem>>
      %dma_start3A_537 = tpu.memref_squeeze %dma_start3A_536 : memref<1x80xi32, #tpu.memory_space<vmem>> -> memref<80xi32, #tpu.memory_space<vmem>>
      %dma_start3A_538 = tpu.memref_slice %arg4[%add3A_526] : memref<320000xi32, #tpu.memory_space<hbm>> -> memref<80xi32, #tpu.memory_space<hbm>>
      tpu.enqueue_dma source(%dma_start3A_538 : memref<80xi32, #tpu.memory_space<hbm>>) target(%dma_start3A_537 : memref<80xi32, #tpu.memory_space<vmem>>) target_semaphore(%dma_start3A_534 : memref<!tpu.dma_semaphore, #tpu.memory_space<semaphore_mem>>)
      %mul3A_539 = arith.constant 80 : i32
      %mul3A_540 = arith.muli %min3A_460, %mul3A_539 : i32
      %dma_start3A_541 = arith.constant 2 : i32
      %dma_start3A_542 = arith.constant 2 : i32
      %dma_start3A_543 = arith.constant 0 : i32
      %dma_start3A_544 = arith.constant 0 : i32
      %dma_start3A_545 = tpu.memref_slice %arg8[%dma_start3A_541, %dma_start3A_543, %dma_start3A_544] : memref<3x80x128xf32, #tpu.memory_space<vmem>> -> memref<1x80x128xf32, #tpu.memory_space<vmem>>
      %dma_start3A_546 = tpu.memref_squeeze %dma_start3A_545 : memref<1x80x128xf32, #tpu.memory_space<vmem>> -> memref<80x128xf32, #tpu.memory_space<vmem>>
      %dma_start3A_547 = tpu.memref_slice %arg6[%mul3A_540] : memref<10000xi32, #tpu.memory_space<vmem>> -> memref<80xi32, #tpu.memory_space<vmem>>
      %dma_start3A_548 = arith.constant 0 : i32
      %dma_start3A_549 = arith.constant 0 : i32
      %dma_start3A_550 = tpu.memref_slice %arg2[%dma_start3A_548, %dma_start3A_549] : memref<10000x128xf32, #tpu.memory_space<hbm>> -> memref<10000x128xf32, #tpu.memory_space<hbm>>
      %dma_start3A_551 = tpu.memref_slice %arg10[%dma_start3A_542] : memref<3x!tpu.dma_semaphore, #tpu.memory_space<semaphore_mem>> -> memref<1x!tpu.dma_semaphore, #tpu.memory_space<semaphore_mem>>
      %dma_start3A_552 = tpu.memref_squeeze %dma_start3A_551 : memref<1x!tpu.dma_semaphore, #tpu.memory_space<semaphore_mem>> -> memref<!tpu.dma_semaphore, #tpu.memory_space<semaphore_mem>>
      tpu.enqueue_indirect_dma source(%dma_start3A_550 : memref<10000x128xf32, #tpu.memory_space<hbm>>) target(%dma_start3A_546 : memref<80x128xf32, #tpu.memory_space<vmem>>) offsets(%dma_start3A_547 : memref<80xi32, #tpu.memory_space<vmem>>) semaphore(%dma_start3A_552 : memref<!tpu.dma_semaphore, #tpu.memory_space<semaphore_mem>>)
    }
    %scan3A_148 = arith.constant 41 : i32
    %dma_wait3A_149 = arith.constant 1 : i32
    %dma_wait3A_150 = arith.constant 1 : i32
    %dma_wait3A_151 = arith.constant 0 : i32
    %dma_wait3A_152 = arith.constant 0 : i32
    %dma_wait3A_153 = tpu.memref_slice %arg8[%dma_wait3A_149, %dma_wait3A_151, %dma_wait3A_152] : memref<3x80x128xf32, #tpu.memory_space<vmem>> -> memref<1x80x128xf32, #tpu.memory_space<vmem>>
    %dma_wait3A_154 = tpu.memref_squeeze %dma_wait3A_153 : memref<1x80x128xf32, #tpu.memory_space<vmem>> -> memref<80x128xf32, #tpu.memory_space<vmem>>
    %dma_wait3A_155 = arith.constant 9920 : i32
    %dma_wait3A_156 = tpu.memref_slice %arg6[%dma_wait3A_155] : memref<10000xi32, #tpu.memory_space<vmem>> -> memref<80xi32, #tpu.memory_space<vmem>>
    %dma_wait3A_157 = arith.constant 0 : i32
    %dma_wait3A_158 = arith.constant 0 : i32
    %dma_wait3A_159 = tpu.memref_slice %arg2[%dma_wait3A_157, %dma_wait3A_158] : memref<10000x128xf32, #tpu.memory_space<hbm>> -> memref<10000x128xf32, #tpu.memory_space<hbm>>
    %dma_wait3A_160 = tpu.memref_slice %arg10[%dma_wait3A_150] : memref<3x!tpu.dma_semaphore, #tpu.memory_space<semaphore_mem>> -> memref<1x!tpu.dma_semaphore, #tpu.memory_space<semaphore_mem>>
    %dma_wait3A_161 = tpu.memref_squeeze %dma_wait3A_160 : memref<1x!tpu.dma_semaphore, #tpu.memory_space<semaphore_mem>> -> memref<!tpu.dma_semaphore, #tpu.memory_space<semaphore_mem>>
    tpu.wait_indirect_dma semaphore(%dma_wait3A_161 : memref<!tpu.dma_semaphore, #tpu.memory_space<semaphore_mem>>) src(%dma_wait3A_159 : memref<10000x128xf32, #tpu.memory_space<hbm>>) dst(%dma_wait3A_154 : memref<80x128xf32, #tpu.memory_space<vmem>>)
    %mul3A_162 = arith.constant 10000 : i32
    %mul3A_163 = arith.muli %add3A, %mul3A_162 : i32
    %add3A_164 = arith.constant 9920 : i32
    %add3A_165 = arith.addi %mul3A_163, %add3A_164 : i32
    %dma_wait3A_166 = arith.constant 1 : i32
    %dma_wait3A_167 = arith.constant 1 : i32
    %dma_wait3A_168 = arith.constant 0 : i32
    %dma_wait3A_169 = tpu.memref_slice %arg7[%dma_wait3A_166, %dma_wait3A_168] : memref<3x80xi32, #tpu.memory_space<vmem>> -> memref<1x80xi32, #tpu.memory_space<vmem>>
    %dma_wait3A_170 = tpu.memref_squeeze %dma_wait3A_169 : memref<1x80xi32, #tpu.memory_space<vmem>> -> memref<80xi32, #tpu.memory_space<vmem>>
    %dma_wait3A_171 = tpu.memref_slice %arg4[%add3A_165] : memref<320000xi32, #tpu.memory_space<hbm>> -> memref<80xi32, #tpu.memory_space<hbm>>
    %dma_wait3A_172 = tpu.memref_slice %arg11[%dma_wait3A_167] : memref<3x!tpu.dma_semaphore, #tpu.memory_space<semaphore_mem>> -> memref<1x!tpu.dma_semaphore, #tpu.memory_space<semaphore_mem>>
    %dma_wait3A_173 = tpu.memref_squeeze %dma_wait3A_172 : memref<1x!tpu.dma_semaphore, #tpu.memory_space<semaphore_mem>> -> memref<!tpu.dma_semaphore, #tpu.memory_space<semaphore_mem>>
    %dma_wait3A_174 = arith.constant 0 : i32
    %dma_wait3A_175 = tpu.memref_slice %arg7[%dma_wait3A_166, %dma_wait3A_174] : memref<3x80xi32, #tpu.memory_space<vmem>> -> memref<1x80xi32, #tpu.memory_space<vmem>>
    %dma_wait3A_176 = tpu.memref_squeeze %dma_wait3A_175 : memref<1x80xi32, #tpu.memory_space<vmem>> -> memref<80xi32, #tpu.memory_space<vmem>>
    %dma_wait3A_177 = tpu.memref_slice %arg4[%add3A_165] : memref<320000xi32, #tpu.memory_space<hbm>> -> memref<80xi32, #tpu.memory_space<hbm>>
    tpu.wait_dma2 semaphore(%dma_wait3A_173 : memref<!tpu.dma_semaphore, #tpu.memory_space<semaphore_mem>>) src(%dma_wait3A_177 : memref<80xi32, #tpu.memory_space<hbm>>) dst(%dma_wait3A_176 : memref<80xi32, #tpu.memory_space<vmem>>)
    %dma_wait3A_178 = arith.constant 0 : i32
    %dma_wait3A_179 = arith.constant 0 : i32
    %dma_wait3A_180 = arith.constant 0 : i32
    %dma_wait3A_181 = arith.constant 0 : i32
    %dma_wait3A_182 = arith.constant 0 : i32
    %dma_wait3A_183 = tpu.memref_slice %arg8[%dma_wait3A_178, %dma_wait3A_181, %dma_wait3A_182] : memref<3x80x128xf32, #tpu.memory_space<vmem>> -> memref<1x80x128xf32, #tpu.memory_space<vmem>>
    %dma_wait3A_184 = tpu.memref_squeeze %dma_wait3A_183 : memref<1x80x128xf32, #tpu.memory_space<vmem>> -> memref<80x128xf32, #tpu.memory_space<vmem>>
    %dma_wait3A_185 = arith.constant 0 : i32
    %dma_wait3A_186 = tpu.memref_slice %arg7[%dma_wait3A_179, %dma_wait3A_185] : memref<3x80xi32, #tpu.memory_space<vmem>> -> memref<1x80xi32, #tpu.memory_space<vmem>>
    %dma_wait3A_187 = tpu.memref_squeeze %dma_wait3A_186 : memref<1x80xi32, #tpu.memory_space<vmem>> -> memref<80xi32, #tpu.memory_space<vmem>>
    %dma_wait3A_188 = arith.constant 0 : i32
    %dma_wait3A_189 = arith.constant 0 : i32
    %dma_wait3A_190 = tpu.memref_slice %arg9[%dma_wait3A_188, %dma_wait3A_189] : memref<10240x128xf32, #tpu.memory_space<vmem_shared>> -> memref<10240x128xf32, #tpu.memory_space<vmem_shared>>
    %dma_wait3A_191 = tpu.memref_slice %arg12[%dma_wait3A_180] : memref<3x!tpu.dma_semaphore, #tpu.memory_space<semaphore_mem>> -> memref<1x!tpu.dma_semaphore, #tpu.memory_space<semaphore_mem>>
    %dma_wait3A_192 = tpu.memref_squeeze %dma_wait3A_191 : memref<1x!tpu.dma_semaphore, #tpu.memory_space<semaphore_mem>> -> memref<!tpu.dma_semaphore, #tpu.memory_space<semaphore_mem>>
    tpu.wait_indirect_dma semaphore(%dma_wait3A_192 : memref<!tpu.dma_semaphore, #tpu.memory_space<semaphore_mem>>) src(%dma_wait3A_184 : memref<80x128xf32, #tpu.memory_space<vmem>>) dst(%dma_wait3A_190 : memref<10240x128xf32, #tpu.memory_space<vmem_shared>>)
    %dma_start3A_193 = arith.constant 1 : i32
    %dma_start3A_194 = arith.constant 1 : i32
    %dma_start3A_195 = arith.constant 1 : i32
    %dma_start3A_196 = arith.constant 0 : i32
    %dma_start3A_197 = arith.constant 0 : i32
    %dma_start3A_198 = tpu.memref_slice %arg8[%dma_start3A_193, %dma_start3A_196, %dma_start3A_197] : memref<3x80x128xf32, #tpu.memory_space<vmem>> -> memref<1x80x128xf32, #tpu.memory_space<vmem>>
    %dma_start3A_199 = tpu.memref_squeeze %dma_start3A_198 : memref<1x80x128xf32, #tpu.memory_space<vmem>> -> memref<80x128xf32, #tpu.memory_space<vmem>>
    %dma_start3A_200 = arith.constant 0 : i32
    %dma_start3A_201 = tpu.memref_slice %arg7[%dma_start3A_194, %dma_start3A_200] : memref<3x80xi32, #tpu.memory_space<vmem>> -> memref<1x80xi32, #tpu.memory_space<vmem>>
    %dma_start3A_202 = tpu.memref_squeeze %dma_start3A_201 : memref<1x80xi32, #tpu.memory_space<vmem>> -> memref<80xi32, #tpu.memory_space<vmem>>
    %dma_start3A_203 = arith.constant 0 : i32
    %dma_start3A_204 = arith.constant 0 : i32
    %dma_start3A_205 = tpu.memref_slice %arg9[%dma_start3A_203, %dma_start3A_204] : memref<10240x128xf32, #tpu.memory_space<vmem_shared>> -> memref<10240x128xf32, #tpu.memory_space<vmem_shared>>
    %dma_start3A_206 = tpu.memref_slice %arg12[%dma_start3A_195] : memref<3x!tpu.dma_semaphore, #tpu.memory_space<semaphore_mem>> -> memref<1x!tpu.dma_semaphore, #tpu.memory_space<semaphore_mem>>
    %dma_start3A_207 = tpu.memref_squeeze %dma_start3A_206 : memref<1x!tpu.dma_semaphore, #tpu.memory_space<semaphore_mem>> -> memref<!tpu.dma_semaphore, #tpu.memory_space<semaphore_mem>>
    tpu.enqueue_indirect_dma source(%dma_start3A_199 : memref<80x128xf32, #tpu.memory_space<vmem>>) target(%dma_start3A_205 : memref<10240x128xf32, #tpu.memory_space<vmem_shared>>) offsets(%dma_start3A_202 : memref<80xi32, #tpu.memory_space<vmem>>) semaphore(%dma_start3A_207 : memref<!tpu.dma_semaphore, #tpu.memory_space<semaphore_mem>>) {add = true}
    %dma_wait3A_208 = arith.constant 2 : i32
    %dma_wait3A_209 = arith.constant 2 : i32
    %dma_wait3A_210 = arith.constant 0 : i32
    %dma_wait3A_211 = arith.constant 0 : i32
    %dma_wait3A_212 = tpu.memref_slice %arg8[%dma_wait3A_208, %dma_wait3A_210, %dma_wait3A_211] : memref<3x80x128xf32, #tpu.memory_space<vmem>> -> memref<1x80x128xf32, #tpu.memory_space<vmem>>
    %dma_wait3A_213 = tpu.memref_squeeze %dma_wait3A_212 : memref<1x80x128xf32, #tpu.memory_space<vmem>> -> memref<80x128xf32, #tpu.memory_space<vmem>>
    %dma_wait3A_214 = arith.constant 9920 : i32
    %dma_wait3A_215 = tpu.memref_slice %arg6[%dma_wait3A_214] : memref<10000xi32, #tpu.memory_space<vmem>> -> memref<80xi32, #tpu.memory_space<vmem>>
    %dma_wait3A_216 = arith.constant 0 : i32
    %dma_wait3A_217 = arith.constant 0 : i32
    %dma_wait3A_218 = tpu.memref_slice %arg2[%dma_wait3A_216, %dma_wait3A_217] : memref<10000x128xf32, #tpu.memory_space<hbm>> -> memref<10000x128xf32, #tpu.memory_space<hbm>>
    %dma_wait3A_219 = tpu.memref_slice %arg10[%dma_wait3A_209] : memref<3x!tpu.dma_semaphore, #tpu.memory_space<semaphore_mem>> -> memref<1x!tpu.dma_semaphore, #tpu.memory_space<semaphore_mem>>
    %dma_wait3A_220 = tpu.memref_squeeze %dma_wait3A_219 : memref<1x!tpu.dma_semaphore, #tpu.memory_space<semaphore_mem>> -> memref<!tpu.dma_semaphore, #tpu.memory_space<semaphore_mem>>
    tpu.wait_indirect_dma semaphore(%dma_wait3A_220 : memref<!tpu.dma_semaphore, #tpu.memory_space<semaphore_mem>>) src(%dma_wait3A_218 : memref<10000x128xf32, #tpu.memory_space<hbm>>) dst(%dma_wait3A_213 : memref<80x128xf32, #tpu.memory_space<vmem>>)
    %mul3A_221 = arith.constant 10000 : i32
    %mul3A_222 = arith.muli %add3A, %mul3A_221 : i32
    %add3A_223 = arith.constant 9920 : i32
    %add3A_224 = arith.addi %mul3A_222, %add3A_223 : i32
    %dma_wait3A_225 = arith.constant 2 : i32
    %dma_wait3A_226 = arith.constant 2 : i32
    %dma_wait3A_227 = arith.constant 0 : i32
    %dma_wait3A_228 = tpu.memref_slice %arg7[%dma_wait3A_225, %dma_wait3A_227] : memref<3x80xi32, #tpu.memory_space<vmem>> -> memref<1x80xi32, #tpu.memory_space<vmem>>
    %dma_wait3A_229 = tpu.memref_squeeze %dma_wait3A_228 : memref<1x80xi32, #tpu.memory_space<vmem>> -> memref<80xi32, #tpu.memory_space<vmem>>
    %dma_wait3A_230 = tpu.memref_slice %arg4[%add3A_224] : memref<320000xi32, #tpu.memory_space<hbm>> -> memref<80xi32, #tpu.memory_space<hbm>>
    %dma_wait3A_231 = tpu.memref_slice %arg11[%dma_wait3A_226] : memref<3x!tpu.dma_semaphore, #tpu.memory_space<semaphore_mem>> -> memref<1x!tpu.dma_semaphore, #tpu.memory_space<semaphore_mem>>
    %dma_wait3A_232 = tpu.memref_squeeze %dma_wait3A_231 : memref<1x!tpu.dma_semaphore, #tpu.memory_space<semaphore_mem>> -> memref<!tpu.dma_semaphore, #tpu.memory_space<semaphore_mem>>
    %dma_wait3A_233 = arith.constant 0 : i32
    %dma_wait3A_234 = tpu.memref_slice %arg7[%dma_wait3A_225, %dma_wait3A_233] : memref<3x80xi32, #tpu.memory_space<vmem>> -> memref<1x80xi32, #tpu.memory_space<vmem>>
    %dma_wait3A_235 = tpu.memref_squeeze %dma_wait3A_234 : memref<1x80xi32, #tpu.memory_space<vmem>> -> memref<80xi32, #tpu.memory_space<vmem>>
    %dma_wait3A_236 = tpu.memref_slice %arg4[%add3A_224] : memref<320000xi32, #tpu.memory_space<hbm>> -> memref<80xi32, #tpu.memory_space<hbm>>
    tpu.wait_dma2 semaphore(%dma_wait3A_232 : memref<!tpu.dma_semaphore, #tpu.memory_space<semaphore_mem>>) src(%dma_wait3A_236 : memref<80xi32, #tpu.memory_space<hbm>>) dst(%dma_wait3A_235 : memref<80xi32, #tpu.memory_space<vmem>>)
    %dma_wait3A_237 = arith.constant 1 : i32
    %dma_wait3A_238 = arith.constant 1 : i32
    %dma_wait3A_239 = arith.constant 1 : i32
    %dma_wait3A_240 = arith.constant 0 : i32
    %dma_wait3A_241 = arith.constant 0 : i32
    %dma_wait3A_242 = tpu.memref_slice %arg8[%dma_wait3A_237, %dma_wait3A_240, %dma_wait3A_241] : memref<3x80x128xf32, #tpu.memory_space<vmem>> -> memref<1x80x128xf32, #tpu.memory_space<vmem>>
    %dma_wait3A_243 = tpu.memref_squeeze %dma_wait3A_242 : memref<1x80x128xf32, #tpu.memory_space<vmem>> -> memref<80x128xf32, #tpu.memory_space<vmem>>
    %dma_wait3A_244 = arith.constant 0 : i32
    %dma_wait3A_245 = tpu.memref_slice %arg7[%dma_wait3A_238, %dma_wait3A_244] : memref<3x80xi32, #tpu.memory_space<vmem>> -> memref<1x80xi32, #tpu.memory_space<vmem>>
    %dma_wait3A_246 = tpu.memref_squeeze %dma_wait3A_245 : memref<1x80xi32, #tpu.memory_space<vmem>> -> memref<80xi32, #tpu.memory_space<vmem>>
    %dma_wait3A_247 = arith.constant 0 : i32
    %dma_wait3A_248 = arith.constant 0 : i32
    %dma_wait3A_249 = tpu.memref_slice %arg9[%dma_wait3A_247, %dma_wait3A_248] : memref<10240x128xf32, #tpu.memory_space<vmem_shared>> -> memref<10240x128xf32, #tpu.memory_space<vmem_shared>>
    %dma_wait3A_250 = tpu.memref_slice %arg12[%dma_wait3A_239] : memref<3x!tpu.dma_semaphore, #tpu.memory_space<semaphore_mem>> -> memref<1x!tpu.dma_semaphore, #tpu.memory_space<semaphore_mem>>
    %dma_wait3A_251 = tpu.memref_squeeze %dma_wait3A_250 : memref<1x!tpu.dma_semaphore, #tpu.memory_space<semaphore_mem>> -> memref<!tpu.dma_semaphore, #tpu.memory_space<semaphore_mem>>
    tpu.wait_indirect_dma semaphore(%dma_wait3A_251 : memref<!tpu.dma_semaphore, #tpu.memory_space<semaphore_mem>>) src(%dma_wait3A_243 : memref<80x128xf32, #tpu.memory_space<vmem>>) dst(%dma_wait3A_249 : memref<10240x128xf32, #tpu.memory_space<vmem_shared>>)
    %barrier3A_252 = arith.constant 0 : index
    tpu.barrier barrier_id(%barrier3A_252)
    %mul3A_253 = arith.constant 640 : i32
    %mul3A_254 = arith.muli %arg1, %mul3A_253 : i32
    %mul3A_255 = arith.constant 640 : i32
    %mul3A_256 = arith.muli %arg1, %mul3A_255 : i32
    "tpu.region"() ({
      %run_scoped3A = tpu.sem_alloc : memref<!tpu.dma_semaphore, #tpu.memory_space<semaphore_mem>>
      %dma_start3A_257 = arith.constant 0 : i32
      %dma_start3A_258 = tpu.memref_slice %arg5[%arg0, %mul3A_256, %dma_start3A_257] : memref<2x10240x128xf32, #tpu.memory_space<hbm>> -> memref<1x640x128xf32, #tpu.memory_space<hbm>>
      %dma_start3A_259 = tpu.memref_squeeze %dma_start3A_258 : memref<1x640x128xf32, #tpu.memory_space<hbm>> -> memref<640x128xf32, #tpu.memory_space<hbm>>
      %dma_start3A_260 = arith.constant 0 : i32
      %dma_start3A_261 = tpu.memref_slice %arg9[%mul3A_254, %dma_start3A_260] : memref<10240x128xf32, #tpu.memory_space<vmem_shared>> -> memref<640x128xf32, #tpu.memory_space<vmem_shared>>
      tpu.enqueue_dma source(%dma_start3A_261 : memref<640x128xf32, #tpu.memory_space<vmem_shared>>) target(%dma_start3A_259 : memref<640x128xf32, #tpu.memory_space<hbm>>) target_semaphore(%run_scoped3A : memref<!tpu.dma_semaphore, #tpu.memory_space<semaphore_mem>>)
      %dma_wait3A_262 = arith.constant 0 : i32
      %dma_wait3A_263 = tpu.memref_slice %arg5[%arg0, %mul3A_256, %dma_wait3A_262] : memref<2x10240x128xf32, #tpu.memory_space<hbm>> -> memref<1x640x128xf32, #tpu.memory_space<hbm>>
      %dma_wait3A_264 = tpu.memref_squeeze %dma_wait3A_263 : memref<1x640x128xf32, #tpu.memory_space<hbm>> -> memref<640x128xf32, #tpu.memory_space<hbm>>
      %dma_wait3A_265 = arith.constant 0 : i32
      %dma_wait3A_266 = tpu.memref_slice %arg9[%mul3A_254, %dma_wait3A_265] : memref<10240x128xf32, #tpu.memory_space<vmem_shared>> -> memref<640x128xf32, #tpu.memory_space<vmem_shared>>
      tpu.wait_dma2 semaphore(%run_scoped3A : memref<!tpu.dma_semaphore, #tpu.memory_space<semaphore_mem>>) src(%dma_wait3A_266 : memref<640x128xf32, #tpu.memory_space<vmem_shared>>) dst(%dma_wait3A_264 : memref<640x128xf32, #tpu.memory_space<hbm>>)
      tpu.yield
    }) : () -> ()
    return
  }
}

#map = affine_map<(d0, d1) -> (0, 0)>
#map1 = affine_map<(d0, d1) -> (0)>
#map2 = affine_map<(d0, d1) -> (0, 0, 0)>
module attributes {stable_mosaic.version = 14 : i64} {
  func.func @_sc_agg_body(%arg0: i32, %arg1: i32, %arg2: memref<10000x128xf32, #tpu.memory_space<hbm>>, %arg3: memref<320000xi32, #tpu.memory_space<hbm>>, %arg4: memref<320000xi32, #tpu.memory_space<hbm>>, %arg5: memref<2x10240x128xf32, #tpu.memory_space<hbm>>, %arg6: memref<10000xi32, #tpu.memory_space<vmem>>, %arg7: memref<3x80xi32, #tpu.memory_space<vmem>>, %arg8: memref<3x80x128xf32, #tpu.memory_space<vmem>>, %arg9: memref<10240x128xf32, #tpu.memory_space<vmem_shared>>, %arg10: memref<3x!tpu.dma_semaphore, #tpu.memory_space<semaphore_mem>>, %arg11: memref<3x!tpu.dma_semaphore, #tpu.memory_space<semaphore_mem>>, %arg12: memref<3x!tpu.dma_semaphore, #tpu.memory_space<semaphore_mem>>) attributes {dimension_semantics = [#tpu.dimension_semantics<core_parallel>, #tpu.dimension_semantics<subcore_parallel>], iteration_bounds = array<i64: 2, 16>, scalar_prefetch = 0 : i64, scratch_operands = 7 : i64, tpu.core_type = #tpu.core_type<sc_vector_subcore>, window_params = [{transform_indices = #map}, {transform_indices = #map1}, {transform_indices = #map1}, {transform_indices = #map2}]} {
    %mul3A = arith.constant 16 : i32
    %mul3A_0 = arith.muli %arg0, %mul3A : i32
    %add3A = arith.addi %mul3A_0, %arg1 : i32
    %mul3A_1 = arith.constant 10000 : i32
    %mul3A_2 = arith.muli %add3A, %mul3A_1 : i32
    "tpu.region"() ({
      %run_scoped3A = tpu.sem_alloc : memref<!tpu.dma_semaphore, #tpu.memory_space<semaphore_mem>>
      %dma_start3A_257 = tpu.memref_slice %arg3[%mul3A_2] : memref<320000xi32, #tpu.memory_space<hbm>> -> memref<10000xi32, #tpu.memory_space<hbm>>
      %dma_start3A_258 = tpu.memref_slice %arg3[%mul3A_2] : memref<320000xi32, #tpu.memory_space<hbm>> -> memref<10000xi32, #tpu.memory_space<hbm>>
      tpu.enqueue_dma source(%dma_start3A_258 : memref<10000xi32, #tpu.memory_space<hbm>>) target(%arg6 : memref<10000xi32, #tpu.memory_space<vmem>>) target_semaphore(%run_scoped3A : memref<!tpu.dma_semaphore, #tpu.memory_space<semaphore_mem>>)
      %dma_wait3A_259 = tpu.memref_slice %arg3[%mul3A_2] : memref<320000xi32, #tpu.memory_space<hbm>> -> memref<10000xi32, #tpu.memory_space<hbm>>
      %dma_wait3A_260 = tpu.memref_slice %arg3[%mul3A_2] : memref<320000xi32, #tpu.memory_space<hbm>> -> memref<10000xi32, #tpu.memory_space<hbm>>
      tpu.wait_dma2 semaphore(%run_scoped3A : memref<!tpu.dma_semaphore, #tpu.memory_space<semaphore_mem>>) src(%dma_wait3A_260 : memref<10000xi32, #tpu.memory_space<hbm>>) dst(%arg6 : memref<10000xi32, #tpu.memory_space<vmem>>)
      tpu.yield
    }) : () -> ()
    %scan3A = arith.constant 0 : i32
    %scan3A_3 = arith.constant 0 : i32
    %scan3A_4 = arith.constant 80 : i32
    %scan3A_5 = arith.addi %scan3A_3, %scan3A_4 : i32
    %scan3A_6 = arith.constant 1 : i32
    scf.for %scan3A_257 = %scan3A_3 to %scan3A_5 step %scan3A_6  : i32 {
      %broadcast_in_dim3A = arith.constant 0.000000e+00 : f32
      %broadcast_in_dim3A_258 = vector.broadcast %broadcast_in_dim3A : f32 to vector<16xf32>
      %swap3A = arith.constant 0 : i32
      %swap3A_259 = arith.index_cast %swap3A : i32 to index
      %swap3A_260 = arith.index_cast %scan3A_257 : i32 to index
      %swap3A_261 = arith.constant 0 : index
      %swap3A_262 = tpu.vector_load %arg8[%swap3A_259, %swap3A_260, %swap3A_261] {strides = array<i32>} : memref<3x80x128xf32, #tpu.memory_space<vmem>>, vector<1x1x16xf32>,
      %swap3A_263 = vector.shape_cast %swap3A_262 : vector<1x1x16xf32> to vector<16xf32>
      %swap3A_264 = vector.shape_cast %broadcast_in_dim3A_258 : vector<16xf32> to vector<1x1x16xf32>
      tpu.vector_store %arg8[%swap3A_259, %swap3A_260, %swap3A_261], %swap3A_264 {strides = array<i32>} : memref<3x80x128xf32, #tpu.memory_space<vmem>>, vector<1x1x16xf32>,
      %broadcast_in_dim3A_265 = arith.constant 0.000000e+00 : f32
      %broadcast_in_dim3A_266 = vector.broadcast %broadcast_in_dim3A_265 : f32 to vector<16xf32>
      %swap3A_267 = arith.constant 0 : i32
      %swap3A_268 = arith.index_cast %swap3A_267 : i32 to index
      %swap3A_269 = arith.index_cast %scan3A_257 : i32 to index
      %swap3A_270 = arith.constant 16 : index
      %swap3A_271 = tpu.vector_load %arg8[%swap3A_268, %swap3A_269, %swap3A_270] {strides = array<i32>} : memref<3x80x128xf32, #tpu.memory_space<vmem>>, vector<1x1x16xf32>,
      %swap3A_272 = vector.shape_cast %swap3A_271 : vector<1x1x16xf32> to vector<16xf32>
      %swap3A_273 = vector.shape_cast %broadcast_in_dim3A_266 : vector<16xf32> to vector<1x1x16xf32>
      tpu.vector_store %arg8[%swap3A_268, %swap3A_269, %swap3A_270], %swap3A_273 {strides = array<i32>} : memref<3x80x128xf32, #tpu.memory_space<vmem>>, vector<1x1x16xf32>,
      %broadcast_in_dim3A_274 = arith.constant 0.000000e+00 : f32
      %broadcast_in_dim3A_275 = vector.broadcast %broadcast_in_dim3A_274 : f32 to vector<16xf32>
      %swap3A_276 = arith.constant 0 : i32
      %swap3A_277 = arith.index_cast %swap3A_276 : i32 to index
      %swap3A_278 = arith.index_cast %scan3A_257 : i32 to index
      %swap3A_279 = arith.constant 32 : index
      %swap3A_280 = tpu.vector_load %arg8[%swap3A_277, %swap3A_278, %swap3A_279] {strides = array<i32>} : memref<3x80x128xf32, #tpu.memory_space<vmem>>, vector<1x1x16xf32>,
      %swap3A_281 = vector.shape_cast %swap3A_280 : vector<1x1x16xf32> to vector<16xf32>
      %swap3A_282 = vector.shape_cast %broadcast_in_dim3A_275 : vector<16xf32> to vector<1x1x16xf32>
      tpu.vector_store %arg8[%swap3A_277, %swap3A_278, %swap3A_279], %swap3A_282 {strides = array<i32>} : memref<3x80x128xf32, #tpu.memory_space<vmem>>, vector<1x1x16xf32>,
      %broadcast_in_dim3A_283 = arith.constant 0.000000e+00 : f32
      %broadcast_in_dim3A_284 = vector.broadcast %broadcast_in_dim3A_283 : f32 to vector<16xf32>
      %swap3A_285 = arith.constant 0 : i32
      %swap3A_286 = arith.index_cast %swap3A_285 : i32 to index
      %swap3A_287 = arith.index_cast %scan3A_257 : i32 to index
      %swap3A_288 = arith.constant 48 : index
      %swap3A_289 = tpu.vector_load %arg8[%swap3A_286, %swap3A_287, %swap3A_288] {strides = array<i32>} : memref<3x80x128xf32, #tpu.memory_space<vmem>>, vector<1x1x16xf32>,
      %swap3A_290 = vector.shape_cast %swap3A_289 : vector<1x1x16xf32> to vector<16xf32>
      %swap3A_291 = vector.shape_cast %broadcast_in_dim3A_284 : vector<16xf32> to vector<1x1x16xf32>
      tpu.vector_store %arg8[%swap3A_286, %swap3A_287, %swap3A_288], %swap3A_291 {strides = array<i32>} : memref<3x80x128xf32, #tpu.memory_space<vmem>>, vector<1x1x16xf32>,
      %broadcast_in_dim3A_292 = arith.constant 0.000000e+00 : f32
      %broadcast_in_dim3A_293 = vector.broadcast %broadcast_in_dim3A_292 : f32 to vector<16xf32>
      %swap3A_294 = arith.constant 0 : i32
      %swap3A_295 = arith.index_cast %swap3A_294 : i32 to index
      %swap3A_296 = arith.index_cast %scan3A_257 : i32 to index
      %swap3A_297 = arith.constant 64 : index
      %swap3A_298 = tpu.vector_load %arg8[%swap3A_295, %swap3A_296, %swap3A_297] {strides = array<i32>} : memref<3x80x128xf32, #tpu.memory_space<vmem>>, vector<1x1x16xf32>,
      %swap3A_299 = vector.shape_cast %swap3A_298 : vector<1x1x16xf32> to vector<16xf32>
      %swap3A_300 = vector.shape_cast %broadcast_in_dim3A_293 : vector<16xf32> to vector<1x1x16xf32>
      tpu.vector_store %arg8[%swap3A_295, %swap3A_296, %swap3A_297], %swap3A_300 {strides = array<i32>} : memref<3x80x128xf32, #tpu.memory_space<vmem>>, vector<1x1x16xf32>,
      %broadcast_in_dim3A_301 = arith.constant 0.000000e+00 : f32
      %broadcast_in_dim3A_302 = vector.broadcast %broadcast_in_dim3A_301 : f32 to vector<16xf32>
      %swap3A_303 = arith.constant 0 : i32
      %swap3A_304 = arith.index_cast %swap3A_303 : i32 to index
      %swap3A_305 = arith.index_cast %scan3A_257 : i32 to index
      %swap3A_306 = arith.constant 80 : index
      %swap3A_307 = tpu.vector_load %arg8[%swap3A_304, %swap3A_305, %swap3A_306] {strides = array<i32>} : memref<3x80x128xf32, #tpu.memory_space<vmem>>, vector<1x1x16xf32>,
      %swap3A_308 = vector.shape_cast %swap3A_307 : vector<1x1x16xf32> to vector<16xf32>
      %swap3A_309 = vector.shape_cast %broadcast_in_dim3A_302 : vector<16xf32> to vector<1x1x16xf32>
      tpu.vector_store %arg8[%swap3A_304, %swap3A_305, %swap3A_306], %swap3A_309 {strides = array<i32>} : memref<3x80x128xf32, #tpu.memory_space<vmem>>, vector<1x1x16xf32>,
      %broadcast_in_dim3A_310 = arith.constant 0.000000e+00 : f32
      %broadcast_in_dim3A_311 = vector.broadcast %broadcast_in_dim3A_310 : f32 to vector<16xf32>
      %swap3A_312 = arith.constant 0 : i32
      %swap3A_313 = arith.index_cast %swap3A_312 : i32 to index
      %swap3A_314 = arith.index_cast %scan3A_257 : i32 to index
      %swap3A_315 = arith.constant 96 : index
      %swap3A_316 = tpu.vector_load %arg8[%swap3A_313, %swap3A_314, %swap3A_315] {strides = array<i32>} : memref<3x80x128xf32, #tpu.memory_space<vmem>>, vector<1x1x16xf32>,
      %swap3A_317 = vector.shape_cast %swap3A_316 : vector<1x1x16xf32> to vector<16xf32>
      %swap3A_318 = vector.shape_cast %broadcast_in_dim3A_311 : vector<16xf32> to vector<1x1x16xf32>
      tpu.vector_store %arg8[%swap3A_313, %swap3A_314, %swap3A_315], %swap3A_318 {strides = array<i32>} : memref<3x80x128xf32, #tpu.memory_space<vmem>>, vector<1x1x16xf32>,
      %broadcast_in_dim3A_319 = arith.constant 0.000000e+00 : f32
      %broadcast_in_dim3A_320 = vector.broadcast %broadcast_in_dim3A_319 : f32 to vector<16xf32>
      %swap3A_321 = arith.constant 0 : i32
      %swap3A_322 = arith.index_cast %swap3A_321 : i32 to index
      %swap3A_323 = arith.index_cast %scan3A_257 : i32 to index
      %swap3A_324 = arith.constant 112 : index
      %swap3A_325 = tpu.vector_load %arg8[%swap3A_322, %swap3A_323, %swap3A_324] {strides = array<i32>} : memref<3x80x128xf32, #tpu.memory_space<vmem>>, vector<1x1x16xf32>,
      %swap3A_326 = vector.shape_cast %swap3A_325 : vector<1x1x16xf32> to vector<16xf32>
      %swap3A_327 = vector.shape_cast %broadcast_in_dim3A_320 : vector<16xf32> to vector<1x1x16xf32>
      tpu.vector_store %arg8[%swap3A_322, %swap3A_323, %swap3A_324], %swap3A_327 {strides = array<i32>} : memref<3x80x128xf32, #tpu.memory_space<vmem>>, vector<1x1x16xf32>,
    }
    %scan3A_7 = arith.constant 80 : i32
    %scan3A_8 = arith.constant 0 : i32
    %scan3A_9 = arith.constant 0 : i32
    %scan3A_10 = arith.constant 8 : i32
    %scan3A_11 = arith.addi %scan3A_9, %scan3A_10 : i32
    %scan3A_12 = arith.constant 1 : i32
    scf.for %scan3A_257 = %scan3A_9 to %scan3A_11 step %scan3A_12  : i32 {
      %mul3A_258 = arith.constant 640 : i32
      %mul3A_259 = arith.muli %arg1, %mul3A_258 : i32
      %mul3A_260 = arith.constant 80 : i32
      %mul3A_261 = arith.muli %scan3A_257, %mul3A_260 : i32
      %add3A_262 = arith.addi %mul3A_259, %mul3A_261 : i32
      %run_scoped3A = arith.constant 0 : i32
      "tpu.region"() ({
        %run_scoped3A_263 = tpu.sem_alloc : memref<!tpu.dma_semaphore, #tpu.memory_space<semaphore_mem>>
        %dma_start3A_264 = arith.constant 0 : i32
        %dma_start3A_265 = arith.constant 0 : i32
        %dma_start3A_266 = tpu.memref_slice %arg8[%run_scoped3A, %dma_start3A_264, %dma_start3A_265] : memref<3x80x128xf32, #tpu.memory_space<vmem>> -> memref<1x80x128xf32, #tpu.memory_space<vmem>>
        %dma_start3A_267 = tpu.memref_squeeze %dma_start3A_266 : memref<1x80x128xf32, #tpu.memory_space<vmem>> -> memref<80x128xf32, #tpu.memory_space<vmem>>
        %dma_start3A_268 = arith.constant 0 : i32
        %dma_start3A_269 = tpu.memref_slice %arg9[%add3A_262, %dma_start3A_268] : memref<10240x128xf32, #tpu.memory_space<vmem_shared>> -> memref<80x128xf32, #tpu.memory_space<vmem_shared>>
        %dma_start3A_270 = arith.constant 0 : i32
        %dma_start3A_271 = tpu.memref_slice %arg9[%add3A_262, %dma_start3A_270] : memref<10240x128xf32, #tpu.memory_space<vmem_shared>> -> memref<80x128xf32, #tpu.memory_space<vmem_shared>>
        %dma_start3A_272 = arith.constant 0 : i32
        %dma_start3A_273 = arith.constant 0 : i32
        %dma_start3A_274 = tpu.memref_slice %arg8[%run_scoped3A, %dma_start3A_272, %dma_start3A_273] : memref<3x80x128xf32, #tpu.memory_space<vmem>> -> memref<1x80x128xf32, #tpu.memory_space<vmem>>
        %dma_start3A_275 = tpu.memref_squeeze %dma_start3A_274 : memref<1x80x128xf32, #tpu.memory_space<vmem>> -> memref<80x128xf32, #tpu.memory_space<vmem>>
        tpu.enqueue_dma source(%dma_start3A_275 : memref<80x128xf32, #tpu.memory_space<vmem>>) target(%dma_start3A_271 : memref<80x128xf32, #tpu.memory_space<vmem_shared>>) target_semaphore(%run_scoped3A_263 : memref<!tpu.dma_semaphore, #tpu.memory_space<semaphore_mem>>)
        %dma_wait3A_276 = arith.constant 0 : i32
        %dma_wait3A_277 = arith.constant 0 : i32
        %dma_wait3A_278 = tpu.memref_slice %arg8[%run_scoped3A, %dma_wait3A_276, %dma_wait3A_277] : memref<3x80x128xf32, #tpu.memory_space<vmem>> -> memref<1x80x128xf32, #tpu.memory_space<vmem>>
        %dma_wait3A_279 = tpu.memref_squeeze %dma_wait3A_278 : memref<1x80x128xf32, #tpu.memory_space<vmem>> -> memref<80x128xf32, #tpu.memory_space<vmem>>
        %dma_wait3A_280 = arith.constant 0 : i32
        %dma_wait3A_281 = tpu.memref_slice %arg9[%add3A_262, %dma_wait3A_280] : memref<10240x128xf32, #tpu.memory_space<vmem_shared>> -> memref<80x128xf32, #tpu.memory_space<vmem_shared>>
        %dma_wait3A_282 = arith.constant 0 : i32
        %dma_wait3A_283 = tpu.memref_slice %arg9[%add3A_262, %dma_wait3A_282] : memref<10240x128xf32, #tpu.memory_space<vmem_shared>> -> memref<80x128xf32, #tpu.memory_space<vmem_shared>>
        %dma_wait3A_284 = arith.constant 0 : i32
        %dma_wait3A_285 = arith.constant 0 : i32
        %dma_wait3A_286 = tpu.memref_slice %arg8[%run_scoped3A, %dma_wait3A_284, %dma_wait3A_285] : memref<3x80x128xf32, #tpu.memory_space<vmem>> -> memref<1x80x128xf32, #tpu.memory_space<vmem>>
        %dma_wait3A_287 = tpu.memref_squeeze %dma_wait3A_286 : memref<1x80x128xf32, #tpu.memory_space<vmem>> -> memref<80x128xf32, #tpu.memory_space<vmem>>
        tpu.wait_dma2 semaphore(%run_scoped3A_263 : memref<!tpu.dma_semaphore, #tpu.memory_space<semaphore_mem>>) src(%dma_wait3A_287 : memref<80x128xf32, #tpu.memory_space<vmem>>) dst(%dma_wait3A_283 : memref<80x128xf32, #tpu.memory_space<vmem_shared>>)
        tpu.yield
      }) : () -> ()
    }
    %scan3A_13 = arith.constant 8 : i32
    %barrier3A = arith.constant 0 : index
    tpu.barrier barrier_id(%barrier3A)
    %mul3A_14 = arith.constant 10000 : i32
    %mul3A_15 = arith.muli %add3A, %mul3A_14 : i32
    %add3A_16 = arith.constant 0 : i32
    %add3A_17 = arith.addi %mul3A_15, %add3A_16 : i32
    %dma_start3A = arith.constant 0 : i32
    %dma_start3A_18 = arith.constant 0 : i32
    %dma_start3A_19 = arith.constant 0 : i32
    %dma_start3A_20 = tpu.memref_slice %arg7[%dma_start3A, %dma_start3A_19] : memref<3x80xi32, #tpu.memory_space<vmem>> -> memref<1x80xi32, #tpu.memory_space<vmem>>
    %dma_start3A_21 = tpu.memref_squeeze %dma_start3A_20 : memref<1x80xi32, #tpu.memory_space<vmem>> -> memref<80xi32, #tpu.memory_space<vmem>>
    %dma_start3A_22 = tpu.memref_slice %arg4[%add3A_17] : memref<320000xi32, #tpu.memory_space<hbm>> -> memref<80xi32, #tpu.memory_space<hbm>>
    %dma_start3A_23 = tpu.memref_slice %arg11[%dma_start3A_18] : memref<3x!tpu.dma_semaphore, #tpu.memory_space<semaphore_mem>> -> memref<1x!tpu.dma_semaphore, #tpu.memory_space<semaphore_mem>>
    %dma_start3A_24 = tpu.memref_squeeze %dma_start3A_23 : memref<1x!tpu.dma_semaphore, #tpu.memory_space<semaphore_mem>> -> memref<!tpu.dma_semaphore, #tpu.memory_space<semaphore_mem>>
    %dma_start3A_25 = arith.constant 0 : i32
    %dma_start3A_26 = tpu.memref_slice %arg7[%dma_start3A, %dma_start3A_25] : memref<3x80xi32, #tpu.memory_space<vmem>> -> memref<1x80xi32, #tpu.memory_space<vmem>>
    %dma_start3A_27 = tpu.memref_squeeze %dma_start3A_26 : memref<1x80xi32, #tpu.memory_space<vmem>> -> memref<80xi32, #tpu.memory_space<vmem>>
    %dma_start3A_28 = tpu.memref_slice %arg4[%add3A_17] : memref<320000xi32, #tpu.memory_space<hbm>> -> memref<80xi32, #tpu.memory_space<hbm>>
    tpu.enqueue_dma source(%dma_start3A_28 : memref<80xi32, #tpu.memory_space<hbm>>) target(%dma_start3A_27 : memref<80xi32, #tpu.memory_space<vmem>>) target_semaphore(%dma_start3A_24 : memref<!tpu.dma_semaphore, #tpu.memory_space<semaphore_mem>>)
    %mul3A_29 = arith.constant 10000 : i32
    %mul3A_30 = arith.muli %add3A, %mul3A_29 : i32
    %add3A_31 = arith.constant 80 : i32
    %add3A_32 = arith.addi %mul3A_30, %add3A_31 : i32
    %dma_start3A_33 = arith.constant 1 : i32
    %dma_start3A_34 = arith.constant 1 : i32
    %dma_start3A_35 = arith.constant 0 : i32
    %dma_start3A_36 = tpu.memref_slice %arg7[%dma_start3A_33, %dma_start3A_35] : memref<3x80xi32, #tpu.memory_space<vmem>> -> memref<1x80xi32, #tpu.memory_space<vmem>>
    %dma_start3A_37 = tpu.memref_squeeze %dma_start3A_36 : memref<1x80xi32, #tpu.memory_space<vmem>> -> memref<80xi32, #tpu.memory_space<vmem>>
    %dma_start3A_38 = tpu.memref_slice %arg4[%add3A_32] : memref<320000xi32, #tpu.memory_space<hbm>> -> memref<80xi32, #tpu.memory_space<hbm>>
    %dma_start3A_39 = tpu.memref_slice %arg11[%dma_start3A_34] : memref<3x!tpu.dma_semaphore, #tpu.memory_space<semaphore_mem>> -> memref<1x!tpu.dma_semaphore, #tpu.memory_space<semaphore_mem>>
    %dma_start3A_40 = tpu.memref_squeeze %dma_start3A_39 : memref<1x!tpu.dma_semaphore, #tpu.memory_space<semaphore_mem>> -> memref<!tpu.dma_semaphore, #tpu.memory_space<semaphore_mem>>
    %dma_start3A_41 = arith.constant 0 : i32
    %dma_start3A_42 = tpu.memref_slice %arg7[%dma_start3A_33, %dma_start3A_41] : memref<3x80xi32, #tpu.memory_space<vmem>> -> memref<1x80xi32, #tpu.memory_space<vmem>>
    %dma_start3A_43 = tpu.memref_squeeze %dma_start3A_42 : memref<1x80xi32, #tpu.memory_space<vmem>> -> memref<80xi32, #tpu.memory_space<vmem>>
    %dma_start3A_44 = tpu.memref_slice %arg4[%add3A_32] : memref<320000xi32, #tpu.memory_space<hbm>> -> memref<80xi32, #tpu.memory_space<hbm>>
    tpu.enqueue_dma source(%dma_start3A_44 : memref<80xi32, #tpu.memory_space<hbm>>) target(%dma_start3A_43 : memref<80xi32, #tpu.memory_space<vmem>>) target_semaphore(%dma_start3A_40 : memref<!tpu.dma_semaphore, #tpu.memory_space<semaphore_mem>>)
    %dma_start3A_45 = arith.constant 0 : i32
    %dma_start3A_46 = arith.constant 0 : i32
    %dma_start3A_47 = arith.constant 0 : i32
    %dma_start3A_48 = arith.constant 0 : i32
    %dma_start3A_49 = tpu.memref_slice %arg8[%dma_start3A_45, %dma_start3A_47, %dma_start3A_48] : memref<3x80x128xf32, #tpu.memory_space<vmem>> -> memref<1x80x128xf32, #tpu.memory_space<vmem>>
    %dma_start3A_50 = tpu.memref_squeeze %dma_start3A_49 : memref<1x80x128xf32, #tpu.memory_space<vmem>> -> memref<80x128xf32, #tpu.memory_space<vmem>>
    %dma_start3A_51 = arith.constant 0 : i32
    %dma_start3A_52 = tpu.memref_slice %arg6[%dma_start3A_51] : memref<10000xi32, #tpu.memory_space<vmem>> -> memref<80xi32, #tpu.memory_space<vmem>>
    %dma_start3A_53 = arith.constant 0 : i32
    %dma_start3A_54 = arith.constant 0 : i32
    %dma_start3A_55 = tpu.memref_slice %arg2[%dma_start3A_53, %dma_start3A_54] : memref<10000x128xf32, #tpu.memory_space<hbm>> -> memref<10000x128xf32, #tpu.memory_space<hbm>>
    %dma_start3A_56 = tpu.memref_slice %arg10[%dma_start3A_46] : memref<3x!tpu.dma_semaphore, #tpu.memory_space<semaphore_mem>> -> memref<1x!tpu.dma_semaphore, #tpu.memory_space<semaphore_mem>>
    %dma_start3A_57 = tpu.memref_squeeze %dma_start3A_56 : memref<1x!tpu.dma_semaphore, #tpu.memory_space<semaphore_mem>> -> memref<!tpu.dma_semaphore, #tpu.memory_space<semaphore_mem>>
    tpu.enqueue_indirect_dma source(%dma_start3A_55 : memref<10000x128xf32, #tpu.memory_space<hbm>>) target(%dma_start3A_50 : memref<80x128xf32, #tpu.memory_space<vmem>>) offsets(%dma_start3A_52 : memref<80xi32, #tpu.memory_space<vmem>>) semaphore(%dma_start3A_57 : memref<!tpu.dma_semaphore, #tpu.memory_space<semaphore_mem>>)
    %dma_start3A_58 = arith.constant 1 : i32
    %dma_start3A_59 = arith.constant 1 : i32
    %dma_start3A_60 = arith.constant 0 : i32
    %dma_start3A_61 = arith.constant 0 : i32
    %dma_start3A_62 = tpu.memref_slice %arg8[%dma_start3A_58, %dma_start3A_60, %dma_start3A_61] : memref<3x80x128xf32, #tpu.memory_space<vmem>> -> memref<1x80x128xf32, #tpu.memory_space<vmem>>
    %dma_start3A_63 = tpu.memref_squeeze %dma_start3A_62 : memref<1x80x128xf32, #tpu.memory_space<vmem>> -> memref<80x128xf32, #tpu.memory_space<vmem>>
    %dma_start3A_64 = arith.constant 80 : i32
    %dma_start3A_65 = tpu.memref_slice %arg6[%dma_start3A_64] : memref<10000xi32, #tpu.memory_space<vmem>> -> memref<80xi32, #tpu.memory_space<vmem>>
    %dma_start3A_66 = arith.constant 0 : i32
    %dma_start3A_67 = arith.constant 0 : i32
    %dma_start3A_68 = tpu.memref_slice %arg2[%dma_start3A_66, %dma_start3A_67] : memref<10000x128xf32, #tpu.memory_space<hbm>> -> memref<10000x128xf32, #tpu.memory_space<hbm>>
    %dma_start3A_69 = tpu.memref_slice %arg10[%dma_start3A_59] : memref<3x!tpu.dma_semaphore, #tpu.memory_space<semaphore_mem>> -> memref<1x!tpu.dma_semaphore, #tpu.memory_space<semaphore_mem>>
    %dma_start3A_70 = tpu.memref_squeeze %dma_start3A_69 : memref<1x!tpu.dma_semaphore, #tpu.memory_space<semaphore_mem>> -> memref<!tpu.dma_semaphore, #tpu.memory_space<semaphore_mem>>
    tpu.enqueue_indirect_dma source(%dma_start3A_68 : memref<10000x128xf32, #tpu.memory_space<hbm>>) target(%dma_start3A_63 : memref<80x128xf32, #tpu.memory_space<vmem>>) offsets(%dma_start3A_65 : memref<80xi32, #tpu.memory_space<vmem>>) semaphore(%dma_start3A_70 : memref<!tpu.dma_semaphore, #tpu.memory_space<semaphore_mem>>)
    %dma_wait3A = arith.constant 0 : i32
    %dma_wait3A_71 = arith.constant 0 : i32
    %dma_wait3A_72 = arith.constant 0 : i32
    %dma_wait3A_73 = arith.constant 0 : i32
    %dma_wait3A_74 = tpu.memref_slice %arg8[%dma_wait3A, %dma_wait3A_72, %dma_wait3A_73] : memref<3x80x128xf32, #tpu.memory_space<vmem>> -> memref<1x80x128xf32, #tpu.memory_space<vmem>>
    %dma_wait3A_75 = tpu.memref_squeeze %dma_wait3A_74 : memref<1x80x128xf32, #tpu.memory_space<vmem>> -> memref<80x128xf32, #tpu.memory_space<vmem>>
    %dma_wait3A_76 = arith.constant 0 : i32
    %dma_wait3A_77 = tpu.memref_slice %arg6[%dma_wait3A_76] : memref<10000xi32, #tpu.memory_space<vmem>> -> memref<80xi32, #tpu.memory_space<vmem>>
    %dma_wait3A_78 = arith.constant 0 : i32
    %dma_wait3A_79 = arith.constant 0 : i32
    %dma_wait3A_80 = tpu.memref_slice %arg2[%dma_wait3A_78, %dma_wait3A_79] : memref<10000x128xf32, #tpu.memory_space<hbm>> -> memref<10000x128xf32, #tpu.memory_space<hbm>>
    %dma_wait3A_81 = tpu.memref_slice %arg10[%dma_wait3A_71] : memref<3x!tpu.dma_semaphore, #tpu.memory_space<semaphore_mem>> -> memref<1x!tpu.dma_semaphore, #tpu.memory_space<semaphore_mem>>
    %dma_wait3A_82 = tpu.memref_squeeze %dma_wait3A_81 : memref<1x!tpu.dma_semaphore, #tpu.memory_space<semaphore_mem>> -> memref<!tpu.dma_semaphore, #tpu.memory_space<semaphore_mem>>
    tpu.wait_indirect_dma semaphore(%dma_wait3A_82 : memref<!tpu.dma_semaphore, #tpu.memory_space<semaphore_mem>>) src(%dma_wait3A_80 : memref<10000x128xf32, #tpu.memory_space<hbm>>) dst(%dma_wait3A_75 : memref<80x128xf32, #tpu.memory_space<vmem>>)
    %mul3A_83 = arith.constant 10000 : i32
    %mul3A_84 = arith.muli %add3A, %mul3A_83 : i32
    %add3A_85 = arith.constant 0 : i32
    %add3A_86 = arith.addi %mul3A_84, %add3A_85 : i32
    %dma_wait3A_87 = arith.constant 0 : i32
    %dma_wait3A_88 = arith.constant 0 : i32
    %dma_wait3A_89 = arith.constant 0 : i32
    %dma_wait3A_90 = tpu.memref_slice %arg7[%dma_wait3A_87, %dma_wait3A_89] : memref<3x80xi32, #tpu.memory_space<vmem>> -> memref<1x80xi32, #tpu.memory_space<vmem>>
    %dma_wait3A_91 = tpu.memref_squeeze %dma_wait3A_90 : memref<1x80xi32, #tpu.memory_space<vmem>> -> memref<80xi32, #tpu.memory_space<vmem>>
    %dma_wait3A_92 = tpu.memref_slice %arg4[%add3A_86] : memref<320000xi32, #tpu.memory_space<hbm>> -> memref<80xi32, #tpu.memory_space<hbm>>
    %dma_wait3A_93 = tpu.memref_slice %arg11[%dma_wait3A_88] : memref<3x!tpu.dma_semaphore, #tpu.memory_space<semaphore_mem>> -> memref<1x!tpu.dma_semaphore, #tpu.memory_space<semaphore_mem>>
    %dma_wait3A_94 = tpu.memref_squeeze %dma_wait3A_93 : memref<1x!tpu.dma_semaphore, #tpu.memory_space<semaphore_mem>> -> memref<!tpu.dma_semaphore, #tpu.memory_space<semaphore_mem>>
    %dma_wait3A_95 = arith.constant 0 : i32
    %dma_wait3A_96 = tpu.memref_slice %arg7[%dma_wait3A_87, %dma_wait3A_95] : memref<3x80xi32, #tpu.memory_space<vmem>> -> memref<1x80xi32, #tpu.memory_space<vmem>>
    %dma_wait3A_97 = tpu.memref_squeeze %dma_wait3A_96 : memref<1x80xi32, #tpu.memory_space<vmem>> -> memref<80xi32, #tpu.memory_space<vmem>>
    %dma_wait3A_98 = tpu.memref_slice %arg4[%add3A_86] : memref<320000xi32, #tpu.memory_space<hbm>> -> memref<80xi32, #tpu.memory_space<hbm>>
    tpu.wait_dma2 semaphore(%dma_wait3A_94 : memref<!tpu.dma_semaphore, #tpu.memory_space<semaphore_mem>>) src(%dma_wait3A_98 : memref<80xi32, #tpu.memory_space<hbm>>) dst(%dma_wait3A_97 : memref<80xi32, #tpu.memory_space<vmem>>)
    %dma_start3A_99 = arith.constant 0 : i32
    %dma_start3A_100 = arith.constant 0 : i32
    %dma_start3A_101 = arith.constant 0 : i32
    %dma_start3A_102 = arith.constant 0 : i32
    %dma_start3A_103 = arith.constant 0 : i32
    %dma_start3A_104 = tpu.memref_slice %arg8[%dma_start3A_99, %dma_start3A_102, %dma_start3A_103] : memref<3x80x128xf32, #tpu.memory_space<vmem>> -> memref<1x80x128xf32, #tpu.memory_space<vmem>>
    %dma_start3A_105 = tpu.memref_squeeze %dma_start3A_104 : memref<1x80x128xf32, #tpu.memory_space<vmem>> -> memref<80x128xf32, #tpu.memory_space<vmem>>
    %dma_start3A_106 = arith.constant 0 : i32
    %dma_start3A_107 = tpu.memref_slice %arg7[%dma_start3A_100, %dma_start3A_106] : memref<3x80xi32, #tpu.memory_space<vmem>> -> memref<1x80xi32, #tpu.memory_space<vmem>>
    %dma_start3A_108 = tpu.memref_squeeze %dma_start3A_107 : memref<1x80xi32, #tpu.memory_space<vmem>> -> memref<80xi32, #tpu.memory_space<vmem>>
    %dma_start3A_109 = arith.constant 0 : i32
    %dma_start3A_110 = arith.constant 0 : i32
    %dma_start3A_111 = tpu.memref_slice %arg9[%dma_start3A_109, %dma_start3A_110] : memref<10240x128xf32, #tpu.memory_space<vmem_shared>> -> memref<10240x128xf32, #tpu.memory_space<vmem_shared>>
    %dma_start3A_112 = tpu.memref_slice %arg12[%dma_start3A_101] : memref<3x!tpu.dma_semaphore, #tpu.memory_space<semaphore_mem>> -> memref<1x!tpu.dma_semaphore, #tpu.memory_space<semaphore_mem>>
    %dma_start3A_113 = tpu.memref_squeeze %dma_start3A_112 : memref<1x!tpu.dma_semaphore, #tpu.memory_space<semaphore_mem>> -> memref<!tpu.dma_semaphore, #tpu.memory_space<semaphore_mem>>
    tpu.enqueue_indirect_dma source(%dma_start3A_105 : memref<80x128xf32, #tpu.memory_space<vmem>>) target(%dma_start3A_111 : memref<10240x128xf32, #tpu.memory_space<vmem_shared>>) offsets(%dma_start3A_108 : memref<80xi32, #tpu.memory_space<vmem>>) semaphore(%dma_start3A_113 : memref<!tpu.dma_semaphore, #tpu.memory_space<semaphore_mem>>) {add = true}
    %mul3A_114 = arith.constant 10000 : i32
    %mul3A_115 = arith.muli %add3A, %mul3A_114 : i32
    %add3A_116 = arith.constant 160 : i32
    %add3A_117 = arith.addi %mul3A_115, %add3A_116 : i32
    %dma_start3A_118 = arith.constant 2 : i32
    %dma_start3A_119 = arith.constant 2 : i32
    %dma_start3A_120 = arith.constant 0 : i32
    %dma_start3A_121 = tpu.memref_slice %arg7[%dma_start3A_118, %dma_start3A_120] : memref<3x80xi32, #tpu.memory_space<vmem>> -> memref<1x80xi32, #tpu.memory_space<vmem>>
    %dma_start3A_122 = tpu.memref_squeeze %dma_start3A_121 : memref<1x80xi32, #tpu.memory_space<vmem>> -> memref<80xi32, #tpu.memory_space<vmem>>
    %dma_start3A_123 = tpu.memref_slice %arg4[%add3A_117] : memref<320000xi32, #tpu.memory_space<hbm>> -> memref<80xi32, #tpu.memory_space<hbm>>
    %dma_start3A_124 = tpu.memref_slice %arg11[%dma_start3A_119] : memref<3x!tpu.dma_semaphore, #tpu.memory_space<semaphore_mem>> -> memref<1x!tpu.dma_semaphore, #tpu.memory_space<semaphore_mem>>
    %dma_start3A_125 = tpu.memref_squeeze %dma_start3A_124 : memref<1x!tpu.dma_semaphore, #tpu.memory_space<semaphore_mem>> -> memref<!tpu.dma_semaphore, #tpu.memory_space<semaphore_mem>>
    %dma_start3A_126 = arith.constant 0 : i32
    %dma_start3A_127 = tpu.memref_slice %arg7[%dma_start3A_118, %dma_start3A_126] : memref<3x80xi32, #tpu.memory_space<vmem>> -> memref<1x80xi32, #tpu.memory_space<vmem>>
    %dma_start3A_128 = tpu.memref_squeeze %dma_start3A_127 : memref<1x80xi32, #tpu.memory_space<vmem>> -> memref<80xi32, #tpu.memory_space<vmem>>
    %dma_start3A_129 = tpu.memref_slice %arg4[%add3A_117] : memref<320000xi32, #tpu.memory_space<hbm>> -> memref<80xi32, #tpu.memory_space<hbm>>
    tpu.enqueue_dma source(%dma_start3A_129 : memref<80xi32, #tpu.memory_space<hbm>>) target(%dma_start3A_128 : memref<80xi32, #tpu.memory_space<vmem>>) target_semaphore(%dma_start3A_125 : memref<!tpu.dma_semaphore, #tpu.memory_space<semaphore_mem>>)
    %dma_start3A_130 = arith.constant 2 : i32
    %dma_start3A_131 = arith.constant 2 : i32
    %dma_start3A_132 = arith.constant 0 : i32
    %dma_start3A_133 = arith.constant 0 : i32
    %dma_start3A_134 = tpu.memref_slice %arg8[%dma_start3A_130, %dma_start3A_132, %dma_start3A_133] : memref<3x80x128xf32, #tpu.memory_space<vmem>> -> memref<1x80x128xf32, #tpu.memory_space<vmem>>
    %dma_start3A_135 = tpu.memref_squeeze %dma_start3A_134 : memref<1x80x128xf32, #tpu.memory_space<vmem>> -> memref<80x128xf32, #tpu.memory_space<vmem>>
    %dma_start3A_136 = arith.constant 160 : i32
    %dma_start3A_137 = tpu.memref_slice %arg6[%dma_start3A_136] : memref<10000xi32, #tpu.memory_space<vmem>> -> memref<80xi32, #tpu.memory_space<vmem>>
    %dma_start3A_138 = arith.constant 0 : i32
    %dma_start3A_139 = arith.constant 0 : i32
    %dma_start3A_140 = tpu.memref_slice %arg2[%dma_start3A_138, %dma_start3A_139] : memref<10000x128xf32, #tpu.memory_space<hbm>> -> memref<10000x128xf32, #tpu.memory_space<hbm>>
    %dma_start3A_141 = tpu.memref_slice %arg10[%dma_start3A_131] : memref<3x!tpu.dma_semaphore, #tpu.memory_space<semaphore_mem>> -> memref<1x!tpu.dma_semaphore, #tpu.memory_space<semaphore_mem>>
    %dma_start3A_142 = tpu.memref_squeeze %dma_start3A_141 : memref<1x!tpu.dma_semaphore, #tpu.memory_space<semaphore_mem>> -> memref<!tpu.dma_semaphore, #tpu.memory_space<semaphore_mem>>
    tpu.enqueue_indirect_dma source(%dma_start3A_140 : memref<10000x128xf32, #tpu.memory_space<hbm>>) target(%dma_start3A_135 : memref<80x128xf32, #tpu.memory_space<vmem>>) offsets(%dma_start3A_137 : memref<80xi32, #tpu.memory_space<vmem>>) semaphore(%dma_start3A_142 : memref<!tpu.dma_semaphore, #tpu.memory_space<semaphore_mem>>)
    %scan3A_143 = arith.constant 0 : i32
    %scan3A_144 = arith.constant 0 : i32
    %scan3A_145 = arith.constant 41 : i32
    %scan3A_146 = arith.addi %scan3A_144, %scan3A_145 : i32
    %scan3A_147 = arith.constant 1 : i32
    scf.for %scan3A_257 = %scan3A_144 to %scan3A_146 step %scan3A_147  : i32 {
      %mul3A_258 = arith.constant 3 : i32
      %mul3A_259 = arith.muli %mul3A_258, %scan3A_257 : i32
      %add3A_260 = arith.constant 1 : i32
      %add3A_261 = arith.addi %mul3A_259, %add3A_260 : i32
      %add3A_262 = arith.constant 2 : i32
      %add3A_263 = arith.addi %add3A_261, %add3A_262 : i32
      %min3A = arith.constant 124 : i32
      %min3A_264 = arith.minsi %add3A_263, %min3A : i32
      %mul3A_265 = arith.constant 80 : i32
      %mul3A_266 = arith.muli %add3A_261, %mul3A_265 : i32
      %dma_wait3A_267 = arith.constant 1 : i32
      %dma_wait3A_268 = arith.constant 1 : i32
      %dma_wait3A_269 = arith.constant 0 : i32
      %dma_wait3A_270 = arith.constant 0 : i32
      %dma_wait3A_271 = tpu.memref_slice %arg8[%dma_wait3A_267, %dma_wait3A_269, %dma_wait3A_270] : memref<3x80x128xf32, #tpu.memory_space<vmem>> -> memref<1x80x128xf32, #tpu.memory_space<vmem>>
      %dma_wait3A_272 = tpu.memref_squeeze %dma_wait3A_271 : memref<1x80x128xf32, #tpu.memory_space<vmem>> -> memref<80x128xf32, #tpu.memory_space<vmem>>
      %dma_wait3A_273 = tpu.memref_slice %arg6[%mul3A_266] : memref<10000xi32, #tpu.memory_space<vmem>> -> memref<80xi32, #tpu.memory_space<vmem>>
      %dma_wait3A_274 = arith.constant 0 : i32
      %dma_wait3A_275 = arith.constant 0 : i32
      %dma_wait3A_276 = tpu.memref_slice %arg2[%dma_wait3A_274, %dma_wait3A_275] : memref<10000x128xf32, #tpu.memory_space<hbm>> -> memref<10000x128xf32, #tpu.memory_space<hbm>>
      %dma_wait3A_277 = tpu.memref_slice %arg10[%dma_wait3A_268] : memref<3x!tpu.dma_semaphore, #tpu.memory_space<semaphore_mem>> -> memref<1x!tpu.dma_semaphore, #tpu.memory_space<semaphore_mem>>
      %dma_wait3A_278 = tpu.memref_squeeze %dma_wait3A_277 : memref<1x!tpu.dma_semaphore, #tpu.memory_space<semaphore_mem>> -> memref<!tpu.dma_semaphore, #tpu.memory_space<semaphore_mem>>
      tpu.wait_indirect_dma semaphore(%dma_wait3A_278 : memref<!tpu.dma_semaphore, #tpu.memory_space<semaphore_mem>>) src(%dma_wait3A_276 : memref<10000x128xf32, #tpu.memory_space<hbm>>) dst(%dma_wait3A_272 : memref<80x128xf32, #tpu.memory_space<vmem>>)
      %mul3A_279 = arith.constant 10000 : i32
      %mul3A_280 = arith.muli %add3A, %mul3A_279 : i32
      %mul3A_281 = arith.constant 80 : i32
      %mul3A_282 = arith.muli %add3A_261, %mul3A_281 : i32
      %add3A_283 = arith.addi %mul3A_280, %mul3A_282 : i32
      %dma_wait3A_284 = arith.constant 1 : i32
      %dma_wait3A_285 = arith.constant 1 : i32
      %dma_wait3A_286 = arith.constant 0 : i32
      %dma_wait3A_287 = tpu.memref_slice %arg7[%dma_wait3A_284, %dma_wait3A_286] : memref<3x80xi32, #tpu.memory_space<vmem>> -> memref<1x80xi32, #tpu.memory_space<vmem>>
      %dma_wait3A_288 = tpu.memref_squeeze %dma_wait3A_287 : memref<1x80xi32, #tpu.memory_space<vmem>> -> memref<80xi32, #tpu.memory_space<vmem>>
      %dma_wait3A_289 = tpu.memref_slice %arg4[%add3A_283] : memref<320000xi32, #tpu.memory_space<hbm>> -> memref<80xi32, #tpu.memory_space<hbm>>
      %dma_wait3A_290 = tpu.memref_slice %arg11[%dma_wait3A_285] : memref<3x!tpu.dma_semaphore, #tpu.memory_space<semaphore_mem>> -> memref<1x!tpu.dma_semaphore, #tpu.memory_space<semaphore_mem>>
      %dma_wait3A_291 = tpu.memref_squeeze %dma_wait3A_290 : memref<1x!tpu.dma_semaphore, #tpu.memory_space<semaphore_mem>> -> memref<!tpu.dma_semaphore, #tpu.memory_space<semaphore_mem>>
      %dma_wait3A_292 = arith.constant 0 : i32
      %dma_wait3A_293 = tpu.memref_slice %arg7[%dma_wait3A_284, %dma_wait3A_292] : memref<3x80xi32, #tpu.memory_space<vmem>> -> memref<1x80xi32, #tpu.memory_space<vmem>>
      %dma_wait3A_294 = tpu.memref_squeeze %dma_wait3A_293 : memref<1x80xi32, #tpu.memory_space<vmem>> -> memref<80xi32, #tpu.memory_space<vmem>>
      %dma_wait3A_295 = tpu.memref_slice %arg4[%add3A_283] : memref<320000xi32, #tpu.memory_space<hbm>> -> memref<80xi32, #tpu.memory_space<hbm>>
      tpu.wait_dma2 semaphore(%dma_wait3A_291 : memref<!tpu.dma_semaphore, #tpu.memory_space<semaphore_mem>>) src(%dma_wait3A_295 : memref<80xi32, #tpu.memory_space<hbm>>) dst(%dma_wait3A_294 : memref<80xi32, #tpu.memory_space<vmem>>)
      %dma_wait3A_296 = arith.constant 0 : i32
      %dma_wait3A_297 = arith.constant 0 : i32
      %dma_wait3A_298 = arith.constant 0 : i32
      %dma_wait3A_299 = arith.constant 0 : i32
      %dma_wait3A_300 = arith.constant 0 : i32
      %dma_wait3A_301 = tpu.memref_slice %arg8[%dma_wait3A_296, %dma_wait3A_299, %dma_wait3A_300] : memref<3x80x128xf32, #tpu.memory_space<vmem>> -> memref<1x80x128xf32, #tpu.memory_space<vmem>>
      %dma_wait3A_302 = tpu.memref_squeeze %dma_wait3A_301 : memref<1x80x128xf32, #tpu.memory_space<vmem>> -> memref<80x128xf32, #tpu.memory_space<vmem>>
      %dma_wait3A_303 = arith.constant 0 : i32
      %dma_wait3A_304 = tpu.memref_slice %arg7[%dma_wait3A_297, %dma_wait3A_303] : memref<3x80xi32, #tpu.memory_space<vmem>> -> memref<1x80xi32, #tpu.memory_space<vmem>>
      %dma_wait3A_305 = tpu.memref_squeeze %dma_wait3A_304 : memref<1x80xi32, #tpu.memory_space<vmem>> -> memref<80xi32, #tpu.memory_space<vmem>>
      %dma_wait3A_306 = arith.constant 0 : i32
      %dma_wait3A_307 = arith.constant 0 : i32
      %dma_wait3A_308 = tpu.memref_slice %arg9[%dma_wait3A_306, %dma_wait3A_307] : memref<10240x128xf32, #tpu.memory_space<vmem_shared>> -> memref<10240x128xf32, #tpu.memory_space<vmem_shared>>
      %dma_wait3A_309 = tpu.memref_slice %arg12[%dma_wait3A_298] : memref<3x!tpu.dma_semaphore, #tpu.memory_space<semaphore_mem>> -> memref<1x!tpu.dma_semaphore, #tpu.memory_space<semaphore_mem>>
      %dma_wait3A_310 = tpu.memref_squeeze %dma_wait3A_309 : memref<1x!tpu.dma_semaphore, #tpu.memory_space<semaphore_mem>> -> memref<!tpu.dma_semaphore, #tpu.memory_space<semaphore_mem>>
      tpu.wait_indirect_dma semaphore(%dma_wait3A_310 : memref<!tpu.dma_semaphore, #tpu.memory_space<semaphore_mem>>) src(%dma_wait3A_302 : memref<80x128xf32, #tpu.memory_space<vmem>>) dst(%dma_wait3A_308 : memref<10240x128xf32, #tpu.memory_space<vmem_shared>>)
      %dma_start3A_311 = arith.constant 1 : i32
      %dma_start3A_312 = arith.constant 1 : i32
      %dma_start3A_313 = arith.constant 1 : i32
      %dma_start3A_314 = arith.constant 0 : i32
      %dma_start3A_315 = arith.constant 0 : i32
      %dma_start3A_316 = tpu.memref_slice %arg8[%dma_start3A_311, %dma_start3A_314, %dma_start3A_315] : memref<3x80x128xf32, #tpu.memory_space<vmem>> -> memref<1x80x128xf32, #tpu.memory_space<vmem>>
      %dma_start3A_317 = tpu.memref_squeeze %dma_start3A_316 : memref<1x80x128xf32, #tpu.memory_space<vmem>> -> memref<80x128xf32, #tpu.memory_space<vmem>>
      %dma_start3A_318 = arith.constant 0 : i32
      %dma_start3A_319 = tpu.memref_slice %arg7[%dma_start3A_312, %dma_start3A_318] : memref<3x80xi32, #tpu.memory_space<vmem>> -> memref<1x80xi32, #tpu.memory_space<vmem>>
      %dma_start3A_320 = tpu.memref_squeeze %dma_start3A_319 : memref<1x80xi32, #tpu.memory_space<vmem>> -> memref<80xi32, #tpu.memory_space<vmem>>
      %dma_start3A_321 = arith.constant 0 : i32
      %dma_start3A_322 = arith.constant 0 : i32
      %dma_start3A_323 = tpu.memref_slice %arg9[%dma_start3A_321, %dma_start3A_322] : memref<10240x128xf32, #tpu.memory_space<vmem_shared>> -> memref<10240x128xf32, #tpu.memory_space<vmem_shared>>
      %dma_start3A_324 = tpu.memref_slice %arg12[%dma_start3A_313] : memref<3x!tpu.dma_semaphore, #tpu.memory_space<semaphore_mem>> -> memref<1x!tpu.dma_semaphore, #tpu.memory_space<semaphore_mem>>
      %dma_start3A_325 = tpu.memref_squeeze %dma_start3A_324 : memref<1x!tpu.dma_semaphore, #tpu.memory_space<semaphore_mem>> -> memref<!tpu.dma_semaphore, #tpu.memory_space<semaphore_mem>>
      tpu.enqueue_indirect_dma source(%dma_start3A_317 : memref<80x128xf32, #tpu.memory_space<vmem>>) target(%dma_start3A_323 : memref<10240x128xf32, #tpu.memory_space<vmem_shared>>) offsets(%dma_start3A_320 : memref<80xi32, #tpu.memory_space<vmem>>) semaphore(%dma_start3A_325 : memref<!tpu.dma_semaphore, #tpu.memory_space<semaphore_mem>>) {add = true}
      %mul3A_326 = arith.constant 10000 : i32
      %mul3A_327 = arith.muli %add3A, %mul3A_326 : i32
      %mul3A_328 = arith.constant 80 : i32
      %mul3A_329 = arith.muli %min3A_264, %mul3A_328 : i32
      %add3A_330 = arith.addi %mul3A_327, %mul3A_329 : i32
      %dma_start3A_331 = arith.constant 0 : i32
      %dma_start3A_332 = arith.constant 0 : i32
      %dma_start3A_333 = arith.constant 0 : i32
      %dma_start3A_334 = tpu.memref_slice %arg7[%dma_start3A_331, %dma_start3A_333] : memref<3x80xi32, #tpu.memory_space<vmem>> -> memref<1x80xi32, #tpu.memory_space<vmem>>
      %dma_start3A_335 = tpu.memref_squeeze %dma_start3A_334 : memref<1x80xi32, #tpu.memory_space<vmem>> -> memref<80xi32, #tpu.memory_space<vmem>>
      %dma_start3A_336 = tpu.memref_slice %arg4[%add3A_330] : memref<320000xi32, #tpu.memory_space<hbm>> -> memref<80xi32, #tpu.memory_space<hbm>>
      %dma_start3A_337 = tpu.memref_slice %arg11[%dma_start3A_332] : memref<3x!tpu.dma_semaphore, #tpu.memory_space<semaphore_mem>> -> memref<1x!tpu.dma_semaphore, #tpu.memory_space<semaphore_mem>>
      %dma_start3A_338 = tpu.memref_squeeze %dma_start3A_337 : memref<1x!tpu.dma_semaphore, #tpu.memory_space<semaphore_mem>> -> memref<!tpu.dma_semaphore, #tpu.memory_space<semaphore_mem>>
      %dma_start3A_339 = arith.constant 0 : i32
      %dma_start3A_340 = tpu.memref_slice %arg7[%dma_start3A_331, %dma_start3A_339] : memref<3x80xi32, #tpu.memory_space<vmem>> -> memref<1x80xi32, #tpu.memory_space<vmem>>
      %dma_start3A_341 = tpu.memref_squeeze %dma_start3A_340 : memref<1x80xi32, #tpu.memory_space<vmem>> -> memref<80xi32, #tpu.memory_space<vmem>>
      %dma_start3A_342 = tpu.memref_slice %arg4[%add3A_330] : memref<320000xi32, #tpu.memory_space<hbm>> -> memref<80xi32, #tpu.memory_space<hbm>>
      tpu.enqueue_dma source(%dma_start3A_342 : memref<80xi32, #tpu.memory_space<hbm>>) target(%dma_start3A_341 : memref<80xi32, #tpu.memory_space<vmem>>) target_semaphore(%dma_start3A_338 : memref<!tpu.dma_semaphore, #tpu.memory_space<semaphore_mem>>)
      %mul3A_343 = arith.constant 80 : i32
      %mul3A_344 = arith.muli %min3A_264, %mul3A_343 : i32
      %dma_start3A_345 = arith.constant 0 : i32
      %dma_start3A_346 = arith.constant 0 : i32
      %dma_start3A_347 = arith.constant 0 : i32
      %dma_start3A_348 = arith.constant 0 : i32
      %dma_start3A_349 = tpu.memref_slice %arg8[%dma_start3A_345, %dma_start3A_347, %dma_start3A_348] : memref<3x80x128xf32, #tpu.memory_space<vmem>> -> memref<1x80x128xf32, #tpu.memory_space<vmem>>
      %dma_start3A_350 = tpu.memref_squeeze %dma_start3A_349 : memref<1x80x128xf32, #tpu.memory_space<vmem>> -> memref<80x128xf32, #tpu.memory_space<vmem>>
      %dma_start3A_351 = tpu.memref_slice %arg6[%mul3A_344] : memref<10000xi32, #tpu.memory_space<vmem>> -> memref<80xi32, #tpu.memory_space<vmem>>
      %dma_start3A_352 = arith.constant 0 : i32
      %dma_start3A_353 = arith.constant 0 : i32
      %dma_start3A_354 = tpu.memref_slice %arg2[%dma_start3A_352, %dma_start3A_353] : memref<10000x128xf32, #tpu.memory_space<hbm>> -> memref<10000x128xf32, #tpu.memory_space<hbm>>
      %dma_start3A_355 = tpu.memref_slice %arg10[%dma_start3A_346] : memref<3x!tpu.dma_semaphore, #tpu.memory_space<semaphore_mem>> -> memref<1x!tpu.dma_semaphore, #tpu.memory_space<semaphore_mem>>
      %dma_start3A_356 = tpu.memref_squeeze %dma_start3A_355 : memref<1x!tpu.dma_semaphore, #tpu.memory_space<semaphore_mem>> -> memref<!tpu.dma_semaphore, #tpu.memory_space<semaphore_mem>>
      tpu.enqueue_indirect_dma source(%dma_start3A_354 : memref<10000x128xf32, #tpu.memory_space<hbm>>) target(%dma_start3A_350 : memref<80x128xf32, #tpu.memory_space<vmem>>) offsets(%dma_start3A_351 : memref<80xi32, #tpu.memory_space<vmem>>) semaphore(%dma_start3A_356 : memref<!tpu.dma_semaphore, #tpu.memory_space<semaphore_mem>>)
      %add3A_357 = arith.constant 1 : i32
      %add3A_358 = arith.addi %add3A_261, %add3A_357 : i32
      %add3A_359 = arith.constant 2 : i32
      %add3A_360 = arith.addi %add3A_358, %add3A_359 : i32
      %min3A_361 = arith.constant 124 : i32
      %min3A_362 = arith.minsi %add3A_360, %min3A_361 : i32
      %mul3A_363 = arith.constant 80 : i32
      %mul3A_364 = arith.muli %add3A_358, %mul3A_363 : i32
      %dma_wait3A_365 = arith.constant 2 : i32
      %dma_wait3A_366 = arith.constant 2 : i32
      %dma_wait3A_367 = arith.constant 0 : i32
      %dma_wait3A_368 = arith.constant 0 : i32
      %dma_wait3A_369 = tpu.memref_slice %arg8[%dma_wait3A_365, %dma_wait3A_367, %dma_wait3A_368] : memref<3x80x128xf32, #tpu.memory_space<vmem>> -> memref<1x80x128xf32, #tpu.memory_space<vmem>>
      %dma_wait3A_370 = tpu.memref_squeeze %dma_wait3A_369 : memref<1x80x128xf32, #tpu.memory_space<vmem>> -> memref<80x128xf32, #tpu.memory_space<vmem>>
      %dma_wait3A_371 = tpu.memref_slice %arg6[%mul3A_364] : memref<10000xi32, #tpu.memory_space<vmem>> -> memref<80xi32, #tpu.memory_space<vmem>>
      %dma_wait3A_372 = arith.constant 0 : i32
      %dma_wait3A_373 = arith.constant 0 : i32
      %dma_wait3A_374 = tpu.memref_slice %arg2[%dma_wait3A_372, %dma_wait3A_373] : memref<10000x128xf32, #tpu.memory_space<hbm>> -> memref<10000x128xf32, #tpu.memory_space<hbm>>
      %dma_wait3A_375 = tpu.memref_slice %arg10[%dma_wait3A_366] : memref<3x!tpu.dma_semaphore, #tpu.memory_space<semaphore_mem>> -> memref<1x!tpu.dma_semaphore, #tpu.memory_space<semaphore_mem>>
      %dma_wait3A_376 = tpu.memref_squeeze %dma_wait3A_375 : memref<1x!tpu.dma_semaphore, #tpu.memory_space<semaphore_mem>> -> memref<!tpu.dma_semaphore, #tpu.memory_space<semaphore_mem>>
      tpu.wait_indirect_dma semaphore(%dma_wait3A_376 : memref<!tpu.dma_semaphore, #tpu.memory_space<semaphore_mem>>) src(%dma_wait3A_374 : memref<10000x128xf32, #tpu.memory_space<hbm>>) dst(%dma_wait3A_370 : memref<80x128xf32, #tpu.memory_space<vmem>>)
      %mul3A_377 = arith.constant 10000 : i32
      %mul3A_378 = arith.muli %add3A, %mul3A_377 : i32
      %mul3A_379 = arith.constant 80 : i32
      %mul3A_380 = arith.muli %add3A_358, %mul3A_379 : i32
      %add3A_381 = arith.addi %mul3A_378, %mul3A_380 : i32
      %dma_wait3A_382 = arith.constant 2 : i32
      %dma_wait3A_383 = arith.constant 2 : i32
      %dma_wait3A_384 = arith.constant 0 : i32
      %dma_wait3A_385 = tpu.memref_slice %arg7[%dma_wait3A_382, %dma_wait3A_384] : memref<3x80xi32, #tpu.memory_space<vmem>> -> memref<1x80xi32, #tpu.memory_space<vmem>>
      %dma_wait3A_386 = tpu.memref_squeeze %dma_wait3A_385 : memref<1x80xi32, #tpu.memory_space<vmem>> -> memref<80xi32, #tpu.memory_space<vmem>>
      %dma_wait3A_387 = tpu.memref_slice %arg4[%add3A_381] : memref<320000xi32, #tpu.memory_space<hbm>> -> memref<80xi32, #tpu.memory_space<hbm>>
      %dma_wait3A_388 = tpu.memref_slice %arg11[%dma_wait3A_383] : memref<3x!tpu.dma_semaphore, #tpu.memory_space<semaphore_mem>> -> memref<1x!tpu.dma_semaphore, #tpu.memory_space<semaphore_mem>>
      %dma_wait3A_389 = tpu.memref_squeeze %dma_wait3A_388 : memref<1x!tpu.dma_semaphore, #tpu.memory_space<semaphore_mem>> -> memref<!tpu.dma_semaphore, #tpu.memory_space<semaphore_mem>>
      %dma_wait3A_390 = arith.constant 0 : i32
      %dma_wait3A_391 = tpu.memref_slice %arg7[%dma_wait3A_382, %dma_wait3A_390] : memref<3x80xi32, #tpu.memory_space<vmem>> -> memref<1x80xi32, #tpu.memory_space<vmem>>
      %dma_wait3A_392 = tpu.memref_squeeze %dma_wait3A_391 : memref<1x80xi32, #tpu.memory_space<vmem>> -> memref<80xi32, #tpu.memory_space<vmem>>
      %dma_wait3A_393 = tpu.memref_slice %arg4[%add3A_381] : memref<320000xi32, #tpu.memory_space<hbm>> -> memref<80xi32, #tpu.memory_space<hbm>>
      tpu.wait_dma2 semaphore(%dma_wait3A_389 : memref<!tpu.dma_semaphore, #tpu.memory_space<semaphore_mem>>) src(%dma_wait3A_393 : memref<80xi32, #tpu.memory_space<hbm>>) dst(%dma_wait3A_392 : memref<80xi32, #tpu.memory_space<vmem>>)
      %dma_wait3A_394 = arith.constant 1 : i32
      %dma_wait3A_395 = arith.constant 1 : i32
      %dma_wait3A_396 = arith.constant 1 : i32
      %dma_wait3A_397 = arith.constant 0 : i32
      %dma_wait3A_398 = arith.constant 0 : i32
      %dma_wait3A_399 = tpu.memref_slice %arg8[%dma_wait3A_394, %dma_wait3A_397, %dma_wait3A_398] : memref<3x80x128xf32, #tpu.memory_space<vmem>> -> memref<1x80x128xf32, #tpu.memory_space<vmem>>
      %dma_wait3A_400 = tpu.memref_squeeze %dma_wait3A_399 : memref<1x80x128xf32, #tpu.memory_space<vmem>> -> memref<80x128xf32, #tpu.memory_space<vmem>>
      %dma_wait3A_401 = arith.constant 0 : i32
      %dma_wait3A_402 = tpu.memref_slice %arg7[%dma_wait3A_395, %dma_wait3A_401] : memref<3x80xi32, #tpu.memory_space<vmem>> -> memref<1x80xi32, #tpu.memory_space<vmem>>
      %dma_wait3A_403 = tpu.memref_squeeze %dma_wait3A_402 : memref<1x80xi32, #tpu.memory_space<vmem>> -> memref<80xi32, #tpu.memory_space<vmem>>
      %dma_wait3A_404 = arith.constant 0 : i32
      %dma_wait3A_405 = arith.constant 0 : i32
      %dma_wait3A_406 = tpu.memref_slice %arg9[%dma_wait3A_404, %dma_wait3A_405] : memref<10240x128xf32, #tpu.memory_space<vmem_shared>> -> memref<10240x128xf32, #tpu.memory_space<vmem_shared>>
      %dma_wait3A_407 = tpu.memref_slice %arg12[%dma_wait3A_396] : memref<3x!tpu.dma_semaphore, #tpu.memory_space<semaphore_mem>> -> memref<1x!tpu.dma_semaphore, #tpu.memory_space<semaphore_mem>>
      %dma_wait3A_408 = tpu.memref_squeeze %dma_wait3A_407 : memref<1x!tpu.dma_semaphore, #tpu.memory_space<semaphore_mem>> -> memref<!tpu.dma_semaphore, #tpu.memory_space<semaphore_mem>>
      tpu.wait_indirect_dma semaphore(%dma_wait3A_408 : memref<!tpu.dma_semaphore, #tpu.memory_space<semaphore_mem>>) src(%dma_wait3A_400 : memref<80x128xf32, #tpu.memory_space<vmem>>) dst(%dma_wait3A_406 : memref<10240x128xf32, #tpu.memory_space<vmem_shared>>)
      %dma_start3A_409 = arith.constant 2 : i32
      %dma_start3A_410 = arith.constant 2 : i32
      %dma_start3A_411 = arith.constant 2 : i32
      %dma_start3A_412 = arith.constant 0 : i32
      %dma_start3A_413 = arith.constant 0 : i32
      %dma_start3A_414 = tpu.memref_slice %arg8[%dma_start3A_409, %dma_start3A_412, %dma_start3A_413] : memref<3x80x128xf32, #tpu.memory_space<vmem>> -> memref<1x80x128xf32, #tpu.memory_space<vmem>>
      %dma_start3A_415 = tpu.memref_squeeze %dma_start3A_414 : memref<1x80x128xf32, #tpu.memory_space<vmem>> -> memref<80x128xf32, #tpu.memory_space<vmem>>
      %dma_start3A_416 = arith.constant 0 : i32
      %dma_start3A_417 = tpu.memref_slice %arg7[%dma_start3A_410, %dma_start3A_416] : memref<3x80xi32, #tpu.memory_space<vmem>> -> memref<1x80xi32, #tpu.memory_space<vmem>>
      %dma_start3A_418 = tpu.memref_squeeze %dma_start3A_417 : memref<1x80xi32, #tpu.memory_space<vmem>> -> memref<80xi32, #tpu.memory_space<vmem>>
      %dma_start3A_419 = arith.constant 0 : i32
      %dma_start3A_420 = arith.constant 0 : i32
      %dma_start3A_421 = tpu.memref_slice %arg9[%dma_start3A_419, %dma_start3A_420] : memref<10240x128xf32, #tpu.memory_space<vmem_shared>> -> memref<10240x128xf32, #tpu.memory_space<vmem_shared>>
      %dma_start3A_422 = tpu.memref_slice %arg12[%dma_start3A_411] : memref<3x!tpu.dma_semaphore, #tpu.memory_space<semaphore_mem>> -> memref<1x!tpu.dma_semaphore, #tpu.memory_space<semaphore_mem>>
      %dma_start3A_423 = tpu.memref_squeeze %dma_start3A_422 : memref<1x!tpu.dma_semaphore, #tpu.memory_space<semaphore_mem>> -> memref<!tpu.dma_semaphore, #tpu.memory_space<semaphore_mem>>
      tpu.enqueue_indirect_dma source(%dma_start3A_415 : memref<80x128xf32, #tpu.memory_space<vmem>>) target(%dma_start3A_421 : memref<10240x128xf32, #tpu.memory_space<vmem_shared>>) offsets(%dma_start3A_418 : memref<80xi32, #tpu.memory_space<vmem>>) semaphore(%dma_start3A_423 : memref<!tpu.dma_semaphore, #tpu.memory_space<semaphore_mem>>) {add = true}
      %mul3A_424 = arith.constant 10000 : i32
      %mul3A_425 = arith.muli %add3A, %mul3A_424 : i32
      %mul3A_426 = arith.constant 80 : i32
      %mul3A_427 = arith.muli %min3A_362, %mul3A_426 : i32
      %add3A_428 = arith.addi %mul3A_425, %mul3A_427 : i32
      %dma_start3A_429 = arith.constant 1 : i32
      %dma_start3A_430 = arith.constant 1 : i32
      %dma_start3A_431 = arith.constant 0 : i32
      %dma_start3A_432 = tpu.memref_slice %arg7[%dma_start3A_429, %dma_start3A_431] : memref<3x80xi32, #tpu.memory_space<vmem>> -> memref<1x80xi32, #tpu.memory_space<vmem>>
      %dma_start3A_433 = tpu.memref_squeeze %dma_start3A_432 : memref<1x80xi32, #tpu.memory_space<vmem>> -> memref<80xi32, #tpu.memory_space<vmem>>
      %dma_start3A_434 = tpu.memref_slice %arg4[%add3A_428] : memref<320000xi32, #tpu.memory_space<hbm>> -> memref<80xi32, #tpu.memory_space<hbm>>
      %dma_start3A_435 = tpu.memref_slice %arg11[%dma_start3A_430] : memref<3x!tpu.dma_semaphore, #tpu.memory_space<semaphore_mem>> -> memref<1x!tpu.dma_semaphore, #tpu.memory_space<semaphore_mem>>
      %dma_start3A_436 = tpu.memref_squeeze %dma_start3A_435 : memref<1x!tpu.dma_semaphore, #tpu.memory_space<semaphore_mem>> -> memref<!tpu.dma_semaphore, #tpu.memory_space<semaphore_mem>>
      %dma_start3A_437 = arith.constant 0 : i32
      %dma_start3A_438 = tpu.memref_slice %arg7[%dma_start3A_429, %dma_start3A_437] : memref<3x80xi32, #tpu.memory_space<vmem>> -> memref<1x80xi32, #tpu.memory_space<vmem>>
      %dma_start3A_439 = tpu.memref_squeeze %dma_start3A_438 : memref<1x80xi32, #tpu.memory_space<vmem>> -> memref<80xi32, #tpu.memory_space<vmem>>
      %dma_start3A_440 = tpu.memref_slice %arg4[%add3A_428] : memref<320000xi32, #tpu.memory_space<hbm>> -> memref<80xi32, #tpu.memory_space<hbm>>
      tpu.enqueue_dma source(%dma_start3A_440 : memref<80xi32, #tpu.memory_space<hbm>>) target(%dma_start3A_439 : memref<80xi32, #tpu.memory_space<vmem>>) target_semaphore(%dma_start3A_436 : memref<!tpu.dma_semaphore, #tpu.memory_space<semaphore_mem>>)
      %mul3A_441 = arith.constant 80 : i32
      %mul3A_442 = arith.muli %min3A_362, %mul3A_441 : i32
      %dma_start3A_443 = arith.constant 1 : i32
      %dma_start3A_444 = arith.constant 1 : i32
      %dma_start3A_445 = arith.constant 0 : i32
      %dma_start3A_446 = arith.constant 0 : i32
      %dma_start3A_447 = tpu.memref_slice %arg8[%dma_start3A_443, %dma_start3A_445, %dma_start3A_446] : memref<3x80x128xf32, #tpu.memory_space<vmem>> -> memref<1x80x128xf32, #tpu.memory_space<vmem>>
      %dma_start3A_448 = tpu.memref_squeeze %dma_start3A_447 : memref<1x80x128xf32, #tpu.memory_space<vmem>> -> memref<80x128xf32, #tpu.memory_space<vmem>>
      %dma_start3A_449 = tpu.memref_slice %arg6[%mul3A_442] : memref<10000xi32, #tpu.memory_space<vmem>> -> memref<80xi32, #tpu.memory_space<vmem>>
      %dma_start3A_450 = arith.constant 0 : i32
      %dma_start3A_451 = arith.constant 0 : i32
      %dma_start3A_452 = tpu.memref_slice %arg2[%dma_start3A_450, %dma_start3A_451] : memref<10000x128xf32, #tpu.memory_space<hbm>> -> memref<10000x128xf32, #tpu.memory_space<hbm>>
      %dma_start3A_453 = tpu.memref_slice %arg10[%dma_start3A_444] : memref<3x!tpu.dma_semaphore, #tpu.memory_space<semaphore_mem>> -> memref<1x!tpu.dma_semaphore, #tpu.memory_space<semaphore_mem>>
      %dma_start3A_454 = tpu.memref_squeeze %dma_start3A_453 : memref<1x!tpu.dma_semaphore, #tpu.memory_space<semaphore_mem>> -> memref<!tpu.dma_semaphore, #tpu.memory_space<semaphore_mem>>
      tpu.enqueue_indirect_dma source(%dma_start3A_452 : memref<10000x128xf32, #tpu.memory_space<hbm>>) target(%dma_start3A_448 : memref<80x128xf32, #tpu.memory_space<vmem>>) offsets(%dma_start3A_449 : memref<80xi32, #tpu.memory_space<vmem>>) semaphore(%dma_start3A_454 : memref<!tpu.dma_semaphore, #tpu.memory_space<semaphore_mem>>)
      %add3A_455 = arith.constant 2 : i32
      %add3A_456 = arith.addi %add3A_261, %add3A_455 : i32
      %add3A_457 = arith.constant 2 : i32
      %add3A_458 = arith.addi %add3A_456, %add3A_457 : i32
      %min3A_459 = arith.constant 124 : i32
      %min3A_460 = arith.minsi %add3A_458, %min3A_459 : i32
      %mul3A_461 = arith.constant 80 : i32
      %mul3A_462 = arith.muli %add3A_456, %mul3A_461 : i32
      %dma_wait3A_463 = arith.constant 0 : i32
      %dma_wait3A_464 = arith.constant 0 : i32
      %dma_wait3A_465 = arith.constant 0 : i32
      %dma_wait3A_466 = arith.constant 0 : i32
      %dma_wait3A_467 = tpu.memref_slice %arg8[%dma_wait3A_463, %dma_wait3A_465, %dma_wait3A_466] : memref<3x80x128xf32, #tpu.memory_space<vmem>> -> memref<1x80x128xf32, #tpu.memory_space<vmem>>
      %dma_wait3A_468 = tpu.memref_squeeze %dma_wait3A_467 : memref<1x80x128xf32, #tpu.memory_space<vmem>> -> memref<80x128xf32, #tpu.memory_space<vmem>>
      %dma_wait3A_469 = tpu.memref_slice %arg6[%mul3A_462] : memref<10000xi32, #tpu.memory_space<vmem>> -> memref<80xi32, #tpu.memory_space<vmem>>
      %dma_wait3A_470 = arith.constant 0 : i32
      %dma_wait3A_471 = arith.constant 0 : i32
      %dma_wait3A_472 = tpu.memref_slice %arg2[%dma_wait3A_470, %dma_wait3A_471] : memref<10000x128xf32, #tpu.memory_space<hbm>> -> memref<10000x128xf32, #tpu.memory_space<hbm>>
      %dma_wait3A_473 = tpu.memref_slice %arg10[%dma_wait3A_464] : memref<3x!tpu.dma_semaphore, #tpu.memory_space<semaphore_mem>> -> memref<1x!tpu.dma_semaphore, #tpu.memory_space<semaphore_mem>>
      %dma_wait3A_474 = tpu.memref_squeeze %dma_wait3A_473 : memref<1x!tpu.dma_semaphore, #tpu.memory_space<semaphore_mem>> -> memref<!tpu.dma_semaphore, #tpu.memory_space<semaphore_mem>>
      tpu.wait_indirect_dma semaphore(%dma_wait3A_474 : memref<!tpu.dma_semaphore, #tpu.memory_space<semaphore_mem>>) src(%dma_wait3A_472 : memref<10000x128xf32, #tpu.memory_space<hbm>>) dst(%dma_wait3A_468 : memref<80x128xf32, #tpu.memory_space<vmem>>)
      %mul3A_475 = arith.constant 10000 : i32
      %mul3A_476 = arith.muli %add3A, %mul3A_475 : i32
      %mul3A_477 = arith.constant 80 : i32
      %mul3A_478 = arith.muli %add3A_456, %mul3A_477 : i32
      %add3A_479 = arith.addi %mul3A_476, %mul3A_478 : i32
      %dma_wait3A_480 = arith.constant 0 : i32
      %dma_wait3A_481 = arith.constant 0 : i32
      %dma_wait3A_482 = arith.constant 0 : i32
      %dma_wait3A_483 = tpu.memref_slice %arg7[%dma_wait3A_480, %dma_wait3A_482] : memref<3x80xi32, #tpu.memory_space<vmem>> -> memref<1x80xi32, #tpu.memory_space<vmem>>
      %dma_wait3A_484 = tpu.memref_squeeze %dma_wait3A_483 : memref<1x80xi32, #tpu.memory_space<vmem>> -> memref<80xi32, #tpu.memory_space<vmem>>
      %dma_wait3A_485 = tpu.memref_slice %arg4[%add3A_479] : memref<320000xi32, #tpu.memory_space<hbm>> -> memref<80xi32, #tpu.memory_space<hbm>>
      %dma_wait3A_486 = tpu.memref_slice %arg11[%dma_wait3A_481] : memref<3x!tpu.dma_semaphore, #tpu.memory_space<semaphore_mem>> -> memref<1x!tpu.dma_semaphore, #tpu.memory_space<semaphore_mem>>
      %dma_wait3A_487 = tpu.memref_squeeze %dma_wait3A_486 : memref<1x!tpu.dma_semaphore, #tpu.memory_space<semaphore_mem>> -> memref<!tpu.dma_semaphore, #tpu.memory_space<semaphore_mem>>
      %dma_wait3A_488 = arith.constant 0 : i32
      %dma_wait3A_489 = tpu.memref_slice %arg7[%dma_wait3A_480, %dma_wait3A_488] : memref<3x80xi32, #tpu.memory_space<vmem>> -> memref<1x80xi32, #tpu.memory_space<vmem>>
      %dma_wait3A_490 = tpu.memref_squeeze %dma_wait3A_489 : memref<1x80xi32, #tpu.memory_space<vmem>> -> memref<80xi32, #tpu.memory_space<vmem>>
      %dma_wait3A_491 = tpu.memref_slice %arg4[%add3A_479] : memref<320000xi32, #tpu.memory_space<hbm>> -> memref<80xi32, #tpu.memory_space<hbm>>
      tpu.wait_dma2 semaphore(%dma_wait3A_487 : memref<!tpu.dma_semaphore, #tpu.memory_space<semaphore_mem>>) src(%dma_wait3A_491 : memref<80xi32, #tpu.memory_space<hbm>>) dst(%dma_wait3A_490 : memref<80xi32, #tpu.memory_space<vmem>>)
      %dma_wait3A_492 = arith.constant 2 : i32
      %dma_wait3A_493 = arith.constant 2 : i32
      %dma_wait3A_494 = arith.constant 2 : i32
      %dma_wait3A_495 = arith.constant 0 : i32
      %dma_wait3A_496 = arith.constant 0 : i32
      %dma_wait3A_497 = tpu.memref_slice %arg8[%dma_wait3A_492, %dma_wait3A_495, %dma_wait3A_496] : memref<3x80x128xf32, #tpu.memory_space<vmem>> -> memref<1x80x128xf32, #tpu.memory_space<vmem>>
      %dma_wait3A_498 = tpu.memref_squeeze %dma_wait3A_497 : memref<1x80x128xf32, #tpu.memory_space<vmem>> -> memref<80x128xf32, #tpu.memory_space<vmem>>
      %dma_wait3A_499 = arith.constant 0 : i32
      %dma_wait3A_500 = tpu.memref_slice %arg7[%dma_wait3A_493, %dma_wait3A_499] : memref<3x80xi32, #tpu.memory_space<vmem>> -> memref<1x80xi32, #tpu.memory_space<vmem>>
      %dma_wait3A_501 = tpu.memref_squeeze %dma_wait3A_500 : memref<1x80xi32, #tpu.memory_space<vmem>> -> memref<80xi32, #tpu.memory_space<vmem>>
      %dma_wait3A_502 = arith.constant 0 : i32
      %dma_wait3A_503 = arith.constant 0 : i32
      %dma_wait3A_504 = tpu.memref_slice %arg9[%dma_wait3A_502, %dma_wait3A_503] : memref<10240x128xf32, #tpu.memory_space<vmem_shared>> -> memref<10240x128xf32, #tpu.memory_space<vmem_shared>>
      %dma_wait3A_505 = tpu.memref_slice %arg12[%dma_wait3A_494] : memref<3x!tpu.dma_semaphore, #tpu.memory_space<semaphore_mem>> -> memref<1x!tpu.dma_semaphore, #tpu.memory_space<semaphore_mem>>
      %dma_wait3A_506 = tpu.memref_squeeze %dma_wait3A_505 : memref<1x!tpu.dma_semaphore, #tpu.memory_space<semaphore_mem>> -> memref<!tpu.dma_semaphore, #tpu.memory_space<semaphore_mem>>
      tpu.wait_indirect_dma semaphore(%dma_wait3A_506 : memref<!tpu.dma_semaphore, #tpu.memory_space<semaphore_mem>>) src(%dma_wait3A_498 : memref<80x128xf32, #tpu.memory_space<vmem>>) dst(%dma_wait3A_504 : memref<10240x128xf32, #tpu.memory_space<vmem_shared>>)
      %dma_start3A_507 = arith.constant 0 : i32
      %dma_start3A_508 = arith.constant 0 : i32
      %dma_start3A_509 = arith.constant 0 : i32
      %dma_start3A_510 = arith.constant 0 : i32
      %dma_start3A_511 = arith.constant 0 : i32
      %dma_start3A_512 = tpu.memref_slice %arg8[%dma_start3A_507, %dma_start3A_510, %dma_start3A_511] : memref<3x80x128xf32, #tpu.memory_space<vmem>> -> memref<1x80x128xf32, #tpu.memory_space<vmem>>
      %dma_start3A_513 = tpu.memref_squeeze %dma_start3A_512 : memref<1x80x128xf32, #tpu.memory_space<vmem>> -> memref<80x128xf32, #tpu.memory_space<vmem>>
      %dma_start3A_514 = arith.constant 0 : i32
      %dma_start3A_515 = tpu.memref_slice %arg7[%dma_start3A_508, %dma_start3A_514] : memref<3x80xi32, #tpu.memory_space<vmem>> -> memref<1x80xi32, #tpu.memory_space<vmem>>
      %dma_start3A_516 = tpu.memref_squeeze %dma_start3A_515 : memref<1x80xi32, #tpu.memory_space<vmem>> -> memref<80xi32, #tpu.memory_space<vmem>>
      %dma_start3A_517 = arith.constant 0 : i32
      %dma_start3A_518 = arith.constant 0 : i32
      %dma_start3A_519 = tpu.memref_slice %arg9[%dma_start3A_517, %dma_start3A_518] : memref<10240x128xf32, #tpu.memory_space<vmem_shared>> -> memref<10240x128xf32, #tpu.memory_space<vmem_shared>>
      %dma_start3A_520 = tpu.memref_slice %arg12[%dma_start3A_509] : memref<3x!tpu.dma_semaphore, #tpu.memory_space<semaphore_mem>> -> memref<1x!tpu.dma_semaphore, #tpu.memory_space<semaphore_mem>>
      %dma_start3A_521 = tpu.memref_squeeze %dma_start3A_520 : memref<1x!tpu.dma_semaphore, #tpu.memory_space<semaphore_mem>> -> memref<!tpu.dma_semaphore, #tpu.memory_space<semaphore_mem>>
      tpu.enqueue_indirect_dma source(%dma_start3A_513 : memref<80x128xf32, #tpu.memory_space<vmem>>) target(%dma_start3A_519 : memref<10240x128xf32, #tpu.memory_space<vmem_shared>>) offsets(%dma_start3A_516 : memref<80xi32, #tpu.memory_space<vmem>>) semaphore(%dma_start3A_521 : memref<!tpu.dma_semaphore, #tpu.memory_space<semaphore_mem>>) {add = true}
      %mul3A_522 = arith.constant 10000 : i32
      %mul3A_523 = arith.muli %add3A, %mul3A_522 : i32
      %mul3A_524 = arith.constant 80 : i32
      %mul3A_525 = arith.muli %min3A_460, %mul3A_524 : i32
      %add3A_526 = arith.addi %mul3A_523, %mul3A_525 : i32
      %dma_start3A_527 = arith.constant 2 : i32
      %dma_start3A_528 = arith.constant 2 : i32
      %dma_start3A_529 = arith.constant 0 : i32
      %dma_start3A_530 = tpu.memref_slice %arg7[%dma_start3A_527, %dma_start3A_529] : memref<3x80xi32, #tpu.memory_space<vmem>> -> memref<1x80xi32, #tpu.memory_space<vmem>>
      %dma_start3A_531 = tpu.memref_squeeze %dma_start3A_530 : memref<1x80xi32, #tpu.memory_space<vmem>> -> memref<80xi32, #tpu.memory_space<vmem>>
      %dma_start3A_532 = tpu.memref_slice %arg4[%add3A_526] : memref<320000xi32, #tpu.memory_space<hbm>> -> memref<80xi32, #tpu.memory_space<hbm>>
      %dma_start3A_533 = tpu.memref_slice %arg11[%dma_start3A_528] : memref<3x!tpu.dma_semaphore, #tpu.memory_space<semaphore_mem>> -> memref<1x!tpu.dma_semaphore, #tpu.memory_space<semaphore_mem>>
      %dma_start3A_534 = tpu.memref_squeeze %dma_start3A_533 : memref<1x!tpu.dma_semaphore, #tpu.memory_space<semaphore_mem>> -> memref<!tpu.dma_semaphore, #tpu.memory_space<semaphore_mem>>
      %dma_start3A_535 = arith.constant 0 : i32
      %dma_start3A_536 = tpu.memref_slice %arg7[%dma_start3A_527, %dma_start3A_535] : memref<3x80xi32, #tpu.memory_space<vmem>> -> memref<1x80xi32, #tpu.memory_space<vmem>>
      %dma_start3A_537 = tpu.memref_squeeze %dma_start3A_536 : memref<1x80xi32, #tpu.memory_space<vmem>> -> memref<80xi32, #tpu.memory_space<vmem>>
      %dma_start3A_538 = tpu.memref_slice %arg4[%add3A_526] : memref<320000xi32, #tpu.memory_space<hbm>> -> memref<80xi32, #tpu.memory_space<hbm>>
      tpu.enqueue_dma source(%dma_start3A_538 : memref<80xi32, #tpu.memory_space<hbm>>) target(%dma_start3A_537 : memref<80xi32, #tpu.memory_space<vmem>>) target_semaphore(%dma_start3A_534 : memref<!tpu.dma_semaphore, #tpu.memory_space<semaphore_mem>>)
      %mul3A_539 = arith.constant 80 : i32
      %mul3A_540 = arith.muli %min3A_460, %mul3A_539 : i32
      %dma_start3A_541 = arith.constant 2 : i32
      %dma_start3A_542 = arith.constant 2 : i32
      %dma_start3A_543 = arith.constant 0 : i32
      %dma_start3A_544 = arith.constant 0 : i32
      %dma_start3A_545 = tpu.memref_slice %arg8[%dma_start3A_541, %dma_start3A_543, %dma_start3A_544] : memref<3x80x128xf32, #tpu.memory_space<vmem>> -> memref<1x80x128xf32, #tpu.memory_space<vmem>>
      %dma_start3A_546 = tpu.memref_squeeze %dma_start3A_545 : memref<1x80x128xf32, #tpu.memory_space<vmem>> -> memref<80x128xf32, #tpu.memory_space<vmem>>
      %dma_start3A_547 = tpu.memref_slice %arg6[%mul3A_540] : memref<10000xi32, #tpu.memory_space<vmem>> -> memref<80xi32, #tpu.memory_space<vmem>>
      %dma_start3A_548 = arith.constant 0 : i32
      %dma_start3A_549 = arith.constant 0 : i32
      %dma_start3A_550 = tpu.memref_slice %arg2[%dma_start3A_548, %dma_start3A_549] : memref<10000x128xf32, #tpu.memory_space<hbm>> -> memref<10000x128xf32, #tpu.memory_space<hbm>>
      %dma_start3A_551 = tpu.memref_slice %arg10[%dma_start3A_542] : memref<3x!tpu.dma_semaphore, #tpu.memory_space<semaphore_mem>> -> memref<1x!tpu.dma_semaphore, #tpu.memory_space<semaphore_mem>>
      %dma_start3A_552 = tpu.memref_squeeze %dma_start3A_551 : memref<1x!tpu.dma_semaphore, #tpu.memory_space<semaphore_mem>> -> memref<!tpu.dma_semaphore, #tpu.memory_space<semaphore_mem>>
      tpu.enqueue_indirect_dma source(%dma_start3A_550 : memref<10000x128xf32, #tpu.memory_space<hbm>>) target(%dma_start3A_546 : memref<80x128xf32, #tpu.memory_space<vmem>>) offsets(%dma_start3A_547 : memref<80xi32, #tpu.memory_space<vmem>>) semaphore(%dma_start3A_552 : memref<!tpu.dma_semaphore, #tpu.memory_space<semaphore_mem>>)
    }
    %scan3A_148 = arith.constant 41 : i32
    %dma_wait3A_149 = arith.constant 1 : i32
    %dma_wait3A_150 = arith.constant 1 : i32
    %dma_wait3A_151 = arith.constant 0 : i32
    %dma_wait3A_152 = arith.constant 0 : i32
    %dma_wait3A_153 = tpu.memref_slice %arg8[%dma_wait3A_149, %dma_wait3A_151, %dma_wait3A_152] : memref<3x80x128xf32, #tpu.memory_space<vmem>> -> memref<1x80x128xf32, #tpu.memory_space<vmem>>
    %dma_wait3A_154 = tpu.memref_squeeze %dma_wait3A_153 : memref<1x80x128xf32, #tpu.memory_space<vmem>> -> memref<80x128xf32, #tpu.memory_space<vmem>>
    %dma_wait3A_155 = arith.constant 9920 : i32
    %dma_wait3A_156 = tpu.memref_slice %arg6[%dma_wait3A_155] : memref<10000xi32, #tpu.memory_space<vmem>> -> memref<80xi32, #tpu.memory_space<vmem>>
    %dma_wait3A_157 = arith.constant 0 : i32
    %dma_wait3A_158 = arith.constant 0 : i32
    %dma_wait3A_159 = tpu.memref_slice %arg2[%dma_wait3A_157, %dma_wait3A_158] : memref<10000x128xf32, #tpu.memory_space<hbm>> -> memref<10000x128xf32, #tpu.memory_space<hbm>>
    %dma_wait3A_160 = tpu.memref_slice %arg10[%dma_wait3A_150] : memref<3x!tpu.dma_semaphore, #tpu.memory_space<semaphore_mem>> -> memref<1x!tpu.dma_semaphore, #tpu.memory_space<semaphore_mem>>
    %dma_wait3A_161 = tpu.memref_squeeze %dma_wait3A_160 : memref<1x!tpu.dma_semaphore, #tpu.memory_space<semaphore_mem>> -> memref<!tpu.dma_semaphore, #tpu.memory_space<semaphore_mem>>
    tpu.wait_indirect_dma semaphore(%dma_wait3A_161 : memref<!tpu.dma_semaphore, #tpu.memory_space<semaphore_mem>>) src(%dma_wait3A_159 : memref<10000x128xf32, #tpu.memory_space<hbm>>) dst(%dma_wait3A_154 : memref<80x128xf32, #tpu.memory_space<vmem>>)
    %mul3A_162 = arith.constant 10000 : i32
    %mul3A_163 = arith.muli %add3A, %mul3A_162 : i32
    %add3A_164 = arith.constant 9920 : i32
    %add3A_165 = arith.addi %mul3A_163, %add3A_164 : i32
    %dma_wait3A_166 = arith.constant 1 : i32
    %dma_wait3A_167 = arith.constant 1 : i32
    %dma_wait3A_168 = arith.constant 0 : i32
    %dma_wait3A_169 = tpu.memref_slice %arg7[%dma_wait3A_166, %dma_wait3A_168] : memref<3x80xi32, #tpu.memory_space<vmem>> -> memref<1x80xi32, #tpu.memory_space<vmem>>
    %dma_wait3A_170 = tpu.memref_squeeze %dma_wait3A_169 : memref<1x80xi32, #tpu.memory_space<vmem>> -> memref<80xi32, #tpu.memory_space<vmem>>
    %dma_wait3A_171 = tpu.memref_slice %arg4[%add3A_165] : memref<320000xi32, #tpu.memory_space<hbm>> -> memref<80xi32, #tpu.memory_space<hbm>>
    %dma_wait3A_172 = tpu.memref_slice %arg11[%dma_wait3A_167] : memref<3x!tpu.dma_semaphore, #tpu.memory_space<semaphore_mem>> -> memref<1x!tpu.dma_semaphore, #tpu.memory_space<semaphore_mem>>
    %dma_wait3A_173 = tpu.memref_squeeze %dma_wait3A_172 : memref<1x!tpu.dma_semaphore, #tpu.memory_space<semaphore_mem>> -> memref<!tpu.dma_semaphore, #tpu.memory_space<semaphore_mem>>
    %dma_wait3A_174 = arith.constant 0 : i32
    %dma_wait3A_175 = tpu.memref_slice %arg7[%dma_wait3A_166, %dma_wait3A_174] : memref<3x80xi32, #tpu.memory_space<vmem>> -> memref<1x80xi32, #tpu.memory_space<vmem>>
    %dma_wait3A_176 = tpu.memref_squeeze %dma_wait3A_175 : memref<1x80xi32, #tpu.memory_space<vmem>> -> memref<80xi32, #tpu.memory_space<vmem>>
    %dma_wait3A_177 = tpu.memref_slice %arg4[%add3A_165] : memref<320000xi32, #tpu.memory_space<hbm>> -> memref<80xi32, #tpu.memory_space<hbm>>
    tpu.wait_dma2 semaphore(%dma_wait3A_173 : memref<!tpu.dma_semaphore, #tpu.memory_space<semaphore_mem>>) src(%dma_wait3A_177 : memref<80xi32, #tpu.memory_space<hbm>>) dst(%dma_wait3A_176 : memref<80xi32, #tpu.memory_space<vmem>>)
    %dma_wait3A_178 = arith.constant 0 : i32
    %dma_wait3A_179 = arith.constant 0 : i32
    %dma_wait3A_180 = arith.constant 0 : i32
    %dma_wait3A_181 = arith.constant 0 : i32
    %dma_wait3A_182 = arith.constant 0 : i32
    %dma_wait3A_183 = tpu.memref_slice %arg8[%dma_wait3A_178, %dma_wait3A_181, %dma_wait3A_182] : memref<3x80x128xf32, #tpu.memory_space<vmem>> -> memref<1x80x128xf32, #tpu.memory_space<vmem>>
    %dma_wait3A_184 = tpu.memref_squeeze %dma_wait3A_183 : memref<1x80x128xf32, #tpu.memory_space<vmem>> -> memref<80x128xf32, #tpu.memory_space<vmem>>
    %dma_wait3A_185 = arith.constant 0 : i32
    %dma_wait3A_186 = tpu.memref_slice %arg7[%dma_wait3A_179, %dma_wait3A_185] : memref<3x80xi32, #tpu.memory_space<vmem>> -> memref<1x80xi32, #tpu.memory_space<vmem>>
    %dma_wait3A_187 = tpu.memref_squeeze %dma_wait3A_186 : memref<1x80xi32, #tpu.memory_space<vmem>> -> memref<80xi32, #tpu.memory_space<vmem>>
    %dma_wait3A_188 = arith.constant 0 : i32
    %dma_wait3A_189 = arith.constant 0 : i32
    %dma_wait3A_190 = tpu.memref_slice %arg9[%dma_wait3A_188, %dma_wait3A_189] : memref<10240x128xf32, #tpu.memory_space<vmem_shared>> -> memref<10240x128xf32, #tpu.memory_space<vmem_shared>>
    %dma_wait3A_191 = tpu.memref_slice %arg12[%dma_wait3A_180] : memref<3x!tpu.dma_semaphore, #tpu.memory_space<semaphore_mem>> -> memref<1x!tpu.dma_semaphore, #tpu.memory_space<semaphore_mem>>
    %dma_wait3A_192 = tpu.memref_squeeze %dma_wait3A_191 : memref<1x!tpu.dma_semaphore, #tpu.memory_space<semaphore_mem>> -> memref<!tpu.dma_semaphore, #tpu.memory_space<semaphore_mem>>
    tpu.wait_indirect_dma semaphore(%dma_wait3A_192 : memref<!tpu.dma_semaphore, #tpu.memory_space<semaphore_mem>>) src(%dma_wait3A_184 : memref<80x128xf32, #tpu.memory_space<vmem>>) dst(%dma_wait3A_190 : memref<10240x128xf32, #tpu.memory_space<vmem_shared>>)
    %dma_start3A_193 = arith.constant 1 : i32
    %dma_start3A_194 = arith.constant 1 : i32
    %dma_start3A_195 = arith.constant 1 : i32
    %dma_start3A_196 = arith.constant 0 : i32
    %dma_start3A_197 = arith.constant 0 : i32
    %dma_start3A_198 = tpu.memref_slice %arg8[%dma_start3A_193, %dma_start3A_196, %dma_start3A_197] : memref<3x80x128xf32, #tpu.memory_space<vmem>> -> memref<1x80x128xf32, #tpu.memory_space<vmem>>
    %dma_start3A_199 = tpu.memref_squeeze %dma_start3A_198 : memref<1x80x128xf32, #tpu.memory_space<vmem>> -> memref<80x128xf32, #tpu.memory_space<vmem>>
    %dma_start3A_200 = arith.constant 0 : i32
    %dma_start3A_201 = tpu.memref_slice %arg7[%dma_start3A_194, %dma_start3A_200] : memref<3x80xi32, #tpu.memory_space<vmem>> -> memref<1x80xi32, #tpu.memory_space<vmem>>
    %dma_start3A_202 = tpu.memref_squeeze %dma_start3A_201 : memref<1x80xi32, #tpu.memory_space<vmem>> -> memref<80xi32, #tpu.memory_space<vmem>>
    %dma_start3A_203 = arith.constant 0 : i32
    %dma_start3A_204 = arith.constant 0 : i32
    %dma_start3A_205 = tpu.memref_slice %arg9[%dma_start3A_203, %dma_start3A_204] : memref<10240x128xf32, #tpu.memory_space<vmem_shared>> -> memref<10240x128xf32, #tpu.memory_space<vmem_shared>>
    %dma_start3A_206 = tpu.memref_slice %arg12[%dma_start3A_195] : memref<3x!tpu.dma_semaphore, #tpu.memory_space<semaphore_mem>> -> memref<1x!tpu.dma_semaphore, #tpu.memory_space<semaphore_mem>>
    %dma_start3A_207 = tpu.memref_squeeze %dma_start3A_206 : memref<1x!tpu.dma_semaphore, #tpu.memory_space<semaphore_mem>> -> memref<!tpu.dma_semaphore, #tpu.memory_space<semaphore_mem>>
    tpu.enqueue_indirect_dma source(%dma_start3A_199 : memref<80x128xf32, #tpu.memory_space<vmem>>) target(%dma_start3A_205 : memref<10240x128xf32, #tpu.memory_space<vmem_shared>>) offsets(%dma_start3A_202 : memref<80xi32, #tpu.memory_space<vmem>>) semaphore(%dma_start3A_207 : memref<!tpu.dma_semaphore, #tpu.memory_space<semaphore_mem>>) {add = true}
    %dma_wait3A_208 = arith.constant 2 : i32
    %dma_wait3A_209 = arith.constant 2 : i32
    %dma_wait3A_210 = arith.constant 0 : i32
    %dma_wait3A_211 = arith.constant 0 : i32
    %dma_wait3A_212 = tpu.memref_slice %arg8[%dma_wait3A_208, %dma_wait3A_210, %dma_wait3A_211] : memref<3x80x128xf32, #tpu.memory_space<vmem>> -> memref<1x80x128xf32, #tpu.memory_space<vmem>>
    %dma_wait3A_213 = tpu.memref_squeeze %dma_wait3A_212 : memref<1x80x128xf32, #tpu.memory_space<vmem>> -> memref<80x128xf32, #tpu.memory_space<vmem>>
    %dma_wait3A_214 = arith.constant 9920 : i32
    %dma_wait3A_215 = tpu.memref_slice %arg6[%dma_wait3A_214] : memref<10000xi32, #tpu.memory_space<vmem>> -> memref<80xi32, #tpu.memory_space<vmem>>
    %dma_wait3A_216 = arith.constant 0 : i32
    %dma_wait3A_217 = arith.constant 0 : i32
    %dma_wait3A_218 = tpu.memref_slice %arg2[%dma_wait3A_216, %dma_wait3A_217] : memref<10000x128xf32, #tpu.memory_space<hbm>> -> memref<10000x128xf32, #tpu.memory_space<hbm>>
    %dma_wait3A_219 = tpu.memref_slice %arg10[%dma_wait3A_209] : memref<3x!tpu.dma_semaphore, #tpu.memory_space<semaphore_mem>> -> memref<1x!tpu.dma_semaphore, #tpu.memory_space<semaphore_mem>>
    %dma_wait3A_220 = tpu.memref_squeeze %dma_wait3A_219 : memref<1x!tpu.dma_semaphore, #tpu.memory_space<semaphore_mem>> -> memref<!tpu.dma_semaphore, #tpu.memory_space<semaphore_mem>>
    tpu.wait_indirect_dma semaphore(%dma_wait3A_220 : memref<!tpu.dma_semaphore, #tpu.memory_space<semaphore_mem>>) src(%dma_wait3A_218 : memref<10000x128xf32, #tpu.memory_space<hbm>>) dst(%dma_wait3A_213 : memref<80x128xf32, #tpu.memory_space<vmem>>)
    %mul3A_221 = arith.constant 10000 : i32
    %mul3A_222 = arith.muli %add3A, %mul3A_221 : i32
    %add3A_223 = arith.constant 9920 : i32
    %add3A_224 = arith.addi %mul3A_222, %add3A_223 : i32
    %dma_wait3A_225 = arith.constant 2 : i32
    %dma_wait3A_226 = arith.constant 2 : i32
    %dma_wait3A_227 = arith.constant 0 : i32
    %dma_wait3A_228 = tpu.memref_slice %arg7[%dma_wait3A_225, %dma_wait3A_227] : memref<3x80xi32, #tpu.memory_space<vmem>> -> memref<1x80xi32, #tpu.memory_space<vmem>>
    %dma_wait3A_229 = tpu.memref_squeeze %dma_wait3A_228 : memref<1x80xi32, #tpu.memory_space<vmem>> -> memref<80xi32, #tpu.memory_space<vmem>>
    %dma_wait3A_230 = tpu.memref_slice %arg4[%add3A_224] : memref<320000xi32, #tpu.memory_space<hbm>> -> memref<80xi32, #tpu.memory_space<hbm>>
    %dma_wait3A_231 = tpu.memref_slice %arg11[%dma_wait3A_226] : memref<3x!tpu.dma_semaphore, #tpu.memory_space<semaphore_mem>> -> memref<1x!tpu.dma_semaphore, #tpu.memory_space<semaphore_mem>>
    %dma_wait3A_232 = tpu.memref_squeeze %dma_wait3A_231 : memref<1x!tpu.dma_semaphore, #tpu.memory_space<semaphore_mem>> -> memref<!tpu.dma_semaphore, #tpu.memory_space<semaphore_mem>>
    %dma_wait3A_233 = arith.constant 0 : i32
    %dma_wait3A_234 = tpu.memref_slice %arg7[%dma_wait3A_225, %dma_wait3A_233] : memref<3x80xi32, #tpu.memory_space<vmem>> -> memref<1x80xi32, #tpu.memory_space<vmem>>
    %dma_wait3A_235 = tpu.memref_squeeze %dma_wait3A_234 : memref<1x80xi32, #tpu.memory_space<vmem>> -> memref<80xi32, #tpu.memory_space<vmem>>
    %dma_wait3A_236 = tpu.memref_slice %arg4[%add3A_224] : memref<320000xi32, #tpu.memory_space<hbm>> -> memref<80xi32, #tpu.memory_space<hbm>>
    tpu.wait_dma2 semaphore(%dma_wait3A_232 : memref<!tpu.dma_semaphore, #tpu.memory_space<semaphore_mem>>) src(%dma_wait3A_236 : memref<80xi32, #tpu.memory_space<hbm>>) dst(%dma_wait3A_235 : memref<80xi32, #tpu.memory_space<vmem>>)
    %dma_wait3A_237 = arith.constant 1 : i32
    %dma_wait3A_238 = arith.constant 1 : i32
    %dma_wait3A_239 = arith.constant 1 : i32
    %dma_wait3A_240 = arith.constant 0 : i32
    %dma_wait3A_241 = arith.constant 0 : i32
    %dma_wait3A_242 = tpu.memref_slice %arg8[%dma_wait3A_237, %dma_wait3A_240, %dma_wait3A_241] : memref<3x80x128xf32, #tpu.memory_space<vmem>> -> memref<1x80x128xf32, #tpu.memory_space<vmem>>
    %dma_wait3A_243 = tpu.memref_squeeze %dma_wait3A_242 : memref<1x80x128xf32, #tpu.memory_space<vmem>> -> memref<80x128xf32, #tpu.memory_space<vmem>>
    %dma_wait3A_244 = arith.constant 0 : i32
    %dma_wait3A_245 = tpu.memref_slice %arg7[%dma_wait3A_238, %dma_wait3A_244] : memref<3x80xi32, #tpu.memory_space<vmem>> -> memref<1x80xi32, #tpu.memory_space<vmem>>
    %dma_wait3A_246 = tpu.memref_squeeze %dma_wait3A_245 : memref<1x80xi32, #tpu.memory_space<vmem>> -> memref<80xi32, #tpu.memory_space<vmem>>
    %dma_wait3A_247 = arith.constant 0 : i32
    %dma_wait3A_248 = arith.constant 0 : i32
    %dma_wait3A_249 = tpu.memref_slice %arg9[%dma_wait3A_247, %dma_wait3A_248] : memref<10240x128xf32, #tpu.memory_space<vmem_shared>> -> memref<10240x128xf32, #tpu.memory_space<vmem_shared>>
    %dma_wait3A_250 = tpu.memref_slice %arg12[%dma_wait3A_239] : memref<3x!tpu.dma_semaphore, #tpu.memory_space<semaphore_mem>> -> memref<1x!tpu.dma_semaphore, #tpu.memory_space<semaphore_mem>>
    %dma_wait3A_251 = tpu.memref_squeeze %dma_wait3A_250 : memref<1x!tpu.dma_semaphore, #tpu.memory_space<semaphore_mem>> -> memref<!tpu.dma_semaphore, #tpu.memory_space<semaphore_mem>>
    tpu.wait_indirect_dma semaphore(%dma_wait3A_251 : memref<!tpu.dma_semaphore, #tpu.memory_space<semaphore_mem>>) src(%dma_wait3A_243 : memref<80x128xf32, #tpu.memory_space<vmem>>) dst(%dma_wait3A_249 : memref<10240x128xf32, #tpu.memory_space<vmem_shared>>)
    %barrier3A_252 = arith.constant 0 : index
    tpu.barrier barrier_id(%barrier3A_252)
    %mul3A_253 = arith.constant 640 : i32
    %mul3A_254 = arith.muli %arg1, %mul3A_253 : i32
    %mul3A_255 = arith.constant 640 : i32
    %mul3A_256 = arith.muli %arg1, %mul3A_255 : i32
    "tpu.region"() ({
      %run_scoped3A = tpu.sem_alloc : memref<!tpu.dma_semaphore, #tpu.memory_space<semaphore_mem>>
      %dma_start3A_257 = arith.constant 0 : i32
      %dma_start3A_258 = tpu.memref_slice %arg5[%arg0, %mul3A_256, %dma_start3A_257] : memref<2x10240x128xf32, #tpu.memory_space<hbm>> -> memref<1x640x128xf32, #tpu.memory_space<hbm>>
      %dma_start3A_259 = tpu.memref_squeeze %dma_start3A_258 : memref<1x640x128xf32, #tpu.memory_space<hbm>> -> memref<640x128xf32, #tpu.memory_space<hbm>>
      %dma_start3A_260 = arith.constant 0 : i32
      %dma_start3A_261 = tpu.memref_slice %arg9[%mul3A_254, %dma_start3A_260] : memref<10240x128xf32, #tpu.memory_space<vmem_shared>> -> memref<640x128xf32, #tpu.memory_space<vmem_shared>>
      tpu.enqueue_dma source(%dma_start3A_261 : memref<640x128xf32, #tpu.memory_space<vmem_shared>>) target(%dma_start3A_259 : memref<640x128xf32, #tpu.memory_space<hbm>>) target_semaphore(%run_scoped3A : memref<!tpu.dma_semaphore, #tpu.memory_space<semaphore_mem>>)
      %dma_wait3A_262 = arith.constant 0 : i32
      %dma_wait3A_263 = tpu.memref_slice %arg5[%arg0, %mul3A_256, %dma_wait3A_262] : memref<2x10240x128xf32, #tpu.memory_space<hbm>> -> memref<1x640x128xf32, #tpu.memory_space<hbm>>
      %dma_wait3A_264 = tpu.memref_squeeze %dma_wait3A_263 : memref<1x640x128xf32, #tpu.memory_space<hbm>> -> memref<640x128xf32, #tpu.memory_space<hbm>>
      %dma_wait3A_265 = arith.constant 0 : i32
      %dma_wait3A_266 = tpu.memref_slice %arg9[%mul3A_254, %dma_wait3A_265] : memref<10240x128xf32, #tpu.memory_space<vmem_shared>> -> memref<640x128xf32, #tpu.memory_space<vmem_shared>>
      tpu.wait_dma2 semaphore(%run_scoped3A : memref<!tpu.dma_semaphore, #tpu.memory_space<semaphore_mem>>) src(%dma_wait3A_266 : memref<640x128xf32, #tpu.memory_space<vmem_shared>>) dst(%dma_wait3A_264 : memref<640x128xf32, #tpu.memory_space<hbm>>)
      tpu.yield
    }) : () -> ()
    return
  }
}

module attributes {stable_mosaic.version = 14 : i64} {
  func.func @_tc_mid_body(%arg0: i32, %arg1: memref<2x2000x128xf32, #tpu.memory_space<vmem>>, %arg2: memref<2000x128xf32, #tpu.memory_space<vmem>>, %arg3: memref<2000x8xf32, #tpu.memory_space<vmem>>, %arg4: memref<1x128xf32, #tpu.memory_space<vmem>>, %arg5: memref<128x128xf32, #tpu.memory_space<vmem>>, %arg6: memref<2000x128xf32, #tpu.memory_space<vmem>>) attributes {dimension_semantics = [#tpu.dimension_semantics<arbitrary>], iteration_bounds = array<i64: 5>, scalar_prefetch = 0 : i64, scratch_operands = 0 : i64, tpu.core_type = #tpu.core_type<tc>, window_params = [{transform_indices = @transform_0, window_bounds = array<i64: 2, 2000, 128>}, {transform_indices = @transform_1, window_bounds = array<i64: 2000, 128>}, {transform_indices = @transform_2, window_bounds = array<i64: 2000, 8>}, {pipeline_mode = #tpu.pipeline_mode<synchronous>, transform_indices = @transform_3, window_bounds = array<i64: 1, 128>}, {pipeline_mode = #tpu.pipeline_mode<synchronous>, transform_indices = @transform_4, window_bounds = array<i64: 128, 128>}, {transform_indices = @transform_5, window_bounds = array<i64: 2000, 128>}]} {
    %get3A = arith.constant 0 : index
    %get3A_0 = arith.constant 0 : index
    %get3A_1 = vector.load %arg3[%get3A, %get3A_0] : memref<2000x8xf32, #tpu.memory_space<vmem>>, vector<2000x1xf32>
    %get3A_2 = arith.constant 0 : index
    %get3A_3 = arith.constant 0 : index
    %get3A_4 = arith.constant 0 : index
    %get3A_5 = vector.load %arg1[%get3A_2, %get3A_3, %get3A_4] : memref<2x2000x128xf32, #tpu.memory_space<vmem>>, vector<1x2000x128xf32>
    %get3A_6 = vector.shape_cast %get3A_5 : vector<1x2000x128xf32> to vector<2000x128xf32>
    %get3A_7 = arith.constant 1 : index
    %get3A_8 = arith.constant 0 : index
    %get3A_9 = arith.constant 0 : index
    %get3A_10 = vector.load %arg1[%get3A_7, %get3A_8, %get3A_9] : memref<2x2000x128xf32, #tpu.memory_space<vmem>>, vector<1x2000x128xf32>
    %get3A_11 = vector.shape_cast %get3A_10 : vector<1x2000x128xf32> to vector<2000x128xf32>
    %add3A = arith.addf %get3A_6, %get3A_11 : vector<2000x128xf32>
    %get3A_12 = arith.constant 0 : index
    %get3A_13 = arith.constant 0 : index
    %get3A_14 = vector.load %arg2[%get3A_12, %get3A_13] : memref<2000x128xf32, #tpu.memory_space<vmem>>, vector<2000x128xf32>
    %add3A_15 = arith.addf %add3A, %get3A_14 : vector<2000x128xf32>
    %mul3A = vector.broadcast %get3A_1 : vector<2000x1xf32> to vector<2000x128xf32>
    %mul3A_16 = arith.mulf %mul3A, %add3A_15 : vector<2000x128xf32>
    %get3A_17 = arith.constant 0 : index
    %get3A_18 = arith.constant 0 : index
    %get3A_19 = vector.load %arg4[%get3A_17, %get3A_18] : memref<1x128xf32, #tpu.memory_space<vmem>>, vector<1x128xf32>
    %add3A_20 = vector.broadcast %get3A_19 : vector<1x128xf32> to vector<2000x128xf32>
    %add3A_21 = arith.addf %mul3A_16, %add3A_20 : vector<2000x128xf32>
    %max3A = arith.constant 0.000000e+00 : f32
    %max3A_22 = vector.broadcast %max3A : f32 to vector<2000x128xf32>
    %max3A_23 = arith.maximumf %add3A_21, %max3A_22 : vector<2000x128xf32>
    %get3A_24 = arith.constant 0 : index
    %get3A_25 = arith.constant 0 : index
    %get3A_26 = vector.load %arg5[%get3A_24, %get3A_25] : memref<128x128xf32, #tpu.memory_space<vmem>>, vector<128x128xf32>
    %dot_general3A = arith.constant dense<0.000000e+00> : vector<2000x128xf32>
    %dot_general3A_27 = tpu.matmul %max3A_23, %get3A_26, %dot_general3A {dimension_numbers = #tpu.dot_dimension_numbers<[1], [0], [0], [1], [0, 0, 1, 1], [], []>, transpose_lhs_hint = false} : vector<2000x128xf32>, vector<128x128xf32>, vector<2000x128xf32> -> vector<2000x128xf32>
    %mul3A_28 = vector.broadcast %get3A_1 : vector<2000x1xf32> to vector<2000x128xf32>
    %mul3A_29 = arith.mulf %mul3A_28, %dot_general3A_27 : vector<2000x128xf32>
    %swap3A = arith.constant 0 : index
    %swap3A_30 = arith.constant 0 : index
    %swap3A_31 = vector.load %arg6[%swap3A, %swap3A_30] : memref<2000x128xf32, #tpu.memory_space<vmem>>, vector<2000x128xf32>
    tpu.vector_store %arg6[%swap3A, %swap3A_30], %mul3A_29 {strides = array<i32>} : memref<2000x128xf32, #tpu.memory_space<vmem>>, vector<2000x128xf32>,
    return
  }
  func.func @transform_0(%arg0: i32) -> (i32, i32, i32) {
    %c0_i32 = arith.constant 0 : i32
    %c0_i32_0 = arith.constant 0 : i32
    %c0_i32_1 = arith.constant 0 : i32
    return %c0_i32, %arg0, %c0_i32_0 : i32, i32, i32
  }
  func.func @transform_1(%arg0: i32) -> (i32, i32) {
    %c0_i32 = arith.constant 0 : i32
    %c0_i32_0 = arith.constant 0 : i32
    return %arg0, %c0_i32 : i32, i32
  }
  func.func @transform_2(%arg0: i32) -> (i32, i32) {
    %c0_i32 = arith.constant 0 : i32
    %c0_i32_0 = arith.constant 0 : i32
    return %arg0, %c0_i32 : i32, i32
  }
  func.func @transform_3(%arg0: i32) -> (i32, i32) {
    %c0_i32 = arith.constant 0 : i32
    %c0_i32_0 = arith.constant 0 : i32
    %c0_i32_1 = arith.constant 0 : i32
    return %c0_i32, %c0_i32_0 : i32, i32
  }
  func.func @transform_4(%arg0: i32) -> (i32, i32) {
    %c0_i32 = arith.constant 0 : i32
    %c0_i32_0 = arith.constant 0 : i32
    %c0_i32_1 = arith.constant 0 : i32
    return %c0_i32, %c0_i32_0 : i32, i32
  }
  func.func @transform_5(%arg0: i32) -> (i32, i32) {
    %c0_i32 = arith.constant 0 : i32
    %c0_i32_0 = arith.constant 0 : i32
    return %arg0, %c0_i32 : i32, i32
  }
}

module attributes {stable_mosaic.version = 14 : i64} {
  func.func @_tc1_body(%arg0: i32, %arg1: memref<2000x128xf32, #tpu.memory_space<vmem>>, %arg2: memref<128x128xf32, #tpu.memory_space<vmem>>, %arg3: memref<2x2000x16xf32, #tpu.memory_space<vmem>>, %arg4: memref<2000x8xf32, #tpu.memory_space<vmem>>, %arg5: memref<2000x128xf32, #tpu.memory_space<vmem>>) attributes {dimension_semantics = [#tpu.dimension_semantics<arbitrary>], iteration_bounds = array<i64: 5>, scalar_prefetch = 0 : i64, scratch_operands = 0 : i64, tpu.core_type = #tpu.core_type<tc>, window_params = [{transform_indices = @transform_0, window_bounds = array<i64: 2000, 128>}, {pipeline_mode = #tpu.pipeline_mode<synchronous>, transform_indices = @transform_1, window_bounds = array<i64: 128, 128>}, {transform_indices = @transform_2, window_bounds = array<i64: 2, 2000, 16>}, {transform_indices = @transform_3, window_bounds = array<i64: 2000, 8>}, {transform_indices = @transform_4, window_bounds = array<i64: 2000, 128>}]} {
    %get3A = arith.constant 0 : index
    %get3A_0 = arith.constant 0 : index
    %get3A_1 = arith.constant 0 : index
    %get3A_2 = vector.load %arg3[%get3A, %get3A_0, %get3A_1] : memref<2x2000x16xf32, #tpu.memory_space<vmem>>, vector<1x2000x8xf32>
    %get3A_3 = vector.shape_cast %get3A_2 : vector<1x2000x8xf32> to vector<2000x8xf32>
    %get3A_4 = arith.constant 1 : index
    %get3A_5 = arith.constant 0 : index
    %get3A_6 = arith.constant 0 : index
    %get3A_7 = vector.load %arg3[%get3A_4, %get3A_5, %get3A_6] : memref<2x2000x16xf32, #tpu.memory_space<vmem>>, vector<1x2000x8xf32>
    %get3A_8 = vector.shape_cast %get3A_7 : vector<1x2000x8xf32> to vector<2000x8xf32>
    %add3A = arith.addf %get3A_3, %get3A_8 : vector<2000x8xf32>
    %add3A_9 = arith.constant 1.000000e+00 : f32
    %add3A_10 = vector.broadcast %add3A_9 : f32 to vector<2000x8xf32>
    %add3A_11 = arith.addf %add3A, %add3A_10 : vector<2000x8xf32>
    %rsqrt3A = math.rsqrt %add3A_11 : vector<2000x8xf32>
    %swap3A = arith.constant 0 : index
    %swap3A_12 = arith.constant 0 : index
    %swap3A_13 = vector.load %arg4[%swap3A, %swap3A_12] : memref<2000x8xf32, #tpu.memory_space<vmem>>, vector<2000x8xf32>
    tpu.vector_store %arg4[%swap3A, %swap3A_12], %rsqrt3A {strides = array<i32>} : memref<2000x8xf32, #tpu.memory_space<vmem>>, vector<2000x8xf32>,
    %get3A_14 = arith.constant 0 : index
    %get3A_15 = arith.constant 0 : index
    %get3A_16 = vector.load %arg1[%get3A_14, %get3A_15] : memref<2000x128xf32, #tpu.memory_space<vmem>>, vector<2000x128xf32>
    %get3A_17 = arith.constant 0 : index
    %get3A_18 = arith.constant 0 : index
    %get3A_19 = vector.load %arg2[%get3A_17, %get3A_18] : memref<128x128xf32, #tpu.memory_space<vmem>>, vector<128x128xf32>
    %dot_general3A = arith.constant dense<0.000000e+00> : vector<2000x128xf32>
    %dot_general3A_20 = tpu.matmul %get3A_16, %get3A_19, %dot_general3A {dimension_numbers = #tpu.dot_dimension_numbers<[1], [0], [0], [1], [0, 0, 1, 1], [], []>, transpose_lhs_hint = false} : vector<2000x128xf32>, vector<128x128xf32>, vector<2000x128xf32> -> vector<2000x128xf32>
    %slice3A = vector.extract_strided_slice %rsqrt3A {offsets = [0, 0], sizes = [2000, 1], strides = [1, 1]} : vector<2000x8xf32> to vector<2000x1xf32>
    %mul3A = vector.broadcast %slice3A : vector<2000x1xf32> to vector<2000x128xf32>
    %mul3A_21 = arith.mulf %mul3A, %dot_general3A_20 : vector<2000x128xf32>
    %swap3A_22 = arith.constant 0 : index
    %swap3A_23 = arith.constant 0 : index
    %swap3A_24 = vector.load %arg5[%swap3A_22, %swap3A_23] : memref<2000x128xf32, #tpu.memory_space<vmem>>, vector<2000x128xf32>
    tpu.vector_store %arg5[%swap3A_22, %swap3A_23], %mul3A_21 {strides = array<i32>} : memref<2000x128xf32, #tpu.memory_space<vmem>>, vector<2000x128xf32>,
    return
  }
  func.func @transform_0(%arg0: i32) -> (i32, i32) {
    %c0_i32 = arith.constant 0 : i32
    %c0_i32_0 = arith.constant 0 : i32
    return %arg0, %c0_i32 : i32, i32
  }
  func.func @transform_1(%arg0: i32) -> (i32, i32) {
    %c0_i32 = arith.constant 0 : i32
    %c0_i32_0 = arith.constant 0 : i32
    %c0_i32_1 = arith.constant 0 : i32
    return %c0_i32, %c0_i32_0 : i32, i32
  }
  func.func @transform_2(%arg0: i32) -> (i32, i32, i32) {
    %c0_i32 = arith.constant 0 : i32
    %c0_i32_0 = arith.constant 0 : i32
    %c0_i32_1 = arith.constant 0 : i32
    return %c0_i32, %arg0, %c0_i32_0 : i32, i32, i32
  }
  func.func @transform_3(%arg0: i32) -> (i32, i32) {
    %c0_i32 = arith.constant 0 : i32
    %c0_i32_0 = arith.constant 0 : i32
    return %arg0, %c0_i32 : i32, i32
  }
  func.func @transform_4(%arg0: i32) -> (i32, i32) {
    %c0_i32 = arith.constant 0 : i32
    %c0_i32_0 = arith.constant 0 : i32
    return %arg0, %c0_i32 : i32, i32
  }
}

module attributes {stable_mosaic.version = 14 : i64} {
  func.func @_tc_final_body(%arg0: i32, %arg1: memref<2x2000x128xf32, #tpu.memory_space<vmem>>, %arg2: memref<2000x128xf32, #tpu.memory_space<vmem>>, %arg3: memref<2000x8xf32, #tpu.memory_space<vmem>>, %arg4: memref<1x128xf32, #tpu.memory_space<vmem>>, %arg5: memref<1x1x2000xi32, #tpu.memory_space<vmem>>, %arg6: memref<64x128xf32, #tpu.memory_space<vmem>>, %arg7: memref<64x128xf32, #tpu.memory_space<vmem>>, %arg8: memref<64x128xf32, #tpu.memory_space<vmem>>) attributes {dimension_semantics = [#tpu.dimension_semantics<arbitrary>], iteration_bounds = array<i64: 5>, scalar_prefetch = 0 : i64, scratch_operands = 2 : i64, tpu.core_type = #tpu.core_type<tc>, window_params = [{transform_indices = @transform_0, window_bounds = array<i64: 2, 2000, 128>}, {transform_indices = @transform_1, window_bounds = array<i64: 2000, 128>}, {transform_indices = @transform_2, window_bounds = array<i64: 2000, 8>}, {pipeline_mode = #tpu.pipeline_mode<synchronous>, transform_indices = @transform_3, window_bounds = array<i64: 1, 128>}, {transform_indices = @transform_4, window_bounds = array<i64: 1, 1, 2000>}, {pipeline_mode = #tpu.pipeline_mode<synchronous>, transform_indices = @transform_5, window_bounds = array<i64: 64, 128>}]} {
    %eq3A = arith.constant 0 : i32
    %eq3A_0 = arith.cmpi eq, %arg0, %eq3A : i32
    %convert_element_type3A = arith.extui %eq3A_0 : i1 to i32
    %cond3A = arith.constant 0 : i32
    %cond3A_1 = arith.cmpi ne, %convert_element_type3A, %cond3A : i32
    scf.if %cond3A_1 {
      %broadcast_in_dim3A_54 = arith.constant 0.000000e+00 : f32
      %broadcast_in_dim3A_55 = vector.broadcast %broadcast_in_dim3A_54 : f32 to vector<64x128xf32>
      %swap3A_56 = arith.constant 0 : index
      %swap3A_57 = arith.constant 0 : index
      %swap3A_58 = vector.load %arg7[%swap3A_56, %swap3A_57] : memref<64x128xf32, #tpu.memory_space<vmem>>, vector<64x128xf32>
      tpu.vector_store %arg7[%swap3A_56, %swap3A_57], %broadcast_in_dim3A_55 {strides = array<i32>} : memref<64x128xf32, #tpu.memory_space<vmem>>, vector<64x128xf32>,
      %broadcast_in_dim3A_59 = arith.constant 0.000000e+00 : f32
      %broadcast_in_dim3A_60 = vector.broadcast %broadcast_in_dim3A_59 : f32 to vector<64x128xf32>
      %swap3A_61 = arith.constant 0 : index
      %swap3A_62 = arith.constant 0 : index
      %swap3A_63 = vector.load %arg8[%swap3A_61, %swap3A_62] : memref<64x128xf32, #tpu.memory_space<vmem>>, vector<64x128xf32>
      tpu.vector_store %arg8[%swap3A_61, %swap3A_62], %broadcast_in_dim3A_60 {strides = array<i32>} : memref<64x128xf32, #tpu.memory_space<vmem>>, vector<64x128xf32>,
    } else {
    }
    %get3A = arith.constant 0 : index
    %get3A_2 = arith.constant 0 : index
    %get3A_3 = vector.load %arg3[%get3A, %get3A_2] : memref<2000x8xf32, #tpu.memory_space<vmem>>, vector<2000x1xf32>
    %get3A_4 = arith.constant 0 : index
    %get3A_5 = arith.constant 0 : index
    %get3A_6 = arith.constant 0 : index
    %get3A_7 = vector.load %arg1[%get3A_4, %get3A_5, %get3A_6] : memref<2x2000x128xf32, #tpu.memory_space<vmem>>, vector<1x2000x128xf32>
    %get3A_8 = vector.shape_cast %get3A_7 : vector<1x2000x128xf32> to vector<2000x128xf32>
    %get3A_9 = arith.constant 1 : index
    %get3A_10 = arith.constant 0 : index
    %get3A_11 = arith.constant 0 : index
    %get3A_12 = vector.load %arg1[%get3A_9, %get3A_10, %get3A_11] : memref<2x2000x128xf32, #tpu.memory_space<vmem>>, vector<1x2000x128xf32>
    %get3A_13 = vector.shape_cast %get3A_12 : vector<1x2000x128xf32> to vector<2000x128xf32>
    %add3A = arith.addf %get3A_8, %get3A_13 : vector<2000x128xf32>
    %get3A_14 = arith.constant 0 : index
    %get3A_15 = arith.constant 0 : index
    %get3A_16 = vector.load %arg2[%get3A_14, %get3A_15] : memref<2000x128xf32, #tpu.memory_space<vmem>>, vector<2000x128xf32>
    %add3A_17 = arith.addf %add3A, %get3A_16 : vector<2000x128xf32>
    %mul3A = vector.broadcast %get3A_3 : vector<2000x1xf32> to vector<2000x128xf32>
    %mul3A_18 = arith.mulf %mul3A, %add3A_17 : vector<2000x128xf32>
    %get3A_19 = arith.constant 0 : index
    %get3A_20 = arith.constant 0 : index
    %get3A_21 = vector.load %arg4[%get3A_19, %get3A_20] : memref<1x128xf32, #tpu.memory_space<vmem>>, vector<1x128xf32>
    %add3A_22 = vector.broadcast %get3A_21 : vector<1x128xf32> to vector<2000x128xf32>
    %add3A_23 = arith.addf %mul3A_18, %add3A_22 : vector<2000x128xf32>
    %get3A_24 = arith.constant 0 : index
    %get3A_25 = arith.constant 0 : index
    %get3A_26 = arith.constant 0 : index
    %get3A_27 = vector.load %arg5[%get3A_24, %get3A_25, %get3A_26] : memref<1x1x2000xi32, #tpu.memory_space<vmem>>, vector<1x1x2000xi32>
    %get3A_28 = vector.shape_cast %get3A_27 : vector<1x1x2000xi32> to vector<1x2000xi32>
    %iota3A = tpu.iota {dimensions = array<i32: 0>} : vector<64x2000xi32>
    %eq3A_29 = vector.broadcast %get3A_28 : vector<1x2000xi32> to vector<64x2000xi32>
    %eq3A_30 = arith.cmpi eq, %eq3A_29, %iota3A : vector<64x2000xi32>
    %convert_element_type3A_31 = arith.extui %eq3A_30 : vector<64x2000xi1> to vector<64x2000xi32>
    %convert_element_type3A_32 = arith.sitofp %convert_element_type3A_31 : vector<64x2000xi32> to vector<64x2000xf32>
    %get3A_33 = arith.constant 0 : index
    %get3A_34 = arith.constant 0 : index
    %get3A_35 = vector.load %arg7[%get3A_33, %get3A_34] : memref<64x128xf32, #tpu.memory_space<vmem>>, vector<64x128xf32>
    %dot_general3A = arith.constant dense<0.000000e+00> : vector<64x128xf32>
    %dot_general3A_36 = tpu.matmul %convert_element_type3A_32, %add3A_23, %dot_general3A {dimension_numbers = #tpu.dot_dimension_numbers<[1], [0], [0], [1], [0, 0, 1, 1], [], []>, transpose_lhs_hint = false} : vector<64x2000xf32>, vector<2000x128xf32>, vector<64x128xf32> -> vector<64x128xf32>
    %add3A_37 = arith.addf %get3A_35, %dot_general3A_36 : vector<64x128xf32>
    %swap3A = arith.constant 0 : index
    %swap3A_38 = arith.constant 0 : index
    %swap3A_39 = vector.load %arg7[%swap3A, %swap3A_38] : memref<64x128xf32, #tpu.memory_space<vmem>>, vector<64x128xf32>
    tpu.vector_store %arg7[%swap3A, %swap3A_38], %add3A_37 {strides = array<i32>} : memref<64x128xf32, #tpu.memory_space<vmem>>, vector<64x128xf32>,
    %get3A_40 = arith.constant 0 : index
    %get3A_41 = arith.constant 0 : index
    %get3A_42 = vector.load %arg8[%get3A_40, %get3A_41] : memref<64x128xf32, #tpu.memory_space<vmem>>, vector<64x128xf32>
    %reduce_sum3A = arith.constant dense<0.000000e+00> : vector<64xf32>
    %reduce_sum3A_43 = vector.multi_reduction <add>, %convert_element_type3A_32, %reduce_sum3A [1] : vector<64x2000xf32> to vector<64xf32>
    %broadcast_in_dim3A = vector.shape_cast %reduce_sum3A_43 : vector<64xf32> to vector<64x1xf32>
    %add3A_44 = vector.broadcast %broadcast_in_dim3A : vector<64x1xf32> to vector<64x128xf32>
    %add3A_45 = arith.addf %get3A_42, %add3A_44 : vector<64x128xf32>
    %swap3A_46 = arith.constant 0 : index
    %swap3A_47 = arith.constant 0 : index
    %swap3A_48 = vector.load %arg8[%swap3A_46, %swap3A_47] : memref<64x128xf32, #tpu.memory_space<vmem>>, vector<64x128xf32>
    tpu.vector_store %arg8[%swap3A_46, %swap3A_47], %add3A_45 {strides = array<i32>} : memref<64x128xf32, #tpu.memory_space<vmem>>, vector<64x128xf32>,
    %eq3A_49 = arith.constant 4 : i32
    %eq3A_50 = arith.cmpi eq, %arg0, %eq3A_49 : i32
    %convert_element_type3A_51 = arith.extui %eq3A_50 : i1 to i32
    %cond3A_52 = arith.constant 0 : i32
    %cond3A_53 = arith.cmpi ne, %convert_element_type3A_51, %cond3A_52 : i32
    scf.if %cond3A_53 {
      %get3A_54 = arith.constant 0 : index
      %get3A_55 = arith.constant 0 : index
      %get3A_56 = vector.load %arg7[%get3A_54, %get3A_55] : memref<64x128xf32, #tpu.memory_space<vmem>>, vector<64x128xf32>
      %get3A_57 = arith.constant 0 : index
      %get3A_58 = arith.constant 0 : index
      %get3A_59 = vector.load %arg8[%get3A_57, %get3A_58] : memref<64x128xf32, #tpu.memory_space<vmem>>, vector<64x128xf32>
      %max3A = arith.constant 1.000000e+00 : f32
      %max3A_60 = vector.broadcast %max3A : f32 to vector<64x128xf32>
      %max3A_61 = arith.maximumf %get3A_59, %max3A_60 : vector<64x128xf32>
      %div3A = arith.divf %get3A_56, %max3A_61 : vector<64x128xf32>
      %swap3A_62 = arith.constant 0 : index
      %swap3A_63 = arith.constant 0 : index
      %swap3A_64 = vector.load %arg6[%swap3A_62, %swap3A_63] : memref<64x128xf32, #tpu.memory_space<vmem>>, vector<64x128xf32>
      tpu.vector_store %arg6[%swap3A_62, %swap3A_63], %div3A {strides = array<i32>} : memref<64x128xf32, #tpu.memory_space<vmem>>, vector<64x128xf32>,
    } else {
    }
    return
  }
  func.func @transform_0(%arg0: i32) -> (i32, i32, i32) {
    %c0_i32 = arith.constant 0 : i32
    %c0_i32_0 = arith.constant 0 : i32
    %c0_i32_1 = arith.constant 0 : i32
    return %c0_i32, %arg0, %c0_i32_0 : i32, i32, i32
  }
  func.func @transform_1(%arg0: i32) -> (i32, i32) {
    %c0_i32 = arith.constant 0 : i32
    %c0_i32_0 = arith.constant 0 : i32
    return %arg0, %c0_i32 : i32, i32
  }
  func.func @transform_2(%arg0: i32) -> (i32, i32) {
    %c0_i32 = arith.constant 0 : i32
    %c0_i32_0 = arith.constant 0 : i32
    return %arg0, %c0_i32 : i32, i32
  }
  func.func @transform_3(%arg0: i32) -> (i32, i32) {
    %c0_i32 = arith.constant 0 : i32
    %c0_i32_0 = arith.constant 0 : i32
    %c0_i32_1 = arith.constant 0 : i32
    return %c0_i32, %c0_i32_0 : i32, i32
  }
  func.func @transform_4(%arg0: i32) -> (i32, i32, i32) {
    %c0_i32 = arith.constant 0 : i32
    %c0_i32_0 = arith.constant 0 : i32
    %c0_i32_1 = arith.constant 0 : i32
    return %arg0, %c0_i32, %c0_i32_0 : i32, i32, i32
  }
  func.func @transform_5(%arg0: i32) -> (i32, i32) {
    %c0_i32 = arith.constant 0 : i32
    %c0_i32_0 = arith.constant 0 : i32
    %c0_i32_1 = arith.constant 0 : i32
    return %c0_i32, %c0_i32_0 : i32, i32
  }
}

</mosaic_0001>

<sc_bundles>
// kernel: kernel.10.cloned.1.call-start
scs
__scs_entry_jumppad:
0x0: {  	(pc) =	sbr.rel $0x88, $3  }
0x1: {  	(tag) =	ssettag $0x0;
	lr =	simm.s32 $0x1  }
0x2: {  	[smem:$0x3F98] =	sst lr;
	_ =	strace $0xD0000000  }
0x3: {  	_ = 	snop  }
0x4: {  	_ = 	snop  }
0x5: {  	_ = 	snop  }
0x6: {  	_ = 	snop  }
0x7: {  	_ = 	snop  }
__scs_overlays_trampoline_lowered:
0x8: {  	[smem:$0x3FA7] =	sst s0  }
0x9: {  	[smem:$0x3FA8] =	sst s1  }
0xa: {  	[smem:$0x3FA9] =	sst s2  }
0xb: {  	[smem:$0x3FAA] =	sst s3  }
0xc: {  	[smem:$0x3FAB] =	sst s4  }
0xd: {  	[smem:$0x3FAC] =	sst s5  }
0xe: {  	[smem:$0x3FAD] =	sst s6  }
0xf: {  	[smem:$0x3FAE] =	sst s7  }
0x10: {  	[smem:$0x3FAF] =	sst s8  }
0x11: {  	[smem:$0x3FB0] =	sst s9;
	s0 =	simm.s32 @!p0 $0x0  }
0x12: {  	s1 =	sld [smem:$0x3F96];
	s0 =	simm.s32 @p0 $0x1  }
0x13: {  	[smem:$0x3FB1] =	sst s0;
	s0 =	simm.s32 @!p1 $0x0  }
0x14: {  	s2 =	sld [smem:$0x3F95];
	s0 =	simm.s32 @p1 $0x1  }
0x15: {  	[smem:$0x3FB2] =	sst s0;
	s0 =	simm.s32 @!p2 $0x0  }
0x16: {  	s3 =	sld [smem:$0x3FDB];
	s0 =	simm.s32 @p2 $0x1  }
0x17: {  	s4 =	simm.s32 $0x1BF5;
	[smem:$0x3FB4] =	sst s0  }
0x18: {  	s0 =	sld [smem:$0x3F97];
	_ =	swait.ge [sflag:s4], $0x0  }
0x19: {  	s7 =	sld [smem:$0x3F98]  }
0x1a: {  	s8 =	sadd.s32 $0xFFFFE003, lr  }
0x1b: {  	s9 =	sadd.s32 $0xFFFFFEF7, lr;
	s5 =	simm.s32 $0xFFFFFFFF;
	p2 =	slt.u32 s8, $0xFFFFF086  }
0x1c: {  	p1 =	slt.u32 s9, $0xF7A;
	s5 =	simm.s32 @!p2 $0x0  }
0x1d: {  	s5 =	simm.s32 @p1 $0x1;
	p0 =	seq.s32 s7, s2  }
0x1e: {  	s7 =	smul.u32 @!p0 $0xF7A, s2;
	p2 =	seq.s32 @!p0 s5, $0x0  }
0x1f: {  	s9 =	smul.u32 $0xF7A, s1;
	s8 =	simm.s32 @!p0 $0x1BF5;
	p2 =	por !p2, p0  }
0x20: {  	[sflag:s8] =	ssyncset.s32 @!p0 $0xFFFFF086;
	s6 =	sadd.s32 @!p0 s3, s7;
	s7 =	simm.s32 @!p0 $0x108  }
0x21: {  	s3 =	sadd.s32 s3, s9;
	s6 =	sadd.s32 @!p0 $0x88, s6;
	s7 =	simm.s32 @p2 $0x1082  }
0x22: {  	[simem:s7], [sflag:s8] =	dma.local @!p0 [hbm:s6], $0xF7A  }
0x23: {  	s9 =	sor.u32 $0xD0000000, s2;
	s6 =	simm.s32 $0x108;
	_ =	swait.ge @!p0 [sflag:s8], $0x0  }
0x24: {  	s3 =	sadd.s32 $0x88, s3;
	s6 =	simm.s32 @!p1 $0x1082;
	[sflag:s4] =	ssyncset.s32 $0xFFFFF086  }
0x25: {  	[simem:s6], [sflag:s4] =	dma.local [hbm:s3], $0xF7A  }
0x26: {  	[smem:$0x3F98] =	sst s1;
	(tag) =	ssettag s2;
	_ =	strace s9  }
0x27: {  	s1 =	sld [smem:$0x3FA8]  }
0x28: {  	s2 =	sld [smem:$0x3FA9]  }
0x29: {  	s4 =	sld [smem:$0x3FAB]  }
0x2a: {  	p0 =	seq.s32 s5, $0x0;
	s5 =	sld [smem:$0x3FAC]  }
0x2b: {  	s6 =	sld [smem:$0x3FAD]  }
0x2c: {  	s7 =	sld [smem:$0x3FAE]  }
0x2d: {  	s3 =	simm.s32 $0x108;
	s8 =	sld [smem:$0x3FAF]  }
0x2e: {  	s3 =	simm.s32 @!p0 $0x1082;
	s9 =	sld [smem:$0x3FB0]  }
0x2f: {  	lr =	sadd.s32 s0, s3;
	s0 =	sld [smem:$0x3FA7]  }
0x30: {  	s3 =	sld [smem:$0x3FAA]  }
0x31: {  	[smem:$0x3FB3] =	sst s10  }
0x32: {  	s10 =	sld [smem:$0x3FB1];
	_ =	sdelay $0x3  }
0x33: {  	p0 =	seq.s32 s10, $0x1;
	s10 =	sld [smem:$0x3FB3];
	_ =	sdelay $0x3  }
0x34: {  	[smem:$0x3FB3] =	sst s10  }
0x35: {  	s10 =	sld [smem:$0x3FB2];
	_ =	sdelay $0x3  }
0x36: {  	p1 =	seq.s32 s10, $0x1;
	s10 =	sld [smem:$0x3FB3];
	_ =	sdelay $0x3  }
0x37: {  	[smem:$0x3FB3] =	sst s10  }
0x38: {  	s10 =	sld [smem:$0x3FB4]  }
0x39: {  	_ = 	snop;
	(pc) =	sbr.ind lr, $3  }
0x3a: {  	_ = 	snop  }
0x3b: {  	_ = 	snop  }
0x3c: {  	p2 =	seq.s32 s10, $0x1;
	s10 =	sld [smem:$0x3FB3]  }
0x3d: {  	_ =	shalt  }
0x3e: {  	_ =	shalt  }
0x3f: {  	_ =	shalt  }
0x40: {  	_ =	shalt  }
0x41: {  	_ =	shalt  }
0x42: {  	_ =	shalt  }
0x43: {  	_ =	shalt  }
0x44: {  	_ =	shalt  }
0x45: {  	_ =	shalt  }
0x46: {  	_ =	shalt  }
0x47: {  	_ =	shalt  }
0x48: {  	_ =	shalt  }
0x49: {  	_ =	shalt  }
0x4a: {  	_ =	shalt  }
0x4b: {  	_ =	shalt  }
0x4c: {  	_ =	shalt  }
0x4d: {  	_ =	shalt  }
0x4e: {  	_ =	shalt  }
0x4f: {  	_ =	shalt  }
0x50: {  	_ =	shalt  }
0x51: {  	_ =	shalt  }
0x52: {  	_ =	shalt  }
0x53: {  	_ =	shalt  }
0x54: {  	_ =	shalt  }
0x55: {  	_ =	shalt  }
0x56: {  	_ =	shalt  }
0x57: {  	_ =	shalt  }
0x58: {  	_ =	shalt  }
0x59: {  	_ =	shalt  }
0x5a: {  	_ =	shalt  }
0x5b: {  	_ =	shalt  }
0x5c: {  	_ =	shalt  }
0x5d: {  	_ =	shalt  }
0x5e: {  	_ =	shalt  }
0x5f: {  	_ =	shalt  }
0x60: {  	_ =	shalt  }
0x61: {  	_ =	shalt  }
0x62: {  	_ =	shalt  }
0x63: {  	_ =	shalt  }
0x64: {  	_ =	shalt  }
0x65: {  	_ =	shalt  }
0x66: {  	_ =	shalt  }
0x67: {  	_ =	shalt  }
0x68: {  	_ =	shalt  }
0x69: {  	_ =	shalt  }
0x6a: {  	_ =	shalt  }
0x6b: {  	_ =	shalt  }
0x6c: {  	_ =	shalt  }
0x6d: {  	_ =	shalt  }
0x6e: {  	_ =	shalt  }
0x6f: {  	_ =	shalt  }
0x70: {  	_ =	shalt  }
0x71: {  	_ =	shalt  }
0x72: {  	_ =	shalt  }
0x73: {  	_ =	shalt  }
0x74: {  	_ =	shalt  }
0x75: {  	_ =	shalt  }
0x76: {  	_ =	shalt  }
0x77: {  	_ =	shalt  }
0x78: {  	_ =	shalt  }
0x79: {  	_ =	shalt  }
0x7a: {  	_ =	shalt  }
0x7b: {  	_ =	shalt  }
0x7c: {  	_ =	shalt  }
0x7d: {  	_ =	shalt  }
0x7e: {  	_ =	shalt  }
0x7f: {  	_ =	shalt  }
0x80: {  	_ =	shalt  }
0x81: {  	_ =	shalt  }
0x82: {  	_ =	shalt  }
0x83: {  	_ =	shalt  }
0x84: {  	_ =	shalt  }
0x85: {  	_ =	shalt  }
0x86: {  	_ =	shalt  }
0x87: {  	_ =	shalt  }
.Lfunc_end0:
.L_simem_size_0:
called_computation_lowered:
.L_overlay_start_0:
0x88: {  	s2 =	sld [smem:$0x3FD9]  }
0x89: {  	s3 =	sld [smem:$0x3FFE];
	_ =	sdelay $0x1  }
0x8a: {  	s1 =	srdreg.scid  }
0x8b: {  	s0 =	sand.u32 $0x1, s1  }
0x8c: {  	s16 =	sshll.u32 s0, $0xA;
	s2 =	sadd.s32 s3, s2  }
0x8d: {  	s2 =	sadd.s32 s2, s16  }
0x8e: {  	[smem:$0x3FBF] =	sst s2  }
0x8f: {  	_ = 	snop  }
0x90: {  	(tm) =	ssettm $0x1  }
0x91: {  	s17 =	sld [smem:$0x3FFB];
	_ =	sdelay $0x3  }
0x92: {  	_ =	strace s17  }
0x93: {  	s2 =	sld [smem:$0x3FFC];
	_ =	sdelay $0x3  }
0x94: {  	_ =	strace s2  }
0x95: {  	s2 =	sld [smem:$0x3FFD];
	_ =	sdelay $0x3  }
0x96: {  	_ =	strace s2  }
0x97: {  	_ =	strace $0x8FFFFFFF  }
0x98: {  	s18 =	sld [smem:$0x3FDB];
	_ =	sdelay $0x1  }
0x99: {  	s19 =	simm.s32 $_scs_section_size  }
0x9a: {  	s4 =	simm.s32 $_size__tile_overlayer_lowered;
	s5 =	simm.s32 $_tile_overlayer_lowered  }
0x9b: {  	s22 =	simm.s32 $0x1BFF;
	s21 =	sshll.u32 s5, $0x1;
	s2 =	sadd.s32 s19, s18  }
0x9c: {  	s6 =	simm.s32 $0x0;
	s20 =	sshll.u32 s4, $0x1;
	s4 =	sadd.s32 s21, s2  }
0x9d: {  	[timem:s6], [sflag:s22] =	dma.local [hbm:s4], s20  }
0x9e: {  	_ =	swait.ge [sflag:s22], s20  }
0x9f: {  	s3 =	ssub.s32 $0x0, s20;
	[sflag:s22] =	ssyncset.done $0x0  }
0xa0: {  	[sflag:s22] =	ssyncadd.s32 s3;
	_ =	sdelay $0x1  }
0xa1: {  	s23 =	simm.s32 $0x1B8B  }
0xa2: {  	_ =	swait.ge [sflag:s23], $0x1  }
0xa3: {  	[sflag:s23] =	ssyncset.done $0x0  }
0xa4: {  	s25 =	simm.s32 $0x1B8E;
	s24 =	sld [smem:$0x3FFE];
	[sflag:s23] =	ssyncadd.s32 $0xFFFFFFFF  }
0xa5: {  	s26 =	simm.s32 $execute0_lowered;
	[smem:$0x3FD2] =	sst s25  }
0xa6: {  	s4 =	sshll.u32 s26, $0x1;
	_ =	strace $0x80000046;
	[dreg:$0x1] =	wrdreg $0xFFFFFFFF  }
0xa7: {  	s28 =	simm.s32 $_size_execute0_lowered;
	s2 =	sadd.s32 s2, s4;
	[dreg:$0x0] =	wrdreg $0x0  }
0xa8: {  	s4 =	sshll.u32 s28, $0x1;
	[dreg:$0x2] =	wrdreg s2  }
0xa9: {  	[dreg:$0x3] =	wrdreg s4  }
0xaa: {  	[dreg:$0x4] =	wrdreg $0xC0  }
0xab: {  	_ =	task [dreg:s6], $0x5FFFF  }
0xac: {  	[dreg:$0x1] =	wrdreg $0xFFFFFFFF  }
0xad: {  	[dreg:$0x0] =	wrdreg $0x60  }
0xae: {  	[dreg:$0x2] =	wrdreg s24  }
0xaf: {  	[dreg:$0x3] =	wrdreg $0xA8000  }
0xb0: {  	[dreg:$0x4] =	wrdreg $0x9  }
0xb1: {  	_ =	task.clear_ibuf [dreg:s6], $0x5FFFF;
	_ =	strace $0x90000046  }
0xb2: {  	s29 =	simm.s32 $0x9;
	_ =	strace $0x80000048  }
0xb3: {  	_ =	swait.ge [sflag:s29], $0x1  }
0xb4: {  	[sflag:s29] =	ssyncadd.s32 $0xFFFFFFFF  }
0xb5: {  	_ =	strace $0x90000048  }
0xb6: {  	_ =	sfence  }
0xb7: {  	s30 =	sld [smem:$0x0];
	_ =	sdelay $0x2  }
0xb8: {  	s31 =	sshll.u32 s1, $0xD;
	s1 =	sshrl.u32 s1, $0x2  }
0xb9: {  	s3 =	sand.u32 $0x4000, s31;
	s1 =	sadd.s32 s1, s30  }
0xba: {  	s0 =	sor.u32 s3, s0;
	s1 =	sshll.u32 s1, $0x11  }
0xbb: {  	s0 =	sor.u32 s1, s0  }
0xbc: {  	s0 =	sadd.s32 $0x8F2B, s0  }
0xbd: {  	[sflag:s0] =	ssyncadd.remote.s32 $0x1  }
0xbe: {  	_ =	sfence.sel $0xFFFF  }
0xbf: {  	[dreg:$0x0] =	wrdreg $0xFFFFFFFF;
	(pc) =	sbr.abs _section_cstart, $3  }
0xc0: {  	[dreg:$0x1] =	wrdreg $0xFFFFFFFF  }
0xc1: {  	_ =	task.clear_ibuf [dreg:s6], $0x2FFFF;
	_ =	strace $0x9FFFFFFF  }
0xc2: {  	(tm) =	ssettm $0x7FFFFFFF  }
0xc3: {  	_ =	shalt  }
tec
execute0_lowered:
.L_overlay_start_1:
0x0: {  	(tag) =	ssettag $0x1  }
0x1: {  	s4 =	rddreg [dreg:$0x0]  }
0x2: {  	s0 =	srdreg.scid;
	s2 =	rddreg [dreg:$0x1]  }
0x3: {  	s1 =	rddreg [dreg:$0x2];
	s3 =	simm.s32 $0x0;
	s12 =	simm.s32 $0x1  }
0x4: {  	s13 =	simm.s32 $0x6800;
	s14 =	simm.s32 $0x50;
	s5 =	sand.u32 $0x1, s0  }
0x5: {  	s15 =	simm.s32 $0x4000;
	s0 =	stileid.u32;
	s6 =	smul.u32 $0x140000, s5  }
0x6: {  	s18 =	simm.s32 $0x0;
	[smem:$0x7FF] =	sst s3;
	s7 =	smul.u32 $0x14000, s0  }
0x7: {  	s8 =	sshll.u32 s0, $0xB;
	_ =	strace $0x80000047;
	s28 =	ssub.s32 $0x2, s5  }
0x8: {  	s5 =	sshll.u32 s5, $0xF;
	s9 =	smul.u32 $0x50000, s0;
	s16 =	sshll.u32 s0, $0x6  }
0x9: {  	s26 =	sadd.s32 s8, s4;
	s29 =	sshrl.u32 s28, $0x1;
	s16 =	sor.u32 $0x1C01, s16  }
0xa: {  	s6 =	sadd.s32 s7, s6;
	s5 =	sadd.s32 s5, s26;
	s30 =	ssub.s32 s28, s29  }
0xb: {  	s31 =	sshrl.u32 s9, $0x2;
	s6 =	sshrl.u32 s6, $0x3;
	s7 =	smax.u32 s30, $0x1  }
0xc: {  	s6 =	sadd.s32 s6, s4;
	s4 =	sadd.s32 $0x16C00, s5;
	s5 =	sadd.s32 s31, s2  }
0xd: {  	s6 =	sadd.s32 $0x26C00, s6;
	s8 =	sadd.s32 $0x4000, s5;
	s9 =	sadd.s32 $0x8000, s5  }
0xe: {  	v0 =	vimm.f32 $1.000000000e+00;
	v1 =	vimm.f32 $0.0e+00;
	s10 =	sadd.s32 $0xC000, s5;
	s11 =	sadd.s32 $0x10000, s5;
	s17 =	sshrl.u32 s5, $0x3  }
.LBB2_1:
0xf: {  	[tilespmem:s3], [sflag:$0x1] =	stream.linear.gather [hbm4b:s4+s3], $0x3E80, $0x38;
	[tilespmem:$0xD000] =	vst v63  }
0x10: {  	_ =	swait.ge [sflag:s12], $0x3E80  }
0x11: {  	[sflag:s12] =	ssyncset.done $0x0  }
0x12: {  	s19 =	simm.s32 $0x0;
	[sflag:s12] =	ssyncadd.s32 $0xFFFFC180  }
.LBB2_2:
0x13: {  	p0 =	sne.s32 s19, $0x9E00  }
.Ltmp0:
0x14: {  	_ = 	snop;
	(pc) =	sbr.rel @p0 .LBB2_2-.Ltmp0, $3  }
0x15: {  	_ =	sdelay $0x1  }
0x16: {  	s20 =	sshra.s32 s19, $0x2  }
0x17: {  	s19 =	sadd.s32 $0x200, s19;
	[tilespmem:s20+$0x4000] =	vst v0  }
0x18: {  	s19 =	simm.s32 $0x200;
	s20 =	simm.s32 $0x0  }
.LBB2_4:
0x19: {  	p0 =	sne.s32 s19, $0xFE00;
	[tilespmem:s20+$0x6800] =	vst v1;
	s20 =	smov.u32 s19;
	s19 =	sadd.s32 $0x200, s19  }
.Ltmp1:
0x1a: {  	(pc) =	sbr.rel @p0 .LBB2_4-.Ltmp1, $2  }
0x1b: {  	_ =	sdelay $0x2  }
0x1c: {  	s20 =	sshra.s32 s20, $0x2  }
0x1d: {  	[tilespmem:s20+$0x6800] =	vst v1  }
0x1e: {  	[spmem:s5] =	stream.linear.scatter [tilespmem:s13], [sflag:$0x1], $0x4000, $0x38;
	[tilespmem:$0xD000] =	vst v63  }
0x1f: {  	_ =	swait.ge [sflag:s12], $0x4000  }
0x20: {  	[sflag:s12] =	ssyncset.done $0x0  }
0x21: {  	[sflag:s12] =	ssyncadd.s32 $0xFFFFC000  }
0x22: {  	[spmem:s8] =	stream.linear.scatter [tilespmem:s13], [sflag:$0x1], $0x4000, $0x38;
	[tilespmem:$0xD000] =	vst v63  }
0x23: {  	_ =	swait.ge [sflag:s12], $0x4000  }
0x24: {  	[sflag:s12] =	ssyncset.done $0x0  }
0x25: {  	[sflag:s12] =	ssyncadd.s32 $0xFFFFC000  }
0x26: {  	[spmem:s9] =	stream.linear.scatter [tilespmem:s13], [sflag:$0x1], $0x4000, $0x38;
	[tilespmem:$0xD000] =	vst v63  }
0x27: {  	_ =	swait.ge [sflag:s12], $0x4000  }
0x28: {  	[sflag:s12] =	ssyncset.done $0x0  }
0x29: {  	[sflag:s12] =	ssyncadd.s32 $0xFFFFC000  }
0x2a: {  	[spmem:s10] =	stream.linear.scatter [tilespmem:s13], [sflag:$0x1], $0x4000, $0x38;
	[tilespmem:$0xD000] =	vst v63  }
0x2b: {  	_ =	swait.ge [sflag:s12], $0x4000  }
0x2c: {  	[sflag:s12] =	ssyncset.done $0x0  }
0x2d: {  	[sflag:s12] =	ssyncadd.s32 $0xFFFFC000  }
0x2e: {  	[spmem:s11] =	stream.linear.scatter [tilespmem:s13], [sflag:$0x1], $0x4000, $0x38;
	[tilespmem:$0xD000] =	vst v63  }
0x2f: {  	_ =	swait.ge [sflag:s12], $0x4000  }
0x30: {  	[sflag:s12] =	ssyncset.done $0x0  }
0x31: {  	[sflag:s12] =	ssyncadd.s32 $0xFFFFC000  }
0x32: {  	s19 =	simm.s32 $0x0;
	[bflag:$0x0] =	sbarrier.arrive $0xFFFF  }
0x33: {  	[spmem:s2] =	stream.indirect.scatter.add.f32 [tilespmem:s15], [sflag:$0x1], $0x10, s19, s14, $0xb8;
	[tilespmem:$0xD000] =	vst v63  }
0x34: {  	_ =	swait.ge [sflag:s12], $0x500  }
0x35: {  	s19 =	simm.s32 $0x200;
	[sflag:s12] =	ssyncset.done $0x0  }
.LBB2_6:
0x36: {  	s20 =	sshra.s32 s19, $0x2;
	[sflag:s12] =	ssyncadd.s32 $0xFFFFFB00;
	p0 =	sne.s32 s19, $0xF800  }
0x37: {  	[spmem:s2] =	stream.indirect.scatter.add.f32 [tilespmem:s15], [sflag:$0x1], $0x10, s20, s14, $0xb8;
	[tilespmem:$0xD000] =	vst v63  }
.Ltmp2:
0x38: {  	_ = 	snop;
	(pc) =	sbr.rel @p0 .LBB2_6-.Ltmp2, $4  }
0x39: {  	_ = 	snop  }
0x3a: {  	s19 =	sadd.s32 $0x200, s19  }
0x3b: {  	_ =	swait.ge [sflag:s12], $0x500  }
0x3c: {  	[sflag:s12] =	ssyncset.done $0x0  }
0x3d: {  	s18 =	sadd.s32 $0x1, s18  }
0x3e: {  	[sflag:s12] =	ssyncadd.s32 $0xFFFFFB00;
	p0 =	sne.s32 s18, s7  }
.Ltmp3:
0x3f: {  	[bflag:$0x0] =	sbarrier.arrive $0xFFFF;
	(pc) =	sbr.rel @p0 .LBB2_1-.Ltmp3, $4  }
0x40: {  	[hbm:s6], [sflag:s16] =	dma.local [spmem:s17], $0x2800  }
0x41: {  	_ =	swait.ge [sflag:s12], $0x2800  }
0x42: {  	[sflag:s12] =	ssyncset.done $0x0  }
0x43: {  	[sflag:s12] =	ssyncadd.s32 $0xFFFFD800  }
0x44: {  	_ =	sfence.sel $0x180000  }
0x45: {  	[bflag:$0x0] =	sbarrier.arrive $0xFFFF  }
0x46: {  	p0 =	sne.s32 s0, $0x0;
	_ =	strace $0x90000047  }
0x47: {  	s0 =	sadd.s32 @!p0 $0x100000, s1;
	[bflag:$0x2] =	sbarrier.arrive $0xFFFF  }
0x48: {  	[sflag:s0] =	ssyncadd.tile.s32 @!p0 $0x1;
	_ =	shalt  }
.Lfunc_end2:
_tile_overlayer_lowered:
.L_overlay_start_2:
0x49: {  	(tag) =	ssettag $0x2  }
0x4a: {  	s0 =	rddreg [dreg:$0x0];
	s2 =	stileid.u32  }
0x4b: {  	s1 =	rddreg [dreg:$0x1];
	p0 =	sne.s32 s2, $0x0  }
0x4c: {  	s3 =	rddreg [dreg:$0x2];
	[bflag:$0x3] =	sbarrier.arrive $0xFFFF;
	s2 =	simm.s32 @!p0 $0x1C01  }
0x4d: {  	[timem:s3], [sflag:s2] =	dma.local @!p0 [hbm:s0], s1  }
0x4e: {  	s0 =	simm.s32 @!p0 $0x1  }
0x4f: {  	_ =	swait.ge @!p0 [sflag:s0], s1  }
0x50: {  	s1 =	ssub.s32 @!p0 $0x0, s1;
	[sflag:s0] =	ssyncset.done @!p0 $0x0  }
0x51: {  	[sflag:s0] =	ssyncadd.s32 @!p0 s1  }
0x52: {  	[bflag:$0x3] =	sbarrier.arrive $0xFFFF  }
0x53: {  	_ =	shalt  }

// kernel: kernel.13.cloned.1.call-start
scs
__scs_entry_jumppad:
0x0: {  	(pc) =	sbr.rel $0x88, $3  }
0x1: {  	(tag) =	ssettag $0x0;
	lr =	simm.s32 $0x1  }
0x2: {  	[smem:$0x3F98] =	sst lr;
	_ =	strace $0xD0000000  }
0x3: {  	_ = 	snop  }
0x4: {  	_ = 	snop  }
0x5: {  	_ = 	snop  }
0x6: {  	_ = 	snop  }
0x7: {  	_ = 	snop  }
__scs_overlays_trampoline_lowered:
0x8: {  	[smem:$0x3FA7] =	sst s0  }
0x9: {  	[smem:$0x3FA8] =	sst s1  }
0xa: {  	[smem:$0x3FA9] =	sst s2  }
0xb: {  	[smem:$0x3FAA] =	sst s3  }
0xc: {  	[smem:$0x3FAB] =	sst s4  }
0xd: {  	[smem:$0x3FAC] =	sst s5  }
0xe: {  	[smem:$0x3FAD] =	sst s6  }
0xf: {  	[smem:$0x3FAE] =	sst s7  }
0x10: {  	[smem:$0x3FAF] =	sst s8  }
0x11: {  	[smem:$0x3FB0] =	sst s9;
	s0 =	simm.s32 @!p0 $0x0  }
0x12: {  	s1 =	sld [smem:$0x3F96];
	s0 =	simm.s32 @p0 $0x1  }
0x13: {  	[smem:$0x3FB1] =	sst s0;
	s0 =	simm.s32 @!p1 $0x0  }
0x14: {  	s2 =	sld [smem:$0x3F95];
	s0 =	simm.s32 @p1 $0x1  }
0x15: {  	[smem:$0x3FB2] =	sst s0;
	s0 =	simm.s32 @!p2 $0x0  }
0x16: {  	s3 =	sld [smem:$0x3FDB];
	s0 =	simm.s32 @p2 $0x1  }
0x17: {  	s4 =	simm.s32 $0x1BF5;
	[smem:$0x3FB4] =	sst s0  }
0x18: {  	s0 =	sld [smem:$0x3F97];
	_ =	swait.ge [sflag:s4], $0x0  }
0x19: {  	s7 =	sld [smem:$0x3F98]  }
0x1a: {  	s8 =	sadd.s32 $0xFFFFE003, lr  }
0x1b: {  	s9 =	sadd.s32 $0xFFFFFEF7, lr;
	s5 =	simm.s32 $0xFFFFFFFF;
	p2 =	slt.u32 s8, $0xFFFFF086  }
0x1c: {  	p1 =	slt.u32 s9, $0xF7A;
	s5 =	simm.s32 @!p2 $0x0  }
0x1d: {  	s5 =	simm.s32 @p1 $0x1;
	p0 =	seq.s32 s7, s2  }
0x1e: {  	s7 =	smul.u32 @!p0 $0xF7A, s2;
	p2 =	seq.s32 @!p0 s5, $0x0  }
0x1f: {  	s9 =	smul.u32 $0xF7A, s1;
	s8 =	simm.s32 @!p0 $0x1BF5;
	p2 =	por !p2, p0  }
0x20: {  	[sflag:s8] =	ssyncset.s32 @!p0 $0xFFFFF086;
	s6 =	sadd.s32 @!p0 s3, s7;
	s7 =	simm.s32 @!p0 $0x108  }
0x21: {  	s3 =	sadd.s32 s3, s9;
	s6 =	sadd.s32 @!p0 $0x88, s6;
	s7 =	simm.s32 @p2 $0x1082  }
0x22: {  	[simem:s7], [sflag:s8] =	dma.local @!p0 [hbm:s6], $0xF7A  }
0x23: {  	s9 =	sor.u32 $0xD0000000, s2;
	s6 =	simm.s32 $0x108;
	_ =	swait.ge @!p0 [sflag:s8], $0x0  }
0x24: {  	s3 =	sadd.s32 $0x88, s3;
	s6 =	simm.s32 @!p1 $0x1082;
	[sflag:s4] =	ssyncset.s32 $0xFFFFF086  }
0x25: {  	[simem:s6], [sflag:s4] =	dma.local [hbm:s3], $0xF7A  }
0x26: {  	[smem:$0x3F98] =	sst s1;
	(tag) =	ssettag s2;
	_ =	strace s9  }
0x27: {  	s1 =	sld [smem:$0x3FA8]  }
0x28: {  	s2 =	sld [smem:$0x3FA9]  }
0x29: {  	s4 =	sld [smem:$0x3FAB]  }
0x2a: {  	p0 =	seq.s32 s5, $0x0;
	s5 =	sld [smem:$0x3FAC]  }
0x2b: {  	s6 =	sld [smem:$0x3FAD]  }
0x2c: {  	s7 =	sld [smem:$0x3FAE]  }
0x2d: {  	s3 =	simm.s32 $0x108;
	s8 =	sld [smem:$0x3FAF]  }
0x2e: {  	s3 =	simm.s32 @!p0 $0x1082;
	s9 =	sld [smem:$0x3FB0]  }
0x2f: {  	lr =	sadd.s32 s0, s3;
	s0 =	sld [smem:$0x3FA7]  }
0x30: {  	s3 =	sld [smem:$0x3FAA]  }
0x31: {  	[smem:$0x3FB3] =	sst s10  }
0x32: {  	s10 =	sld [smem:$0x3FB1];
	_ =	sdelay $0x3  }
0x33: {  	p0 =	seq.s32 s10, $0x1;
	s10 =	sld [smem:$0x3FB3];
	_ =	sdelay $0x3  }
0x34: {  	[smem:$0x3FB3] =	sst s10  }
0x35: {  	s10 =	sld [smem:$0x3FB2];
	_ =	sdelay $0x3  }
0x36: {  	p1 =	seq.s32 s10, $0x1;
	s10 =	sld [smem:$0x3FB3];
	_ =	sdelay $0x3  }
0x37: {  	[smem:$0x3FB3] =	sst s10  }
0x38: {  	s10 =	sld [smem:$0x3FB4]  }
0x39: {  	_ = 	snop;
	(pc) =	sbr.ind lr, $3  }
0x3a: {  	_ = 	snop  }
0x3b: {  	_ = 	snop  }
0x3c: {  	p2 =	seq.s32 s10, $0x1;
	s10 =	sld [smem:$0x3FB3]  }
0x3d: {  	_ =	shalt  }
0x3e: {  	_ =	shalt  }
0x3f: {  	_ =	shalt  }
0x40: {  	_ =	shalt  }
0x41: {  	_ =	shalt  }
0x42: {  	_ =	shalt  }
0x43: {  	_ =	shalt  }
0x44: {  	_ =	shalt  }
0x45: {  	_ =	shalt  }
0x46: {  	_ =	shalt  }
0x47: {  	_ =	shalt  }
0x48: {  	_ =	shalt  }
0x49: {  	_ =	shalt  }
0x4a: {  	_ =	shalt  }
0x4b: {  	_ =	shalt  }
0x4c: {  	_ =	shalt  }
0x4d: {  	_ =	shalt  }
0x4e: {  	_ =	shalt  }
0x4f: {  	_ =	shalt  }
0x50: {  	_ =	shalt  }
0x51: {  	_ =	shalt  }
0x52: {  	_ =	shalt  }
0x53: {  	_ =	shalt  }
0x54: {  	_ =	shalt  }
0x55: {  	_ =	shalt  }
0x56: {  	_ =	shalt  }
0x57: {  	_ =	shalt  }
0x58: {  	_ =	shalt  }
0x59: {  	_ =	shalt  }
0x5a: {  	_ =	shalt  }
0x5b: {  	_ =	shalt  }
0x5c: {  	_ =	shalt  }
0x5d: {  	_ =	shalt  }
0x5e: {  	_ =	shalt  }
0x5f: {  	_ =	shalt  }
0x60: {  	_ =	shalt  }
0x61: {  	_ =	shalt  }
0x62: {  	_ =	shalt  }
0x63: {  	_ =	shalt  }
0x64: {  	_ =	shalt  }
0x65: {  	_ =	shalt  }
0x66: {  	_ =	shalt  }
0x67: {  	_ =	shalt  }
0x68: {  	_ =	shalt  }
0x69: {  	_ =	shalt  }
0x6a: {  	_ =	shalt  }
0x6b: {  	_ =	shalt  }
0x6c: {  	_ =	shalt  }
0x6d: {  	_ =	shalt  }
0x6e: {  	_ =	shalt  }
0x6f: {  	_ =	shalt  }
0x70: {  	_ =	shalt  }
0x71: {  	_ =	shalt  }
0x72: {  	_ =	shalt  }
0x73: {  	_ =	shalt  }
0x74: {  	_ =	shalt  }
0x75: {  	_ =	shalt  }
0x76: {  	_ =	shalt  }
0x77: {  	_ =	shalt  }
0x78: {  	_ =	shalt  }
0x79: {  	_ =	shalt  }
0x7a: {  	_ =	shalt  }
0x7b: {  	_ =	shalt  }
0x7c: {  	_ =	shalt  }
0x7d: {  	_ =	shalt  }
0x7e: {  	_ =	shalt  }
0x7f: {  	_ =	shalt  }
0x80: {  	_ =	shalt  }
0x81: {  	_ =	shalt  }
0x82: {  	_ =	shalt  }
0x83: {  	_ =	shalt  }
0x84: {  	_ =	shalt  }
0x85: {  	_ =	shalt  }
0x86: {  	_ =	shalt  }
0x87: {  	_ =	shalt  }
.Lfunc_end0:
.L_simem_size_0:
called_computation.1_lowered:
.L_overlay_start_0:
0x88: {  	s2 =	sld [smem:$0x3FD9]  }
0x89: {  	s3 =	sld [smem:$0x3FFE];
	_ =	sdelay $0x1  }
0x8a: {  	s1 =	srdreg.scid  }
0x8b: {  	s0 =	sand.u32 $0x1, s1  }
0x8c: {  	s16 =	sshll.u32 s0, $0xA;
	s2 =	sadd.s32 s3, s2  }
0x8d: {  	s2 =	sadd.s32 s2, s16  }
0x8e: {  	[smem:$0x3FBF] =	sst s2  }
0x8f: {  	_ = 	snop  }
0x90: {  	(tm) =	ssettm $0x1  }
0x91: {  	s17 =	sld [smem:$0x3FFB];
	_ =	sdelay $0x3  }
0x92: {  	_ =	strace s17  }
0x93: {  	s2 =	sld [smem:$0x3FFC];
	_ =	sdelay $0x3  }
0x94: {  	_ =	strace s2  }
0x95: {  	s2 =	sld [smem:$0x3FFD];
	_ =	sdelay $0x3  }
0x96: {  	_ =	strace s2  }
0x97: {  	_ =	strace $0x8FFFFFFF  }
0x98: {  	s18 =	sld [smem:$0x3FDB];
	_ =	sdelay $0x1  }
0x99: {  	s19 =	simm.s32 $_scs_section_size  }
0x9a: {  	s4 =	simm.s32 $_size__tile_overlayer_lowered;
	s5 =	simm.s32 $_tile_overlayer_lowered  }
0x9b: {  	s22 =	simm.s32 $0x1BFF;
	s21 =	sshll.u32 s5, $0x1;
	s2 =	sadd.s32 s19, s18  }
0x9c: {  	s6 =	simm.s32 $0x0;
	s20 =	sshll.u32 s4, $0x1;
	s4 =	sadd.s32 s21, s2  }
0x9d: {  	[timem:s6], [sflag:s22] =	dma.local [hbm:s4], s20  }
0x9e: {  	_ =	swait.ge [sflag:s22], s20  }
0x9f: {  	s3 =	ssub.s32 $0x0, s20;
	[sflag:s22] =	ssyncset.done $0x0  }
0xa0: {  	[sflag:s22] =	ssyncadd.s32 s3;
	_ =	sdelay $0x1  }
0xa1: {  	s23 =	simm.s32 $0x1B8B  }
0xa2: {  	_ =	swait.ge [sflag:s23], $0x1  }
0xa3: {  	[sflag:s23] =	ssyncset.done $0x0  }
0xa4: {  	s25 =	simm.s32 $0x1B8E;
	s24 =	sld [smem:$0x3FFE];
	[sflag:s23] =	ssyncadd.s32 $0xFFFFFFFF  }
0xa5: {  	s26 =	simm.s32 $execute0_lowered;
	[smem:$0x3FD2] =	sst s25  }
0xa6: {  	s4 =	sshll.u32 s26, $0x1;
	_ =	strace $0x80000049;
	[dreg:$0x1] =	wrdreg $0xFFFFFFFF  }
0xa7: {  	s28 =	simm.s32 $_size_execute0_lowered;
	s2 =	sadd.s32 s2, s4;
	[dreg:$0x0] =	wrdreg $0x0  }
0xa8: {  	s4 =	sshll.u32 s28, $0x1;
	[dreg:$0x2] =	wrdreg s2  }
0xa9: {  	[dreg:$0x3] =	wrdreg s4  }
0xaa: {  	[dreg:$0x4] =	wrdreg $0xC0  }
0xab: {  	_ =	task [dreg:s6], $0x5FFFF  }
0xac: {  	[dreg:$0x1] =	wrdreg $0xFFFFFFFF  }
0xad: {  	[dreg:$0x0] =	wrdreg $0x60  }
0xae: {  	[dreg:$0x2] =	wrdreg s24  }
0xaf: {  	[dreg:$0x3] =	wrdreg $0xA1800  }
0xb0: {  	[dreg:$0x4] =	wrdreg $0x9  }
0xb1: {  	_ =	task.clear_ibuf [dreg:s6], $0x5FFFF;
	_ =	strace $0x90000049  }
0xb2: {  	s29 =	simm.s32 $0x9;
	_ =	strace $0x8000004B  }
0xb3: {  	_ =	swait.ge [sflag:s29], $0x1  }
0xb4: {  	[sflag:s29] =	ssyncadd.s32 $0xFFFFFFFF  }
0xb5: {  	_ =	strace $0x9000004B  }
0xb6: {  	_ =	sfence  }
0xb7: {  	s30 =	sld [smem:$0x0];
	_ =	sdelay $0x2  }
0xb8: {  	s31 =	sshll.u32 s1, $0xD;
	s1 =	sshrl.u32 s1, $0x2  }
0xb9: {  	s3 =	sand.u32 $0x4000, s31;
	s1 =	sadd.s32 s1, s30  }
0xba: {  	s0 =	sor.u32 s3, s0;
	s1 =	sshll.u32 s1, $0x11  }
0xbb: {  	s0 =	sor.u32 s1, s0  }
0xbc: {  	s0 =	sadd.s32 $0x8F2B, s0  }
0xbd: {  	[sflag:s0] =	ssyncadd.remote.s32 $0x1  }
0xbe: {  	_ =	sfence.sel $0xFFFF  }
0xbf: {  	[dreg:$0x0] =	wrdreg $0xFFFFFFFF;
	(pc) =	sbr.abs _section_cstart, $3  }
0xc0: {  	[dreg:$0x1] =	wrdreg $0xFFFFFFFF  }
0xc1: {  	_ =	task.clear_ibuf [dreg:s6], $0x2FFFF;
	_ =	strace $0x9FFFFFFF  }
0xc2: {  	(tm) =	ssettm $0x7FFFFFFF  }
0xc3: {  	_ =	shalt  }
tec
execute0_lowered:
.L_overlay_start_1:
0x0: {  	(tag) =	ssettag $0x1  }
0x1: {  	s0 =	srdreg.scid;
	s6 =	rddreg [dreg:$0x0]  }
0x2: {  	s10 =	stileid.u32;
	s2 =	rddreg [dreg:$0x1]  }
0x3: {  	s3 =	simm.s32 $0x0;
	s28 =	simm.s32 $0x2780;
	s5 =	smul.u32 $0x14000, s10  }
0x4: {  	s29 =	simm.s32 $0x2800;
	s30 =	simm.s32 $0x50;
	s26 =	smul.u32 $0x50000, s10  }
0x5: {  	s31 =	simm.s32 $0x5180;
	s0 =	sand.u32 $0x1, s0;
	s17 =	smul.u32 $0x2710, s10  }
0x6: {  	[smem:$0x7FF] =	sst s3;
	s1 =	sshll.u32 s0, $0x4;
	s4 =	smul.u32 $0x140000, s0  }
0x7: {  	s25 =	ssub.s32 $0x2, s0;
	s0 =	smul.u32 $0x27100, s0;
	s1 =	sor.u32 s10, s1  }
0x8: {  	_ =	strace $0x8000004A;
	s9 =	sshrl.u32 s25, $0x1;
	s1 =	smul.u32 $0x2710, s1  }
0x9: {  	s10 =	simm.s32 $0x5;
	s5 =	sadd.s32 s5, s4;
	s4 =	sadd.s32 $0x16C00, s6  }
0xa: {  	s8 =	sshrl.u32 s5, $0x3;
	s5 =	sadd.s32 $0xCE00, s6;
	s1 =	sshrl.u32 s1, $0x3  }
0xb: {  	s0 =	sadd.s32 s17, s0;
	s7 =	sadd.s32 s1, s6;
	s12 =	sadd.s32 s5, s1  }
0xc: {  	s24 =	sadd.s32 $0x190, s0;
	s7 =	sadd.s32 $0x3000, s7;
	[dreg:$0x3] =	wrdreg s12  }
0xd: {  	s6 =	sadd.s32 s8, s6;
	s11 =	sadd.s32 $0xA, s12;
	[dreg:$0x4] =	wrdreg s7  }
0xe: {  	s8 =	ssub.s32 s25, s9;
	s13 =	sadd.s32 $0x14, s12;
	[dreg:$0x5] =	wrdreg s11  }
0xf: {  	s1 =	sshrl.u32 s26, $0x2;
	s6 =	sadd.s32 $0x3DE00, s6;
	[dreg:$0x6] =	wrdreg s13  }
0x10: {  	s25 =	sadd.s32 $0x140, s0;
	s14 =	smax.u32 s8, $0x1;
	[dreg:$0x7] =	wrdreg s6  }
0x11: {  	s9 =	simm.s32 $0x2;
	s23 =	sadd.s32 $0x4CE, s12;
	[dreg:$0x8] =	wrdreg s14  }
0x12: {  	s26 =	sadd.s32 $0x4D8, s12;
	s8 =	simm.s32 $0x7980;
	[dreg:$0x10] =	wrdreg s23  }
0x13: {  	s12 =	simm.s32 $0x7;
	s11 =	sadd.s32 s1, s2;
	[dreg:$0x11] =	wrdreg s26  }
0x14: {  	s1 =	sshrl.u32 s24, $0x3;
	s6 =	sshrl.u32 s25, $0x3;
	s15 =	sadd.s32 $0x2800, s11  }
0x15: {  	s24 =	sadd.s32 $0xF0, s0;
	s16 =	sadd.s32 $0x5000, s11;
	[dreg:$0x9] =	wrdreg s15  }
0x16: {  	s25 =	simm.s32 $0xA;
	s18 =	sadd.s32 $0x7800, s11;
	[dreg:$0xa] =	wrdreg s16  }
0x17: {  	s26 =	simm.s32 $0x2980;
	s19 =	sadd.s32 $0xA000, s11;
	[dreg:$0xb] =	wrdreg s18  }
0x18: {  	s0 =	simm.s32 $0x4;
	s20 =	sadd.s32 $0xC800, s11;
	[dreg:$0xc] =	wrdreg s19  }
0x19: {  	s7 =	simm.s32 $0x2880;
	s21 =	sadd.s32 $0xF000, s11;
	[dreg:$0xd] =	wrdreg s20  }
0x1a: {  	s13 =	simm.s32 $0x3;
	s22 =	sadd.s32 $0x11800, s11;
	[dreg:$0xe] =	wrdreg s21  }
0x1b: {  	s14 =	simm.s32 $0x6;
	s1 =	sadd.s32 s1, s5;
	[dreg:$0xf] =	wrdreg s22  }
0x1c: {  	s23 =	sadd.s32 s6, s5;
	[dreg:$0x12] =	wrdreg s1;
	s1 =	simm.s32 $0x1  }
0x1d: {  	v0 =	vimm.f32 $0.0e+00;
	s15 =	simm.s32 $0x8;
	s16 =	simm.s32 $0x9;
	s18 =	simm.s32 $0x0  }
.LBB2_1:
0x1e: {  	s6 =	rddreg [dreg:$0x4]  }
0x1f: {  	[tilespmem:s3], [sflag:$0xA] =	stream.linear.gather [hbm4b:s6+s3], $0x2710, $0x38;
	[tilespmem:$0x1E180] =	vst v63  }
0x20: {  	_ =	swait.ge [sflag:s25], $0x2710  }
0x21: {  	[sflag:s25] =	ssyncset.done $0x0  }
0x22: {  	s17 =	simm.s32 $0x200;
	s6 =	simm.s32 $0x0;
	[sflag:s25] =	ssyncadd.s32 $0xFFFFD8F0  }
.LBB2_2:
0x23: {  	p0 =	sne.s32 s17, $0x9E00;
	[tilespmem:s6+$0x29F0] =	vst v0  }
0x24: {  	[tilespmem:s6+$0x2980] =	vst v0  }
0x25: {  	[tilespmem:s6+$0x2990] =	vst v0  }
.Ltmp0:
0x26: {  	[tilespmem:s6+$0x29A0] =	vst v0;
	(pc) =	sbr.rel @p0 .LBB2_2-.Ltmp0, $4  }
0x27: {  	[tilespmem:s6+$0x29B0] =	vst v0  }
0x28: {  	[tilespmem:s6+$0x29C0] =	vst v0  }
0x29: {  	[tilespmem:s6+$0x29D0] =	vst v0  }
0x2a: {  	[tilespmem:s6+$0x29E0] =	vst v0;
	s6 =	sshra.s32 s17, $0x2;
	s17 =	sadd.s32 $0x200, s17  }
0x2b: {  	[tilespmem:s6+$0x29F0] =	vst v0  }
0x2c: {  	[tilespmem:s6+$0x2980] =	vst v0  }
0x2d: {  	[tilespmem:s6+$0x2990] =	vst v0  }
0x2e: {  	[tilespmem:s6+$0x29A0] =	vst v0  }
0x2f: {  	[tilespmem:s6+$0x29B0] =	vst v0  }
0x30: {  	[tilespmem:s6+$0x29C0] =	vst v0  }
0x31: {  	[tilespmem:s6+$0x29D0] =	vst v0  }
0x32: {  	[tilespmem:s6+$0x29E0] =	vst v0  }
0x33: {  	[spmem:s11] =	stream.linear.scatter [tilespmem:s26], [sflag:$0xA], $0x2800, $0x38;
	[tilespmem:$0x1E180] =	vst v63  }
0x34: {  	_ =	swait.ge [sflag:s25], $0x2800  }
0x35: {  	[sflag:s25] =	ssyncset.done $0x0  }
0x36: {  	s17 =	rddreg [dreg:$0x9];
	[sflag:s25] =	ssyncadd.s32 $0xFFFFD800  }
0x37: {  	[spmem:s17] =	stream.linear.scatter [tilespmem:s26], [sflag:$0xA], $0x2800, $0x38;
	[tilespmem:$0x1E180] =	vst v63  }
0x38: {  	_ =	swait.ge [sflag:s25], $0x2800  }
0x39: {  	[sflag:s25] =	ssyncset.done $0x0  }
0x3a: {  	s19 =	rddreg [dreg:$0xa];
	[sflag:s25] =	ssyncadd.s32 $0xFFFFD800  }
0x3b: {  	[spmem:s19] =	stream.linear.scatter [tilespmem:s26], [sflag:$0xA], $0x2800, $0x38;
	[tilespmem:$0x1E180] =	vst v63  }
0x3c: {  	_ =	swait.ge [sflag:s25], $0x2800  }
0x3d: {  	[sflag:s25] =	ssyncset.done $0x0  }
0x3e: {  	s20 =	rddreg [dreg:$0xb];
	[sflag:s25] =	ssyncadd.s32 $0xFFFFD800  }
0x3f: {  	[spmem:s20] =	stream.linear.scatter [tilespmem:s26], [sflag:$0xA], $0x2800, $0x38;
	[tilespmem:$0x1E180] =	vst v63  }
0x40: {  	_ =	swait.ge [sflag:s25], $0x2800  }
0x41: {  	[sflag:s25] =	ssyncset.done $0x0  }
0x42: {  	s21 =	rddreg [dreg:$0xc];
	[sflag:s25] =	ssyncadd.s32 $0xFFFFD800  }
0x43: {  	[spmem:s21] =	stream.linear.scatter [tilespmem:s26], [sflag:$0xA], $0x2800, $0x38;
	[tilespmem:$0x1E180] =	vst v63  }
0x44: {  	_ =	swait.ge [sflag:s25], $0x2800  }
0x45: {  	[sflag:s25] =	ssyncset.done $0x0  }
0x46: {  	s22 =	rddreg [dreg:$0xd];
	[sflag:s25] =	ssyncadd.s32 $0xFFFFD800  }
0x47: {  	[spmem:s22] =	stream.linear.scatter [tilespmem:s26], [sflag:$0xA], $0x2800, $0x38;
	[tilespmem:$0x1E180] =	vst v63  }
0x48: {  	_ =	swait.ge [sflag:s25], $0x2800  }
0x49: {  	[sflag:s25] =	ssyncset.done $0x0  }
0x4a: {  	s17 =	rddreg [dreg:$0xe];
	[sflag:s25] =	ssyncadd.s32 $0xFFFFD800  }
0x4b: {  	[spmem:s17] =	stream.linear.scatter [tilespmem:s26], [sflag:$0xA], $0x2800, $0x38;
	[tilespmem:$0x1E180] =	vst v63  }
0x4c: {  	_ =	swait.ge [sflag:s25], $0x2800  }
0x4d: {  	[sflag:s25] =	ssyncset.done $0x0  }
0x4e: {  	s19 =	rddreg [dreg:$0xf];
	[sflag:s25] =	ssyncadd.s32 $0xFFFFD800  }
0x4f: {  	[spmem:s19] =	stream.linear.scatter [tilespmem:s26], [sflag:$0xA], $0x2800, $0x38;
	[tilespmem:$0x1E180] =	vst v63  }
0x50: {  	_ =	swait.ge [sflag:s25], $0x2800  }
0x51: {  	[sflag:s25] =	ssyncset.done $0x0  }
0x52: {  	[sflag:s25] =	ssyncadd.s32 $0xFFFFD800  }
0x53: {  	[bflag:$0x0] =	sbarrier.arrive $0xFFFF  }
0x54: {  	s20 =	simm.s32 $0x0;
	s17 =	rddreg [dreg:$0x3]  }
0x55: {  	[tilespmem:s28], [sflag:$0x4] =	stream.linear.gather [hbm4b:s17+s20], $0x50, $0x38;
	[tilespmem:$0x1E180] =	vst v63  }
0x56: {  	s21 =	rddreg [dreg:$0x5]  }
0x57: {  	[tilespmem:s29], [sflag:$0x5] =	stream.linear.gather [hbm4b:s21+s20], $0x50, $0x38;
	[tilespmem:$0x1E180] =	vst v63  }
0x58: {  	_ = 	snop  }
0x59: {  	[tilespmem:s26], [sflag:$0x1] =	stream.indirect.gather [hbm4b:s4+s30], $0x80, s20, s30, $0xb8;
	[tilespmem:$0x1E180] =	vst v63  }
0x5a: {  	_ = 	snop  }
0x5b: {  	[tilespmem:s31], [sflag:$0x2] =	stream.indirect.gather [hbm4b:s4+s30], $0x80, s30, s30, $0xb8;
	[tilespmem:$0x1E180] =	vst v63  }
0x5c: {  	_ =	swait.ge [sflag:s1], $0x2800  }
0x5d: {  	[sflag:s1] =	ssyncset.done $0x0  }
0x5e: {  	[sflag:s1] =	ssyncadd.s32 $0xFFFFD800  }
0x5f: {  	_ =	swait.ge [sflag:s0], $0x50  }
0x60: {  	[sflag:s0] =	ssyncset.done $0x0  }
0x61: {  	[sflag:s0] =	ssyncadd.s32 $0xFFFFFFB0  }
0x62: {  	[spmem:s2] =	stream.indirect.scatter.add.f32 [tilespmem:s26], [sflag:$0x7], $0x80, s28, s30, $0xb8;
	[tilespmem:$0x1E180] =	vst v63  }
0x63: {  	s22 =	rddreg [dreg:$0x6]  }
0x64: {  	[tilespmem:s7], [sflag:$0x6] =	stream.linear.gather [hbm4b:s22+s20], $0x50, $0x38;
	[tilespmem:$0x1E180] =	vst v63  }
0x65: {  	s17 =	simm.s32 $0xA0  }
0x66: {  	[tilespmem:s8], [sflag:$0x3] =	stream.indirect.gather [hbm4b:s4+s30], $0x80, s17, s30, $0xb8;
	[tilespmem:$0x1E180] =	vst v63  }
0x67: {  	_ =	swait.ge [sflag:s9], $0x2800  }
0x68: {  	[sflag:s9] =	ssyncset.done $0x0  }
0x69: {  	[sflag:s9] =	ssyncadd.s32 $0xFFFFD800  }
0x6a: {  	_ =	swait.ge [sflag:s10], $0x50  }
0x6b: {  	[sflag:s10] =	ssyncset.done $0x0  }
0x6c: {  	[sflag:s10] =	ssyncadd.s32 $0xFFFFFFB0  }
0x6d: {  	_ =	swait.ge [sflag:s12], $0x2800  }
0x6e: {  	[sflag:s12] =	ssyncset.done $0x0  }
0x6f: {  	s19 =	sshrl.u32 s24, $0x3;
	[sflag:s12] =	ssyncadd.s32 $0xFFFFD800  }
0x70: {  	[spmem:s2] =	stream.indirect.scatter.add.f32 [tilespmem:s31], [sflag:$0x8], $0x80, s29, s30, $0xb8;
	[tilespmem:$0x1E180] =	vst v63  }
0x71: {  	s6 =	sadd.s32 s5, s19  }
0x72: {  	[tilespmem:s28], [sflag:$0x4] =	stream.linear.gather [hbm4b:s6+s3], $0x50, $0x38;
	[tilespmem:$0x1E180] =	vst v63  }
0x73: {  	s20 =	simm.s32 $0xF0  }
0x74: {  	[tilespmem:s26], [sflag:$0x1] =	stream.indirect.gather [hbm4b:s4+s30], $0x80, s20, s30, $0xb8;
	[tilespmem:$0x1E180] =	vst v63  }
0x75: {  	_ =	swait.ge [sflag:s13], $0x2800  }
0x76: {  	[sflag:s13] =	ssyncset.done $0x0  }
0x77: {  	[sflag:s13] =	ssyncadd.s32 $0xFFFFD800  }
0x78: {  	_ =	swait.ge [sflag:s14], $0x50  }
0x79: {  	[sflag:s14] =	ssyncset.done $0x0  }
0x7a: {  	[sflag:s14] =	ssyncadd.s32 $0xFFFFFFB0  }
0x7b: {  	_ =	swait.ge [sflag:s15], $0x2800  }
0x7c: {  	[sflag:s15] =	ssyncset.done $0x0  }
0x7d: {  	[sflag:s15] =	ssyncadd.s32 $0xFFFFD800  }
0x7e: {  	[spmem:s2] =	stream.indirect.scatter.add.f32 [tilespmem:s8], [sflag:$0x9], $0x80, s7, s30, $0xb8;
	[tilespmem:$0x1E180] =	vst v63  }
0x7f: {  	_ = 	snop  }
0x80: {  	[tilespmem:s29], [sflag:$0x5] =	stream.linear.gather [hbm4b:s23+s3], $0x50, $0x38;
	[tilespmem:$0x1E180] =	vst v63  }
0x81: {  	s21 =	simm.s32 $0x140  }
0x82: {  	[tilespmem:s31], [sflag:$0x2] =	stream.indirect.gather [hbm4b:s4+s30], $0x80, s21, s30, $0xb8;
	[tilespmem:$0x1E180] =	vst v63  }
0x83: {  	_ =	swait.ge [sflag:s1], $0x2800  }
0x84: {  	[sflag:s1] =	ssyncset.done $0x0  }
0x85: {  	[sflag:s1] =	ssyncadd.s32 $0xFFFFD800  }
0x86: {  	_ =	swait.ge [sflag:s0], $0x50  }
0x87: {  	[sflag:s0] =	ssyncset.done $0x0  }
0x88: {  	[sflag:s0] =	ssyncadd.s32 $0xFFFFFFB0  }
0x89: {  	_ =	swait.ge [sflag:s16], $0x2800  }
0x8a: {  	s19 =	simm.s32 $0x3C0;
	[sflag:s16] =	ssyncset.done $0x0  }
0x8b: {  	s17 =	sadd.s32 $0x1E, s23;
	s22 =	rddreg [dreg:$0x12];
	[sflag:s16] =	ssyncadd.s32 $0xFFFFD800  }
0x8c: {  	[spmem:s2] =	stream.indirect.scatter.add.f32 [tilespmem:s26], [sflag:$0x7], $0x80, s28, s30, $0xb8;
	[tilespmem:$0x1E180] =	vst v63  }
0x8d: {  	s20 =	sadd.s32 $0xF0, s24;
	s21 =	simm.s32 $0x190;
	s6 =	sadd.s32 $0x1E, s22  }
0x8e: {  	[tilespmem:s7], [sflag:$0x6] =	stream.linear.gather [hbm4b:s22+s3], $0x50, $0x38;
	[tilespmem:$0x1E180] =	vst v63  }
.LBB2_4:
0x8f: {  	[tilespmem:s8], [sflag:$0x3] =	stream.indirect.gather [hbm4b:s4+s30], $0x80, s21, s30, $0xb8;
	[tilespmem:$0x1E180] =	vst v63  }
0x90: {  	s21 =	smov.u32 s19  }
0x91: {  	p0 =	sne.s32 s19, $0x9240;
	s19 =	sadd.s32 $0x3C0, s19;
	_ =	swait.ge [sflag:s9], $0x2800  }
0x92: {  	[sflag:s9] =	ssyncset.done $0x0  }
0x93: {  	[sflag:s9] =	ssyncadd.s32 $0xFFFFD800  }
0x94: {  	_ =	swait.ge [sflag:s10], $0x50  }
0x95: {  	[sflag:s10] =	ssyncset.done $0x0  }
0x96: {  	[sflag:s10] =	ssyncadd.s32 $0xFFFFFFB0  }
0x97: {  	_ =	swait.ge [sflag:s12], $0x2800  }
0x98: {  	[sflag:s12] =	ssyncset.done $0x0  }
0x99: {  	s22 =	sshrl.u32 s20, $0x3;
	[sflag:s12] =	ssyncadd.s32 $0xFFFFD800  }
0x9a: {  	[spmem:s2] =	stream.indirect.scatter.add.f32 [tilespmem:s31], [sflag:$0x8], $0x80, s29, s30, $0xb8;
	[tilespmem:$0x1E180] =	vst v63  }
0x9b: {  	s22 =	sadd.s32 s5, s22;
	s21 =	sshra.s32 s21, $0x2  }
0x9c: {  	[tilespmem:s28], [sflag:$0x4] =	stream.linear.gather [hbm4b:s22+s3], $0x50, $0x38;
	[tilespmem:$0x1E180] =	vst v63  }
0x9d: {  	s22 =	sadd.s32 $0xF0, s21  }
0x9e: {  	[tilespmem:s26], [sflag:$0x1] =	stream.indirect.gather [hbm4b:s4+s30], $0x80, s22, s30, $0xb8;
	[tilespmem:$0x1E180] =	vst v63  }
0x9f: {  	_ =	swait.ge [sflag:s13], $0x2800  }
0xa0: {  	[sflag:s13] =	ssyncset.done $0x0  }
0xa1: {  	[sflag:s13] =	ssyncadd.s32 $0xFFFFD800  }
0xa2: {  	_ =	swait.ge [sflag:s14], $0x50  }
0xa3: {  	[sflag:s14] =	ssyncset.done $0x0  }
0xa4: {  	[sflag:s14] =	ssyncadd.s32 $0xFFFFFFB0  }
0xa5: {  	_ =	swait.ge [sflag:s15], $0x2800  }
0xa6: {  	[sflag:s15] =	ssyncset.done $0x0  }
0xa7: {  	[sflag:s15] =	ssyncadd.s32 $0xFFFFD800  }
0xa8: {  	[spmem:s2] =	stream.indirect.scatter.add.f32 [tilespmem:s8], [sflag:$0x9], $0x80, s7, s30, $0xb8;
	[tilespmem:$0x1E180] =	vst v63  }
0xa9: {  	_ = 	snop  }
0xaa: {  	[tilespmem:s29], [sflag:$0x5] =	stream.linear.gather [hbm4b:s17+s3], $0x50, $0x38;
	[tilespmem:$0x1E180] =	vst v63  }
0xab: {  	s22 =	sadd.s32 $0x140, s21  }
0xac: {  	[tilespmem:s31], [sflag:$0x2] =	stream.indirect.gather [hbm4b:s4+s30], $0x80, s22, s30, $0xb8;
	[tilespmem:$0x1E180] =	vst v63  }
0xad: {  	_ =	swait.ge [sflag:s1], $0x2800  }
0xae: {  	[sflag:s1] =	ssyncset.done $0x0  }
0xaf: {  	[sflag:s1] =	ssyncadd.s32 $0xFFFFD800  }
0xb0: {  	_ =	swait.ge [sflag:s0], $0x50  }
0xb1: {  	[sflag:s0] =	ssyncset.done $0x0  }
0xb2: {  	[sflag:s0] =	ssyncadd.s32 $0xFFFFFFB0  }
0xb3: {  	_ =	swait.ge [sflag:s16], $0x2800  }
0xb4: {  	[sflag:s16] =	ssyncset.done $0x0  }
.Ltmp1:
0xb5: {  	[sflag:s16] =	ssyncadd.s32 $0xFFFFD800;
	(pc) =	sbr.rel @p0 .LBB2_4-.Ltmp1, $4  }
0xb6: {  	[spmem:s2] =	stream.indirect.scatter.add.f32 [tilespmem:s26], [sflag:$0x7], $0x80, s28, s30, $0xb8;
	[tilespmem:$0x1E180] =	vst v63  }
0xb7: {  	s20 =	sadd.s32 $0xF0, s20  }
0xb8: {  	[tilespmem:s7], [sflag:$0x6] =	stream.linear.gather [hbm4b:s6+s3], $0x50, $0x38;
	[tilespmem:$0x1E180] =	vst v63  }
0xb9: {  	s21 =	sadd.s32 $0x190, s21;
	s17 =	sadd.s32 $0x1E, s17;
	s6 =	sadd.s32 $0x1E, s6  }
0xba: {  	[tilespmem:s8], [sflag:$0x3] =	stream.indirect.gather [hbm4b:s4+s30], $0x80, s21, s30, $0xb8;
	[tilespmem:$0x1E180] =	vst v63  }
0xbb: {  	_ =	swait.ge [sflag:s9], $0x2800  }
0xbc: {  	[sflag:s9] =	ssyncset.done $0x0  }
0xbd: {  	[sflag:s9] =	ssyncadd.s32 $0xFFFFD800  }
0xbe: {  	_ =	swait.ge [sflag:s10], $0x50  }
0xbf: {  	[sflag:s10] =	ssyncset.done $0x0  }
0xc0: {  	[sflag:s10] =	ssyncadd.s32 $0xFFFFFFB0  }
0xc1: {  	_ =	swait.ge [sflag:s12], $0x2800  }
0xc2: {  	[sflag:s12] =	ssyncset.done $0x0  }
0xc3: {  	[sflag:s12] =	ssyncadd.s32 $0xFFFFD800  }
0xc4: {  	[spmem:s2] =	stream.indirect.scatter.add.f32 [tilespmem:s31], [sflag:$0x8], $0x80, s29, s30, $0xb8;
	[tilespmem:$0x1E180] =	vst v63  }
0xc5: {  	s6 =	rddreg [dreg:$0x10]  }
0xc6: {  	[tilespmem:s28], [sflag:$0x4] =	stream.linear.gather [hbm4b:s6+s3], $0x50, $0x38;
	[tilespmem:$0x1E180] =	vst v63  }
0xc7: {  	s17 =	simm.s32 $0x2670  }
0xc8: {  	[tilespmem:s26], [sflag:$0x1] =	stream.indirect.gather [hbm4b:s4+s30], $0x80, s17, s30, $0xb8;
	[tilespmem:$0x1E180] =	vst v63  }
0xc9: {  	_ =	swait.ge [sflag:s13], $0x2800  }
0xca: {  	[sflag:s13] =	ssyncset.done $0x0  }
0xcb: {  	[sflag:s13] =	ssyncadd.s32 $0xFFFFD800  }
0xcc: {  	_ =	swait.ge [sflag:s14], $0x50  }
0xcd: {  	[sflag:s14] =	ssyncset.done $0x0  }
0xce: {  	[sflag:s14] =	ssyncadd.s32 $0xFFFFFFB0  }
0xcf: {  	_ =	swait.ge [sflag:s15], $0x2800  }
0xd0: {  	[sflag:s15] =	ssyncset.done $0x0  }
0xd1: {  	[sflag:s15] =	ssyncadd.s32 $0xFFFFD800  }
0xd2: {  	[spmem:s2] =	stream.indirect.scatter.add.f32 [tilespmem:s8], [sflag:$0x9], $0x80, s7, s30, $0xb8;
	[tilespmem:$0x1E180] =	vst v63  }
0xd3: {  	s19 =	rddreg [dreg:$0x11]  }
0xd4: {  	[tilespmem:s29], [sflag:$0x5] =	stream.linear.gather [hbm4b:s19+s3], $0x50, $0x38;
	[tilespmem:$0x1E180] =	vst v63  }
0xd5: {  	s17 =	simm.s32 $0x26C0  }
0xd6: {  	[tilespmem:s31], [sflag:$0x2] =	stream.indirect.gather [hbm4b:s4+s30], $0x80, s17, s30, $0xb8;
	[tilespmem:$0x1E180] =	vst v63  }
0xd7: {  	_ =	swait.ge [sflag:s1], $0x2800  }
0xd8: {  	[sflag:s1] =	ssyncset.done $0x0  }
0xd9: {  	[sflag:s1] =	ssyncadd.s32 $0xFFFFD800  }
0xda: {  	_ =	swait.ge [sflag:s0], $0x50  }
0xdb: {  	[sflag:s0] =	ssyncset.done $0x0  }
0xdc: {  	[sflag:s0] =	ssyncadd.s32 $0xFFFFFFB0  }
0xdd: {  	_ =	swait.ge [sflag:s16], $0x2800  }
0xde: {  	[sflag:s16] =	ssyncset.done $0x0  }
0xdf: {  	[sflag:s16] =	ssyncadd.s32 $0xFFFFD800  }
0xe0: {  	[spmem:s2] =	stream.indirect.scatter.add.f32 [tilespmem:s26], [sflag:$0x7], $0x80, s28, s30, $0xb8;
	[tilespmem:$0x1E180] =	vst v63  }
0xe1: {  	_ = 	snop  }
0xe2: {  	[tilespmem:s7], [sflag:$0x6] =	stream.linear.gather [hbm4b:s19+s3], $0x50, $0x38;
	[tilespmem:$0x1E180] =	vst v63  }
0xe3: {  	_ = 	snop  }
0xe4: {  	[tilespmem:s8], [sflag:$0x3] =	stream.indirect.gather [hbm4b:s4+s30], $0x80, s17, s30, $0xb8;
	[tilespmem:$0x1E180] =	vst v63  }
0xe5: {  	_ =	swait.ge [sflag:s9], $0x2800  }
0xe6: {  	[sflag:s9] =	ssyncset.done $0x0  }
0xe7: {  	[sflag:s9] =	ssyncadd.s32 $0xFFFFD800  }
0xe8: {  	_ =	swait.ge [sflag:s10], $0x50  }
0xe9: {  	[sflag:s10] =	ssyncset.done $0x0  }
0xea: {  	[sflag:s10] =	ssyncadd.s32 $0xFFFFFFB0  }
0xeb: {  	_ =	swait.ge [sflag:s12], $0x2800  }
0xec: {  	[sflag:s12] =	ssyncset.done $0x0  }
0xed: {  	[sflag:s12] =	ssyncadd.s32 $0xFFFFD800  }
0xee: {  	[spmem:s2] =	stream.indirect.scatter.add.f32 [tilespmem:s31], [sflag:$0x8], $0x80, s29, s30, $0xb8;
	[tilespmem:$0x1E180] =	vst v63  }
0xef: {  	_ =	swait.ge [sflag:s13], $0x2800  }
0xf0: {  	[sflag:s13] =	ssyncset.done $0x0  }
0xf1: {  	[sflag:s13] =	ssyncadd.s32 $0xFFFFD800  }
0xf2: {  	_ =	swait.ge [sflag:s14], $0x50  }
0xf3: {  	[sflag:s14] =	ssyncset.done $0x0  }
0xf4: {  	[sflag:s14] =	ssyncadd.s32 $0xFFFFFFB0  }
0xf5: {  	_ =	swait.ge [sflag:s15], $0x2800  }
0xf6: {  	[sflag:s15] =	ssyncset.done $0x0  }
0xf7: {  	s20 =	stileid.u32;
	[sflag:s15] =	ssyncadd.s32 $0xFFFFD800  }
0xf8: {  	s6 =	sshll.u32 s20, $0x6;
	[bflag:$0x0] =	sbarrier.arrive $0xFFFF  }
0xf9: {  	s21 =	sshrl.u32 s11, $0x3;
	s6 =	sor.u32 $0x1C0A, s6;
	s19 =	rddreg [dreg:$0x7]  }
0xfa: {  	[hbm:s19], [sflag:s6] =	dma.local [spmem:s21], $0x2800  }
0xfb: {  	_ =	swait.ge [sflag:s25], $0x2800  }
0xfc: {  	s18 =	sadd.s32 $0x1, s18;
	s22 =	rddreg [dreg:$0x8]  }
0xfd: {  	p0 =	sne.s32 s18, s22  }
.Ltmp2:
0xfe: {  	_ = 	snop;
	(pc) =	sbr.rel @p0 .LBB2_1-.Ltmp2, $3  }
0xff: {  	_ =	sdelay $0x1  }
0x100: {  	[sflag:s25] =	ssyncset.done $0x0  }
0x101: {  	[sflag:s25] =	ssyncadd.s32 $0xFFFFD800  }
0x102: {  	_ =	sfence.sel $0x180000  }
0x103: {  	[bflag:$0x0] =	sbarrier.arrive $0xFFFF  }
0x104: {  	_ =	strace $0x9000004A  }
0x105: {  	s0 =	stileid.u32;
	[bflag:$0x2] =	sbarrier.arrive $0xFFFF  }
0x106: {  	p0 =	sne.s32 s0, $0x0;
	s0 =	rddreg [dreg:$0x2]  }
0x107: {  	s0 =	sadd.s32 @!p0 $0x100000, s0  }
0x108: {  	[sflag:s0] =	ssyncadd.tile.s32 @!p0 $0x1;
	_ =	shalt  }
.Lfunc_end2:
_tile_overlayer_lowered:
.L_overlay_start_2:
0x109: {  	(tag) =	ssettag $0x2  }
0x10a: {  	s0 =	rddreg [dreg:$0x0];
	s2 =	stileid.u32  }
0x10b: {  	s1 =	rddreg [dreg:$0x1];
	p0 =	sne.s32 s2, $0x0  }
0x10c: {  	s3 =	rddreg [dreg:$0x2];
	[bflag:$0x3] =	sbarrier.arrive $0xFFFF;
	s2 =	simm.s32 @!p0 $0x1C0A  }
0x10d: {  	[timem:s3], [sflag:s2] =	dma.local @!p0 [hbm:s0], s1  }
0x10e: {  	s0 =	simm.s32 @!p0 $0xA  }
0x10f: {  	_ =	swait.ge @!p0 [sflag:s0], s1  }
0x110: {  	s1 =	ssub.s32 @!p0 $0x0, s1;
	[sflag:s0] =	ssyncset.done @!p0 $0x0  }
0x111: {  	[sflag:s0] =	ssyncadd.s32 @!p0 s1  }
0x112: {  	[bflag:$0x3] =	sbarrier.arrive $0xFFFF  }
0x113: {  	_ =	shalt  }

// kernel: kernel.16.cloned.1.call-start
scs
__scs_entry_jumppad:
0x0: {  	(pc) =	sbr.rel $0x88, $3  }
0x1: {  	(tag) =	ssettag $0x0;
	lr =	simm.s32 $0x1  }
0x2: {  	[smem:$0x3F98] =	sst lr;
	_ =	strace $0xD0000000  }
0x3: {  	_ = 	snop  }
0x4: {  	_ = 	snop  }
0x5: {  	_ = 	snop  }
0x6: {  	_ = 	snop  }
0x7: {  	_ = 	snop  }
__scs_overlays_trampoline_lowered:
0x8: {  	[smem:$0x3FA7] =	sst s0  }
0x9: {  	[smem:$0x3FA8] =	sst s1  }
0xa: {  	[smem:$0x3FA9] =	sst s2  }
0xb: {  	[smem:$0x3FAA] =	sst s3  }
0xc: {  	[smem:$0x3FAB] =	sst s4  }
0xd: {  	[smem:$0x3FAC] =	sst s5  }
0xe: {  	[smem:$0x3FAD] =	sst s6  }
0xf: {  	[smem:$0x3FAE] =	sst s7  }
0x10: {  	[smem:$0x3FAF] =	sst s8  }
0x11: {  	[smem:$0x3FB0] =	sst s9;
	s0 =	simm.s32 @!p0 $0x0  }
0x12: {  	s1 =	sld [smem:$0x3F96];
	s0 =	simm.s32 @p0 $0x1  }
0x13: {  	[smem:$0x3FB1] =	sst s0;
	s0 =	simm.s32 @!p1 $0x0  }
0x14: {  	s2 =	sld [smem:$0x3F95];
	s0 =	simm.s32 @p1 $0x1  }
0x15: {  	[smem:$0x3FB2] =	sst s0;
	s0 =	simm.s32 @!p2 $0x0  }
0x16: {  	s3 =	sld [smem:$0x3FDB];
	s0 =	simm.s32 @p2 $0x1  }
0x17: {  	s4 =	simm.s32 $0x1BF5;
	[smem:$0x3FB4] =	sst s0  }
0x18: {  	s0 =	sld [smem:$0x3F97];
	_ =	swait.ge [sflag:s4], $0x0  }
0x19: {  	s7 =	sld [smem:$0x3F98]  }
0x1a: {  	s8 =	sadd.s32 $0xFFFFE003, lr  }
0x1b: {  	s9 =	sadd.s32 $0xFFFFFEF7, lr;
	s5 =	simm.s32 $0xFFFFFFFF;
	p2 =	slt.u32 s8, $0xFFFFF086  }
0x1c: {  	p1 =	slt.u32 s9, $0xF7A;
	s5 =	simm.s32 @!p2 $0x0  }
0x1d: {  	s5 =	simm.s32 @p1 $0x1;
	p0 =	seq.s32 s7, s2  }
0x1e: {  	s7 =	smul.u32 @!p0 $0xF7A, s2;
	p2 =	seq.s32 @!p0 s5, $0x0  }
0x1f: {  	s9 =	smul.u32 $0xF7A, s1;
	s8 =	simm.s32 @!p0 $0x1BF5;
	p2 =	por !p2, p0  }
0x20: {  	[sflag:s8] =	ssyncset.s32 @!p0 $0xFFFFF086;
	s6 =	sadd.s32 @!p0 s3, s7;
	s7 =	simm.s32 @!p0 $0x108  }
0x21: {  	s3 =	sadd.s32 s3, s9;
	s6 =	sadd.s32 @!p0 $0x88, s6;
	s7 =	simm.s32 @p2 $0x1082  }
0x22: {  	[simem:s7], [sflag:s8] =	dma.local @!p0 [hbm:s6], $0xF7A  }
0x23: {  	s9 =	sor.u32 $0xD0000000, s2;
	s6 =	simm.s32 $0x108;
	_ =	swait.ge @!p0 [sflag:s8], $0x0  }
0x24: {  	s3 =	sadd.s32 $0x88, s3;
	s6 =	simm.s32 @!p1 $0x1082;
	[sflag:s4] =	ssyncset.s32 $0xFFFFF086  }
0x25: {  	[simem:s6], [sflag:s4] =	dma.local [hbm:s3], $0xF7A  }
0x26: {  	[smem:$0x3F98] =	sst s1;
	(tag) =	ssettag s2;
	_ =	strace s9  }
0x27: {  	s1 =	sld [smem:$0x3FA8]  }
0x28: {  	s2 =	sld [smem:$0x3FA9]  }
0x29: {  	s4 =	sld [smem:$0x3FAB]  }
0x2a: {  	p0 =	seq.s32 s5, $0x0;
	s5 =	sld [smem:$0x3FAC]  }
0x2b: {  	s6 =	sld [smem:$0x3FAD]  }
0x2c: {  	s7 =	sld [smem:$0x3FAE]  }
0x2d: {  	s3 =	simm.s32 $0x108;
	s8 =	sld [smem:$0x3FAF]  }
0x2e: {  	s3 =	simm.s32 @!p0 $0x1082;
	s9 =	sld [smem:$0x3FB0]  }
0x2f: {  	lr =	sadd.s32 s0, s3;
	s0 =	sld [smem:$0x3FA7]  }
0x30: {  	s3 =	sld [smem:$0x3FAA]  }
0x31: {  	[smem:$0x3FB3] =	sst s10  }
0x32: {  	s10 =	sld [smem:$0x3FB1];
	_ =	sdelay $0x3  }
0x33: {  	p0 =	seq.s32 s10, $0x1;
	s10 =	sld [smem:$0x3FB3];
	_ =	sdelay $0x3  }
0x34: {  	[smem:$0x3FB3] =	sst s10  }
0x35: {  	s10 =	sld [smem:$0x3FB2];
	_ =	sdelay $0x3  }
0x36: {  	p1 =	seq.s32 s10, $0x1;
	s10 =	sld [smem:$0x3FB3];
	_ =	sdelay $0x3  }
0x37: {  	[smem:$0x3FB3] =	sst s10  }
0x38: {  	s10 =	sld [smem:$0x3FB4]  }
0x39: {  	_ = 	snop;
	(pc) =	sbr.ind lr, $3  }
0x3a: {  	_ = 	snop  }
0x3b: {  	_ = 	snop  }
0x3c: {  	p2 =	seq.s32 s10, $0x1;
	s10 =	sld [smem:$0x3FB3]  }
0x3d: {  	_ =	shalt  }
0x3e: {  	_ =	shalt  }
0x3f: {  	_ =	shalt  }
0x40: {  	_ =	shalt  }
0x41: {  	_ =	shalt  }
0x42: {  	_ =	shalt  }
0x43: {  	_ =	shalt  }
0x44: {  	_ =	shalt  }
0x45: {  	_ =	shalt  }
0x46: {  	_ =	shalt  }
0x47: {  	_ =	shalt  }
0x48: {  	_ =	shalt  }
0x49: {  	_ =	shalt  }
0x4a: {  	_ =	shalt  }
0x4b: {  	_ =	shalt  }
0x4c: {  	_ =	shalt  }
0x4d: {  	_ =	shalt  }
0x4e: {  	_ =	shalt  }
0x4f: {  	_ =	shalt  }
0x50: {  	_ =	shalt  }
0x51: {  	_ =	shalt  }
0x52: {  	_ =	shalt  }
0x53: {  	_ =	shalt  }
0x54: {  	_ =	shalt  }
0x55: {  	_ =	shalt  }
0x56: {  	_ =	shalt  }
0x57: {  	_ =	shalt  }
0x58: {  	_ =	shalt  }
0x59: {  	_ =	shalt  }
0x5a: {  	_ =	shalt  }
0x5b: {  	_ =	shalt  }
0x5c: {  	_ =	shalt  }
0x5d: {  	_ =	shalt  }
0x5e: {  	_ =	shalt  }
0x5f: {  	_ =	shalt  }
0x60: {  	_ =	shalt  }
0x61: {  	_ =	shalt  }
0x62: {  	_ =	shalt  }
0x63: {  	_ =	shalt  }
0x64: {  	_ =	shalt  }
0x65: {  	_ =	shalt  }
0x66: {  	_ =	shalt  }
0x67: {  	_ =	shalt  }
0x68: {  	_ =	shalt  }
0x69: {  	_ =	shalt  }
0x6a: {  	_ =	shalt  }
0x6b: {  	_ =	shalt  }
0x6c: {  	_ =	shalt  }
0x6d: {  	_ =	shalt  }
0x6e: {  	_ =	shalt  }
0x6f: {  	_ =	shalt  }
0x70: {  	_ =	shalt  }
0x71: {  	_ =	shalt  }
0x72: {  	_ =	shalt  }
0x73: {  	_ =	shalt  }
0x74: {  	_ =	shalt  }
0x75: {  	_ =	shalt  }
0x76: {  	_ =	shalt  }
0x77: {  	_ =	shalt  }
0x78: {  	_ =	shalt  }
0x79: {  	_ =	shalt  }
0x7a: {  	_ =	shalt  }
0x7b: {  	_ =	shalt  }
0x7c: {  	_ =	shalt  }
0x7d: {  	_ =	shalt  }
0x7e: {  	_ =	shalt  }
0x7f: {  	_ =	shalt  }
0x80: {  	_ =	shalt  }
0x81: {  	_ =	shalt  }
0x82: {  	_ =	shalt  }
0x83: {  	_ =	shalt  }
0x84: {  	_ =	shalt  }
0x85: {  	_ =	shalt  }
0x86: {  	_ =	shalt  }
0x87: {  	_ =	shalt  }
.Lfunc_end0:
.L_simem_size_0:
called_computation.2_lowered:
.L_overlay_start_0:
0x88: {  	s2 =	sld [smem:$0x3FD9]  }
0x89: {  	s3 =	sld [smem:$0x3FFE];
	_ =	sdelay $0x1  }
0x8a: {  	s1 =	srdreg.scid  }
0x8b: {  	s0 =	sand.u32 $0x1, s1  }
0x8c: {  	s16 =	sshll.u32 s0, $0xA;
	s2 =	sadd.s32 s3, s2  }
0x8d: {  	s2 =	sadd.s32 s2, s16  }
0x8e: {  	[smem:$0x3FBF] =	sst s2  }
0x8f: {  	_ = 	snop  }
0x90: {  	(tm) =	ssettm $0x1  }
0x91: {  	s17 =	sld [smem:$0x3FFB];
	_ =	sdelay $0x3  }
0x92: {  	_ =	strace s17  }
0x93: {  	s2 =	sld [smem:$0x3FFC];
	_ =	sdelay $0x3  }
0x94: {  	_ =	strace s2  }
0x95: {  	s2 =	sld [smem:$0x3FFD];
	_ =	sdelay $0x3  }
0x96: {  	_ =	strace s2  }
0x97: {  	_ =	strace $0x8FFFFFFF  }
0x98: {  	s18 =	sld [smem:$0x3FDB];
	_ =	sdelay $0x1  }
0x99: {  	s19 =	simm.s32 $_scs_section_size  }
0x9a: {  	s4 =	simm.s32 $_size__tile_overlayer_lowered;
	s5 =	simm.s32 $_tile_overlayer_lowered  }
0x9b: {  	s22 =	simm.s32 $0x1BFF;
	s21 =	sshll.u32 s5, $0x1;
	s2 =	sadd.s32 s19, s18  }
0x9c: {  	s6 =	simm.s32 $0x0;
	s20 =	sshll.u32 s4, $0x1;
	s4 =	sadd.s32 s21, s2  }
0x9d: {  	[timem:s6], [sflag:s22] =	dma.local [hbm:s4], s20  }
0x9e: {  	_ =	swait.ge [sflag:s22], s20  }
0x9f: {  	s3 =	ssub.s32 $0x0, s20;
	[sflag:s22] =	ssyncset.done $0x0  }
0xa0: {  	[sflag:s22] =	ssyncadd.s32 s3;
	_ =	sdelay $0x1  }
0xa1: {  	s23 =	simm.s32 $0x1B8B  }
0xa2: {  	_ =	swait.ge [sflag:s23], $0x1  }
0xa3: {  	[sflag:s23] =	ssyncset.done $0x0  }
0xa4: {  	s25 =	simm.s32 $0x1B8E;
	s24 =	sld [smem:$0x3FFE];
	[sflag:s23] =	ssyncadd.s32 $0xFFFFFFFF  }
0xa5: {  	s26 =	simm.s32 $execute0_lowered;
	[smem:$0x3FD2] =	sst s25  }
0xa6: {  	s4 =	sshll.u32 s26, $0x1;
	_ =	strace $0x8000004C;
	[dreg:$0x1] =	wrdreg $0xFFFFFFFF  }
0xa7: {  	s28 =	simm.s32 $_size_execute0_lowered;
	s2 =	sadd.s32 s2, s4;
	[dreg:$0x0] =	wrdreg $0x0  }
0xa8: {  	s4 =	sshll.u32 s28, $0x1;
	[dreg:$0x2] =	wrdreg s2  }
0xa9: {  	[dreg:$0x3] =	wrdreg s4  }
0xaa: {  	[dreg:$0x4] =	wrdreg $0xC0  }
0xab: {  	_ =	task [dreg:s6], $0x5FFFF  }
0xac: {  	[dreg:$0x1] =	wrdreg $0xFFFFFFFF  }
0xad: {  	[dreg:$0x0] =	wrdreg $0x60  }
0xae: {  	[dreg:$0x2] =	wrdreg s24  }
0xaf: {  	[dreg:$0x3] =	wrdreg $0xA1800  }
0xb0: {  	[dreg:$0x4] =	wrdreg $0x9  }
0xb1: {  	_ =	task.clear_ibuf [dreg:s6], $0x5FFFF;
	_ =	strace $0x9000004C  }
0xb2: {  	s29 =	simm.s32 $0x9;
	_ =	strace $0x8000004E  }
0xb3: {  	_ =	swait.ge [sflag:s29], $0x1  }
0xb4: {  	[sflag:s29] =	ssyncadd.s32 $0xFFFFFFFF  }
0xb5: {  	_ =	strace $0x9000004E  }
0xb6: {  	_ =	sfence  }
0xb7: {  	s30 =	sld [smem:$0x0];
	_ =	sdelay $0x2  }
0xb8: {  	s31 =	sshll.u32 s1, $0xD;
	s1 =	sshrl.u32 s1, $0x2  }
0xb9: {  	s3 =	sand.u32 $0x4000, s31;
	s1 =	sadd.s32 s1, s30  }
0xba: {  	s0 =	sor.u32 s3, s0;
	s1 =	sshll.u32 s1, $0x11  }
0xbb: {  	s0 =	sor.u32 s1, s0  }
0xbc: {  	s0 =	sadd.s32 $0x8F2B, s0  }
0xbd: {  	[sflag:s0] =	ssyncadd.remote.s32 $0x1  }
0xbe: {  	_ =	sfence.sel $0xFFFF  }
0xbf: {  	[dreg:$0x0] =	wrdreg $0xFFFFFFFF;
	(pc) =	sbr.abs _section_cstart, $3  }
0xc0: {  	[dreg:$0x1] =	wrdreg $0xFFFFFFFF  }
0xc1: {  	_ =	task.clear_ibuf [dreg:s6], $0x2FFFF;
	_ =	strace $0x9FFFFFFF  }
0xc2: {  	(tm) =	ssettm $0x7FFFFFFF  }
0xc3: {  	_ =	shalt  }
tec
execute0_lowered:
.L_overlay_start_1:
0x0: {  	(tag) =	ssettag $0x1  }
0x1: {  	s0 =	srdreg.scid;
	s6 =	rddreg [dreg:$0x0]  }
0x2: {  	s10 =	stileid.u32;
	s2 =	rddreg [dreg:$0x1]  }
0x3: {  	s3 =	simm.s32 $0x0;
	s28 =	simm.s32 $0x2780;
	s5 =	smul.u32 $0x14000, s10  }
0x4: {  	s29 =	simm.s32 $0x2800;
	s30 =	simm.s32 $0x50;
	s26 =	smul.u32 $0x50000, s10  }
0x5: {  	s31 =	simm.s32 $0x5180;
	s0 =	sand.u32 $0x1, s0;
	s17 =	smul.u32 $0x2710, s10  }
0x6: {  	[smem:$0x7FF] =	sst s3;
	s1 =	sshll.u32 s0, $0x4;
	s4 =	smul.u32 $0x140000, s0  }
0x7: {  	s25 =	ssub.s32 $0x2, s0;
	s0 =	smul.u32 $0x27100, s0;
	s1 =	sor.u32 s10, s1  }
0x8: {  	_ =	strace $0x8000004D;
	s9 =	sshrl.u32 s25, $0x1;
	s1 =	smul.u32 $0x2710, s1  }
0x9: {  	s10 =	simm.s32 $0x5;
	s5 =	sadd.s32 s5, s4;
	s4 =	sadd.s32 $0x16C00, s6  }
0xa: {  	s8 =	sshrl.u32 s5, $0x3;
	s5 =	sadd.s32 $0xCE00, s6;
	s1 =	sshrl.u32 s1, $0x3  }
0xb: {  	s0 =	sadd.s32 s17, s0;
	s7 =	sadd.s32 s1, s6;
	s12 =	sadd.s32 s5, s1  }
0xc: {  	s24 =	sadd.s32 $0x190, s0;
	s7 =	sadd.s32 $0x3000, s7;
	[dreg:$0x3] =	wrdreg s12  }
0xd: {  	s6 =	sadd.s32 s8, s6;
	s11 =	sadd.s32 $0xA, s12;
	[dreg:$0x4] =	wrdreg s7  }
0xe: {  	s8 =	ssub.s32 s25, s9;
	s13 =	sadd.s32 $0x14, s12;
	[dreg:$0x5] =	wrdreg s11  }
0xf: {  	s1 =	sshrl.u32 s26, $0x2;
	s6 =	sadd.s32 $0x3DE00, s6;
	[dreg:$0x6] =	wrdreg s13  }
0x10: {  	s25 =	sadd.s32 $0x140, s0;
	s14 =	smax.u32 s8, $0x1;
	[dreg:$0x7] =	wrdreg s6  }
0x11: {  	s9 =	simm.s32 $0x2;
	s23 =	sadd.s32 $0x4CE, s12;
	[dreg:$0x8] =	wrdreg s14  }
0x12: {  	s26 =	sadd.s32 $0x4D8, s12;
	s8 =	simm.s32 $0x7980;
	[dreg:$0x10] =	wrdreg s23  }
0x13: {  	s12 =	simm.s32 $0x7;
	s11 =	sadd.s32 s1, s2;
	[dreg:$0x11] =	wrdreg s26  }
0x14: {  	s1 =	sshrl.u32 s24, $0x3;
	s6 =	sshrl.u32 s25, $0x3;
	s15 =	sadd.s32 $0x2800, s11  }
0x15: {  	s24 =	sadd.s32 $0xF0, s0;
	s16 =	sadd.s32 $0x5000, s11;
	[dreg:$0x9] =	wrdreg s15  }
0x16: {  	s25 =	simm.s32 $0xA;
	s18 =	sadd.s32 $0x7800, s11;
	[dreg:$0xa] =	wrdreg s16  }
0x17: {  	s26 =	simm.s32 $0x2980;
	s19 =	sadd.s32 $0xA000, s11;
	[dreg:$0xb] =	wrdreg s18  }
0x18: {  	s0 =	simm.s32 $0x4;
	s20 =	sadd.s32 $0xC800, s11;
	[dreg:$0xc] =	wrdreg s19  }
0x19: {  	s7 =	simm.s32 $0x2880;
	s21 =	sadd.s32 $0xF000, s11;
	[dreg:$0xd] =	wrdreg s20  }
0x1a: {  	s13 =	simm.s32 $0x3;
	s22 =	sadd.s32 $0x11800, s11;
	[dreg:$0xe] =	wrdreg s21  }
0x1b: {  	s14 =	simm.s32 $0x6;
	s1 =	sadd.s32 s1, s5;
	[dreg:$0xf] =	wrdreg s22  }
0x1c: {  	s23 =	sadd.s32 s6, s5;
	[dreg:$0x12] =	wrdreg s1;
	s1 =	simm.s32 $0x1  }
0x1d: {  	v0 =	vimm.f32 $0.0e+00;
	s15 =	simm.s32 $0x8;
	s16 =	simm.s32 $0x9;
	s18 =	simm.s32 $0x0  }
.LBB2_1:
0x1e: {  	s6 =	rddreg [dreg:$0x4]  }
0x1f: {  	[tilespmem:s3], [sflag:$0xA] =	stream.linear.gather [hbm4b:s6+s3], $0x2710, $0x38;
	[tilespmem:$0x1E180] =	vst v63  }
0x20: {  	_ =	swait.ge [sflag:s25], $0x2710  }
0x21: {  	[sflag:s25] =	ssyncset.done $0x0  }
0x22: {  	s17 =	simm.s32 $0x200;
	s6 =	simm.s32 $0x0;
	[sflag:s25] =	ssyncadd.s32 $0xFFFFD8F0  }
.LBB2_2:
0x23: {  	p0 =	sne.s32 s17, $0x9E00;
	[tilespmem:s6+$0x29F0] =	vst v0  }
0x24: {  	[tilespmem:s6+$0x2980] =	vst v0  }
0x25: {  	[tilespmem:s6+$0x2990] =	vst v0  }
.Ltmp0:
0x26: {  	[tilespmem:s6+$0x29A0] =	vst v0;
	(pc) =	sbr.rel @p0 .LBB2_2-.Ltmp0, $4  }
0x27: {  	[tilespmem:s6+$0x29B0] =	vst v0  }
0x28: {  	[tilespmem:s6+$0x29C0] =	vst v0  }
0x29: {  	[tilespmem:s6+$0x29D0] =	vst v0  }
0x2a: {  	[tilespmem:s6+$0x29E0] =	vst v0;
	s6 =	sshra.s32 s17, $0x2;
	s17 =	sadd.s32 $0x200, s17  }
0x2b: {  	[tilespmem:s6+$0x29F0] =	vst v0  }
0x2c: {  	[tilespmem:s6+$0x2980] =	vst v0  }
0x2d: {  	[tilespmem:s6+$0x2990] =	vst v0  }
0x2e: {  	[tilespmem:s6+$0x29A0] =	vst v0  }
0x2f: {  	[tilespmem:s6+$0x29B0] =	vst v0  }
0x30: {  	[tilespmem:s6+$0x29C0] =	vst v0  }
0x31: {  	[tilespmem:s6+$0x29D0] =	vst v0  }
0x32: {  	[tilespmem:s6+$0x29E0] =	vst v0  }
0x33: {  	[spmem:s11] =	stream.linear.scatter [tilespmem:s26], [sflag:$0xA], $0x2800, $0x38;
	[tilespmem:$0x1E180] =	vst v63  }
0x34: {  	_ =	swait.ge [sflag:s25], $0x2800  }
0x35: {  	[sflag:s25] =	ssyncset.done $0x0  }
0x36: {  	s17 =	rddreg [dreg:$0x9];
	[sflag:s25] =	ssyncadd.s32 $0xFFFFD800  }
0x37: {  	[spmem:s17] =	stream.linear.scatter [tilespmem:s26], [sflag:$0xA], $0x2800, $0x38;
	[tilespmem:$0x1E180] =	vst v63  }
0x38: {  	_ =	swait.ge [sflag:s25], $0x2800  }
0x39: {  	[sflag:s25] =	ssyncset.done $0x0  }
0x3a: {  	s19 =	rddreg [dreg:$0xa];
	[sflag:s25] =	ssyncadd.s32 $0xFFFFD800  }
0x3b: {  	[spmem:s19] =	stream.linear.scatter [tilespmem:s26], [sflag:$0xA], $0x2800, $0x38;
	[tilespmem:$0x1E180] =	vst v63  }
0x3c: {  	_ =	swait.ge [sflag:s25], $0x2800  }
0x3d: {  	[sflag:s25] =	ssyncset.done $0x0  }
0x3e: {  	s20 =	rddreg [dreg:$0xb];
	[sflag:s25] =	ssyncadd.s32 $0xFFFFD800  }
0x3f: {  	[spmem:s20] =	stream.linear.scatter [tilespmem:s26], [sflag:$0xA], $0x2800, $0x38;
	[tilespmem:$0x1E180] =	vst v63  }
0x40: {  	_ =	swait.ge [sflag:s25], $0x2800  }
0x41: {  	[sflag:s25] =	ssyncset.done $0x0  }
0x42: {  	s21 =	rddreg [dreg:$0xc];
	[sflag:s25] =	ssyncadd.s32 $0xFFFFD800  }
0x43: {  	[spmem:s21] =	stream.linear.scatter [tilespmem:s26], [sflag:$0xA], $0x2800, $0x38;
	[tilespmem:$0x1E180] =	vst v63  }
0x44: {  	_ =	swait.ge [sflag:s25], $0x2800  }
0x45: {  	[sflag:s25] =	ssyncset.done $0x0  }
0x46: {  	s22 =	rddreg [dreg:$0xd];
	[sflag:s25] =	ssyncadd.s32 $0xFFFFD800  }
0x47: {  	[spmem:s22] =	stream.linear.scatter [tilespmem:s26], [sflag:$0xA], $0x2800, $0x38;
	[tilespmem:$0x1E180] =	vst v63  }
0x48: {  	_ =	swait.ge [sflag:s25], $0x2800  }
0x49: {  	[sflag:s25] =	ssyncset.done $0x0  }
0x4a: {  	s17 =	rddreg [dreg:$0xe];
	[sflag:s25] =	ssyncadd.s32 $0xFFFFD800  }
0x4b: {  	[spmem:s17] =	stream.linear.scatter [tilespmem:s26], [sflag:$0xA], $0x2800, $0x38;
	[tilespmem:$0x1E180] =	vst v63  }
0x4c: {  	_ =	swait.ge [sflag:s25], $0x2800  }
0x4d: {  	[sflag:s25] =	ssyncset.done $0x0  }
0x4e: {  	s19 =	rddreg [dreg:$0xf];
	[sflag:s25] =	ssyncadd.s32 $0xFFFFD800  }
0x4f: {  	[spmem:s19] =	stream.linear.scatter [tilespmem:s26], [sflag:$0xA], $0x2800, $0x38;
	[tilespmem:$0x1E180] =	vst v63  }
0x50: {  	_ =	swait.ge [sflag:s25], $0x2800  }
0x51: {  	[sflag:s25] =	ssyncset.done $0x0  }
0x52: {  	[sflag:s25] =	ssyncadd.s32 $0xFFFFD800  }
0x53: {  	[bflag:$0x0] =	sbarrier.arrive $0xFFFF  }
0x54: {  	s20 =	simm.s32 $0x0;
	s17 =	rddreg [dreg:$0x3]  }
0x55: {  	[tilespmem:s28], [sflag:$0x4] =	stream.linear.gather [hbm4b:s17+s20], $0x50, $0x38;
	[tilespmem:$0x1E180] =	vst v63  }
0x56: {  	s21 =	rddreg [dreg:$0x5]  }
0x57: {  	[tilespmem:s29], [sflag:$0x5] =	stream.linear.gather [hbm4b:s21+s20], $0x50, $0x38;
	[tilespmem:$0x1E180] =	vst v63  }
0x58: {  	_ = 	snop  }
0x59: {  	[tilespmem:s26], [sflag:$0x1] =	stream.indirect.gather [hbm4b:s4+s30], $0x80, s20, s30, $0xb8;
	[tilespmem:$0x1E180] =	vst v63  }
0x5a: {  	_ = 	snop  }
0x5b: {  	[tilespmem:s31], [sflag:$0x2] =	stream.indirect.gather [hbm4b:s4+s30], $0x80, s30, s30, $0xb8;
	[tilespmem:$0x1E180] =	vst v63  }
0x5c: {  	_ =	swait.ge [sflag:s1], $0x2800  }
0x5d: {  	[sflag:s1] =	ssyncset.done $0x0  }
0x5e: {  	[sflag:s1] =	ssyncadd.s32 $0xFFFFD800  }
0x5f: {  	_ =	swait.ge [sflag:s0], $0x50  }
0x60: {  	[sflag:s0] =	ssyncset.done $0x0  }
0x61: {  	[sflag:s0] =	ssyncadd.s32 $0xFFFFFFB0  }
0x62: {  	[spmem:s2] =	stream.indirect.scatter.add.f32 [tilespmem:s26], [sflag:$0x7], $0x80, s28, s30, $0xb8;
	[tilespmem:$0x1E180] =	vst v63  }
0x63: {  	s22 =	rddreg [dreg:$0x6]  }
0x64: {  	[tilespmem:s7], [sflag:$0x6] =	stream.linear.gather [hbm4b:s22+s20], $0x50, $0x38;
	[tilespmem:$0x1E180] =	vst v63  }
0x65: {  	s17 =	simm.s32 $0xA0  }
0x66: {  	[tilespmem:s8], [sflag:$0x3] =	stream.indirect.gather [hbm4b:s4+s30], $0x80, s17, s30, $0xb8;
	[tilespmem:$0x1E180] =	vst v63  }
0x67: {  	_ =	swait.ge [sflag:s9], $0x2800  }
0x68: {  	[sflag:s9] =	ssyncset.done $0x0  }
0x69: {  	[sflag:s9] =	ssyncadd.s32 $0xFFFFD800  }
0x6a: {  	_ =	swait.ge [sflag:s10], $0x50  }
0x6b: {  	[sflag:s10] =	ssyncset.done $0x0  }
0x6c: {  	[sflag:s10] =	ssyncadd.s32 $0xFFFFFFB0  }
0x6d: {  	_ =	swait.ge [sflag:s12], $0x2800  }
0x6e: {  	[sflag:s12] =	ssyncset.done $0x0  }
0x6f: {  	s19 =	sshrl.u32 s24, $0x3;
	[sflag:s12] =	ssyncadd.s32 $0xFFFFD800  }
0x70: {  	[spmem:s2] =	stream.indirect.scatter.add.f32 [tilespmem:s31], [sflag:$0x8], $0x80, s29, s30, $0xb8;
	[tilespmem:$0x1E180] =	vst v63  }
0x71: {  	s6 =	sadd.s32 s5, s19  }
0x72: {  	[tilespmem:s28], [sflag:$0x4] =	stream.linear.gather [hbm4b:s6+s3], $0x50, $0x38;
	[tilespmem:$0x1E180] =	vst v63  }
0x73: {  	s20 =	simm.s32 $0xF0  }
0x74: {  	[tilespmem:s26], [sflag:$0x1] =	stream.indirect.gather [hbm4b:s4+s30], $0x80, s20, s30, $0xb8;
	[tilespmem:$0x1E180] =	vst v63  }
0x75: {  	_ =	swait.ge [sflag:s13], $0x2800  }
0x76: {  	[sflag:s13] =	ssyncset.done $0x0  }
0x77: {  	[sflag:s13] =	ssyncadd.s32 $0xFFFFD800  }
0x78: {  	_ =	swait.ge [sflag:s14], $0x50  }
0x79: {  	[sflag:s14] =	ssyncset.done $0x0  }
0x7a: {  	[sflag:s14] =	ssyncadd.s32 $0xFFFFFFB0  }
0x7b: {  	_ =	swait.ge [sflag:s15], $0x2800  }
0x7c: {  	[sflag:s15] =	ssyncset.done $0x0  }
0x7d: {  	[sflag:s15] =	ssyncadd.s32 $0xFFFFD800  }
0x7e: {  	[spmem:s2] =	stream.indirect.scatter.add.f32 [tilespmem:s8], [sflag:$0x9], $0x80, s7, s30, $0xb8;
	[tilespmem:$0x1E180] =	vst v63  }
0x7f: {  	_ = 	snop  }
0x80: {  	[tilespmem:s29], [sflag:$0x5] =	stream.linear.gather [hbm4b:s23+s3], $0x50, $0x38;
	[tilespmem:$0x1E180] =	vst v63  }
0x81: {  	s21 =	simm.s32 $0x140  }
0x82: {  	[tilespmem:s31], [sflag:$0x2] =	stream.indirect.gather [hbm4b:s4+s30], $0x80, s21, s30, $0xb8;
	[tilespmem:$0x1E180] =	vst v63  }
0x83: {  	_ =	swait.ge [sflag:s1], $0x2800  }
0x84: {  	[sflag:s1] =	ssyncset.done $0x0  }
0x85: {  	[sflag:s1] =	ssyncadd.s32 $0xFFFFD800  }
0x86: {  	_ =	swait.ge [sflag:s0], $0x50  }
0x87: {  	[sflag:s0] =	ssyncset.done $0x0  }
0x88: {  	[sflag:s0] =	ssyncadd.s32 $0xFFFFFFB0  }
0x89: {  	_ =	swait.ge [sflag:s16], $0x2800  }
0x8a: {  	s19 =	simm.s32 $0x3C0;
	[sflag:s16] =	ssyncset.done $0x0  }
0x8b: {  	s17 =	sadd.s32 $0x1E, s23;
	s22 =	rddreg [dreg:$0x12];
	[sflag:s16] =	ssyncadd.s32 $0xFFFFD800  }
0x8c: {  	[spmem:s2] =	stream.indirect.scatter.add.f32 [tilespmem:s26], [sflag:$0x7], $0x80, s28, s30, $0xb8;
	[tilespmem:$0x1E180] =	vst v63  }
0x8d: {  	s20 =	sadd.s32 $0xF0, s24;
	s21 =	simm.s32 $0x190;
	s6 =	sadd.s32 $0x1E, s22  }
0x8e: {  	[tilespmem:s7], [sflag:$0x6] =	stream.linear.gather [hbm4b:s22+s3], $0x50, $0x38;
	[tilespmem:$0x1E180] =	vst v63  }
.LBB2_4:
0x8f: {  	[tilespmem:s8], [sflag:$0x3] =	stream.indirect.gather [hbm4b:s4+s30], $0x80, s21, s30, $0xb8;
	[tilespmem:$0x1E180] =	vst v63  }
0x90: {  	s21 =	smov.u32 s19  }
0x91: {  	p0 =	sne.s32 s19, $0x9240;
	s19 =	sadd.s32 $0x3C0, s19;
	_ =	swait.ge [sflag:s9], $0x2800  }
0x92: {  	[sflag:s9] =	ssyncset.done $0x0  }
0x93: {  	[sflag:s9] =	ssyncadd.s32 $0xFFFFD800  }
0x94: {  	_ =	swait.ge [sflag:s10], $0x50  }
0x95: {  	[sflag:s10] =	ssyncset.done $0x0  }
0x96: {  	[sflag:s10] =	ssyncadd.s32 $0xFFFFFFB0  }
0x97: {  	_ =	swait.ge [sflag:s12], $0x2800  }
0x98: {  	[sflag:s12] =	ssyncset.done $0x0  }
0x99: {  	s22 =	sshrl.u32 s20, $0x3;
	[sflag:s12] =	ssyncadd.s32 $0xFFFFD800  }
0x9a: {  	[spmem:s2] =	stream.indirect.scatter.add.f32 [tilespmem:s31], [sflag:$0x8], $0x80, s29, s30, $0xb8;
	[tilespmem:$0x1E180] =	vst v63  }
0x9b: {  	s22 =	sadd.s32 s5, s22;
	s21 =	sshra.s32 s21, $0x2  }
0x9c: {  	[tilespmem:s28], [sflag:$0x4] =	stream.linear.gather [hbm4b:s22+s3], $0x50, $0x38;
	[tilespmem:$0x1E180] =	vst v63  }
0x9d: {  	s22 =	sadd.s32 $0xF0, s21  }
0x9e: {  	[tilespmem:s26], [sflag:$0x1] =	stream.indirect.gather [hbm4b:s4+s30], $0x80, s22, s30, $0xb8;
	[tilespmem:$0x1E180] =	vst v63  }
0x9f: {  	_ =	swait.ge [sflag:s13], $0x2800  }
0xa0: {  	[sflag:s13] =	ssyncset.done $0x0  }
0xa1: {  	[sflag:s13] =	ssyncadd.s32 $0xFFFFD800  }
0xa2: {  	_ =	swait.ge [sflag:s14], $0x50  }
0xa3: {  	[sflag:s14] =	ssyncset.done $0x0  }
0xa4: {  	[sflag:s14] =	ssyncadd.s32 $0xFFFFFFB0  }
0xa5: {  	_ =	swait.ge [sflag:s15], $0x2800  }
0xa6: {  	[sflag:s15] =	ssyncset.done $0x0  }
0xa7: {  	[sflag:s15] =	ssyncadd.s32 $0xFFFFD800  }
0xa8: {  	[spmem:s2] =	stream.indirect.scatter.add.f32 [tilespmem:s8], [sflag:$0x9], $0x80, s7, s30, $0xb8;
	[tilespmem:$0x1E180] =	vst v63  }
0xa9: {  	_ = 	snop  }
0xaa: {  	[tilespmem:s29], [sflag:$0x5] =	stream.linear.gather [hbm4b:s17+s3], $0x50, $0x38;
	[tilespmem:$0x1E180] =	vst v63  }
0xab: {  	s22 =	sadd.s32 $0x140, s21  }
0xac: {  	[tilespmem:s31], [sflag:$0x2] =	stream.indirect.gather [hbm4b:s4+s30], $0x80, s22, s30, $0xb8;
	[tilespmem:$0x1E180] =	vst v63  }
0xad: {  	_ =	swait.ge [sflag:s1], $0x2800  }
0xae: {  	[sflag:s1] =	ssyncset.done $0x0  }
0xaf: {  	[sflag:s1] =	ssyncadd.s32 $0xFFFFD800  }
0xb0: {  	_ =	swait.ge [sflag:s0], $0x50  }
0xb1: {  	[sflag:s0] =	ssyncset.done $0x0  }
0xb2: {  	[sflag:s0] =	ssyncadd.s32 $0xFFFFFFB0  }
0xb3: {  	_ =	swait.ge [sflag:s16], $0x2800  }
0xb4: {  	[sflag:s16] =	ssyncset.done $0x0  }
.Ltmp1:
0xb5: {  	[sflag:s16] =	ssyncadd.s32 $0xFFFFD800;
	(pc) =	sbr.rel @p0 .LBB2_4-.Ltmp1, $4  }
0xb6: {  	[spmem:s2] =	stream.indirect.scatter.add.f32 [tilespmem:s26], [sflag:$0x7], $0x80, s28, s30, $0xb8;
	[tilespmem:$0x1E180] =	vst v63  }
0xb7: {  	s20 =	sadd.s32 $0xF0, s20  }
0xb8: {  	[tilespmem:s7], [sflag:$0x6] =	stream.linear.gather [hbm4b:s6+s3], $0x50, $0x38;
	[tilespmem:$0x1E180] =	vst v63  }
0xb9: {  	s21 =	sadd.s32 $0x190, s21;
	s17 =	sadd.s32 $0x1E, s17;
	s6 =	sadd.s32 $0x1E, s6  }
0xba: {  	[tilespmem:s8], [sflag:$0x3] =	stream.indirect.gather [hbm4b:s4+s30], $0x80, s21, s30, $0xb8;
	[tilespmem:$0x1E180] =	vst v63  }
0xbb: {  	_ =	swait.ge [sflag:s9], $0x2800  }
0xbc: {  	[sflag:s9] =	ssyncset.done $0x0  }
0xbd: {  	[sflag:s9] =	ssyncadd.s32 $0xFFFFD800  }
0xbe: {  	_ =	swait.ge [sflag:s10], $0x50  }
0xbf: {  	[sflag:s10] =	ssyncset.done $0x0  }
0xc0: {  	[sflag:s10] =	ssyncadd.s32 $0xFFFFFFB0  }
0xc1: {  	_ =	swait.ge [sflag:s12], $0x2800  }
0xc2: {  	[sflag:s12] =	ssyncset.done $0x0  }
0xc3: {  	[sflag:s12] =	ssyncadd.s32 $0xFFFFD800  }
0xc4: {  	[spmem:s2] =	stream.indirect.scatter.add.f32 [tilespmem:s31], [sflag:$0x8], $0x80, s29, s30, $0xb8;
	[tilespmem:$0x1E180] =	vst v63  }
0xc5: {  	s6 =	rddreg [dreg:$0x10]  }
0xc6: {  	[tilespmem:s28], [sflag:$0x4] =	stream.linear.gather [hbm4b:s6+s3], $0x50, $0x38;
	[tilespmem:$0x1E180] =	vst v63  }
0xc7: {  	s17 =	simm.s32 $0x2670  }
0xc8: {  	[tilespmem:s26], [sflag:$0x1] =	stream.indirect.gather [hbm4b:s4+s30], $0x80, s17, s30, $0xb8;
	[tilespmem:$0x1E180] =	vst v63  }
0xc9: {  	_ =	swait.ge [sflag:s13], $0x2800  }
0xca: {  	[sflag:s13] =	ssyncset.done $0x0  }
0xcb: {  	[sflag:s13] =	ssyncadd.s32 $0xFFFFD800  }
0xcc: {  	_ =	swait.ge [sflag:s14], $0x50  }
0xcd: {  	[sflag:s14] =	ssyncset.done $0x0  }
0xce: {  	[sflag:s14] =	ssyncadd.s32 $0xFFFFFFB0  }
0xcf: {  	_ =	swait.ge [sflag:s15], $0x2800  }
0xd0: {  	[sflag:s15] =	ssyncset.done $0x0  }
0xd1: {  	[sflag:s15] =	ssyncadd.s32 $0xFFFFD800  }
0xd2: {  	[spmem:s2] =	stream.indirect.scatter.add.f32 [tilespmem:s8], [sflag:$0x9], $0x80, s7, s30, $0xb8;
	[tilespmem:$0x1E180] =	vst v63  }
0xd3: {  	s19 =	rddreg [dreg:$0x11]  }
0xd4: {  	[tilespmem:s29], [sflag:$0x5] =	stream.linear.gather [hbm4b:s19+s3], $0x50, $0x38;
	[tilespmem:$0x1E180] =	vst v63  }
0xd5: {  	s17 =	simm.s32 $0x26C0  }
0xd6: {  	[tilespmem:s31], [sflag:$0x2] =	stream.indirect.gather [hbm4b:s4+s30], $0x80, s17, s30, $0xb8;
	[tilespmem:$0x1E180] =	vst v63  }
0xd7: {  	_ =	swait.ge [sflag:s1], $0x2800  }
0xd8: {  	[sflag:s1] =	ssyncset.done $0x0  }
0xd9: {  	[sflag:s1] =	ssyncadd.s32 $0xFFFFD800  }
0xda: {  	_ =	swait.ge [sflag:s0], $0x50  }
0xdb: {  	[sflag:s0] =	ssyncset.done $0x0  }
0xdc: {  	[sflag:s0] =	ssyncadd.s32 $0xFFFFFFB0  }
0xdd: {  	_ =	swait.ge [sflag:s16], $0x2800  }
0xde: {  	[sflag:s16] =	ssyncset.done $0x0  }
0xdf: {  	[sflag:s16] =	ssyncadd.s32 $0xFFFFD800  }
0xe0: {  	[spmem:s2] =	stream.indirect.scatter.add.f32 [tilespmem:s26], [sflag:$0x7], $0x80, s28, s30, $0xb8;
	[tilespmem:$0x1E180] =	vst v63  }
0xe1: {  	_ = 	snop  }
0xe2: {  	[tilespmem:s7], [sflag:$0x6] =	stream.linear.gather [hbm4b:s19+s3], $0x50, $0x38;
	[tilespmem:$0x1E180] =	vst v63  }
0xe3: {  	_ = 	snop  }
0xe4: {  	[tilespmem:s8], [sflag:$0x3] =	stream.indirect.gather [hbm4b:s4+s30], $0x80, s17, s30, $0xb8;
	[tilespmem:$0x1E180] =	vst v63  }
0xe5: {  	_ =	swait.ge [sflag:s9], $0x2800  }
0xe6: {  	[sflag:s9] =	ssyncset.done $0x0  }
0xe7: {  	[sflag:s9] =	ssyncadd.s32 $0xFFFFD800  }
0xe8: {  	_ =	swait.ge [sflag:s10], $0x50  }
0xe9: {  	[sflag:s10] =	ssyncset.done $0x0  }
0xea: {  	[sflag:s10] =	ssyncadd.s32 $0xFFFFFFB0  }
0xeb: {  	_ =	swait.ge [sflag:s12], $0x2800  }
0xec: {  	[sflag:s12] =	ssyncset.done $0x0  }
0xed: {  	[sflag:s12] =	ssyncadd.s32 $0xFFFFD800  }
0xee: {  	[spmem:s2] =	stream.indirect.scatter.add.f32 [tilespmem:s31], [sflag:$0x8], $0x80, s29, s30, $0xb8;
	[tilespmem:$0x1E180] =	vst v63  }
0xef: {  	_ =	swait.ge [sflag:s13], $0x2800  }
0xf0: {  	[sflag:s13] =	ssyncset.done $0x0  }
0xf1: {  	[sflag:s13] =	ssyncadd.s32 $0xFFFFD800  }
0xf2: {  	_ =	swait.ge [sflag:s14], $0x50  }
0xf3: {  	[sflag:s14] =	ssyncset.done $0x0  }
0xf4: {  	[sflag:s14] =	ssyncadd.s32 $0xFFFFFFB0  }
0xf5: {  	_ =	swait.ge [sflag:s15], $0x2800  }
0xf6: {  	[sflag:s15] =	ssyncset.done $0x0  }
0xf7: {  	s20 =	stileid.u32;
	[sflag:s15] =	ssyncadd.s32 $0xFFFFD800  }
0xf8: {  	s6 =	sshll.u32 s20, $0x6;
	[bflag:$0x0] =	sbarrier.arrive $0xFFFF  }
0xf9: {  	s21 =	sshrl.u32 s11, $0x3;
	s6 =	sor.u32 $0x1C0A, s6;
	s19 =	rddreg [dreg:$0x7]  }
0xfa: {  	[hbm:s19], [sflag:s6] =	dma.local [spmem:s21], $0x2800  }
0xfb: {  	_ =	swait.ge [sflag:s25], $0x2800  }
0xfc: {  	s18 =	sadd.s32 $0x1, s18;
	s22 =	rddreg [dreg:$0x8]  }
0xfd: {  	p0 =	sne.s32 s18, s22  }
.Ltmp2:
0xfe: {  	_ = 	snop;
	(pc) =	sbr.rel @p0 .LBB2_1-.Ltmp2, $3  }
0xff: {  	_ =	sdelay $0x1  }
0x100: {  	[sflag:s25] =	ssyncset.done $0x0  }
0x101: {  	[sflag:s25] =	ssyncadd.s32 $0xFFFFD800  }
0x102: {  	_ =	sfence.sel $0x180000  }
0x103: {  	[bflag:$0x0] =	sbarrier.arrive $0xFFFF  }
0x104: {  	_ =	strace $0x9000004D  }
0x105: {  	s0 =	stileid.u32;
	[bflag:$0x2] =	sbarrier.arrive $0xFFFF  }
0x106: {  	p0 =	sne.s32 s0, $0x0;
	s0 =	rddreg [dreg:$0x2]  }
0x107: {  	s0 =	sadd.s32 @!p0 $0x100000, s0  }
0x108: {  	[sflag:s0] =	ssyncadd.tile.s32 @!p0 $0x1;
	_ =	shalt  }
.Lfunc_end2:
_tile_overlayer_lowered:
.L_overlay_start_2:
0x109: {  	(tag) =	ssettag $0x2  }
0x10a: {  	s0 =	rddreg [dreg:$0x0];
	s2 =	stileid.u32  }
0x10b: {  	s1 =	rddreg [dreg:$0x1];
	p0 =	sne.s32 s2, $0x0  }
0x10c: {  	s3 =	rddreg [dreg:$0x2];
	[bflag:$0x3] =	sbarrier.arrive $0xFFFF;
	s2 =	simm.s32 @!p0 $0x1C0A  }
0x10d: {  	[timem:s3], [sflag:s2] =	dma.local @!p0 [hbm:s0], s1  }
0x10e: {  	s0 =	simm.s32 @!p0 $0xA  }
0x10f: {  	_ =	swait.ge @!p0 [sflag:s0], s1  }
0x110: {  	s1 =	ssub.s32 @!p0 $0x0, s1;
	[sflag:s0] =	ssyncset.done @!p0 $0x0  }
0x111: {  	[sflag:s0] =	ssyncadd.s32 @!p0 s1  }
0x112: {  	[bflag:$0x3] =	sbarrier.arrive $0xFFFF  }
0x113: {  	_ =	shalt  }

// kernel: kernel.19.cloned.1.call-start
scs
__scs_entry_jumppad:
0x0: {  	(pc) =	sbr.rel $0x88, $3  }
0x1: {  	(tag) =	ssettag $0x0;
	lr =	simm.s32 $0x1  }
0x2: {  	[smem:$0x3F98] =	sst lr;
	_ =	strace $0xD0000000  }
0x3: {  	_ = 	snop  }
0x4: {  	_ = 	snop  }
0x5: {  	_ = 	snop  }
0x6: {  	_ = 	snop  }
0x7: {  	_ = 	snop  }
__scs_overlays_trampoline_lowered:
0x8: {  	[smem:$0x3FA7] =	sst s0  }
0x9: {  	[smem:$0x3FA8] =	sst s1  }
0xa: {  	[smem:$0x3FA9] =	sst s2  }
0xb: {  	[smem:$0x3FAA] =	sst s3  }
0xc: {  	[smem:$0x3FAB] =	sst s4  }
0xd: {  	[smem:$0x3FAC] =	sst s5  }
0xe: {  	[smem:$0x3FAD] =	sst s6  }
0xf: {  	[smem:$0x3FAE] =	sst s7  }
0x10: {  	[smem:$0x3FAF] =	sst s8  }
0x11: {  	[smem:$0x3FB0] =	sst s9;
	s0 =	simm.s32 @!p0 $0x0  }
0x12: {  	s1 =	sld [smem:$0x3F96];
	s0 =	simm.s32 @p0 $0x1  }
0x13: {  	[smem:$0x3FB1] =	sst s0;
	s0 =	simm.s32 @!p1 $0x0  }
0x14: {  	s2 =	sld [smem:$0x3F95];
	s0 =	simm.s32 @p1 $0x1  }
0x15: {  	[smem:$0x3FB2] =	sst s0;
	s0 =	simm.s32 @!p2 $0x0  }
0x16: {  	s3 =	sld [smem:$0x3FDB];
	s0 =	simm.s32 @p2 $0x1  }
0x17: {  	s4 =	simm.s32 $0x1BF5;
	[smem:$0x3FB4] =	sst s0  }
0x18: {  	s0 =	sld [smem:$0x3F97];
	_ =	swait.ge [sflag:s4], $0x0  }
0x19: {  	s7 =	sld [smem:$0x3F98]  }
0x1a: {  	s8 =	sadd.s32 $0xFFFFE003, lr  }
0x1b: {  	s9 =	sadd.s32 $0xFFFFFEF7, lr;
	s5 =	simm.s32 $0xFFFFFFFF;
	p2 =	slt.u32 s8, $0xFFFFF086  }
0x1c: {  	p1 =	slt.u32 s9, $0xF7A;
	s5 =	simm.s32 @!p2 $0x0  }
0x1d: {  	s5 =	simm.s32 @p1 $0x1;
	p0 =	seq.s32 s7, s2  }
0x1e: {  	s7 =	smul.u32 @!p0 $0xF7A, s2;
	p2 =	seq.s32 @!p0 s5, $0x0  }
0x1f: {  	s9 =	smul.u32 $0xF7A, s1;
	s8 =	simm.s32 @!p0 $0x1BF5;
	p2 =	por !p2, p0  }
0x20: {  	[sflag:s8] =	ssyncset.s32 @!p0 $0xFFFFF086;
	s6 =	sadd.s32 @!p0 s3, s7;
	s7 =	simm.s32 @!p0 $0x108  }
0x21: {  	s3 =	sadd.s32 s3, s9;
	s6 =	sadd.s32 @!p0 $0x88, s6;
	s7 =	simm.s32 @p2 $0x1082  }
0x22: {  	[simem:s7], [sflag:s8] =	dma.local @!p0 [hbm:s6], $0xF7A  }
0x23: {  	s9 =	sor.u32 $0xD0000000, s2;
	s6 =	simm.s32 $0x108;
	_ =	swait.ge @!p0 [sflag:s8], $0x0  }
0x24: {  	s3 =	sadd.s32 $0x88, s3;
	s6 =	simm.s32 @!p1 $0x1082;
	[sflag:s4] =	ssyncset.s32 $0xFFFFF086  }
0x25: {  	[simem:s6], [sflag:s4] =	dma.local [hbm:s3], $0xF7A  }
0x26: {  	[smem:$0x3F98] =	sst s1;
	(tag) =	ssettag s2;
	_ =	strace s9  }
0x27: {  	s1 =	sld [smem:$0x3FA8]  }
0x28: {  	s2 =	sld [smem:$0x3FA9]  }
0x29: {  	s4 =	sld [smem:$0x3FAB]  }
0x2a: {  	p0 =	seq.s32 s5, $0x0;
	s5 =	sld [smem:$0x3FAC]  }
0x2b: {  	s6 =	sld [smem:$0x3FAD]  }
0x2c: {  	s7 =	sld [smem:$0x3FAE]  }
0x2d: {  	s3 =	simm.s32 $0x108;
	s8 =	sld [smem:$0x3FAF]  }
0x2e: {  	s3 =	simm.s32 @!p0 $0x1082;
	s9 =	sld [smem:$0x3FB0]  }
0x2f: {  	lr =	sadd.s32 s0, s3;
	s0 =	sld [smem:$0x3FA7]  }
0x30: {  	s3 =	sld [smem:$0x3FAA]  }
0x31: {  	[smem:$0x3FB3] =	sst s10  }
0x32: {  	s10 =	sld [smem:$0x3FB1];
	_ =	sdelay $0x3  }
0x33: {  	p0 =	seq.s32 s10, $0x1;
	s10 =	sld [smem:$0x3FB3];
	_ =	sdelay $0x3  }
0x34: {  	[smem:$0x3FB3] =	sst s10  }
0x35: {  	s10 =	sld [smem:$0x3FB2];
	_ =	sdelay $0x3  }
0x36: {  	p1 =	seq.s32 s10, $0x1;
	s10 =	sld [smem:$0x3FB3];
	_ =	sdelay $0x3  }
0x37: {  	[smem:$0x3FB3] =	sst s10  }
0x38: {  	s10 =	sld [smem:$0x3FB4]  }
0x39: {  	_ = 	snop;
	(pc) =	sbr.ind lr, $3  }
0x3a: {  	_ = 	snop  }
0x3b: {  	_ = 	snop  }
0x3c: {  	p2 =	seq.s32 s10, $0x1;
	s10 =	sld [smem:$0x3FB3]  }
0x3d: {  	_ =	shalt  }
0x3e: {  	_ =	shalt  }
0x3f: {  	_ =	shalt  }
0x40: {  	_ =	shalt  }
0x41: {  	_ =	shalt  }
0x42: {  	_ =	shalt  }
0x43: {  	_ =	shalt  }
0x44: {  	_ =	shalt  }
0x45: {  	_ =	shalt  }
0x46: {  	_ =	shalt  }
0x47: {  	_ =	shalt  }
0x48: {  	_ =	shalt  }
0x49: {  	_ =	shalt  }
0x4a: {  	_ =	shalt  }
0x4b: {  	_ =	shalt  }
0x4c: {  	_ =	shalt  }
0x4d: {  	_ =	shalt  }
0x4e: {  	_ =	shalt  }
0x4f: {  	_ =	shalt  }
0x50: {  	_ =	shalt  }
0x51: {  	_ =	shalt  }
0x52: {  	_ =	shalt  }
0x53: {  	_ =	shalt  }
0x54: {  	_ =	shalt  }
0x55: {  	_ =	shalt  }
0x56: {  	_ =	shalt  }
0x57: {  	_ =	shalt  }
0x58: {  	_ =	shalt  }
0x59: {  	_ =	shalt  }
0x5a: {  	_ =	shalt  }
0x5b: {  	_ =	shalt  }
0x5c: {  	_ =	shalt  }
0x5d: {  	_ =	shalt  }
0x5e: {  	_ =	shalt  }
0x5f: {  	_ =	shalt  }
0x60: {  	_ =	shalt  }
0x61: {  	_ =	shalt  }
0x62: {  	_ =	shalt  }
0x63: {  	_ =	shalt  }
0x64: {  	_ =	shalt  }
0x65: {  	_ =	shalt  }
0x66: {  	_ =	shalt  }
0x67: {  	_ =	shalt  }
0x68: {  	_ =	shalt  }
0x69: {  	_ =	shalt  }
0x6a: {  	_ =	shalt  }
0x6b: {  	_ =	shalt  }
0x6c: {  	_ =	shalt  }
0x6d: {  	_ =	shalt  }
0x6e: {  	_ =	shalt  }
0x6f: {  	_ =	shalt  }
0x70: {  	_ =	shalt  }
0x71: {  	_ =	shalt  }
0x72: {  	_ =	shalt  }
0x73: {  	_ =	shalt  }
0x74: {  	_ =	shalt  }
0x75: {  	_ =	shalt  }
0x76: {  	_ =	shalt  }
0x77: {  	_ =	shalt  }
0x78: {  	_ =	shalt  }
0x79: {  	_ =	shalt  }
0x7a: {  	_ =	shalt  }
0x7b: {  	_ =	shalt  }
0x7c: {  	_ =	shalt  }
0x7d: {  	_ =	shalt  }
0x7e: {  	_ =	shalt  }
0x7f: {  	_ =	shalt  }
0x80: {  	_ =	shalt  }
0x81: {  	_ =	shalt  }
0x82: {  	_ =	shalt  }
0x83: {  	_ =	shalt  }
0x84: {  	_ =	shalt  }
0x85: {  	_ =	shalt  }
0x86: {  	_ =	shalt  }
0x87: {  	_ =	shalt  }
.Lfunc_end0:
.L_simem_size_0:
called_computation.3_lowered:
.L_overlay_start_0:
0x88: {  	s2 =	sld [smem:$0x3FD9]  }
0x89: {  	s3 =	sld [smem:$0x3FFE];
	_ =	sdelay $0x1  }
0x8a: {  	s1 =	srdreg.scid  }
0x8b: {  	s0 =	sand.u32 $0x1, s1  }
0x8c: {  	s16 =	sshll.u32 s0, $0xA;
	s2 =	sadd.s32 s3, s2  }
0x8d: {  	s2 =	sadd.s32 s2, s16  }
0x8e: {  	[smem:$0x3FBF] =	sst s2  }
0x8f: {  	_ = 	snop  }
0x90: {  	(tm) =	ssettm $0x1  }
0x91: {  	s17 =	sld [smem:$0x3FFB];
	_ =	sdelay $0x3  }
0x92: {  	_ =	strace s17  }
0x93: {  	s2 =	sld [smem:$0x3FFC];
	_ =	sdelay $0x3  }
0x94: {  	_ =	strace s2  }
0x95: {  	s2 =	sld [smem:$0x3FFD];
	_ =	sdelay $0x3  }
0x96: {  	_ =	strace s2  }
0x97: {  	_ =	strace $0x8FFFFFFF  }
0x98: {  	s18 =	sld [smem:$0x3FDB];
	_ =	sdelay $0x1  }
0x99: {  	s19 =	simm.s32 $_scs_section_size  }
0x9a: {  	s4 =	simm.s32 $_size__tile_overlayer_lowered;
	s5 =	simm.s32 $_tile_overlayer_lowered  }
0x9b: {  	s22 =	simm.s32 $0x1BFF;
	s21 =	sshll.u32 s5, $0x1;
	s2 =	sadd.s32 s19, s18  }
0x9c: {  	s6 =	simm.s32 $0x0;
	s20 =	sshll.u32 s4, $0x1;
	s4 =	sadd.s32 s21, s2  }
0x9d: {  	[timem:s6], [sflag:s22] =	dma.local [hbm:s4], s20  }
0x9e: {  	_ =	swait.ge [sflag:s22], s20  }
0x9f: {  	s3 =	ssub.s32 $0x0, s20;
	[sflag:s22] =	ssyncset.done $0x0  }
0xa0: {  	[sflag:s22] =	ssyncadd.s32 s3;
	_ =	sdelay $0x1  }
0xa1: {  	s23 =	simm.s32 $0x1B8B  }
0xa2: {  	_ =	swait.ge [sflag:s23], $0x1  }
0xa3: {  	[sflag:s23] =	ssyncset.done $0x0  }
0xa4: {  	s25 =	simm.s32 $0x1B8E;
	s24 =	sld [smem:$0x3FFE];
	[sflag:s23] =	ssyncadd.s32 $0xFFFFFFFF  }
0xa5: {  	s26 =	simm.s32 $execute0_lowered;
	[smem:$0x3FD2] =	sst s25  }
0xa6: {  	s4 =	sshll.u32 s26, $0x1;
	_ =	strace $0x8000004F;
	[dreg:$0x1] =	wrdreg $0xFFFFFFFF  }
0xa7: {  	s28 =	simm.s32 $_size_execute0_lowered;
	s2 =	sadd.s32 s2, s4;
	[dreg:$0x0] =	wrdreg $0x0  }
0xa8: {  	s4 =	sshll.u32 s28, $0x1;
	[dreg:$0x2] =	wrdreg s2  }
0xa9: {  	[dreg:$0x3] =	wrdreg s4  }
0xaa: {  	[dreg:$0x4] =	wrdreg $0xC0  }
0xab: {  	_ =	task [dreg:s6], $0x5FFFF  }
0xac: {  	[dreg:$0x1] =	wrdreg $0xFFFFFFFF  }
0xad: {  	[dreg:$0x0] =	wrdreg $0x60  }
0xae: {  	[dreg:$0x2] =	wrdreg s24  }
0xaf: {  	[dreg:$0x3] =	wrdreg $0xA1800  }
0xb0: {  	[dreg:$0x4] =	wrdreg $0x9  }
0xb1: {  	_ =	task.clear_ibuf [dreg:s6], $0x5FFFF;
	_ =	strace $0x9000004F  }
0xb2: {  	s29 =	simm.s32 $0x9;
	_ =	strace $0x80000051  }
0xb3: {  	_ =	swait.ge [sflag:s29], $0x1  }
0xb4: {  	[sflag:s29] =	ssyncadd.s32 $0xFFFFFFFF  }
0xb5: {  	_ =	strace $0x90000051  }
0xb6: {  	_ =	sfence  }
0xb7: {  	s30 =	sld [smem:$0x0];
	_ =	sdelay $0x2  }
0xb8: {  	s31 =	sshll.u32 s1, $0xD;
	s1 =	sshrl.u32 s1, $0x2  }
0xb9: {  	s3 =	sand.u32 $0x4000, s31;
	s1 =	sadd.s32 s1, s30  }
0xba: {  	s0 =	sor.u32 s3, s0;
	s1 =	sshll.u32 s1, $0x11  }
0xbb: {  	s0 =	sor.u32 s1, s0  }
0xbc: {  	s0 =	sadd.s32 $0x8F2B, s0  }
0xbd: {  	[sflag:s0] =	ssyncadd.remote.s32 $0x1  }
0xbe: {  	_ =	sfence.sel $0xFFFF  }
0xbf: {  	[dreg:$0x0] =	wrdreg $0xFFFFFFFF;
	(pc) =	sbr.abs _section_cstart, $3  }
0xc0: {  	[dreg:$0x1] =	wrdreg $0xFFFFFFFF  }
0xc1: {  	_ =	task.clear_ibuf [dreg:s6], $0x2FFFF;
	_ =	strace $0x9FFFFFFF  }
0xc2: {  	(tm) =	ssettm $0x7FFFFFFF  }
0xc3: {  	_ =	shalt  }
tec
execute0_lowered:
.L_overlay_start_1:
0x0: {  	(tag) =	ssettag $0x1  }
0x1: {  	s0 =	srdreg.scid;
	s6 =	rddreg [dreg:$0x0]  }
0x2: {  	s10 =	stileid.u32;
	s2 =	rddreg [dreg:$0x1]  }
0x3: {  	s3 =	simm.s32 $0x0;
	s28 =	simm.s32 $0x2780;
	s5 =	smul.u32 $0x14000, s10  }
0x4: {  	s29 =	simm.s32 $0x2800;
	s30 =	simm.s32 $0x50;
	s26 =	smul.u32 $0x50000, s10  }
0x5: {  	s31 =	simm.s32 $0x5180;
	s0 =	sand.u32 $0x1, s0;
	s17 =	smul.u32 $0x2710, s10  }
0x6: {  	[smem:$0x7FF] =	sst s3;
	s1 =	sshll.u32 s0, $0x4;
	s4 =	smul.u32 $0x140000, s0  }
0x7: {  	s25 =	ssub.s32 $0x2, s0;
	s0 =	smul.u32 $0x27100, s0;
	s1 =	sor.u32 s10, s1  }
0x8: {  	_ =	strace $0x80000050;
	s9 =	sshrl.u32 s25, $0x1;
	s1 =	smul.u32 $0x2710, s1  }
0x9: {  	s10 =	simm.s32 $0x5;
	s5 =	sadd.s32 s5, s4;
	s4 =	sadd.s32 $0x16C00, s6  }
0xa: {  	s8 =	sshrl.u32 s5, $0x3;
	s5 =	sadd.s32 $0xCE00, s6;
	s1 =	sshrl.u32 s1, $0x3  }
0xb: {  	s0 =	sadd.s32 s17, s0;
	s7 =	sadd.s32 s1, s6;
	s12 =	sadd.s32 s5, s1  }
0xc: {  	s24 =	sadd.s32 $0x190, s0;
	s7 =	sadd.s32 $0x3000, s7;
	[dreg:$0x3] =	wrdreg s12  }
0xd: {  	s6 =	sadd.s32 s8, s6;
	s11 =	sadd.s32 $0xA, s12;
	[dreg:$0x4] =	wrdreg s7  }
0xe: {  	s8 =	ssub.s32 s25, s9;
	s13 =	sadd.s32 $0x14, s12;
	[dreg:$0x5] =	wrdreg s11  }
0xf: {  	s1 =	sshrl.u32 s26, $0x2;
	s6 =	sadd.s32 $0x3DE00, s6;
	[dreg:$0x6] =	wrdreg s13  }
0x10: {  	s25 =	sadd.s32 $0x140, s0;
	s14 =	smax.u32 s8, $0x1;
	[dreg:$0x7] =	wrdreg s6  }
0x11: {  	s9 =	simm.s32 $0x2;
	s23 =	sadd.s32 $0x4CE, s12;
	[dreg:$0x8] =	wrdreg s14  }
0x12: {  	s26 =	sadd.s32 $0x4D8, s12;
	s8 =	simm.s32 $0x7980;
	[dreg:$0x10] =	wrdreg s23  }
0x13: {  	s12 =	simm.s32 $0x7;
	s11 =	sadd.s32 s1, s2;
	[dreg:$0x11] =	wrdreg s26  }
0x14: {  	s1 =	sshrl.u32 s24, $0x3;
	s6 =	sshrl.u32 s25, $0x3;
	s15 =	sadd.s32 $0x2800, s11  }
0x15: {  	s24 =	sadd.s32 $0xF0, s0;
	s16 =	sadd.s32 $0x5000, s11;
	[dreg:$0x9] =	wrdreg s15  }
0x16: {  	s25 =	simm.s32 $0xA;
	s18 =	sadd.s32 $0x7800, s11;
	[dreg:$0xa] =	wrdreg s16  }
0x17: {  	s26 =	simm.s32 $0x2980;
	s19 =	sadd.s32 $0xA000, s11;
	[dreg:$0xb] =	wrdreg s18  }
0x18: {  	s0 =	simm.s32 $0x4;
	s20 =	sadd.s32 $0xC800, s11;
	[dreg:$0xc] =	wrdreg s19  }
0x19: {  	s7 =	simm.s32 $0x2880;
	s21 =	sadd.s32 $0xF000, s11;
	[dreg:$0xd] =	wrdreg s20  }
0x1a: {  	s13 =	simm.s32 $0x3;
	s22 =	sadd.s32 $0x11800, s11;
	[dreg:$0xe] =	wrdreg s21  }
0x1b: {  	s14 =	simm.s32 $0x6;
	s1 =	sadd.s32 s1, s5;
	[dreg:$0xf] =	wrdreg s22  }
0x1c: {  	s23 =	sadd.s32 s6, s5;
	[dreg:$0x12] =	wrdreg s1;
	s1 =	simm.s32 $0x1  }
0x1d: {  	v0 =	vimm.f32 $0.0e+00;
	s15 =	simm.s32 $0x8;
	s16 =	simm.s32 $0x9;
	s18 =	simm.s32 $0x0  }
.LBB2_1:
0x1e: {  	s6 =	rddreg [dreg:$0x4]  }
0x1f: {  	[tilespmem:s3], [sflag:$0xA] =	stream.linear.gather [hbm4b:s6+s3], $0x2710, $0x38;
	[tilespmem:$0x1E180] =	vst v63  }
0x20: {  	_ =	swait.ge [sflag:s25], $0x2710  }
0x21: {  	[sflag:s25] =	ssyncset.done $0x0  }
0x22: {  	s17 =	simm.s32 $0x200;
	s6 =	simm.s32 $0x0;
	[sflag:s25] =	ssyncadd.s32 $0xFFFFD8F0  }
.LBB2_2:
0x23: {  	p0 =	sne.s32 s17, $0x9E00;
	[tilespmem:s6+$0x29F0] =	vst v0  }
0x24: {  	[tilespmem:s6+$0x2980] =	vst v0  }
0x25: {  	[tilespmem:s6+$0x2990] =	vst v0  }
.Ltmp0:
0x26: {  	[tilespmem:s6+$0x29A0] =	vst v0;
	(pc) =	sbr.rel @p0 .LBB2_2-.Ltmp0, $4  }
0x27: {  	[tilespmem:s6+$0x29B0] =	vst v0  }
0x28: {  	[tilespmem:s6+$0x29C0] =	vst v0  }
0x29: {  	[tilespmem:s6+$0x29D0] =	vst v0  }
0x2a: {  	[tilespmem:s6+$0x29E0] =	vst v0;
	s6 =	sshra.s32 s17, $0x2;
	s17 =	sadd.s32 $0x200, s17  }
0x2b: {  	[tilespmem:s6+$0x29F0] =	vst v0  }
0x2c: {  	[tilespmem:s6+$0x2980] =	vst v0  }
0x2d: {  	[tilespmem:s6+$0x2990] =	vst v0  }
0x2e: {  	[tilespmem:s6+$0x29A0] =	vst v0  }
0x2f: {  	[tilespmem:s6+$0x29B0] =	vst v0  }
0x30: {  	[tilespmem:s6+$0x29C0] =	vst v0  }
0x31: {  	[tilespmem:s6+$0x29D0] =	vst v0  }
0x32: {  	[tilespmem:s6+$0x29E0] =	vst v0  }
0x33: {  	[spmem:s11] =	stream.linear.scatter [tilespmem:s26], [sflag:$0xA], $0x2800, $0x38;
	[tilespmem:$0x1E180] =	vst v63  }
0x34: {  	_ =	swait.ge [sflag:s25], $0x2800  }
0x35: {  	[sflag:s25] =	ssyncset.done $0x0  }
0x36: {  	s17 =	rddreg [dreg:$0x9];
	[sflag:s25] =	ssyncadd.s32 $0xFFFFD800  }
0x37: {  	[spmem:s17] =	stream.linear.scatter [tilespmem:s26], [sflag:$0xA], $0x2800, $0x38;
	[tilespmem:$0x1E180] =	vst v63  }
0x38: {  	_ =	swait.ge [sflag:s25], $0x2800  }
0x39: {  	[sflag:s25] =	ssyncset.done $0x0  }
0x3a: {  	s19 =	rddreg [dreg:$0xa];
	[sflag:s25] =	ssyncadd.s32 $0xFFFFD800  }
0x3b: {  	[spmem:s19] =	stream.linear.scatter [tilespmem:s26], [sflag:$0xA], $0x2800, $0x38;
	[tilespmem:$0x1E180] =	vst v63  }
0x3c: {  	_ =	swait.ge [sflag:s25], $0x2800  }
0x3d: {  	[sflag:s25] =	ssyncset.done $0x0  }
0x3e: {  	s20 =	rddreg [dreg:$0xb];
	[sflag:s25] =	ssyncadd.s32 $0xFFFFD800  }
0x3f: {  	[spmem:s20] =	stream.linear.scatter [tilespmem:s26], [sflag:$0xA], $0x2800, $0x38;
	[tilespmem:$0x1E180] =	vst v63  }
0x40: {  	_ =	swait.ge [sflag:s25], $0x2800  }
0x41: {  	[sflag:s25] =	ssyncset.done $0x0  }
0x42: {  	s21 =	rddreg [dreg:$0xc];
	[sflag:s25] =	ssyncadd.s32 $0xFFFFD800  }
0x43: {  	[spmem:s21] =	stream.linear.scatter [tilespmem:s26], [sflag:$0xA], $0x2800, $0x38;
	[tilespmem:$0x1E180] =	vst v63  }
0x44: {  	_ =	swait.ge [sflag:s25], $0x2800  }
0x45: {  	[sflag:s25] =	ssyncset.done $0x0  }
0x46: {  	s22 =	rddreg [dreg:$0xd];
	[sflag:s25] =	ssyncadd.s32 $0xFFFFD800  }
0x47: {  	[spmem:s22] =	stream.linear.scatter [tilespmem:s26], [sflag:$0xA], $0x2800, $0x38;
	[tilespmem:$0x1E180] =	vst v63  }
0x48: {  	_ =	swait.ge [sflag:s25], $0x2800  }
0x49: {  	[sflag:s25] =	ssyncset.done $0x0  }
0x4a: {  	s17 =	rddreg [dreg:$0xe];
	[sflag:s25] =	ssyncadd.s32 $0xFFFFD800  }
0x4b: {  	[spmem:s17] =	stream.linear.scatter [tilespmem:s26], [sflag:$0xA], $0x2800, $0x38;
	[tilespmem:$0x1E180] =	vst v63  }
0x4c: {  	_ =	swait.ge [sflag:s25], $0x2800  }
0x4d: {  	[sflag:s25] =	ssyncset.done $0x0  }
0x4e: {  	s19 =	rddreg [dreg:$0xf];
	[sflag:s25] =	ssyncadd.s32 $0xFFFFD800  }
0x4f: {  	[spmem:s19] =	stream.linear.scatter [tilespmem:s26], [sflag:$0xA], $0x2800, $0x38;
	[tilespmem:$0x1E180] =	vst v63  }
0x50: {  	_ =	swait.ge [sflag:s25], $0x2800  }
0x51: {  	[sflag:s25] =	ssyncset.done $0x0  }
0x52: {  	[sflag:s25] =	ssyncadd.s32 $0xFFFFD800  }
0x53: {  	[bflag:$0x0] =	sbarrier.arrive $0xFFFF  }
0x54: {  	s20 =	simm.s32 $0x0;
	s17 =	rddreg [dreg:$0x3]  }
0x55: {  	[tilespmem:s28], [sflag:$0x4] =	stream.linear.gather [hbm4b:s17+s20], $0x50, $0x38;
	[tilespmem:$0x1E180] =	vst v63  }
0x56: {  	s21 =	rddreg [dreg:$0x5]  }
0x57: {  	[tilespmem:s29], [sflag:$0x5] =	stream.linear.gather [hbm4b:s21+s20], $0x50, $0x38;
	[tilespmem:$0x1E180] =	vst v63  }
0x58: {  	_ = 	snop  }
0x59: {  	[tilespmem:s26], [sflag:$0x1] =	stream.indirect.gather [hbm4b:s4+s30], $0x80, s20, s30, $0xb8;
	[tilespmem:$0x1E180] =	vst v63  }
0x5a: {  	_ = 	snop  }
0x5b: {  	[tilespmem:s31], [sflag:$0x2] =	stream.indirect.gather [hbm4b:s4+s30], $0x80, s30, s30, $0xb8;
	[tilespmem:$0x1E180] =	vst v63  }
0x5c: {  	_ =	swait.ge [sflag:s1], $0x2800  }
0x5d: {  	[sflag:s1] =	ssyncset.done $0x0  }
0x5e: {  	[sflag:s1] =	ssyncadd.s32 $0xFFFFD800  }
0x5f: {  	_ =	swait.ge [sflag:s0], $0x50  }
0x60: {  	[sflag:s0] =	ssyncset.done $0x0  }
0x61: {  	[sflag:s0] =	ssyncadd.s32 $0xFFFFFFB0  }
0x62: {  	[spmem:s2] =	stream.indirect.scatter.add.f32 [tilespmem:s26], [sflag:$0x7], $0x80, s28, s30, $0xb8;
	[tilespmem:$0x1E180] =	vst v63  }
0x63: {  	s22 =	rddreg [dreg:$0x6]  }
0x64: {  	[tilespmem:s7], [sflag:$0x6] =	stream.linear.gather [hbm4b:s22+s20], $0x50, $0x38;
	[tilespmem:$0x1E180] =	vst v63  }
0x65: {  	s17 =	simm.s32 $0xA0  }
0x66: {  	[tilespmem:s8], [sflag:$0x3] =	stream.indirect.gather [hbm4b:s4+s30], $0x80, s17, s30, $0xb8;
	[tilespmem:$0x1E180] =	vst v63  }
0x67: {  	_ =	swait.ge [sflag:s9], $0x2800  }
0x68: {  	[sflag:s9] =	ssyncset.done $0x0  }
0x69: {  	[sflag:s9] =	ssyncadd.s32 $0xFFFFD800  }
0x6a: {  	_ =	swait.ge [sflag:s10], $0x50  }
0x6b: {  	[sflag:s10] =	ssyncset.done $0x0  }
0x6c: {  	[sflag:s10] =	ssyncadd.s32 $0xFFFFFFB0  }
0x6d: {  	_ =	swait.ge [sflag:s12], $0x2800  }
0x6e: {  	[sflag:s12] =	ssyncset.done $0x0  }
0x6f: {  	s19 =	sshrl.u32 s24, $0x3;
	[sflag:s12] =	ssyncadd.s32 $0xFFFFD800  }
0x70: {  	[spmem:s2] =	stream.indirect.scatter.add.f32 [tilespmem:s31], [sflag:$0x8], $0x80, s29, s30, $0xb8;
	[tilespmem:$0x1E180] =	vst v63  }
0x71: {  	s6 =	sadd.s32 s5, s19  }
0x72: {  	[tilespmem:s28], [sflag:$0x4] =	stream.linear.gather [hbm4b:s6+s3], $0x50, $0x38;
	[tilespmem:$0x1E180] =	vst v63  }
0x73: {  	s20 =	simm.s32 $0xF0  }
0x74: {  	[tilespmem:s26], [sflag:$0x1] =	stream.indirect.gather [hbm4b:s4+s30], $0x80, s20, s30, $0xb8;
	[tilespmem:$0x1E180] =	vst v63  }
0x75: {  	_ =	swait.ge [sflag:s13], $0x2800  }
0x76: {  	[sflag:s13] =	ssyncset.done $0x0  }
0x77: {  	[sflag:s13] =	ssyncadd.s32 $0xFFFFD800  }
0x78: {  	_ =	swait.ge [sflag:s14], $0x50  }
0x79: {  	[sflag:s14] =	ssyncset.done $0x0  }
0x7a: {  	[sflag:s14] =	ssyncadd.s32 $0xFFFFFFB0  }
0x7b: {  	_ =	swait.ge [sflag:s15], $0x2800  }
0x7c: {  	[sflag:s15] =	ssyncset.done $0x0  }
0x7d: {  	[sflag:s15] =	ssyncadd.s32 $0xFFFFD800  }
0x7e: {  	[spmem:s2] =	stream.indirect.scatter.add.f32 [tilespmem:s8], [sflag:$0x9], $0x80, s7, s30, $0xb8;
	[tilespmem:$0x1E180] =	vst v63  }
0x7f: {  	_ = 	snop  }
0x80: {  	[tilespmem:s29], [sflag:$0x5] =	stream.linear.gather [hbm4b:s23+s3], $0x50, $0x38;
	[tilespmem:$0x1E180] =	vst v63  }
0x81: {  	s21 =	simm.s32 $0x140  }
0x82: {  	[tilespmem:s31], [sflag:$0x2] =	stream.indirect.gather [hbm4b:s4+s30], $0x80, s21, s30, $0xb8;
	[tilespmem:$0x1E180] =	vst v63  }
0x83: {  	_ =	swait.ge [sflag:s1], $0x2800  }
0x84: {  	[sflag:s1] =	ssyncset.done $0x0  }
0x85: {  	[sflag:s1] =	ssyncadd.s32 $0xFFFFD800  }
0x86: {  	_ =	swait.ge [sflag:s0], $0x50  }
0x87: {  	[sflag:s0] =	ssyncset.done $0x0  }
0x88: {  	[sflag:s0] =	ssyncadd.s32 $0xFFFFFFB0  }
0x89: {  	_ =	swait.ge [sflag:s16], $0x2800  }
0x8a: {  	s19 =	simm.s32 $0x3C0;
	[sflag:s16] =	ssyncset.done $0x0  }
0x8b: {  	s17 =	sadd.s32 $0x1E, s23;
	s22 =	rddreg [dreg:$0x12];
	[sflag:s16] =	ssyncadd.s32 $0xFFFFD800  }
0x8c: {  	[spmem:s2] =	stream.indirect.scatter.add.f32 [tilespmem:s26], [sflag:$0x7], $0x80, s28, s30, $0xb8;
	[tilespmem:$0x1E180] =	vst v63  }
0x8d: {  	s20 =	sadd.s32 $0xF0, s24;
	s21 =	simm.s32 $0x190;
	s6 =	sadd.s32 $0x1E, s22  }
0x8e: {  	[tilespmem:s7], [sflag:$0x6] =	stream.linear.gather [hbm4b:s22+s3], $0x50, $0x38;
	[tilespmem:$0x1E180] =	vst v63  }
.LBB2_4:
0x8f: {  	[tilespmem:s8], [sflag:$0x3] =	stream.indirect.gather [hbm4b:s4+s30], $0x80, s21, s30, $0xb8;
	[tilespmem:$0x1E180] =	vst v63  }
0x90: {  	s21 =	smov.u32 s19  }
0x91: {  	p0 =	sne.s32 s19, $0x9240;
	s19 =	sadd.s32 $0x3C0, s19;
	_ =	swait.ge [sflag:s9], $0x2800  }
0x92: {  	[sflag:s9] =	ssyncset.done $0x0  }
0x93: {  	[sflag:s9] =	ssyncadd.s32 $0xFFFFD800  }
0x94: {  	_ =	swait.ge [sflag:s10], $0x50  }
0x95: {  	[sflag:s10] =	ssyncset.done $0x0  }
0x96: {  	[sflag:s10] =	ssyncadd.s32 $0xFFFFFFB0  }
0x97: {  	_ =	swait.ge [sflag:s12], $0x2800  }
0x98: {  	[sflag:s12] =	ssyncset.done $0x0  }
0x99: {  	s22 =	sshrl.u32 s20, $0x3;
	[sflag:s12] =	ssyncadd.s32 $0xFFFFD800  }
0x9a: {  	[spmem:s2] =	stream.indirect.scatter.add.f32 [tilespmem:s31], [sflag:$0x8], $0x80, s29, s30, $0xb8;
	[tilespmem:$0x1E180] =	vst v63  }
0x9b: {  	s22 =	sadd.s32 s5, s22;
	s21 =	sshra.s32 s21, $0x2  }
0x9c: {  	[tilespmem:s28], [sflag:$0x4] =	stream.linear.gather [hbm4b:s22+s3], $0x50, $0x38;
	[tilespmem:$0x1E180] =	vst v63  }
0x9d: {  	s22 =	sadd.s32 $0xF0, s21  }
0x9e: {  	[tilespmem:s26], [sflag:$0x1] =	stream.indirect.gather [hbm4b:s4+s30], $0x80, s22, s30, $0xb8;
	[tilespmem:$0x1E180] =	vst v63  }
0x9f: {  	_ =	swait.ge [sflag:s13], $0x2800  }
0xa0: {  	[sflag:s13] =	ssyncset.done $0x0  }
0xa1: {  	[sflag:s13] =	ssyncadd.s32 $0xFFFFD800  }
0xa2: {  	_ =	swait.ge [sflag:s14], $0x50  }
0xa3: {  	[sflag:s14] =	ssyncset.done $0x0  }
0xa4: {  	[sflag:s14] =	ssyncadd.s32 $0xFFFFFFB0  }
0xa5: {  	_ =	swait.ge [sflag:s15], $0x2800  }
0xa6: {  	[sflag:s15] =	ssyncset.done $0x0  }
0xa7: {  	[sflag:s15] =	ssyncadd.s32 $0xFFFFD800  }
0xa8: {  	[spmem:s2] =	stream.indirect.scatter.add.f32 [tilespmem:s8], [sflag:$0x9], $0x80, s7, s30, $0xb8;
	[tilespmem:$0x1E180] =	vst v63  }
0xa9: {  	_ = 	snop  }
0xaa: {  	[tilespmem:s29], [sflag:$0x5] =	stream.linear.gather [hbm4b:s17+s3], $0x50, $0x38;
	[tilespmem:$0x1E180] =	vst v63  }
0xab: {  	s22 =	sadd.s32 $0x140, s21  }
0xac: {  	[tilespmem:s31], [sflag:$0x2] =	stream.indirect.gather [hbm4b:s4+s30], $0x80, s22, s30, $0xb8;
	[tilespmem:$0x1E180] =	vst v63  }
0xad: {  	_ =	swait.ge [sflag:s1], $0x2800  }
0xae: {  	[sflag:s1] =	ssyncset.done $0x0  }
0xaf: {  	[sflag:s1] =	ssyncadd.s32 $0xFFFFD800  }
0xb0: {  	_ =	swait.ge [sflag:s0], $0x50  }
0xb1: {  	[sflag:s0] =	ssyncset.done $0x0  }
0xb2: {  	[sflag:s0] =	ssyncadd.s32 $0xFFFFFFB0  }
0xb3: {  	_ =	swait.ge [sflag:s16], $0x2800  }
0xb4: {  	[sflag:s16] =	ssyncset.done $0x0  }
.Ltmp1:
0xb5: {  	[sflag:s16] =	ssyncadd.s32 $0xFFFFD800;
	(pc) =	sbr.rel @p0 .LBB2_4-.Ltmp1, $4  }
0xb6: {  	[spmem:s2] =	stream.indirect.scatter.add.f32 [tilespmem:s26], [sflag:$0x7], $0x80, s28, s30, $0xb8;
	[tilespmem:$0x1E180] =	vst v63  }
0xb7: {  	s20 =	sadd.s32 $0xF0, s20  }
0xb8: {  	[tilespmem:s7], [sflag:$0x6] =	stream.linear.gather [hbm4b:s6+s3], $0x50, $0x38;
	[tilespmem:$0x1E180] =	vst v63  }
0xb9: {  	s21 =	sadd.s32 $0x190, s21;
	s17 =	sadd.s32 $0x1E, s17;
	s6 =	sadd.s32 $0x1E, s6  }
0xba: {  	[tilespmem:s8], [sflag:$0x3] =	stream.indirect.gather [hbm4b:s4+s30], $0x80, s21, s30, $0xb8;
	[tilespmem:$0x1E180] =	vst v63  }
0xbb: {  	_ =	swait.ge [sflag:s9], $0x2800  }
0xbc: {  	[sflag:s9] =	ssyncset.done $0x0  }
0xbd: {  	[sflag:s9] =	ssyncadd.s32 $0xFFFFD800  }
0xbe: {  	_ =	swait.ge [sflag:s10], $0x50  }
0xbf: {  	[sflag:s10] =	ssyncset.done $0x0  }
0xc0: {  	[sflag:s10] =	ssyncadd.s32 $0xFFFFFFB0  }
0xc1: {  	_ =	swait.ge [sflag:s12], $0x2800  }
0xc2: {  	[sflag:s12] =	ssyncset.done $0x0  }
0xc3: {  	[sflag:s12] =	ssyncadd.s32 $0xFFFFD800  }
0xc4: {  	[spmem:s2] =	stream.indirect.scatter.add.f32 [tilespmem:s31], [sflag:$0x8], $0x80, s29, s30, $0xb8;
	[tilespmem:$0x1E180] =	vst v63  }
0xc5: {  	s6 =	rddreg [dreg:$0x10]  }
0xc6: {  	[tilespmem:s28], [sflag:$0x4] =	stream.linear.gather [hbm4b:s6+s3], $0x50, $0x38;
	[tilespmem:$0x1E180] =	vst v63  }
0xc7: {  	s17 =	simm.s32 $0x2670  }
0xc8: {  	[tilespmem:s26], [sflag:$0x1] =	stream.indirect.gather [hbm4b:s4+s30], $0x80, s17, s30, $0xb8;
	[tilespmem:$0x1E180] =	vst v63  }
0xc9: {  	_ =	swait.ge [sflag:s13], $0x2800  }
0xca: {  	[sflag:s13] =	ssyncset.done $0x0  }
0xcb: {  	[sflag:s13] =	ssyncadd.s32 $0xFFFFD800  }
0xcc: {  	_ =	swait.ge [sflag:s14], $0x50  }
0xcd: {  	[sflag:s14] =	ssyncset.done $0x0  }
0xce: {  	[sflag:s14] =	ssyncadd.s32 $0xFFFFFFB0  }
0xcf: {  	_ =	swait.ge [sflag:s15], $0x2800  }
0xd0: {  	[sflag:s15] =	ssyncset.done $0x0  }
0xd1: {  	[sflag:s15] =	ssyncadd.s32 $0xFFFFD800  }
0xd2: {  	[spmem:s2] =	stream.indirect.scatter.add.f32 [tilespmem:s8], [sflag:$0x9], $0x80, s7, s30, $0xb8;
	[tilespmem:$0x1E180] =	vst v63  }
0xd3: {  	s19 =	rddreg [dreg:$0x11]  }
0xd4: {  	[tilespmem:s29], [sflag:$0x5] =	stream.linear.gather [hbm4b:s19+s3], $0x50, $0x38;
	[tilespmem:$0x1E180] =	vst v63  }
0xd5: {  	s17 =	simm.s32 $0x26C0  }
0xd6: {  	[tilespmem:s31], [sflag:$0x2] =	stream.indirect.gather [hbm4b:s4+s30], $0x80, s17, s30, $0xb8;
	[tilespmem:$0x1E180] =	vst v63  }
0xd7: {  	_ =	swait.ge [sflag:s1], $0x2800  }
0xd8: {  	[sflag:s1] =	ssyncset.done $0x0  }
0xd9: {  	[sflag:s1] =	ssyncadd.s32 $0xFFFFD800  }
0xda: {  	_ =	swait.ge [sflag:s0], $0x50  }
0xdb: {  	[sflag:s0] =	ssyncset.done $0x0  }
0xdc: {  	[sflag:s0] =	ssyncadd.s32 $0xFFFFFFB0  }
0xdd: {  	_ =	swait.ge [sflag:s16], $0x2800  }
0xde: {  	[sflag:s16] =	ssyncset.done $0x0  }
0xdf: {  	[sflag:s16] =	ssyncadd.s32 $0xFFFFD800  }
0xe0: {  	[spmem:s2] =	stream.indirect.scatter.add.f32 [tilespmem:s26], [sflag:$0x7], $0x80, s28, s30, $0xb8;
	[tilespmem:$0x1E180] =	vst v63  }
0xe1: {  	_ = 	snop  }
0xe2: {  	[tilespmem:s7], [sflag:$0x6] =	stream.linear.gather [hbm4b:s19+s3], $0x50, $0x38;
	[tilespmem:$0x1E180] =	vst v63  }
0xe3: {  	_ = 	snop  }
0xe4: {  	[tilespmem:s8], [sflag:$0x3] =	stream.indirect.gather [hbm4b:s4+s30], $0x80, s17, s30, $0xb8;
	[tilespmem:$0x1E180] =	vst v63  }
0xe5: {  	_ =	swait.ge [sflag:s9], $0x2800  }
0xe6: {  	[sflag:s9] =	ssyncset.done $0x0  }
0xe7: {  	[sflag:s9] =	ssyncadd.s32 $0xFFFFD800  }
0xe8: {  	_ =	swait.ge [sflag:s10], $0x50  }
0xe9: {  	[sflag:s10] =	ssyncset.done $0x0  }
0xea: {  	[sflag:s10] =	ssyncadd.s32 $0xFFFFFFB0  }
0xeb: {  	_ =	swait.ge [sflag:s12], $0x2800  }
0xec: {  	[sflag:s12] =	ssyncset.done $0x0  }
0xed: {  	[sflag:s12] =	ssyncadd.s32 $0xFFFFD800  }
0xee: {  	[spmem:s2] =	stream.indirect.scatter.add.f32 [tilespmem:s31], [sflag:$0x8], $0x80, s29, s30, $0xb8;
	[tilespmem:$0x1E180] =	vst v63  }
0xef: {  	_ =	swait.ge [sflag:s13], $0x2800  }
0xf0: {  	[sflag:s13] =	ssyncset.done $0x0  }
0xf1: {  	[sflag:s13] =	ssyncadd.s32 $0xFFFFD800  }
0xf2: {  	_ =	swait.ge [sflag:s14], $0x50  }
0xf3: {  	[sflag:s14] =	ssyncset.done $0x0  }
0xf4: {  	[sflag:s14] =	ssyncadd.s32 $0xFFFFFFB0  }
0xf5: {  	_ =	swait.ge [sflag:s15], $0x2800  }
0xf6: {  	[sflag:s15] =	ssyncset.done $0x0  }
0xf7: {  	s20 =	stileid.u32;
	[sflag:s15] =	ssyncadd.s32 $0xFFFFD800  }
0xf8: {  	s6 =	sshll.u32 s20, $0x6;
	[bflag:$0x0] =	sbarrier.arrive $0xFFFF  }
0xf9: {  	s21 =	sshrl.u32 s11, $0x3;
	s6 =	sor.u32 $0x1C0A, s6;
	s19 =	rddreg [dreg:$0x7]  }
0xfa: {  	[hbm:s19], [sflag:s6] =	dma.local [spmem:s21], $0x2800  }
0xfb: {  	_ =	swait.ge [sflag:s25], $0x2800  }
0xfc: {  	s18 =	sadd.s32 $0x1, s18;
	s22 =	rddreg [dreg:$0x8]  }
0xfd: {  	p0 =	sne.s32 s18, s22  }
.Ltmp2:
0xfe: {  	_ = 	snop;
	(pc) =	sbr.rel @p0 .LBB2_1-.Ltmp2, $3  }
0xff: {  	_ =	sdelay $0x1  }
0x100: {  	[sflag:s25] =	ssyncset.done $0x0  }
0x101: {  	[sflag:s25] =	ssyncadd.s32 $0xFFFFD800  }
0x102: {  	_ =	sfence.sel $0x180000  }
0x103: {  	[bflag:$0x0] =	sbarrier.arrive $0xFFFF  }
0x104: {  	_ =	strace $0x90000050  }
0x105: {  	s0 =	stileid.u32;
	[bflag:$0x2] =	sbarrier.arrive $0xFFFF  }
0x106: {  	p0 =	sne.s32 s0, $0x0;
	s0 =	rddreg [dreg:$0x2]  }
0x107: {  	s0 =	sadd.s32 @!p0 $0x100000, s0  }
0x108: {  	[sflag:s0] =	ssyncadd.tile.s32 @!p0 $0x1;
	_ =	shalt  }
.Lfunc_end2:
_tile_overlayer_lowered:
.L_overlay_start_2:
0x109: {  	(tag) =	ssettag $0x2  }
0x10a: {  	s0 =	rddreg [dreg:$0x0];
	s2 =	stileid.u32  }
0x10b: {  	s1 =	rddreg [dreg:$0x1];
	p0 =	sne.s32 s2, $0x0  }
0x10c: {  	s3 =	rddreg [dreg:$0x2];
	[bflag:$0x3] =	sbarrier.arrive $0xFFFF;
	s2 =	simm.s32 @!p0 $0x1C0A  }
0x10d: {  	[timem:s3], [sflag:s2] =	dma.local @!p0 [hbm:s0], s1  }
0x10e: {  	s0 =	simm.s32 @!p0 $0xA  }
0x10f: {  	_ =	swait.ge @!p0 [sflag:s0], s1  }
0x110: {  	s1 =	ssub.s32 @!p0 $0x0, s1;
	[sflag:s0] =	ssyncset.done @!p0 $0x0  }
0x111: {  	[sflag:s0] =	ssyncadd.s32 @!p0 s1  }
0x112: {  	[bflag:$0x3] =	sbarrier.arrive $0xFFFF  }
0x113: {  	_ =	shalt  }

</sc_bundles>
